<compile_context>
chip_gen: v7x
topology: tpu7x:2x2x1
jax: 0.10.2.dev20260603
libtpu: 0.0.44.dev20260713+nightly
codegen_flags: <defaults>
</compile_context>

<pallas_src>
import functools

import jax
import jax.numpy as jnp
from jax import lax
from jax.experimental import pallas as pl
from jax.experimental.pallas import tpu as pltpu
from jax.experimental.pallas import tpu_sc as plsc

NC = 2
NS = 16
NW = NC * NS

B_TOK, L_TOK = 4096, 200
D = 64
VOCAB = 1000000
NP_FULL = 7812
SROWS = NP_FULL * 64 + 32
N_GROUPS = (L_TOK // 8) * (B_TOK // 128)
GROUPS_PER_W = N_GROUPS // NW
N_MAIN = 243


def _transpose_body(wt_hbm, wtail_hbm, s_hbm, pb0, pb1, pb2, tb0, tb1, tb2,
                    *sems):
    gsem = sems[0:3]
    ssem = sems[3:6]
    pbufs = (pb0, pb1, pb2)
    tbufs = (tb0, tb1, tb2)
    c = lax.axis_index("c")
    s = lax.axis_index("s")
    wid = s * NC + c
    iota = lax.iota(jnp.int32, 16)

    def colbase(k):
        return pl.multiple_of((wid + NW * k) * 128, 128)

    def start_in(k, b):
        pltpu.async_copy(
            wt_hbm.at[pl.ds(0, D), pl.ds(colbase(k), 128)], pbufs[b], gsem[b]
        )

    def wait_in(k, b):
        pltpu.make_async_copy(
            wt_hbm.at[pl.ds(0, D), pl.ds(colbase(k), 128)], pbufs[b], gsem[b]
        ).wait()

    def start_out(k, b):
        pltpu.async_copy(
            tbufs[b], s_hbm.at[pl.ds(pl.multiple_of(colbase(k) // 2, 8), 64)],
            ssem[b],
        )

    def wait_out(k, b):
        pltpu.make_async_copy(
            tbufs[b], s_hbm.at[pl.ds(pl.multiple_of(colbase(k) // 2, 8), 64)],
            ssem[b],
        ).wait()

    def transpose(b, fast=True):
        pbuf = pbufs[b]
        tbuf = tbufs[b]

        def inner(q):
            cidx0 = jnp.full((16,), 2 * q, jnp.int32)
            cidx1 = cidx0 + 1
            for h in range(8):
                row_idx = iota + (h % 4) * 16
                v = plsc.load_gather(
                    pbuf, [row_idx, cidx1 if h >= 4 else cidx0]
                )
                tbuf[q, pl.ds(h * 16, 16)] = v

        if fast:
            plsc.parallel_loop(0, 64, unroll=4)(inner)
        else:
            def body(q, carry):
                inner(q)
                return carry

            lax.fori_loop(0, 64, body, 0)

    @pl.when(wid == NW - 1)
    def _():
        pltpu.sync_copy(wtail_hbm, s_hbm.at[pl.ds(NP_FULL * 64, 32)])

    start_in(0, 0)
    start_in(1, 1)
    wait_in(0, 0)

    def slot(k, carry):
        for j in range(3):
            @pl.when(lax.rem(k, 3) == j)
            def _():
                @pl.when(k >= 2)
                def _():
                    wait_out(k - 2, (j + 1) % 3)

                @pl.when(k >= 1)
                def _():
                    start_out(k - 1, (j + 2) % 3)

                wait_in(k + 1, (j + 1) % 3)

                @pl.when(k + 2 <= N_MAIN)
                def _():
                    start_in(k + 2, (j + 2) % 3)

                transpose(j)
        return carry

    lax.fori_loop(0, N_MAIN, slot, 0)
    wait_out(N_MAIN - 2, 1)
    start_out(N_MAIN - 1, 2)
    transpose(0, fast=False)
    start_out(N_MAIN, 0)
    wait_out(N_MAIN - 1, 2)
    wait_out(N_MAIN, 0)

    @pl.when(wid + NW * (N_MAIN + 1) < NP_FULL)
    def _():
        start_in(N_MAIN + 1, 1)
        wait_in(N_MAIN + 1, 1)
        transpose(1, fast=False)
        start_out(N_MAIN + 1, 1)
        wait_out(N_MAIN + 1, 1)


def _gather_body(s_hbm, tid_hbm, out_hbm, ivmem,
                 pi0, pi1, pi2, pa0, pa1, pa2, rv0, rv1, rv2, qv0, qv1, qv2,
                 *sems):
    gsem = sems[0:3]
    osem = sems[3:6]
    pidxs = (pi0, pi1, pi2)
    pars = (pa0, pa1, pa2)
    rvs = (rv0, rv1, rv2)
    qvs = (qv0, qv1, qv2)
    c = lax.axis_index("c")
    s = lax.axis_index("s")
    wid = s * NC + c
    iota = lax.iota(jnp.int32, 16)

    def prep(r, b):
        for cc in range(8):
            v = ivmem[r, pl.ds(cc * 16, 16)]
            pidxs[b][pl.ds(cc * 16, 16)] = lax.shift_right_logical(v, 1)
            pars[b][pl.ds(cc * 16, 16)] = lax.shift_left(
                lax.bitwise_and(v, 1), 6
            )

    def start_gather(b):
        pltpu.async_copy(s_hbm.at[pidxs[b]], rvs[b], gsem[b])

    def wait_gather(b):
        pltpu.make_async_copy(s_hbm.at[pidxs[b]], rvs[b], gsem[b]).wait()

    def build_q(b):
        rv = rvs[b]
        qv = qvs[b]
        par = pars[b]

        @functools.partial(plsc.parallel_loop, 0, 8, unroll=2)
        def _(dt):
            for cc in range(8):
                p64 = par[pl.ds(cc * 16, 16)]
                rowi = iota + cc * 16
                base = p64 + dt * 8
                for r in range(8):
                    v = plsc.load_gather(rv, [rowi, base + r])
                    qv[dt, r, pl.ds(cc * 16, 16)] = v

    def out_slice(lt, bt, r):
        return out_hbm.at[lt * 8 + r, pl.ds(0, 8), bt]

    def group(g, carry):
        gid = wid * GROUPS_PER_W + g
        lt = gid // 32
        bt = gid % 32
        pltpu.sync_copy(
            tid_hbm.at[
                pl.ds(pl.multiple_of(lt * 8, 8), 8),
                pl.ds(pl.multiple_of(bt * 128, 128), 128),
            ],
            ivmem,
        )
        prep(0, 0)
        prep(1, 1)
        start_gather(0)
        start_gather(1)
        wait_gather(0)

        def slot(r, carry2):
            for j in range(3):
                @pl.when(lax.rem(r, 3) == j)
                def _():
                    @pl.when(r >= 2)
                    def _():
                        pltpu.make_async_copy(
                            qvs[(j + 1) % 3],
                            out_slice(lt, bt, r - 2),
                            osem[(j + 1) % 3],
                        ).wait()

                    @pl.when(r >= 1)
                    def _():
                        pltpu.async_copy(
                            qvs[(j + 2) % 3],
                            out_slice(lt, bt, r - 1),
                            osem[(j + 2) % 3],
                        )

                    @pl.when(r + 1 <= 7)
                    def _():
                        wait_gather((j + 1) % 3)

                    @pl.when(r + 2 <= 7)
                    def _():
                        prep(r + 2, (j + 2) % 3)
                        start_gather((j + 2) % 3)

                    build_q(j)
            return carry2

        lax.fori_loop(0, 8, slot, 0)
        pltpu.async_copy(qvs[1], out_slice(lt, bt, 7), osem[1])
        pltpu.make_async_copy(qvs[0], out_slice(lt, bt, 6), osem[0]).wait()
        pltpu.make_async_copy(qvs[1], out_slice(lt, bt, 7), osem[1]).wait()
        return carry

    lax.fori_loop(0, GROUPS_PER_W, group, 0)


@jax.jit
def _embed(token_ids, weight):
    wt = weight.T
    tid = token_ids.T
    wtail = weight[NP_FULL * 128:].reshape(32, 128)
    mesh = plsc.VectorSubcoreMesh(core_axis_name="c", subcore_axis_name="s")
    params = pltpu.CompilerParams(
        use_tc_tiling_on_sc=True, needs_layout_passes=False
    )

    s_tab = pl.kernel(
        _transpose_body,
        out_type=jax.ShapeDtypeStruct((SROWS, 128), jnp.float32),
        mesh=mesh,
        scratch_types=[pltpu.VMEM((D, 128), jnp.float32)] * 6
        + [pltpu.SemaphoreType.DMA] * 6,
        compiler_params=params,
    )(wt, wtail)

    phys = pl.kernel(
        _gather_body,
        out_type=jax.ShapeDtypeStruct((L_TOK, 8, 32, 8, 128), jnp.float32),
        mesh=mesh,
        scratch_types=[pltpu.VMEM((8, 128), jnp.int32)]
        + [pltpu.VMEM((128,), jnp.int32)] * 6
        + [pltpu.VMEM((128, 128), jnp.float32)] * 3
        + [pltpu.VMEM((8, 8, 128), jnp.float32)] * 3
        + [pltpu.SemaphoreType.DMA] * 6,
        compiler_params=params,
    )(s_tab, tid)

    return phys.transpose(2, 4, 0, 1, 3).reshape(B_TOK, L_TOK, D)


def kernel(token_ids, weight):
    return _embed(token_ids, weight)

# --- scband reference (transcript-rebuilt; emitter-appended) ---
"""Pipeline reference for scband-embedding-25142738550995 (READ-ONLY COPY).

The authoritative reference and input builder live on the scoring server;
editing this copy changes nothing except your own understanding.
"""

import jax, jax.numpy as jnp
import numpy as np

VOCAB = 1000000
D_MODEL = 64

def setup_inputs(seed: int = 0) -> dict:
    key = jax.random.key(seed)
    k1, k2 = jax.random.split(key)
    token_ids = jax.random.randint(k1, (4096, 200), 0, VOCAB, dtype=jnp.int64 if jax.config.jax_enable_x64 else jnp.int32)
    # trunc_normal_(mean=0, std=1, a=-3, b=3)
    weight = jax.random.truncated_normal(k2, -3.0, 3.0, (VOCAB, D_MODEL), dtype=jnp.float32)
    return {"token_ids": token_ids, "weight": weight}

def reference(token_ids, weight):
    # weight[token_ids] gather: [B, L] -> [B, L, D]
    return jnp.take(weight, token_ids, axis=0)

if __name__ == "__main__":
    import jax
    _d = setup_inputs()
    print(jax.jit(kernel)(*tuple(_d.values())))

</pallas_src>

<mosaic_0001>
#map = affine_map<(d0, d1) -> (0, 0)>
module attributes {stable_mosaic.version = 14 : i64} {
  func.func @_transpose_body(%arg0: i32, %arg1: i32, %arg2: memref<64x1000000xf32, #tpu.memory_space<hbm>>, %arg3: memref<32x128xf32, #tpu.memory_space<hbm>>, %arg4: memref<500000x128xf32, #tpu.memory_space<hbm>>, %arg5: memref<64x128xf32, #tpu.memory_space<vmem>>, %arg6: memref<64x128xf32, #tpu.memory_space<vmem>>, %arg7: memref<64x128xf32, #tpu.memory_space<vmem>>, %arg8: memref<64x128xf32, #tpu.memory_space<vmem>>, %arg9: memref<64x128xf32, #tpu.memory_space<vmem>>, %arg10: memref<64x128xf32, #tpu.memory_space<vmem>>, %arg11: memref<!tpu.dma_semaphore, #tpu.memory_space<semaphore_mem>>, %arg12: memref<!tpu.dma_semaphore, #tpu.memory_space<semaphore_mem>>, %arg13: memref<!tpu.dma_semaphore, #tpu.memory_space<semaphore_mem>>, %arg14: memref<!tpu.dma_semaphore, #tpu.memory_space<semaphore_mem>>, %arg15: memref<!tpu.dma_semaphore, #tpu.memory_space<semaphore_mem>>, %arg16: memref<!tpu.dma_semaphore, #tpu.memory_space<semaphore_mem>>) attributes {dimension_semantics = [#tpu.dimension_semantics<core_parallel>, #tpu.dimension_semantics<subcore_parallel>], iteration_bounds = array<i64: 2, 16>, scalar_prefetch = 0 : i64, scratch_operands = 12 : i64, tpu.core_type = #tpu.core_type<sc_vector_subcore>, window_params = [{transform_indices = #map}, {transform_indices = #map}, {transform_indices = #map}]} {
    %mul3A = arith.constant 2 : i32
    %mul3A_0 = arith.muli %arg1, %mul3A : i32
    %add3A = arith.addi %mul3A_0, %arg0 : i32
    %iota3A = tpu.iota {dimensions = array<i32: 0>} : vector<16xi32>
    %eq3A = arith.constant 31 : i32
    %eq3A_1 = arith.cmpi eq, %add3A, %eq3A : i32
    %convert_element_type3A = arith.extui %eq3A_1 : i1 to i32
    %cond3A = arith.constant 0 : i32
    %cond3A_2 = arith.cmpi ne, %convert_element_type3A, %cond3A : i32
    scf.if %cond3A_2 {
      "tpu.region"() ({
        %run_scoped3A = tpu.sem_alloc : memref<!tpu.dma_semaphore, #tpu.memory_space<semaphore_mem>>
        %dma_start3A_206 = arith.constant 499968 : i32
        %dma_start3A_207 = arith.constant 0 : i32
        %dma_start3A_208 = tpu.memref_slice %arg4[%dma_start3A_206, %dma_start3A_207] : memref<500000x128xf32, #tpu.memory_space<hbm>> -> memref<32x128xf32, #tpu.memory_space<hbm>>
        tpu.enqueue_dma source(%arg3 : memref<32x128xf32, #tpu.memory_space<hbm>>) target(%dma_start3A_208 : memref<32x128xf32, #tpu.memory_space<hbm>>) target_semaphore(%run_scoped3A : memref<!tpu.dma_semaphore, #tpu.memory_space<semaphore_mem>>)
        %dma_wait3A_209 = arith.constant 499968 : i32
        %dma_wait3A_210 = arith.constant 0 : i32
        %dma_wait3A_211 = tpu.memref_slice %arg4[%dma_wait3A_209, %dma_wait3A_210] : memref<500000x128xf32, #tpu.memory_space<hbm>> -> memref<32x128xf32, #tpu.memory_space<hbm>>
        tpu.wait_dma2 semaphore(%run_scoped3A : memref<!tpu.dma_semaphore, #tpu.memory_space<semaphore_mem>>) src(%arg3 : memref<32x128xf32, #tpu.memory_space<hbm>>) dst(%dma_wait3A_211 : memref<32x128xf32, #tpu.memory_space<hbm>>)
        tpu.yield
      }) : () -> ()
    } else {
    }
    %add3A_3 = arith.constant 0 : i32
    %add3A_4 = arith.addi %add3A, %add3A_3 : i32
    %mul3A_5 = arith.constant 128 : i32
    %mul3A_6 = arith.muli %add3A_4, %mul3A_5 : i32
    %multiple_of3A = tpu.assume_multiple %mul3A_6, 128 : i32
    %dma_start3A = arith.constant 0 : i32
    %dma_start3A_7 = tpu.memref_slice %arg2[%dma_start3A, %multiple_of3A] : memref<64x1000000xf32, #tpu.memory_space<hbm>> -> memref<64x128xf32, #tpu.memory_space<hbm>>
    %dma_start3A_8 = arith.constant 0 : i32
    %dma_start3A_9 = tpu.memref_slice %arg2[%dma_start3A_8, %multiple_of3A] : memref<64x1000000xf32, #tpu.memory_space<hbm>> -> memref<64x128xf32, #tpu.memory_space<hbm>>
    tpu.enqueue_dma source(%dma_start3A_9 : memref<64x128xf32, #tpu.memory_space<hbm>>) target(%arg5 : memref<64x128xf32, #tpu.memory_space<vmem>>) target_semaphore(%arg11 : memref<!tpu.dma_semaphore, #tpu.memory_space<semaphore_mem>>)
    %add3A_10 = arith.constant 32 : i32
    %add3A_11 = arith.addi %add3A, %add3A_10 : i32
    %mul3A_12 = arith.constant 128 : i32
    %mul3A_13 = arith.muli %add3A_11, %mul3A_12 : i32
    %multiple_of3A_14 = tpu.assume_multiple %mul3A_13, 128 : i32
    %dma_start3A_15 = arith.constant 0 : i32
    %dma_start3A_16 = tpu.memref_slice %arg2[%dma_start3A_15, %multiple_of3A_14] : memref<64x1000000xf32, #tpu.memory_space<hbm>> -> memref<64x128xf32, #tpu.memory_space<hbm>>
    %dma_start3A_17 = arith.constant 0 : i32
    %dma_start3A_18 = tpu.memref_slice %arg2[%dma_start3A_17, %multiple_of3A_14] : memref<64x1000000xf32, #tpu.memory_space<hbm>> -> memref<64x128xf32, #tpu.memory_space<hbm>>
    tpu.enqueue_dma source(%dma_start3A_18 : memref<64x128xf32, #tpu.memory_space<hbm>>) target(%arg6 : memref<64x128xf32, #tpu.memory_space<vmem>>) target_semaphore(%arg12 : memref<!tpu.dma_semaphore, #tpu.memory_space<semaphore_mem>>)
    %add3A_19 = arith.constant 0 : i32
    %add3A_20 = arith.addi %add3A, %add3A_19 : i32
    %mul3A_21 = arith.constant 128 : i32
    %mul3A_22 = arith.muli %add3A_20, %mul3A_21 : i32
    %multiple_of3A_23 = tpu.assume_multiple %mul3A_22, 128 : i32
    %dma_wait3A = arith.constant 0 : i32
    %dma_wait3A_24 = tpu.memref_slice %arg2[%dma_wait3A, %multiple_of3A_23] : memref<64x1000000xf32, #tpu.memory_space<hbm>> -> memref<64x128xf32, #tpu.memory_space<hbm>>
    %dma_wait3A_25 = arith.constant 0 : i32
    %dma_wait3A_26 = tpu.memref_slice %arg2[%dma_wait3A_25, %multiple_of3A_23] : memref<64x1000000xf32, #tpu.memory_space<hbm>> -> memref<64x128xf32, #tpu.memory_space<hbm>>
    tpu.wait_dma2 semaphore(%arg11 : memref<!tpu.dma_semaphore, #tpu.memory_space<semaphore_mem>>) src(%dma_wait3A_26 : memref<64x128xf32, #tpu.memory_space<hbm>>) dst(%arg5 : memref<64x128xf32, #tpu.memory_space<vmem>>)
    %scan3A = arith.constant 0 : i32
    %scan3A_27 = arith.constant 0 : i32
    %scan3A_28 = arith.constant 243 : i32
    %scan3A_29 = arith.addi %scan3A_27, %scan3A_28 : i32
    %scan3A_30 = arith.constant 1 : i32
    scf.for %scan3A_206 = %scan3A_27 to %scan3A_29 step %scan3A_30  : i32 {
      %rem3A_207 = arith.constant 3 : i32
      %rem3A_208 = arith.remsi %scan3A_206, %rem3A_207 : i32
      %eq3A_209 = arith.constant 0 : i32
      %eq3A_210 = arith.cmpi eq, %rem3A_208, %eq3A_209 : i32
      %convert_element_type3A_211 = arith.extui %eq3A_210 : i1 to i32
      %cond3A_212 = arith.constant 0 : i32
      %cond3A_213 = arith.cmpi ne, %convert_element_type3A_211, %cond3A_212 : i32
      scf.if %cond3A_213 {
        %ge3A = arith.constant 2 : i32
        %ge3A_228 = arith.cmpi sge, %scan3A_206, %ge3A : i32
        %convert_element_type3A_229 = arith.extui %ge3A_228 : i1 to i32
        %cond3A_230 = arith.constant 0 : i32
        %cond3A_231 = arith.cmpi ne, %convert_element_type3A_229, %cond3A_230 : i32
        scf.if %cond3A_231 {
          %sub3A_257 = arith.constant 2 : i32
          %sub3A_258 = arith.subi %scan3A_206, %sub3A_257 : i32
          %mul3A_259 = arith.constant 32 : i32
          %mul3A_260 = arith.muli %mul3A_259, %sub3A_258 : i32
          %add3A_261 = arith.addi %add3A, %mul3A_260 : i32
          %mul3A_262 = arith.constant 128 : i32
          %mul3A_263 = arith.muli %add3A_261, %mul3A_262 : i32
          %multiple_of3A_264 = tpu.assume_multiple %mul3A_263, 128 : i32
          %jit3A_265 = arith.constant 2 : i32
          %div3A_266 = arith.divsi %multiple_of3A_264, %jit3A_265 : i32
          %sign3A_267 = arith.constant 0 : i32
          %sign3A_268 = arith.cmpi sgt, %multiple_of3A_264, %sign3A_267 : i32
          %sign3A_269 = arith.extui %sign3A_268 : i1 to i32
          %sign3A_270 = arith.constant 0 : i32
          %sign3A_271 = arith.cmpi slt, %multiple_of3A_264, %sign3A_270 : i32
          %sign3A_272 = arith.extui %sign3A_271 : i1 to i32
          %sign3A_273 = arith.subi %sign3A_269, %sign3A_272 : i32
          %sign3A_274 = arith.constant 0 : i32
          %sign3A_275 = arith.cmpi sgt, %jit3A_265, %sign3A_274 : i32
          %sign3A_276 = arith.extui %sign3A_275 : i1 to i32
          %sign3A_277 = arith.constant 0 : i32
          %sign3A_278 = arith.cmpi slt, %jit3A_265, %sign3A_277 : i32
          %sign3A_279 = arith.extui %sign3A_278 : i1 to i32
          %sign3A_280 = arith.subi %sign3A_276, %sign3A_279 : i32
          %ne3A_281 = arith.cmpi ne, %sign3A_273, %sign3A_280 : i32
          %rem3A_282 = arith.remsi %multiple_of3A_264, %jit3A_265 : i32
          %ne3A_283 = arith.constant 0 : i32
          %ne3A_284 = arith.cmpi ne, %rem3A_282, %ne3A_283 : i32
          %and3A_285 = arith.andi %ne3A_281, %ne3A_284 : i1
          %sub3A_286 = arith.constant 1 : i32
          %sub3A_287 = arith.subi %div3A_266, %sub3A_286 : i32
          %select_n3A_288 = arith.select %and3A_285, %sub3A_287, %div3A_266 : i32
          %multiple_of3A_289 = tpu.assume_multiple %select_n3A_288, 8 : i32
          %dma_wait3A_290 = arith.constant 0 : i32
          %dma_wait3A_291 = tpu.memref_slice %arg4[%multiple_of3A_289, %dma_wait3A_290] : memref<500000x128xf32, #tpu.memory_space<hbm>> -> memref<64x128xf32, #tpu.memory_space<hbm>>
          %dma_wait3A_292 = arith.constant 0 : i32
          %dma_wait3A_293 = tpu.memref_slice %arg4[%multiple_of3A_289, %dma_wait3A_292] : memref<500000x128xf32, #tpu.memory_space<hbm>> -> memref<64x128xf32, #tpu.memory_space<hbm>>
          tpu.wait_dma2 semaphore(%arg15 : memref<!tpu.dma_semaphore, #tpu.memory_space<semaphore_mem>>) src(%arg9 : memref<64x128xf32, #tpu.memory_space<vmem>>) dst(%dma_wait3A_293 : memref<64x128xf32, #tpu.memory_space<hbm>>)
        } else {
        }
        %ge3A_232 = arith.constant 1 : i32
        %ge3A_233 = arith.cmpi sge, %scan3A_206, %ge3A_232 : i32
        %convert_element_type3A_234 = arith.extui %ge3A_233 : i1 to i32
        %cond3A_235 = arith.constant 0 : i32
        %cond3A_236 = arith.cmpi ne, %convert_element_type3A_234, %cond3A_235 : i32
        scf.if %cond3A_236 {
          %sub3A_257 = arith.constant 1 : i32
          %sub3A_258 = arith.subi %scan3A_206, %sub3A_257 : i32
          %mul3A_259 = arith.constant 32 : i32
          %mul3A_260 = arith.muli %mul3A_259, %sub3A_258 : i32
          %add3A_261 = arith.addi %add3A, %mul3A_260 : i32
          %mul3A_262 = arith.constant 128 : i32
          %mul3A_263 = arith.muli %add3A_261, %mul3A_262 : i32
          %multiple_of3A_264 = tpu.assume_multiple %mul3A_263, 128 : i32
          %jit3A_265 = arith.constant 2 : i32
          %div3A_266 = arith.divsi %multiple_of3A_264, %jit3A_265 : i32
          %sign3A_267 = arith.constant 0 : i32
          %sign3A_268 = arith.cmpi sgt, %multiple_of3A_264, %sign3A_267 : i32
          %sign3A_269 = arith.extui %sign3A_268 : i1 to i32
          %sign3A_270 = arith.constant 0 : i32
          %sign3A_271 = arith.cmpi slt, %multiple_of3A_264, %sign3A_270 : i32
          %sign3A_272 = arith.extui %sign3A_271 : i1 to i32
          %sign3A_273 = arith.subi %sign3A_269, %sign3A_272 : i32
          %sign3A_274 = arith.constant 0 : i32
          %sign3A_275 = arith.cmpi sgt, %jit3A_265, %sign3A_274 : i32
          %sign3A_276 = arith.extui %sign3A_275 : i1 to i32
          %sign3A_277 = arith.constant 0 : i32
          %sign3A_278 = arith.cmpi slt, %jit3A_265, %sign3A_277 : i32
          %sign3A_279 = arith.extui %sign3A_278 : i1 to i32
          %sign3A_280 = arith.subi %sign3A_276, %sign3A_279 : i32
          %ne3A_281 = arith.cmpi ne, %sign3A_273, %sign3A_280 : i32
          %rem3A_282 = arith.remsi %multiple_of3A_264, %jit3A_265 : i32
          %ne3A_283 = arith.constant 0 : i32
          %ne3A_284 = arith.cmpi ne, %rem3A_282, %ne3A_283 : i32
          %and3A_285 = arith.andi %ne3A_281, %ne3A_284 : i1
          %sub3A_286 = arith.constant 1 : i32
          %sub3A_287 = arith.subi %div3A_266, %sub3A_286 : i32
          %select_n3A_288 = arith.select %and3A_285, %sub3A_287, %div3A_266 : i32
          %multiple_of3A_289 = tpu.assume_multiple %select_n3A_288, 8 : i32
          %dma_start3A_290 = arith.constant 0 : i32
          %dma_start3A_291 = tpu.memref_slice %arg4[%multiple_of3A_289, %dma_start3A_290] : memref<500000x128xf32, #tpu.memory_space<hbm>> -> memref<64x128xf32, #tpu.memory_space<hbm>>
          %dma_start3A_292 = arith.constant 0 : i32
          %dma_start3A_293 = tpu.memref_slice %arg4[%multiple_of3A_289, %dma_start3A_292] : memref<500000x128xf32, #tpu.memory_space<hbm>> -> memref<64x128xf32, #tpu.memory_space<hbm>>
          tpu.enqueue_dma source(%arg10 : memref<64x128xf32, #tpu.memory_space<vmem>>) target(%dma_start3A_293 : memref<64x128xf32, #tpu.memory_space<hbm>>) target_semaphore(%arg16 : memref<!tpu.dma_semaphore, #tpu.memory_space<semaphore_mem>>)
        } else {
        }
        %add3A_237 = arith.constant 1 : i32
        %add3A_238 = arith.addi %scan3A_206, %add3A_237 : i32
        %mul3A_239 = arith.constant 32 : i32
        %mul3A_240 = arith.muli %mul3A_239, %add3A_238 : i32
        %add3A_241 = arith.addi %add3A, %mul3A_240 : i32
        %mul3A_242 = arith.constant 128 : i32
        %mul3A_243 = arith.muli %add3A_241, %mul3A_242 : i32
        %multiple_of3A_244 = tpu.assume_multiple %mul3A_243, 128 : i32
        %dma_wait3A_245 = arith.constant 0 : i32
        %dma_wait3A_246 = tpu.memref_slice %arg2[%dma_wait3A_245, %multiple_of3A_244] : memref<64x1000000xf32, #tpu.memory_space<hbm>> -> memref<64x128xf32, #tpu.memory_space<hbm>>
        %dma_wait3A_247 = arith.constant 0 : i32
        %dma_wait3A_248 = tpu.memref_slice %arg2[%dma_wait3A_247, %multiple_of3A_244] : memref<64x1000000xf32, #tpu.memory_space<hbm>> -> memref<64x128xf32, #tpu.memory_space<hbm>>
        tpu.wait_dma2 semaphore(%arg12 : memref<!tpu.dma_semaphore, #tpu.memory_space<semaphore_mem>>) src(%dma_wait3A_248 : memref<64x128xf32, #tpu.memory_space<hbm>>) dst(%arg6 : memref<64x128xf32, #tpu.memory_space<vmem>>)
        %add3A_249 = arith.constant 2 : i32
        %add3A_250 = arith.addi %scan3A_206, %add3A_249 : i32
        %le3A = arith.constant 243 : i32
        %le3A_251 = arith.cmpi sle, %add3A_250, %le3A : i32
        %convert_element_type3A_252 = arith.extui %le3A_251 : i1 to i32
        %cond3A_253 = arith.constant 0 : i32
        %cond3A_254 = arith.cmpi ne, %convert_element_type3A_252, %cond3A_253 : i32
        scf.if %cond3A_254 {
          %add3A_257 = arith.constant 2 : i32
          %add3A_258 = arith.addi %scan3A_206, %add3A_257 : i32
          %mul3A_259 = arith.constant 32 : i32
          %mul3A_260 = arith.muli %mul3A_259, %add3A_258 : i32
          %add3A_261 = arith.addi %add3A, %mul3A_260 : i32
          %mul3A_262 = arith.constant 128 : i32
          %mul3A_263 = arith.muli %add3A_261, %mul3A_262 : i32
          %multiple_of3A_264 = tpu.assume_multiple %mul3A_263, 128 : i32
          %dma_start3A_265 = arith.constant 0 : i32
          %dma_start3A_266 = tpu.memref_slice %arg2[%dma_start3A_265, %multiple_of3A_264] : memref<64x1000000xf32, #tpu.memory_space<hbm>> -> memref<64x128xf32, #tpu.memory_space<hbm>>
          %dma_start3A_267 = arith.constant 0 : i32
          %dma_start3A_268 = tpu.memref_slice %arg2[%dma_start3A_267, %multiple_of3A_264] : memref<64x1000000xf32, #tpu.memory_space<hbm>> -> memref<64x128xf32, #tpu.memory_space<hbm>>
          tpu.enqueue_dma source(%dma_start3A_268 : memref<64x128xf32, #tpu.memory_space<hbm>>) target(%arg7 : memref<64x128xf32, #tpu.memory_space<vmem>>) target_semaphore(%arg13 : memref<!tpu.dma_semaphore, #tpu.memory_space<semaphore_mem>>)
        } else {
        }
        %parallel_loop3A = arith.constant 0 : i32
        %parallel_loop3A_255 = arith.constant 64 : i32
        %parallel_loop3A_256 = arith.constant 1 : i32
        scf.for %parallel_loop3A_257 = %parallel_loop3A to %parallel_loop3A_255 step %parallel_loop3A_256  : i32 {
          %parallel_loop3A_258 = arith.constant 2 : i32
          %parallel_loop3A_259 = arith.muli %parallel_loop3A_258, %parallel_loop3A_257 : i32
          %parallel_loop3A_260 = vector.broadcast %parallel_loop3A_259 : i32 to vector<16xi32>
          %parallel_loop3A_261 = arith.constant 1 : i32
          %parallel_loop3A_262 = vector.broadcast %parallel_loop3A_261 : i32 to vector<16xi32>
          %parallel_loop3A_263 = arith.addi %parallel_loop3A_260, %parallel_loop3A_262 : vector<16xi32>
          %parallel_loop3A_264 = arith.constant 0 : i32
          %parallel_loop3A_265 = vector.broadcast %parallel_loop3A_264 : i32 to vector<16xi32>
          %parallel_loop3A_266 = arith.addi %iota3A, %parallel_loop3A_265 : vector<16xi32>
          %parallel_loop3A_267 = tpu.vector_load_idx %arg5[%parallel_loop3A_266, %parallel_loop3A_260] : memref<64x128xf32, #tpu.memory_space<vmem>>[vector<16xi32>, vector<16xi32>], vector<16xf32>,
          %parallel_loop3A_268 = arith.index_cast %parallel_loop3A_257 : i32 to index
          %parallel_loop3A_269 = arith.constant 0 : index
          %parallel_loop3A_270 = tpu.vector_load %arg8[%parallel_loop3A_268, %parallel_loop3A_269] {strides = array<i32>} : memref<64x128xf32, #tpu.memory_space<vmem>>, vector<16xf32>,
          tpu.vector_store %arg8[%parallel_loop3A_268, %parallel_loop3A_269], %parallel_loop3A_267 {strides = array<i32>} : memref<64x128xf32, #tpu.memory_space<vmem>>, vector<16xf32>,
          %parallel_loop3A_271 = arith.constant 16 : i32
          %parallel_loop3A_272 = vector.broadcast %parallel_loop3A_271 : i32 to vector<16xi32>
          %parallel_loop3A_273 = arith.addi %iota3A, %parallel_loop3A_272 : vector<16xi32>
          %parallel_loop3A_274 = tpu.vector_load_idx %arg5[%parallel_loop3A_273, %parallel_loop3A_260] : memref<64x128xf32, #tpu.memory_space<vmem>>[vector<16xi32>, vector<16xi32>], vector<16xf32>,
          %parallel_loop3A_275 = arith.index_cast %parallel_loop3A_257 : i32 to index
          %parallel_loop3A_276 = arith.constant 16 : index
          %parallel_loop3A_277 = tpu.vector_load %arg8[%parallel_loop3A_275, %parallel_loop3A_276] {strides = array<i32>} : memref<64x128xf32, #tpu.memory_space<vmem>>, vector<16xf32>,
          tpu.vector_store %arg8[%parallel_loop3A_275, %parallel_loop3A_276], %parallel_loop3A_274 {strides = array<i32>} : memref<64x128xf32, #tpu.memory_space<vmem>>, vector<16xf32>,
          %parallel_loop3A_278 = arith.constant 32 : i32
          %parallel_loop3A_279 = vector.broadcast %parallel_loop3A_278 : i32 to vector<16xi32>
          %parallel_loop3A_280 = arith.addi %iota3A, %parallel_loop3A_279 : vector<16xi32>
          %parallel_loop3A_281 = tpu.vector_load_idx %arg5[%parallel_loop3A_280, %parallel_loop3A_260] : memref<64x128xf32, #tpu.memory_space<vmem>>[vector<16xi32>, vector<16xi32>], vector<16xf32>,
          %parallel_loop3A_282 = arith.index_cast %parallel_loop3A_257 : i32 to index
          %parallel_loop3A_283 = arith.constant 32 : index
          %parallel_loop3A_284 = tpu.vector_load %arg8[%parallel_loop3A_282, %parallel_loop3A_283] {strides = array<i32>} : memref<64x128xf32, #tpu.memory_space<vmem>>, vector<16xf32>,
          tpu.vector_store %arg8[%parallel_loop3A_282, %parallel_loop3A_283], %parallel_loop3A_281 {strides = array<i32>} : memref<64x128xf32, #tpu.memory_space<vmem>>, vector<16xf32>,
          %parallel_loop3A_285 = arith.constant 48 : i32
          %parallel_loop3A_286 = vector.broadcast %parallel_loop3A_285 : i32 to vector<16xi32>
          %parallel_loop3A_287 = arith.addi %iota3A, %parallel_loop3A_286 : vector<16xi32>
          %parallel_loop3A_288 = tpu.vector_load_idx %arg5[%parallel_loop3A_287, %parallel_loop3A_260] : memref<64x128xf32, #tpu.memory_space<vmem>>[vector<16xi32>, vector<16xi32>], vector<16xf32>,
          %parallel_loop3A_289 = arith.index_cast %parallel_loop3A_257 : i32 to index
          %parallel_loop3A_290 = arith.constant 48 : index
          %parallel_loop3A_291 = tpu.vector_load %arg8[%parallel_loop3A_289, %parallel_loop3A_290] {strides = array<i32>} : memref<64x128xf32, #tpu.memory_space<vmem>>, vector<16xf32>,
          tpu.vector_store %arg8[%parallel_loop3A_289, %parallel_loop3A_290], %parallel_loop3A_288 {strides = array<i32>} : memref<64x128xf32, #tpu.memory_space<vmem>>, vector<16xf32>,
          %parallel_loop3A_292 = arith.constant 0 : i32
          %parallel_loop3A_293 = vector.broadcast %parallel_loop3A_292 : i32 to vector<16xi32>
          %parallel_loop3A_294 = arith.addi %iota3A, %parallel_loop3A_293 : vector<16xi32>
          %parallel_loop3A_295 = tpu.vector_load_idx %arg5[%parallel_loop3A_294, %parallel_loop3A_263] : memref<64x128xf32, #tpu.memory_space<vmem>>[vector<16xi32>, vector<16xi32>], vector<16xf32>,
          %parallel_loop3A_296 = arith.index_cast %parallel_loop3A_257 : i32 to index
          %parallel_loop3A_297 = arith.constant 64 : index
          %parallel_loop3A_298 = tpu.vector_load %arg8[%parallel_loop3A_296, %parallel_loop3A_297] {strides = array<i32>} : memref<64x128xf32, #tpu.memory_space<vmem>>, vector<16xf32>,
          tpu.vector_store %arg8[%parallel_loop3A_296, %parallel_loop3A_297], %parallel_loop3A_295 {strides = array<i32>} : memref<64x128xf32, #tpu.memory_space<vmem>>, vector<16xf32>,
          %parallel_loop3A_299 = arith.constant 16 : i32
          %parallel_loop3A_300 = vector.broadcast %parallel_loop3A_299 : i32 to vector<16xi32>
          %parallel_loop3A_301 = arith.addi %iota3A, %parallel_loop3A_300 : vector<16xi32>
          %parallel_loop3A_302 = tpu.vector_load_idx %arg5[%parallel_loop3A_301, %parallel_loop3A_263] : memref<64x128xf32, #tpu.memory_space<vmem>>[vector<16xi32>, vector<16xi32>], vector<16xf32>,
          %parallel_loop3A_303 = arith.index_cast %parallel_loop3A_257 : i32 to index
          %parallel_loop3A_304 = arith.constant 80 : index
          %parallel_loop3A_305 = tpu.vector_load %arg8[%parallel_loop3A_303, %parallel_loop3A_304] {strides = array<i32>} : memref<64x128xf32, #tpu.memory_space<vmem>>, vector<16xf32>,
          tpu.vector_store %arg8[%parallel_loop3A_303, %parallel_loop3A_304], %parallel_loop3A_302 {strides = array<i32>} : memref<64x128xf32, #tpu.memory_space<vmem>>, vector<16xf32>,
          %parallel_loop3A_306 = arith.constant 32 : i32
          %parallel_loop3A_307 = vector.broadcast %parallel_loop3A_306 : i32 to vector<16xi32>
          %parallel_loop3A_308 = arith.addi %iota3A, %parallel_loop3A_307 : vector<16xi32>
          %parallel_loop3A_309 = tpu.vector_load_idx %arg5[%parallel_loop3A_308, %parallel_loop3A_263] : memref<64x128xf32, #tpu.memory_space<vmem>>[vector<16xi32>, vector<16xi32>], vector<16xf32>,
          %parallel_loop3A_310 = arith.index_cast %parallel_loop3A_257 : i32 to index
          %parallel_loop3A_311 = arith.constant 96 : index
          %parallel_loop3A_312 = tpu.vector_load %arg8[%parallel_loop3A_310, %parallel_loop3A_311] {strides = array<i32>} : memref<64x128xf32, #tpu.memory_space<vmem>>, vector<16xf32>,
          tpu.vector_store %arg8[%parallel_loop3A_310, %parallel_loop3A_311], %parallel_loop3A_309 {strides = array<i32>} : memref<64x128xf32, #tpu.memory_space<vmem>>, vector<16xf32>,
          %parallel_loop3A_313 = arith.constant 48 : i32
          %parallel_loop3A_314 = vector.broadcast %parallel_loop3A_313 : i32 to vector<16xi32>
          %parallel_loop3A_315 = arith.addi %iota3A, %parallel_loop3A_314 : vector<16xi32>
          %parallel_loop3A_316 = tpu.vector_load_idx %arg5[%parallel_loop3A_315, %parallel_loop3A_263] : memref<64x128xf32, #tpu.memory_space<vmem>>[vector<16xi32>, vector<16xi32>], vector<16xf32>,
          %parallel_loop3A_317 = arith.index_cast %parallel_loop3A_257 : i32 to index
          %parallel_loop3A_318 = arith.constant 112 : index
          %parallel_loop3A_319 = tpu.vector_load %arg8[%parallel_loop3A_317, %parallel_loop3A_318] {strides = array<i32>} : memref<64x128xf32, #tpu.memory_space<vmem>>, vector<16xf32>,
          tpu.vector_store %arg8[%parallel_loop3A_317, %parallel_loop3A_318], %parallel_loop3A_316 {strides = array<i32>} : memref<64x128xf32, #tpu.memory_space<vmem>>, vector<16xf32>,
        } {sc.loop_unroll_factor = 4 : i64, sc.parallel_access}
      } else {
      }
      %rem3A_214 = arith.constant 3 : i32
      %rem3A_215 = arith.remsi %scan3A_206, %rem3A_214 : i32
      %eq3A_216 = arith.constant 1 : i32
      %eq3A_217 = arith.cmpi eq, %rem3A_215, %eq3A_216 : i32
      %convert_element_type3A_218 = arith.extui %eq3A_217 : i1 to i32
      %cond3A_219 = arith.constant 0 : i32
      %cond3A_220 = arith.cmpi ne, %convert_element_type3A_218, %cond3A_219 : i32
      scf.if %cond3A_220 {
        %ge3A = arith.constant 2 : i32
        %ge3A_228 = arith.cmpi sge, %scan3A_206, %ge3A : i32
        %convert_element_type3A_229 = arith.extui %ge3A_228 : i1 to i32
        %cond3A_230 = arith.constant 0 : i32
        %cond3A_231 = arith.cmpi ne, %convert_element_type3A_229, %cond3A_230 : i32
        scf.if %cond3A_231 {
          %sub3A_257 = arith.constant 2 : i32
          %sub3A_258 = arith.subi %scan3A_206, %sub3A_257 : i32
          %mul3A_259 = arith.constant 32 : i32
          %mul3A_260 = arith.muli %mul3A_259, %sub3A_258 : i32
          %add3A_261 = arith.addi %add3A, %mul3A_260 : i32
          %mul3A_262 = arith.constant 128 : i32
          %mul3A_263 = arith.muli %add3A_261, %mul3A_262 : i32
          %multiple_of3A_264 = tpu.assume_multiple %mul3A_263, 128 : i32
          %jit3A_265 = arith.constant 2 : i32
          %div3A_266 = arith.divsi %multiple_of3A_264, %jit3A_265 : i32
          %sign3A_267 = arith.constant 0 : i32
          %sign3A_268 = arith.cmpi sgt, %multiple_of3A_264, %sign3A_267 : i32
          %sign3A_269 = arith.extui %sign3A_268 : i1 to i32
          %sign3A_270 = arith.constant 0 : i32
          %sign3A_271 = arith.cmpi slt, %multiple_of3A_264, %sign3A_270 : i32
          %sign3A_272 = arith.extui %sign3A_271 : i1 to i32
          %sign3A_273 = arith.subi %sign3A_269, %sign3A_272 : i32
          %sign3A_274 = arith.constant 0 : i32
          %sign3A_275 = arith.cmpi sgt, %jit3A_265, %sign3A_274 : i32
          %sign3A_276 = arith.extui %sign3A_275 : i1 to i32
          %sign3A_277 = arith.constant 0 : i32
          %sign3A_278 = arith.cmpi slt, %jit3A_265, %sign3A_277 : i32
          %sign3A_279 = arith.extui %sign3A_278 : i1 to i32
          %sign3A_280 = arith.subi %sign3A_276, %sign3A_279 : i32
          %ne3A_281 = arith.cmpi ne, %sign3A_273, %sign3A_280 : i32
          %rem3A_282 = arith.remsi %multiple_of3A_264, %jit3A_265 : i32
          %ne3A_283 = arith.constant 0 : i32
          %ne3A_284 = arith.cmpi ne, %rem3A_282, %ne3A_283 : i32
          %and3A_285 = arith.andi %ne3A_281, %ne3A_284 : i1
          %sub3A_286 = arith.constant 1 : i32
          %sub3A_287 = arith.subi %div3A_266, %sub3A_286 : i32
          %select_n3A_288 = arith.select %and3A_285, %sub3A_287, %div3A_266 : i32
          %multiple_of3A_289 = tpu.assume_multiple %select_n3A_288, 8 : i32
          %dma_wait3A_290 = arith.constant 0 : i32
          %dma_wait3A_291 = tpu.memref_slice %arg4[%multiple_of3A_289, %dma_wait3A_290] : memref<500000x128xf32, #tpu.memory_space<hbm>> -> memref<64x128xf32, #tpu.memory_space<hbm>>
          %dma_wait3A_292 = arith.constant 0 : i32
          %dma_wait3A_293 = tpu.memref_slice %arg4[%multiple_of3A_289, %dma_wait3A_292] : memref<500000x128xf32, #tpu.memory_space<hbm>> -> memref<64x128xf32, #tpu.memory_space<hbm>>
          tpu.wait_dma2 semaphore(%arg16 : memref<!tpu.dma_semaphore, #tpu.memory_space<semaphore_mem>>) src(%arg10 : memref<64x128xf32, #tpu.memory_space<vmem>>) dst(%dma_wait3A_293 : memref<64x128xf32, #tpu.memory_space<hbm>>)
        } else {
        }
        %ge3A_232 = arith.constant 1 : i32
        %ge3A_233 = arith.cmpi sge, %scan3A_206, %ge3A_232 : i32
        %convert_element_type3A_234 = arith.extui %ge3A_233 : i1 to i32
        %cond3A_235 = arith.constant 0 : i32
        %cond3A_236 = arith.cmpi ne, %convert_element_type3A_234, %cond3A_235 : i32
        scf.if %cond3A_236 {
          %sub3A_257 = arith.constant 1 : i32
          %sub3A_258 = arith.subi %scan3A_206, %sub3A_257 : i32
          %mul3A_259 = arith.constant 32 : i32
          %mul3A_260 = arith.muli %mul3A_259, %sub3A_258 : i32
          %add3A_261 = arith.addi %add3A, %mul3A_260 : i32
          %mul3A_262 = arith.constant 128 : i32
          %mul3A_263 = arith.muli %add3A_261, %mul3A_262 : i32
          %multiple_of3A_264 = tpu.assume_multiple %mul3A_263, 128 : i32
          %jit3A_265 = arith.constant 2 : i32
          %div3A_266 = arith.divsi %multiple_of3A_264, %jit3A_265 : i32
          %sign3A_267 = arith.constant 0 : i32
          %sign3A_268 = arith.cmpi sgt, %multiple_of3A_264, %sign3A_267 : i32
          %sign3A_269 = arith.extui %sign3A_268 : i1 to i32
          %sign3A_270 = arith.constant 0 : i32
          %sign3A_271 = arith.cmpi slt, %multiple_of3A_264, %sign3A_270 : i32
          %sign3A_272 = arith.extui %sign3A_271 : i1 to i32
          %sign3A_273 = arith.subi %sign3A_269, %sign3A_272 : i32
          %sign3A_274 = arith.constant 0 : i32
          %sign3A_275 = arith.cmpi sgt, %jit3A_265, %sign3A_274 : i32
          %sign3A_276 = arith.extui %sign3A_275 : i1 to i32
          %sign3A_277 = arith.constant 0 : i32
          %sign3A_278 = arith.cmpi slt, %jit3A_265, %sign3A_277 : i32
          %sign3A_279 = arith.extui %sign3A_278 : i1 to i32
          %sign3A_280 = arith.subi %sign3A_276, %sign3A_279 : i32
          %ne3A_281 = arith.cmpi ne, %sign3A_273, %sign3A_280 : i32
          %rem3A_282 = arith.remsi %multiple_of3A_264, %jit3A_265 : i32
          %ne3A_283 = arith.constant 0 : i32
          %ne3A_284 = arith.cmpi ne, %rem3A_282, %ne3A_283 : i32
          %and3A_285 = arith.andi %ne3A_281, %ne3A_284 : i1
          %sub3A_286 = arith.constant 1 : i32
          %sub3A_287 = arith.subi %div3A_266, %sub3A_286 : i32
          %select_n3A_288 = arith.select %and3A_285, %sub3A_287, %div3A_266 : i32
          %multiple_of3A_289 = tpu.assume_multiple %select_n3A_288, 8 : i32
          %dma_start3A_290 = arith.constant 0 : i32
          %dma_start3A_291 = tpu.memref_slice %arg4[%multiple_of3A_289, %dma_start3A_290] : memref<500000x128xf32, #tpu.memory_space<hbm>> -> memref<64x128xf32, #tpu.memory_space<hbm>>
          %dma_start3A_292 = arith.constant 0 : i32
          %dma_start3A_293 = tpu.memref_slice %arg4[%multiple_of3A_289, %dma_start3A_292] : memref<500000x128xf32, #tpu.memory_space<hbm>> -> memref<64x128xf32, #tpu.memory_space<hbm>>
          tpu.enqueue_dma source(%arg8 : memref<64x128xf32, #tpu.memory_space<vmem>>) target(%dma_start3A_293 : memref<64x128xf32, #tpu.memory_space<hbm>>) target_semaphore(%arg14 : memref<!tpu.dma_semaphore, #tpu.memory_space<semaphore_mem>>)
        } else {
        }
        %add3A_237 = arith.constant 1 : i32
        %add3A_238 = arith.addi %scan3A_206, %add3A_237 : i32
        %mul3A_239 = arith.constant 32 : i32
        %mul3A_240 = arith.muli %mul3A_239, %add3A_238 : i32
        %add3A_241 = arith.addi %add3A, %mul3A_240 : i32
        %mul3A_242 = arith.constant 128 : i32
        %mul3A_243 = arith.muli %add3A_241, %mul3A_242 : i32
        %multiple_of3A_244 = tpu.assume_multiple %mul3A_243, 128 : i32
        %dma_wait3A_245 = arith.constant 0 : i32
        %dma_wait3A_246 = tpu.memref_slice %arg2[%dma_wait3A_245, %multiple_of3A_244] : memref<64x1000000xf32, #tpu.memory_space<hbm>> -> memref<64x128xf32, #tpu.memory_space<hbm>>
        %dma_wait3A_247 = arith.constant 0 : i32
        %dma_wait3A_248 = tpu.memref_slice %arg2[%dma_wait3A_247, %multiple_of3A_244] : memref<64x1000000xf32, #tpu.memory_space<hbm>> -> memref<64x128xf32, #tpu.memory_space<hbm>>
        tpu.wait_dma2 semaphore(%arg13 : memref<!tpu.dma_semaphore, #tpu.memory_space<semaphore_mem>>) src(%dma_wait3A_248 : memref<64x128xf32, #tpu.memory_space<hbm>>) dst(%arg7 : memref<64x128xf32, #tpu.memory_space<vmem>>)
        %add3A_249 = arith.constant 2 : i32
        %add3A_250 = arith.addi %scan3A_206, %add3A_249 : i32
        %le3A = arith.constant 243 : i32
        %le3A_251 = arith.cmpi sle, %add3A_250, %le3A : i32
        %convert_element_type3A_252 = arith.extui %le3A_251 : i1 to i32
        %cond3A_253 = arith.constant 0 : i32
        %cond3A_254 = arith.cmpi ne, %convert_element_type3A_252, %cond3A_253 : i32
        scf.if %cond3A_254 {
          %add3A_257 = arith.constant 2 : i32
          %add3A_258 = arith.addi %scan3A_206, %add3A_257 : i32
          %mul3A_259 = arith.constant 32 : i32
          %mul3A_260 = arith.muli %mul3A_259, %add3A_258 : i32
          %add3A_261 = arith.addi %add3A, %mul3A_260 : i32
          %mul3A_262 = arith.constant 128 : i32
          %mul3A_263 = arith.muli %add3A_261, %mul3A_262 : i32
          %multiple_of3A_264 = tpu.assume_multiple %mul3A_263, 128 : i32
          %dma_start3A_265 = arith.constant 0 : i32
          %dma_start3A_266 = tpu.memref_slice %arg2[%dma_start3A_265, %multiple_of3A_264] : memref<64x1000000xf32, #tpu.memory_space<hbm>> -> memref<64x128xf32, #tpu.memory_space<hbm>>
          %dma_start3A_267 = arith.constant 0 : i32
          %dma_start3A_268 = tpu.memref_slice %arg2[%dma_start3A_267, %multiple_of3A_264] : memref<64x1000000xf32, #tpu.memory_space<hbm>> -> memref<64x128xf32, #tpu.memory_space<hbm>>
          tpu.enqueue_dma source(%dma_start3A_268 : memref<64x128xf32, #tpu.memory_space<hbm>>) target(%arg5 : memref<64x128xf32, #tpu.memory_space<vmem>>) target_semaphore(%arg11 : memref<!tpu.dma_semaphore, #tpu.memory_space<semaphore_mem>>)
        } else {
        }
        %parallel_loop3A = arith.constant 0 : i32
        %parallel_loop3A_255 = arith.constant 64 : i32
        %parallel_loop3A_256 = arith.constant 1 : i32
        scf.for %parallel_loop3A_257 = %parallel_loop3A to %parallel_loop3A_255 step %parallel_loop3A_256  : i32 {
          %parallel_loop3A_258 = arith.constant 2 : i32
          %parallel_loop3A_259 = arith.muli %parallel_loop3A_258, %parallel_loop3A_257 : i32
          %parallel_loop3A_260 = vector.broadcast %parallel_loop3A_259 : i32 to vector<16xi32>
          %parallel_loop3A_261 = arith.constant 1 : i32
          %parallel_loop3A_262 = vector.broadcast %parallel_loop3A_261 : i32 to vector<16xi32>
          %parallel_loop3A_263 = arith.addi %parallel_loop3A_260, %parallel_loop3A_262 : vector<16xi32>
          %parallel_loop3A_264 = arith.constant 0 : i32
          %parallel_loop3A_265 = vector.broadcast %parallel_loop3A_264 : i32 to vector<16xi32>
          %parallel_loop3A_266 = arith.addi %iota3A, %parallel_loop3A_265 : vector<16xi32>
          %parallel_loop3A_267 = tpu.vector_load_idx %arg6[%parallel_loop3A_266, %parallel_loop3A_260] : memref<64x128xf32, #tpu.memory_space<vmem>>[vector<16xi32>, vector<16xi32>], vector<16xf32>,
          %parallel_loop3A_268 = arith.index_cast %parallel_loop3A_257 : i32 to index
          %parallel_loop3A_269 = arith.constant 0 : index
          %parallel_loop3A_270 = tpu.vector_load %arg9[%parallel_loop3A_268, %parallel_loop3A_269] {strides = array<i32>} : memref<64x128xf32, #tpu.memory_space<vmem>>, vector<16xf32>,
          tpu.vector_store %arg9[%parallel_loop3A_268, %parallel_loop3A_269], %parallel_loop3A_267 {strides = array<i32>} : memref<64x128xf32, #tpu.memory_space<vmem>>, vector<16xf32>,
          %parallel_loop3A_271 = arith.constant 16 : i32
          %parallel_loop3A_272 = vector.broadcast %parallel_loop3A_271 : i32 to vector<16xi32>
          %parallel_loop3A_273 = arith.addi %iota3A, %parallel_loop3A_272 : vector<16xi32>
          %parallel_loop3A_274 = tpu.vector_load_idx %arg6[%parallel_loop3A_273, %parallel_loop3A_260] : memref<64x128xf32, #tpu.memory_space<vmem>>[vector<16xi32>, vector<16xi32>], vector<16xf32>,
          %parallel_loop3A_275 = arith.index_cast %parallel_loop3A_257 : i32 to index
          %parallel_loop3A_276 = arith.constant 16 : index
          %parallel_loop3A_277 = tpu.vector_load %arg9[%parallel_loop3A_275, %parallel_loop3A_276] {strides = array<i32>} : memref<64x128xf32, #tpu.memory_space<vmem>>, vector<16xf32>,
          tpu.vector_store %arg9[%parallel_loop3A_275, %parallel_loop3A_276], %parallel_loop3A_274 {strides = array<i32>} : memref<64x128xf32, #tpu.memory_space<vmem>>, vector<16xf32>,
          %parallel_loop3A_278 = arith.constant 32 : i32
          %parallel_loop3A_279 = vector.broadcast %parallel_loop3A_278 : i32 to vector<16xi32>
          %parallel_loop3A_280 = arith.addi %iota3A, %parallel_loop3A_279 : vector<16xi32>
          %parallel_loop3A_281 = tpu.vector_load_idx %arg6[%parallel_loop3A_280, %parallel_loop3A_260] : memref<64x128xf32, #tpu.memory_space<vmem>>[vector<16xi32>, vector<16xi32>], vector<16xf32>,
          %parallel_loop3A_282 = arith.index_cast %parallel_loop3A_257 : i32 to index
          %parallel_loop3A_283 = arith.constant 32 : index
          %parallel_loop3A_284 = tpu.vector_load %arg9[%parallel_loop3A_282, %parallel_loop3A_283] {strides = array<i32>} : memref<64x128xf32, #tpu.memory_space<vmem>>, vector<16xf32>,
          tpu.vector_store %arg9[%parallel_loop3A_282, %parallel_loop3A_283], %parallel_loop3A_281 {strides = array<i32>} : memref<64x128xf32, #tpu.memory_space<vmem>>, vector<16xf32>,
          %parallel_loop3A_285 = arith.constant 48 : i32
          %parallel_loop3A_286 = vector.broadcast %parallel_loop3A_285 : i32 to vector<16xi32>
          %parallel_loop3A_287 = arith.addi %iota3A, %parallel_loop3A_286 : vector<16xi32>
          %parallel_loop3A_288 = tpu.vector_load_idx %arg6[%parallel_loop3A_287, %parallel_loop3A_260] : memref<64x128xf32, #tpu.memory_space<vmem>>[vector<16xi32>, vector<16xi32>], vector<16xf32>,
          %parallel_loop3A_289 = arith.index_cast %parallel_loop3A_257 : i32 to index
          %parallel_loop3A_290 = arith.constant 48 : index
          %parallel_loop3A_291 = tpu.vector_load %arg9[%parallel_loop3A_289, %parallel_loop3A_290] {strides = array<i32>} : memref<64x128xf32, #tpu.memory_space<vmem>>, vector<16xf32>,
          tpu.vector_store %arg9[%parallel_loop3A_289, %parallel_loop3A_290], %parallel_loop3A_288 {strides = array<i32>} : memref<64x128xf32, #tpu.memory_space<vmem>>, vector<16xf32>,
          %parallel_loop3A_292 = arith.constant 0 : i32
          %parallel_loop3A_293 = vector.broadcast %parallel_loop3A_292 : i32 to vector<16xi32>
          %parallel_loop3A_294 = arith.addi %iota3A, %parallel_loop3A_293 : vector<16xi32>
          %parallel_loop3A_295 = tpu.vector_load_idx %arg6[%parallel_loop3A_294, %parallel_loop3A_263] : memref<64x128xf32, #tpu.memory_space<vmem>>[vector<16xi32>, vector<16xi32>], vector<16xf32>,
          %parallel_loop3A_296 = arith.index_cast %parallel_loop3A_257 : i32 to index
          %parallel_loop3A_297 = arith.constant 64 : index
          %parallel_loop3A_298 = tpu.vector_load %arg9[%parallel_loop3A_296, %parallel_loop3A_297] {strides = array<i32>} : memref<64x128xf32, #tpu.memory_space<vmem>>, vector<16xf32>,
          tpu.vector_store %arg9[%parallel_loop3A_296, %parallel_loop3A_297], %parallel_loop3A_295 {strides = array<i32>} : memref<64x128xf32, #tpu.memory_space<vmem>>, vector<16xf32>,
          %parallel_loop3A_299 = arith.constant 16 : i32
          %parallel_loop3A_300 = vector.broadcast %parallel_loop3A_299 : i32 to vector<16xi32>
          %parallel_loop3A_301 = arith.addi %iota3A, %parallel_loop3A_300 : vector<16xi32>
          %parallel_loop3A_302 = tpu.vector_load_idx %arg6[%parallel_loop3A_301, %parallel_loop3A_263] : memref<64x128xf32, #tpu.memory_space<vmem>>[vector<16xi32>, vector<16xi32>], vector<16xf32>,
          %parallel_loop3A_303 = arith.index_cast %parallel_loop3A_257 : i32 to index
          %parallel_loop3A_304 = arith.constant 80 : index
          %parallel_loop3A_305 = tpu.vector_load %arg9[%parallel_loop3A_303, %parallel_loop3A_304] {strides = array<i32>} : memref<64x128xf32, #tpu.memory_space<vmem>>, vector<16xf32>,
          tpu.vector_store %arg9[%parallel_loop3A_303, %parallel_loop3A_304], %parallel_loop3A_302 {strides = array<i32>} : memref<64x128xf32, #tpu.memory_space<vmem>>, vector<16xf32>,
          %parallel_loop3A_306 = arith.constant 32 : i32
          %parallel_loop3A_307 = vector.broadcast %parallel_loop3A_306 : i32 to vector<16xi32>
          %parallel_loop3A_308 = arith.addi %iota3A, %parallel_loop3A_307 : vector<16xi32>
          %parallel_loop3A_309 = tpu.vector_load_idx %arg6[%parallel_loop3A_308, %parallel_loop3A_263] : memref<64x128xf32, #tpu.memory_space<vmem>>[vector<16xi32>, vector<16xi32>], vector<16xf32>,
          %parallel_loop3A_310 = arith.index_cast %parallel_loop3A_257 : i32 to index
          %parallel_loop3A_311 = arith.constant 96 : index
          %parallel_loop3A_312 = tpu.vector_load %arg9[%parallel_loop3A_310, %parallel_loop3A_311] {strides = array<i32>} : memref<64x128xf32, #tpu.memory_space<vmem>>, vector<16xf32>,
          tpu.vector_store %arg9[%parallel_loop3A_310, %parallel_loop3A_311], %parallel_loop3A_309 {strides = array<i32>} : memref<64x128xf32, #tpu.memory_space<vmem>>, vector<16xf32>,
          %parallel_loop3A_313 = arith.constant 48 : i32
          %parallel_loop3A_314 = vector.broadcast %parallel_loop3A_313 : i32 to vector<16xi32>
          %parallel_loop3A_315 = arith.addi %iota3A, %parallel_loop3A_314 : vector<16xi32>
          %parallel_loop3A_316 = tpu.vector_load_idx %arg6[%parallel_loop3A_315, %parallel_loop3A_263] : memref<64x128xf32, #tpu.memory_space<vmem>>[vector<16xi32>, vector<16xi32>], vector<16xf32>,
          %parallel_loop3A_317 = arith.index_cast %parallel_loop3A_257 : i32 to index
          %parallel_loop3A_318 = arith.constant 112 : index
          %parallel_loop3A_319 = tpu.vector_load %arg9[%parallel_loop3A_317, %parallel_loop3A_318] {strides = array<i32>} : memref<64x128xf32, #tpu.memory_space<vmem>>, vector<16xf32>,
          tpu.vector_store %arg9[%parallel_loop3A_317, %parallel_loop3A_318], %parallel_loop3A_316 {strides = array<i32>} : memref<64x128xf32, #tpu.memory_space<vmem>>, vector<16xf32>,
        } {sc.loop_unroll_factor = 4 : i64, sc.parallel_access}
      } else {
      }
      %rem3A_221 = arith.constant 3 : i32
      %rem3A_222 = arith.remsi %scan3A_206, %rem3A_221 : i32
      %eq3A_223 = arith.constant 2 : i32
      %eq3A_224 = arith.cmpi eq, %rem3A_222, %eq3A_223 : i32
      %convert_element_type3A_225 = arith.extui %eq3A_224 : i1 to i32
      %cond3A_226 = arith.constant 0 : i32
      %cond3A_227 = arith.cmpi ne, %convert_element_type3A_225, %cond3A_226 : i32
      scf.if %cond3A_227 {
        %ge3A = arith.constant 2 : i32
        %ge3A_228 = arith.cmpi sge, %scan3A_206, %ge3A : i32
        %convert_element_type3A_229 = arith.extui %ge3A_228 : i1 to i32
        %cond3A_230 = arith.constant 0 : i32
        %cond3A_231 = arith.cmpi ne, %convert_element_type3A_229, %cond3A_230 : i32
        scf.if %cond3A_231 {
          %sub3A_257 = arith.constant 2 : i32
          %sub3A_258 = arith.subi %scan3A_206, %sub3A_257 : i32
          %mul3A_259 = arith.constant 32 : i32
          %mul3A_260 = arith.muli %mul3A_259, %sub3A_258 : i32
          %add3A_261 = arith.addi %add3A, %mul3A_260 : i32
          %mul3A_262 = arith.constant 128 : i32
          %mul3A_263 = arith.muli %add3A_261, %mul3A_262 : i32
          %multiple_of3A_264 = tpu.assume_multiple %mul3A_263, 128 : i32
          %jit3A_265 = arith.constant 2 : i32
          %div3A_266 = arith.divsi %multiple_of3A_264, %jit3A_265 : i32
          %sign3A_267 = arith.constant 0 : i32
          %sign3A_268 = arith.cmpi sgt, %multiple_of3A_264, %sign3A_267 : i32
          %sign3A_269 = arith.extui %sign3A_268 : i1 to i32
          %sign3A_270 = arith.constant 0 : i32
          %sign3A_271 = arith.cmpi slt, %multiple_of3A_264, %sign3A_270 : i32
          %sign3A_272 = arith.extui %sign3A_271 : i1 to i32
          %sign3A_273 = arith.subi %sign3A_269, %sign3A_272 : i32
          %sign3A_274 = arith.constant 0 : i32
          %sign3A_275 = arith.cmpi sgt, %jit3A_265, %sign3A_274 : i32
          %sign3A_276 = arith.extui %sign3A_275 : i1 to i32
          %sign3A_277 = arith.constant 0 : i32
          %sign3A_278 = arith.cmpi slt, %jit3A_265, %sign3A_277 : i32
          %sign3A_279 = arith.extui %sign3A_278 : i1 to i32
          %sign3A_280 = arith.subi %sign3A_276, %sign3A_279 : i32
          %ne3A_281 = arith.cmpi ne, %sign3A_273, %sign3A_280 : i32
          %rem3A_282 = arith.remsi %multiple_of3A_264, %jit3A_265 : i32
          %ne3A_283 = arith.constant 0 : i32
          %ne3A_284 = arith.cmpi ne, %rem3A_282, %ne3A_283 : i32
          %and3A_285 = arith.andi %ne3A_281, %ne3A_284 : i1
          %sub3A_286 = arith.constant 1 : i32
          %sub3A_287 = arith.subi %div3A_266, %sub3A_286 : i32
          %select_n3A_288 = arith.select %and3A_285, %sub3A_287, %div3A_266 : i32
          %multiple_of3A_289 = tpu.assume_multiple %select_n3A_288, 8 : i32
          %dma_wait3A_290 = arith.constant 0 : i32
          %dma_wait3A_291 = tpu.memref_slice %arg4[%multiple_of3A_289, %dma_wait3A_290] : memref<500000x128xf32, #tpu.memory_space<hbm>> -> memref<64x128xf32, #tpu.memory_space<hbm>>
          %dma_wait3A_292 = arith.constant 0 : i32
          %dma_wait3A_293 = tpu.memref_slice %arg4[%multiple_of3A_289, %dma_wait3A_292] : memref<500000x128xf32, #tpu.memory_space<hbm>> -> memref<64x128xf32, #tpu.memory_space<hbm>>
          tpu.wait_dma2 semaphore(%arg14 : memref<!tpu.dma_semaphore, #tpu.memory_space<semaphore_mem>>) src(%arg8 : memref<64x128xf32, #tpu.memory_space<vmem>>) dst(%dma_wait3A_293 : memref<64x128xf32, #tpu.memory_space<hbm>>)
        } else {
        }
        %ge3A_232 = arith.constant 1 : i32
        %ge3A_233 = arith.cmpi sge, %scan3A_206, %ge3A_232 : i32
        %convert_element_type3A_234 = arith.extui %ge3A_233 : i1 to i32
        %cond3A_235 = arith.constant 0 : i32
        %cond3A_236 = arith.cmpi ne, %convert_element_type3A_234, %cond3A_235 : i32
        scf.if %cond3A_236 {
          %sub3A_257 = arith.constant 1 : i32
          %sub3A_258 = arith.subi %scan3A_206, %sub3A_257 : i32
          %mul3A_259 = arith.constant 32 : i32
          %mul3A_260 = arith.muli %mul3A_259, %sub3A_258 : i32
          %add3A_261 = arith.addi %add3A, %mul3A_260 : i32
          %mul3A_262 = arith.constant 128 : i32
          %mul3A_263 = arith.muli %add3A_261, %mul3A_262 : i32
          %multiple_of3A_264 = tpu.assume_multiple %mul3A_263, 128 : i32
          %jit3A_265 = arith.constant 2 : i32
          %div3A_266 = arith.divsi %multiple_of3A_264, %jit3A_265 : i32
          %sign3A_267 = arith.constant 0 : i32
          %sign3A_268 = arith.cmpi sgt, %multiple_of3A_264, %sign3A_267 : i32
          %sign3A_269 = arith.extui %sign3A_268 : i1 to i32
          %sign3A_270 = arith.constant 0 : i32
          %sign3A_271 = arith.cmpi slt, %multiple_of3A_264, %sign3A_270 : i32
          %sign3A_272 = arith.extui %sign3A_271 : i1 to i32
          %sign3A_273 = arith.subi %sign3A_269, %sign3A_272 : i32
          %sign3A_274 = arith.constant 0 : i32
          %sign3A_275 = arith.cmpi sgt, %jit3A_265, %sign3A_274 : i32
          %sign3A_276 = arith.extui %sign3A_275 : i1 to i32
          %sign3A_277 = arith.constant 0 : i32
          %sign3A_278 = arith.cmpi slt, %jit3A_265, %sign3A_277 : i32
          %sign3A_279 = arith.extui %sign3A_278 : i1 to i32
          %sign3A_280 = arith.subi %sign3A_276, %sign3A_279 : i32
          %ne3A_281 = arith.cmpi ne, %sign3A_273, %sign3A_280 : i32
          %rem3A_282 = arith.remsi %multiple_of3A_264, %jit3A_265 : i32
          %ne3A_283 = arith.constant 0 : i32
          %ne3A_284 = arith.cmpi ne, %rem3A_282, %ne3A_283 : i32
          %and3A_285 = arith.andi %ne3A_281, %ne3A_284 : i1
          %sub3A_286 = arith.constant 1 : i32
          %sub3A_287 = arith.subi %div3A_266, %sub3A_286 : i32
          %select_n3A_288 = arith.select %and3A_285, %sub3A_287, %div3A_266 : i32
          %multiple_of3A_289 = tpu.assume_multiple %select_n3A_288, 8 : i32
          %dma_start3A_290 = arith.constant 0 : i32
          %dma_start3A_291 = tpu.memref_slice %arg4[%multiple_of3A_289, %dma_start3A_290] : memref<500000x128xf32, #tpu.memory_space<hbm>> -> memref<64x128xf32, #tpu.memory_space<hbm>>
          %dma_start3A_292 = arith.constant 0 : i32
          %dma_start3A_293 = tpu.memref_slice %arg4[%multiple_of3A_289, %dma_start3A_292] : memref<500000x128xf32, #tpu.memory_space<hbm>> -> memref<64x128xf32, #tpu.memory_space<hbm>>
          tpu.enqueue_dma source(%arg9 : memref<64x128xf32, #tpu.memory_space<vmem>>) target(%dma_start3A_293 : memref<64x128xf32, #tpu.memory_space<hbm>>) target_semaphore(%arg15 : memref<!tpu.dma_semaphore, #tpu.memory_space<semaphore_mem>>)
        } else {
        }
        %add3A_237 = arith.constant 1 : i32
        %add3A_238 = arith.addi %scan3A_206, %add3A_237 : i32
        %mul3A_239 = arith.constant 32 : i32
        %mul3A_240 = arith.muli %mul3A_239, %add3A_238 : i32
        %add3A_241 = arith.addi %add3A, %mul3A_240 : i32
        %mul3A_242 = arith.constant 128 : i32
        %mul3A_243 = arith.muli %add3A_241, %mul3A_242 : i32
        %multiple_of3A_244 = tpu.assume_multiple %mul3A_243, 128 : i32
        %dma_wait3A_245 = arith.constant 0 : i32
        %dma_wait3A_246 = tpu.memref_slice %arg2[%dma_wait3A_245, %multiple_of3A_244] : memref<64x1000000xf32, #tpu.memory_space<hbm>> -> memref<64x128xf32, #tpu.memory_space<hbm>>
        %dma_wait3A_247 = arith.constant 0 : i32
        %dma_wait3A_248 = tpu.memref_slice %arg2[%dma_wait3A_247, %multiple_of3A_244] : memref<64x1000000xf32, #tpu.memory_space<hbm>> -> memref<64x128xf32, #tpu.memory_space<hbm>>
        tpu.wait_dma2 semaphore(%arg11 : memref<!tpu.dma_semaphore, #tpu.memory_space<semaphore_mem>>) src(%dma_wait3A_248 : memref<64x128xf32, #tpu.memory_space<hbm>>) dst(%arg5 : memref<64x128xf32, #tpu.memory_space<vmem>>)
        %add3A_249 = arith.constant 2 : i32
        %add3A_250 = arith.addi %scan3A_206, %add3A_249 : i32
        %le3A = arith.constant 243 : i32
        %le3A_251 = arith.cmpi sle, %add3A_250, %le3A : i32
        %convert_element_type3A_252 = arith.extui %le3A_251 : i1 to i32
        %cond3A_253 = arith.constant 0 : i32
        %cond3A_254 = arith.cmpi ne, %convert_element_type3A_252, %cond3A_253 : i32
        scf.if %cond3A_254 {
          %add3A_257 = arith.constant 2 : i32
          %add3A_258 = arith.addi %scan3A_206, %add3A_257 : i32
          %mul3A_259 = arith.constant 32 : i32
          %mul3A_260 = arith.muli %mul3A_259, %add3A_258 : i32
          %add3A_261 = arith.addi %add3A, %mul3A_260 : i32
          %mul3A_262 = arith.constant 128 : i32
          %mul3A_263 = arith.muli %add3A_261, %mul3A_262 : i32
          %multiple_of3A_264 = tpu.assume_multiple %mul3A_263, 128 : i32
          %dma_start3A_265 = arith.constant 0 : i32
          %dma_start3A_266 = tpu.memref_slice %arg2[%dma_start3A_265, %multiple_of3A_264] : memref<64x1000000xf32, #tpu.memory_space<hbm>> -> memref<64x128xf32, #tpu.memory_space<hbm>>
          %dma_start3A_267 = arith.constant 0 : i32
          %dma_start3A_268 = tpu.memref_slice %arg2[%dma_start3A_267, %multiple_of3A_264] : memref<64x1000000xf32, #tpu.memory_space<hbm>> -> memref<64x128xf32, #tpu.memory_space<hbm>>
          tpu.enqueue_dma source(%dma_start3A_268 : memref<64x128xf32, #tpu.memory_space<hbm>>) target(%arg6 : memref<64x128xf32, #tpu.memory_space<vmem>>) target_semaphore(%arg12 : memref<!tpu.dma_semaphore, #tpu.memory_space<semaphore_mem>>)
        } else {
        }
        %parallel_loop3A = arith.constant 0 : i32
        %parallel_loop3A_255 = arith.constant 64 : i32
        %parallel_loop3A_256 = arith.constant 1 : i32
        scf.for %parallel_loop3A_257 = %parallel_loop3A to %parallel_loop3A_255 step %parallel_loop3A_256  : i32 {
          %parallel_loop3A_258 = arith.constant 2 : i32
          %parallel_loop3A_259 = arith.muli %parallel_loop3A_258, %parallel_loop3A_257 : i32
          %parallel_loop3A_260 = vector.broadcast %parallel_loop3A_259 : i32 to vector<16xi32>
          %parallel_loop3A_261 = arith.constant 1 : i32
          %parallel_loop3A_262 = vector.broadcast %parallel_loop3A_261 : i32 to vector<16xi32>
          %parallel_loop3A_263 = arith.addi %parallel_loop3A_260, %parallel_loop3A_262 : vector<16xi32>
          %parallel_loop3A_264 = arith.constant 0 : i32
          %parallel_loop3A_265 = vector.broadcast %parallel_loop3A_264 : i32 to vector<16xi32>
          %parallel_loop3A_266 = arith.addi %iota3A, %parallel_loop3A_265 : vector<16xi32>
          %parallel_loop3A_267 = tpu.vector_load_idx %arg7[%parallel_loop3A_266, %parallel_loop3A_260] : memref<64x128xf32, #tpu.memory_space<vmem>>[vector<16xi32>, vector<16xi32>], vector<16xf32>,
          %parallel_loop3A_268 = arith.index_cast %parallel_loop3A_257 : i32 to index
          %parallel_loop3A_269 = arith.constant 0 : index
          %parallel_loop3A_270 = tpu.vector_load %arg10[%parallel_loop3A_268, %parallel_loop3A_269] {strides = array<i32>} : memref<64x128xf32, #tpu.memory_space<vmem>>, vector<16xf32>,
          tpu.vector_store %arg10[%parallel_loop3A_268, %parallel_loop3A_269], %parallel_loop3A_267 {strides = array<i32>} : memref<64x128xf32, #tpu.memory_space<vmem>>, vector<16xf32>,
          %parallel_loop3A_271 = arith.constant 16 : i32
          %parallel_loop3A_272 = vector.broadcast %parallel_loop3A_271 : i32 to vector<16xi32>
          %parallel_loop3A_273 = arith.addi %iota3A, %parallel_loop3A_272 : vector<16xi32>
          %parallel_loop3A_274 = tpu.vector_load_idx %arg7[%parallel_loop3A_273, %parallel_loop3A_260] : memref<64x128xf32, #tpu.memory_space<vmem>>[vector<16xi32>, vector<16xi32>], vector<16xf32>,
          %parallel_loop3A_275 = arith.index_cast %parallel_loop3A_257 : i32 to index
          %parallel_loop3A_276 = arith.constant 16 : index
          %parallel_loop3A_277 = tpu.vector_load %arg10[%parallel_loop3A_275, %parallel_loop3A_276] {strides = array<i32>} : memref<64x128xf32, #tpu.memory_space<vmem>>, vector<16xf32>,
          tpu.vector_store %arg10[%parallel_loop3A_275, %parallel_loop3A_276], %parallel_loop3A_274 {strides = array<i32>} : memref<64x128xf32, #tpu.memory_space<vmem>>, vector<16xf32>,
          %parallel_loop3A_278 = arith.constant 32 : i32
          %parallel_loop3A_279 = vector.broadcast %parallel_loop3A_278 : i32 to vector<16xi32>
          %parallel_loop3A_280 = arith.addi %iota3A, %parallel_loop3A_279 : vector<16xi32>
          %parallel_loop3A_281 = tpu.vector_load_idx %arg7[%parallel_loop3A_280, %parallel_loop3A_260] : memref<64x128xf32, #tpu.memory_space<vmem>>[vector<16xi32>, vector<16xi32>], vector<16xf32>,
          %parallel_loop3A_282 = arith.index_cast %parallel_loop3A_257 : i32 to index
          %parallel_loop3A_283 = arith.constant 32 : index
          %parallel_loop3A_284 = tpu.vector_load %arg10[%parallel_loop3A_282, %parallel_loop3A_283] {strides = array<i32>} : memref<64x128xf32, #tpu.memory_space<vmem>>, vector<16xf32>,
          tpu.vector_store %arg10[%parallel_loop3A_282, %parallel_loop3A_283], %parallel_loop3A_281 {strides = array<i32>} : memref<64x128xf32, #tpu.memory_space<vmem>>, vector<16xf32>,
          %parallel_loop3A_285 = arith.constant 48 : i32
          %parallel_loop3A_286 = vector.broadcast %parallel_loop3A_285 : i32 to vector<16xi32>
          %parallel_loop3A_287 = arith.addi %iota3A, %parallel_loop3A_286 : vector<16xi32>
          %parallel_loop3A_288 = tpu.vector_load_idx %arg7[%parallel_loop3A_287, %parallel_loop3A_260] : memref<64x128xf32, #tpu.memory_space<vmem>>[vector<16xi32>, vector<16xi32>], vector<16xf32>,
          %parallel_loop3A_289 = arith.index_cast %parallel_loop3A_257 : i32 to index
          %parallel_loop3A_290 = arith.constant 48 : index
          %parallel_loop3A_291 = tpu.vector_load %arg10[%parallel_loop3A_289, %parallel_loop3A_290] {strides = array<i32>} : memref<64x128xf32, #tpu.memory_space<vmem>>, vector<16xf32>,
          tpu.vector_store %arg10[%parallel_loop3A_289, %parallel_loop3A_290], %parallel_loop3A_288 {strides = array<i32>} : memref<64x128xf32, #tpu.memory_space<vmem>>, vector<16xf32>,
          %parallel_loop3A_292 = arith.constant 0 : i32
          %parallel_loop3A_293 = vector.broadcast %parallel_loop3A_292 : i32 to vector<16xi32>
          %parallel_loop3A_294 = arith.addi %iota3A, %parallel_loop3A_293 : vector<16xi32>
          %parallel_loop3A_295 = tpu.vector_load_idx %arg7[%parallel_loop3A_294, %parallel_loop3A_263] : memref<64x128xf32, #tpu.memory_space<vmem>>[vector<16xi32>, vector<16xi32>], vector<16xf32>,
          %parallel_loop3A_296 = arith.index_cast %parallel_loop3A_257 : i32 to index
          %parallel_loop3A_297 = arith.constant 64 : index
          %parallel_loop3A_298 = tpu.vector_load %arg10[%parallel_loop3A_296, %parallel_loop3A_297] {strides = array<i32>} : memref<64x128xf32, #tpu.memory_space<vmem>>, vector<16xf32>,
          tpu.vector_store %arg10[%parallel_loop3A_296, %parallel_loop3A_297], %parallel_loop3A_295 {strides = array<i32>} : memref<64x128xf32, #tpu.memory_space<vmem>>, vector<16xf32>,
          %parallel_loop3A_299 = arith.constant 16 : i32
          %parallel_loop3A_300 = vector.broadcast %parallel_loop3A_299 : i32 to vector<16xi32>
          %parallel_loop3A_301 = arith.addi %iota3A, %parallel_loop3A_300 : vector<16xi32>
          %parallel_loop3A_302 = tpu.vector_load_idx %arg7[%parallel_loop3A_301, %parallel_loop3A_263] : memref<64x128xf32, #tpu.memory_space<vmem>>[vector<16xi32>, vector<16xi32>], vector<16xf32>,
          %parallel_loop3A_303 = arith.index_cast %parallel_loop3A_257 : i32 to index
          %parallel_loop3A_304 = arith.constant 80 : index
          %parallel_loop3A_305 = tpu.vector_load %arg10[%parallel_loop3A_303, %parallel_loop3A_304] {strides = array<i32>} : memref<64x128xf32, #tpu.memory_space<vmem>>, vector<16xf32>,
          tpu.vector_store %arg10[%parallel_loop3A_303, %parallel_loop3A_304], %parallel_loop3A_302 {strides = array<i32>} : memref<64x128xf32, #tpu.memory_space<vmem>>, vector<16xf32>,
          %parallel_loop3A_306 = arith.constant 32 : i32
          %parallel_loop3A_307 = vector.broadcast %parallel_loop3A_306 : i32 to vector<16xi32>
          %parallel_loop3A_308 = arith.addi %iota3A, %parallel_loop3A_307 : vector<16xi32>
          %parallel_loop3A_309 = tpu.vector_load_idx %arg7[%parallel_loop3A_308, %parallel_loop3A_263] : memref<64x128xf32, #tpu.memory_space<vmem>>[vector<16xi32>, vector<16xi32>], vector<16xf32>,
          %parallel_loop3A_310 = arith.index_cast %parallel_loop3A_257 : i32 to index
          %parallel_loop3A_311 = arith.constant 96 : index
          %parallel_loop3A_312 = tpu.vector_load %arg10[%parallel_loop3A_310, %parallel_loop3A_311] {strides = array<i32>} : memref<64x128xf32, #tpu.memory_space<vmem>>, vector<16xf32>,
          tpu.vector_store %arg10[%parallel_loop3A_310, %parallel_loop3A_311], %parallel_loop3A_309 {strides = array<i32>} : memref<64x128xf32, #tpu.memory_space<vmem>>, vector<16xf32>,
          %parallel_loop3A_313 = arith.constant 48 : i32
          %parallel_loop3A_314 = vector.broadcast %parallel_loop3A_313 : i32 to vector<16xi32>
          %parallel_loop3A_315 = arith.addi %iota3A, %parallel_loop3A_314 : vector<16xi32>
          %parallel_loop3A_316 = tpu.vector_load_idx %arg7[%parallel_loop3A_315, %parallel_loop3A_263] : memref<64x128xf32, #tpu.memory_space<vmem>>[vector<16xi32>, vector<16xi32>], vector<16xf32>,
          %parallel_loop3A_317 = arith.index_cast %parallel_loop3A_257 : i32 to index
          %parallel_loop3A_318 = arith.constant 112 : index
          %parallel_loop3A_319 = tpu.vector_load %arg10[%parallel_loop3A_317, %parallel_loop3A_318] {strides = array<i32>} : memref<64x128xf32, #tpu.memory_space<vmem>>, vector<16xf32>,
          tpu.vector_store %arg10[%parallel_loop3A_317, %parallel_loop3A_318], %parallel_loop3A_316 {strides = array<i32>} : memref<64x128xf32, #tpu.memory_space<vmem>>, vector<16xf32>,
        } {sc.loop_unroll_factor = 4 : i64, sc.parallel_access}
      } else {
      }
    }
    %scan3A_31 = arith.constant 243 : i32
    %add3A_32 = arith.constant 7712 : i32
    %add3A_33 = arith.addi %add3A, %add3A_32 : i32
    %mul3A_34 = arith.constant 128 : i32
    %mul3A_35 = arith.muli %add3A_33, %mul3A_34 : i32
    %multiple_of3A_36 = tpu.assume_multiple %mul3A_35, 128 : i32
    %jit3A = arith.constant 2 : i32
    %div3A = arith.divsi %multiple_of3A_36, %jit3A : i32
    %sign3A = arith.constant 0 : i32
    %sign3A_37 = arith.cmpi sgt, %multiple_of3A_36, %sign3A : i32
    %sign3A_38 = arith.extui %sign3A_37 : i1 to i32
    %sign3A_39 = arith.constant 0 : i32
    %sign3A_40 = arith.cmpi slt, %multiple_of3A_36, %sign3A_39 : i32
    %sign3A_41 = arith.extui %sign3A_40 : i1 to i32
    %sign3A_42 = arith.subi %sign3A_38, %sign3A_41 : i32
    %sign3A_43 = arith.constant 0 : i32
    %sign3A_44 = arith.cmpi sgt, %jit3A, %sign3A_43 : i32
    %sign3A_45 = arith.extui %sign3A_44 : i1 to i32
    %sign3A_46 = arith.constant 0 : i32
    %sign3A_47 = arith.cmpi slt, %jit3A, %sign3A_46 : i32
    %sign3A_48 = arith.extui %sign3A_47 : i1 to i32
    %sign3A_49 = arith.subi %sign3A_45, %sign3A_48 : i32
    %ne3A = arith.cmpi ne, %sign3A_42, %sign3A_49 : i32
    %rem3A = arith.remsi %multiple_of3A_36, %jit3A : i32
    %ne3A_50 = arith.constant 0 : i32
    %ne3A_51 = arith.cmpi ne, %rem3A, %ne3A_50 : i32
    %and3A = arith.andi %ne3A, %ne3A_51 : i1
    %sub3A = arith.constant 1 : i32
    %sub3A_52 = arith.subi %div3A, %sub3A : i32
    %select_n3A = arith.select %and3A, %sub3A_52, %div3A : i32
    %multiple_of3A_53 = tpu.assume_multiple %select_n3A, 8 : i32
    %dma_wait3A_54 = arith.constant 0 : i32
    %dma_wait3A_55 = tpu.memref_slice %arg4[%multiple_of3A_53, %dma_wait3A_54] : memref<500000x128xf32, #tpu.memory_space<hbm>> -> memref<64x128xf32, #tpu.memory_space<hbm>>
    %dma_wait3A_56 = arith.constant 0 : i32
    %dma_wait3A_57 = tpu.memref_slice %arg4[%multiple_of3A_53, %dma_wait3A_56] : memref<500000x128xf32, #tpu.memory_space<hbm>> -> memref<64x128xf32, #tpu.memory_space<hbm>>
    tpu.wait_dma2 semaphore(%arg15 : memref<!tpu.dma_semaphore, #tpu.memory_space<semaphore_mem>>) src(%arg9 : memref<64x128xf32, #tpu.memory_space<vmem>>) dst(%dma_wait3A_57 : memref<64x128xf32, #tpu.memory_space<hbm>>)
    %add3A_58 = arith.constant 7744 : i32
    %add3A_59 = arith.addi %add3A, %add3A_58 : i32
    %mul3A_60 = arith.constant 128 : i32
    %mul3A_61 = arith.muli %add3A_59, %mul3A_60 : i32
    %multiple_of3A_62 = tpu.assume_multiple %mul3A_61, 128 : i32
    %jit3A_63 = arith.constant 2 : i32
    %div3A_64 = arith.divsi %multiple_of3A_62, %jit3A_63 : i32
    %sign3A_65 = arith.constant 0 : i32
    %sign3A_66 = arith.cmpi sgt, %multiple_of3A_62, %sign3A_65 : i32
    %sign3A_67 = arith.extui %sign3A_66 : i1 to i32
    %sign3A_68 = arith.constant 0 : i32
    %sign3A_69 = arith.cmpi slt, %multiple_of3A_62, %sign3A_68 : i32
    %sign3A_70 = arith.extui %sign3A_69 : i1 to i32
    %sign3A_71 = arith.subi %sign3A_67, %sign3A_70 : i32
    %sign3A_72 = arith.constant 0 : i32
    %sign3A_73 = arith.cmpi sgt, %jit3A_63, %sign3A_72 : i32
    %sign3A_74 = arith.extui %sign3A_73 : i1 to i32
    %sign3A_75 = arith.constant 0 : i32
    %sign3A_76 = arith.cmpi slt, %jit3A_63, %sign3A_75 : i32
    %sign3A_77 = arith.extui %sign3A_76 : i1 to i32
    %sign3A_78 = arith.subi %sign3A_74, %sign3A_77 : i32
    %ne3A_79 = arith.cmpi ne, %sign3A_71, %sign3A_78 : i32
    %rem3A_80 = arith.remsi %multiple_of3A_62, %jit3A_63 : i32
    %ne3A_81 = arith.constant 0 : i32
    %ne3A_82 = arith.cmpi ne, %rem3A_80, %ne3A_81 : i32
    %and3A_83 = arith.andi %ne3A_79, %ne3A_82 : i1
    %sub3A_84 = arith.constant 1 : i32
    %sub3A_85 = arith.subi %div3A_64, %sub3A_84 : i32
    %select_n3A_86 = arith.select %and3A_83, %sub3A_85, %div3A_64 : i32
    %multiple_of3A_87 = tpu.assume_multiple %select_n3A_86, 8 : i32
    %dma_start3A_88 = arith.constant 0 : i32
    %dma_start3A_89 = tpu.memref_slice %arg4[%multiple_of3A_87, %dma_start3A_88] : memref<500000x128xf32, #tpu.memory_space<hbm>> -> memref<64x128xf32, #tpu.memory_space<hbm>>
    %dma_start3A_90 = arith.constant 0 : i32
    %dma_start3A_91 = tpu.memref_slice %arg4[%multiple_of3A_87, %dma_start3A_90] : memref<500000x128xf32, #tpu.memory_space<hbm>> -> memref<64x128xf32, #tpu.memory_space<hbm>>
    tpu.enqueue_dma source(%arg10 : memref<64x128xf32, #tpu.memory_space<vmem>>) target(%dma_start3A_91 : memref<64x128xf32, #tpu.memory_space<hbm>>) target_semaphore(%arg16 : memref<!tpu.dma_semaphore, #tpu.memory_space<semaphore_mem>>)
    %scan3A_92 = arith.constant 0 : i32
    %scan3A_93 = arith.constant 0 : i32
    %scan3A_94 = arith.constant 64 : i32
    %scan3A_95 = arith.addi %scan3A_93, %scan3A_94 : i32
    %scan3A_96 = arith.constant 1 : i32
    scf.for %scan3A_206 = %scan3A_93 to %scan3A_95 step %scan3A_96  : i32 {
      %mul3A_207 = arith.constant 2 : i32
      %mul3A_208 = arith.muli %mul3A_207, %scan3A_206 : i32
      %broadcast_in_dim3A = vector.broadcast %mul3A_208 : i32 to vector<16xi32>
      %add3A_209 = arith.constant 1 : i32
      %add3A_210 = vector.broadcast %add3A_209 : i32 to vector<16xi32>
      %add3A_211 = arith.addi %broadcast_in_dim3A, %add3A_210 : vector<16xi32>
      %add3A_212 = arith.constant 0 : i32
      %add3A_213 = vector.broadcast %add3A_212 : i32 to vector<16xi32>
      %add3A_214 = arith.addi %iota3A, %add3A_213 : vector<16xi32>
      %gather3A = tpu.vector_load_idx %arg5[%add3A_214, %broadcast_in_dim3A] : memref<64x128xf32, #tpu.memory_space<vmem>>[vector<16xi32>, vector<16xi32>], vector<16xf32>,
      %swap3A = arith.index_cast %scan3A_206 : i32 to index
      %swap3A_215 = arith.constant 0 : index
      %swap3A_216 = tpu.vector_load %arg8[%swap3A, %swap3A_215] {strides = array<i32>} : memref<64x128xf32, #tpu.memory_space<vmem>>, vector<16xf32>,
      tpu.vector_store %arg8[%swap3A, %swap3A_215], %gather3A {strides = array<i32>} : memref<64x128xf32, #tpu.memory_space<vmem>>, vector<16xf32>,
      %add3A_217 = arith.constant 16 : i32
      %add3A_218 = vector.broadcast %add3A_217 : i32 to vector<16xi32>
      %add3A_219 = arith.addi %iota3A, %add3A_218 : vector<16xi32>
      %gather3A_220 = tpu.vector_load_idx %arg5[%add3A_219, %broadcast_in_dim3A] : memref<64x128xf32, #tpu.memory_space<vmem>>[vector<16xi32>, vector<16xi32>], vector<16xf32>,
      %swap3A_221 = arith.index_cast %scan3A_206 : i32 to index
      %swap3A_222 = arith.constant 16 : index
      %swap3A_223 = tpu.vector_load %arg8[%swap3A_221, %swap3A_222] {strides = array<i32>} : memref<64x128xf32, #tpu.memory_space<vmem>>, vector<16xf32>,
      tpu.vector_store %arg8[%swap3A_221, %swap3A_222], %gather3A_220 {strides = array<i32>} : memref<64x128xf32, #tpu.memory_space<vmem>>, vector<16xf32>,
      %add3A_224 = arith.constant 32 : i32
      %add3A_225 = vector.broadcast %add3A_224 : i32 to vector<16xi32>
      %add3A_226 = arith.addi %iota3A, %add3A_225 : vector<16xi32>
      %gather3A_227 = tpu.vector_load_idx %arg5[%add3A_226, %broadcast_in_dim3A] : memref<64x128xf32, #tpu.memory_space<vmem>>[vector<16xi32>, vector<16xi32>], vector<16xf32>,
      %swap3A_228 = arith.index_cast %scan3A_206 : i32 to index
      %swap3A_229 = arith.constant 32 : index
      %swap3A_230 = tpu.vector_load %arg8[%swap3A_228, %swap3A_229] {strides = array<i32>} : memref<64x128xf32, #tpu.memory_space<vmem>>, vector<16xf32>,
      tpu.vector_store %arg8[%swap3A_228, %swap3A_229], %gather3A_227 {strides = array<i32>} : memref<64x128xf32, #tpu.memory_space<vmem>>, vector<16xf32>,
      %add3A_231 = arith.constant 48 : i32
      %add3A_232 = vector.broadcast %add3A_231 : i32 to vector<16xi32>
      %add3A_233 = arith.addi %iota3A, %add3A_232 : vector<16xi32>
      %gather3A_234 = tpu.vector_load_idx %arg5[%add3A_233, %broadcast_in_dim3A] : memref<64x128xf32, #tpu.memory_space<vmem>>[vector<16xi32>, vector<16xi32>], vector<16xf32>,
      %swap3A_235 = arith.index_cast %scan3A_206 : i32 to index
      %swap3A_236 = arith.constant 48 : index
      %swap3A_237 = tpu.vector_load %arg8[%swap3A_235, %swap3A_236] {strides = array<i32>} : memref<64x128xf32, #tpu.memory_space<vmem>>, vector<16xf32>,
      tpu.vector_store %arg8[%swap3A_235, %swap3A_236], %gather3A_234 {strides = array<i32>} : memref<64x128xf32, #tpu.memory_space<vmem>>, vector<16xf32>,
      %add3A_238 = arith.constant 0 : i32
      %add3A_239 = vector.broadcast %add3A_238 : i32 to vector<16xi32>
      %add3A_240 = arith.addi %iota3A, %add3A_239 : vector<16xi32>
      %gather3A_241 = tpu.vector_load_idx %arg5[%add3A_240, %add3A_211] : memref<64x128xf32, #tpu.memory_space<vmem>>[vector<16xi32>, vector<16xi32>], vector<16xf32>,
      %swap3A_242 = arith.index_cast %scan3A_206 : i32 to index
      %swap3A_243 = arith.constant 64 : index
      %swap3A_244 = tpu.vector_load %arg8[%swap3A_242, %swap3A_243] {strides = array<i32>} : memref<64x128xf32, #tpu.memory_space<vmem>>, vector<16xf32>,
      tpu.vector_store %arg8[%swap3A_242, %swap3A_243], %gather3A_241 {strides = array<i32>} : memref<64x128xf32, #tpu.memory_space<vmem>>, vector<16xf32>,
      %add3A_245 = arith.constant 16 : i32
      %add3A_246 = vector.broadcast %add3A_245 : i32 to vector<16xi32>
      %add3A_247 = arith.addi %iota3A, %add3A_246 : vector<16xi32>
      %gather3A_248 = tpu.vector_load_idx %arg5[%add3A_247, %add3A_211] : memref<64x128xf32, #tpu.memory_space<vmem>>[vector<16xi32>, vector<16xi32>], vector<16xf32>,
      %swap3A_249 = arith.index_cast %scan3A_206 : i32 to index
      %swap3A_250 = arith.constant 80 : index
      %swap3A_251 = tpu.vector_load %arg8[%swap3A_249, %swap3A_250] {strides = array<i32>} : memref<64x128xf32, #tpu.memory_space<vmem>>, vector<16xf32>,
      tpu.vector_store %arg8[%swap3A_249, %swap3A_250], %gather3A_248 {strides = array<i32>} : memref<64x128xf32, #tpu.memory_space<vmem>>, vector<16xf32>,
      %add3A_252 = arith.constant 32 : i32
      %add3A_253 = vector.broadcast %add3A_252 : i32 to vector<16xi32>
      %add3A_254 = arith.addi %iota3A, %add3A_253 : vector<16xi32>
      %gather3A_255 = tpu.vector_load_idx %arg5[%add3A_254, %add3A_211] : memref<64x128xf32, #tpu.memory_space<vmem>>[vector<16xi32>, vector<16xi32>], vector<16xf32>,
      %swap3A_256 = arith.index_cast %scan3A_206 : i32 to index
      %swap3A_257 = arith.constant 96 : index
      %swap3A_258 = tpu.vector_load %arg8[%swap3A_256, %swap3A_257] {strides = array<i32>} : memref<64x128xf32, #tpu.memory_space<vmem>>, vector<16xf32>,
      tpu.vector_store %arg8[%swap3A_256, %swap3A_257], %gather3A_255 {strides = array<i32>} : memref<64x128xf32, #tpu.memory_space<vmem>>, vector<16xf32>,
      %add3A_259 = arith.constant 48 : i32
      %add3A_260 = vector.broadcast %add3A_259 : i32 to vector<16xi32>
      %add3A_261 = arith.addi %iota3A, %add3A_260 : vector<16xi32>
      %gather3A_262 = tpu.vector_load_idx %arg5[%add3A_261, %add3A_211] : memref<64x128xf32, #tpu.memory_space<vmem>>[vector<16xi32>, vector<16xi32>], vector<16xf32>,
      %swap3A_263 = arith.index_cast %scan3A_206 : i32 to index
      %swap3A_264 = arith.constant 112 : index
      %swap3A_265 = tpu.vector_load %arg8[%swap3A_263, %swap3A_264] {strides = array<i32>} : memref<64x128xf32, #tpu.memory_space<vmem>>, vector<16xf32>,
      tpu.vector_store %arg8[%swap3A_263, %swap3A_264], %gather3A_262 {strides = array<i32>} : memref<64x128xf32, #tpu.memory_space<vmem>>, vector<16xf32>,
    }
    %scan3A_97 = arith.constant 64 : i32
    %add3A_98 = arith.constant 7776 : i32
    %add3A_99 = arith.addi %add3A, %add3A_98 : i32
    %mul3A_100 = arith.constant 128 : i32
    %mul3A_101 = arith.muli %add3A_99, %mul3A_100 : i32
    %multiple_of3A_102 = tpu.assume_multiple %mul3A_101, 128 : i32
    %jit3A_103 = arith.constant 2 : i32
    %div3A_104 = arith.divsi %multiple_of3A_102, %jit3A_103 : i32
    %sign3A_105 = arith.constant 0 : i32
    %sign3A_106 = arith.cmpi sgt, %multiple_of3A_102, %sign3A_105 : i32
    %sign3A_107 = arith.extui %sign3A_106 : i1 to i32
    %sign3A_108 = arith.constant 0 : i32
    %sign3A_109 = arith.cmpi slt, %multiple_of3A_102, %sign3A_108 : i32
    %sign3A_110 = arith.extui %sign3A_109 : i1 to i32
    %sign3A_111 = arith.subi %sign3A_107, %sign3A_110 : i32
    %sign3A_112 = arith.constant 0 : i32
    %sign3A_113 = arith.cmpi sgt, %jit3A_103, %sign3A_112 : i32
    %sign3A_114 = arith.extui %sign3A_113 : i1 to i32
    %sign3A_115 = arith.constant 0 : i32
    %sign3A_116 = arith.cmpi slt, %jit3A_103, %sign3A_115 : i32
    %sign3A_117 = arith.extui %sign3A_116 : i1 to i32
    %sign3A_118 = arith.subi %sign3A_114, %sign3A_117 : i32
    %ne3A_119 = arith.cmpi ne, %sign3A_111, %sign3A_118 : i32
    %rem3A_120 = arith.remsi %multiple_of3A_102, %jit3A_103 : i32
    %ne3A_121 = arith.constant 0 : i32
    %ne3A_122 = arith.cmpi ne, %rem3A_120, %ne3A_121 : i32
    %and3A_123 = arith.andi %ne3A_119, %ne3A_122 : i1
    %sub3A_124 = arith.constant 1 : i32
    %sub3A_125 = arith.subi %div3A_104, %sub3A_124 : i32
    %select_n3A_126 = arith.select %and3A_123, %sub3A_125, %div3A_104 : i32
    %multiple_of3A_127 = tpu.assume_multiple %select_n3A_126, 8 : i32
    %dma_start3A_128 = arith.constant 0 : i32
    %dma_start3A_129 = tpu.memref_slice %arg4[%multiple_of3A_127, %dma_start3A_128] : memref<500000x128xf32, #tpu.memory_space<hbm>> -> memref<64x128xf32, #tpu.memory_space<hbm>>
    %dma_start3A_130 = arith.constant 0 : i32
    %dma_start3A_131 = tpu.memref_slice %arg4[%multiple_of3A_127, %dma_start3A_130] : memref<500000x128xf32, #tpu.memory_space<hbm>> -> memref<64x128xf32, #tpu.memory_space<hbm>>
    tpu.enqueue_dma source(%arg8 : memref<64x128xf32, #tpu.memory_space<vmem>>) target(%dma_start3A_131 : memref<64x128xf32, #tpu.memory_space<hbm>>) target_semaphore(%arg14 : memref<!tpu.dma_semaphore, #tpu.memory_space<semaphore_mem>>)
    %add3A_132 = arith.constant 7744 : i32
    %add3A_133 = arith.addi %add3A, %add3A_132 : i32
    %mul3A_134 = arith.constant 128 : i32
    %mul3A_135 = arith.muli %add3A_133, %mul3A_134 : i32
    %multiple_of3A_136 = tpu.assume_multiple %mul3A_135, 128 : i32
    %jit3A_137 = arith.constant 2 : i32
    %div3A_138 = arith.divsi %multiple_of3A_136, %jit3A_137 : i32
    %sign3A_139 = arith.constant 0 : i32
    %sign3A_140 = arith.cmpi sgt, %multiple_of3A_136, %sign3A_139 : i32
    %sign3A_141 = arith.extui %sign3A_140 : i1 to i32
    %sign3A_142 = arith.constant 0 : i32
    %sign3A_143 = arith.cmpi slt, %multiple_of3A_136, %sign3A_142 : i32
    %sign3A_144 = arith.extui %sign3A_143 : i1 to i32
    %sign3A_145 = arith.subi %sign3A_141, %sign3A_144 : i32
    %sign3A_146 = arith.constant 0 : i32
    %sign3A_147 = arith.cmpi sgt, %jit3A_137, %sign3A_146 : i32
    %sign3A_148 = arith.extui %sign3A_147 : i1 to i32
    %sign3A_149 = arith.constant 0 : i32
    %sign3A_150 = arith.cmpi slt, %jit3A_137, %sign3A_149 : i32
    %sign3A_151 = arith.extui %sign3A_150 : i1 to i32
    %sign3A_152 = arith.subi %sign3A_148, %sign3A_151 : i32
    %ne3A_153 = arith.cmpi ne, %sign3A_145, %sign3A_152 : i32
    %rem3A_154 = arith.remsi %multiple_of3A_136, %jit3A_137 : i32
    %ne3A_155 = arith.constant 0 : i32
    %ne3A_156 = arith.cmpi ne, %rem3A_154, %ne3A_155 : i32
    %and3A_157 = arith.andi %ne3A_153, %ne3A_156 : i1
    %sub3A_158 = arith.constant 1 : i32
    %sub3A_159 = arith.subi %div3A_138, %sub3A_158 : i32
    %select_n3A_160 = arith.select %and3A_157, %sub3A_159, %div3A_138 : i32
    %multiple_of3A_161 = tpu.assume_multiple %select_n3A_160, 8 : i32
    %dma_wait3A_162 = arith.constant 0 : i32
    %dma_wait3A_163 = tpu.memref_slice %arg4[%multiple_of3A_161, %dma_wait3A_162] : memref<500000x128xf32, #tpu.memory_space<hbm>> -> memref<64x128xf32, #tpu.memory_space<hbm>>
    %dma_wait3A_164 = arith.constant 0 : i32
    %dma_wait3A_165 = tpu.memref_slice %arg4[%multiple_of3A_161, %dma_wait3A_164] : memref<500000x128xf32, #tpu.memory_space<hbm>> -> memref<64x128xf32, #tpu.memory_space<hbm>>
    tpu.wait_dma2 semaphore(%arg16 : memref<!tpu.dma_semaphore, #tpu.memory_space<semaphore_mem>>) src(%arg10 : memref<64x128xf32, #tpu.memory_space<vmem>>) dst(%dma_wait3A_165 : memref<64x128xf32, #tpu.memory_space<hbm>>)
    %add3A_166 = arith.constant 7776 : i32
    %add3A_167 = arith.addi %add3A, %add3A_166 : i32
    %mul3A_168 = arith.constant 128 : i32
    %mul3A_169 = arith.muli %add3A_167, %mul3A_168 : i32
    %multiple_of3A_170 = tpu.assume_multiple %mul3A_169, 128 : i32
    %jit3A_171 = arith.constant 2 : i32
    %div3A_172 = arith.divsi %multiple_of3A_170, %jit3A_171 : i32
    %sign3A_173 = arith.constant 0 : i32
    %sign3A_174 = arith.cmpi sgt, %multiple_of3A_170, %sign3A_173 : i32
    %sign3A_175 = arith.extui %sign3A_174 : i1 to i32
    %sign3A_176 = arith.constant 0 : i32
    %sign3A_177 = arith.cmpi slt, %multiple_of3A_170, %sign3A_176 : i32
    %sign3A_178 = arith.extui %sign3A_177 : i1 to i32
    %sign3A_179 = arith.subi %sign3A_175, %sign3A_178 : i32
    %sign3A_180 = arith.constant 0 : i32
    %sign3A_181 = arith.cmpi sgt, %jit3A_171, %sign3A_180 : i32
    %sign3A_182 = arith.extui %sign3A_181 : i1 to i32
    %sign3A_183 = arith.constant 0 : i32
    %sign3A_184 = arith.cmpi slt, %jit3A_171, %sign3A_183 : i32
    %sign3A_185 = arith.extui %sign3A_184 : i1 to i32
    %sign3A_186 = arith.subi %sign3A_182, %sign3A_185 : i32
    %ne3A_187 = arith.cmpi ne, %sign3A_179, %sign3A_186 : i32
    %rem3A_188 = arith.remsi %multiple_of3A_170, %jit3A_171 : i32
    %ne3A_189 = arith.constant 0 : i32
    %ne3A_190 = arith.cmpi ne, %rem3A_188, %ne3A_189 : i32
    %and3A_191 = arith.andi %ne3A_187, %ne3A_190 : i1
    %sub3A_192 = arith.constant 1 : i32
    %sub3A_193 = arith.subi %div3A_172, %sub3A_192 : i32
    %select_n3A_194 = arith.select %and3A_191, %sub3A_193, %div3A_172 : i32
    %multiple_of3A_195 = tpu.assume_multiple %select_n3A_194, 8 : i32
    %dma_wait3A_196 = arith.constant 0 : i32
    %dma_wait3A_197 = tpu.memref_slice %arg4[%multiple_of3A_195, %dma_wait3A_196] : memref<500000x128xf32, #tpu.memory_space<hbm>> -> memref<64x128xf32, #tpu.memory_space<hbm>>
    %dma_wait3A_198 = arith.constant 0 : i32
    %dma_wait3A_199 = tpu.memref_slice %arg4[%multiple_of3A_195, %dma_wait3A_198] : memref<500000x128xf32, #tpu.memory_space<hbm>> -> memref<64x128xf32, #tpu.memory_space<hbm>>
    tpu.wait_dma2 semaphore(%arg14 : memref<!tpu.dma_semaphore, #tpu.memory_space<semaphore_mem>>) src(%arg8 : memref<64x128xf32, #tpu.memory_space<vmem>>) dst(%dma_wait3A_199 : memref<64x128xf32, #tpu.memory_space<hbm>>)
    %add3A_200 = arith.constant 7808 : i32
    %add3A_201 = arith.addi %add3A, %add3A_200 : i32
    %lt3A = arith.constant 7812 : i32
    %lt3A_202 = arith.cmpi slt, %add3A_201, %lt3A : i32
    %convert_element_type3A_203 = arith.extui %lt3A_202 : i1 to i32
    %cond3A_204 = arith.constant 0 : i32
    %cond3A_205 = arith.cmpi ne, %convert_element_type3A_203, %cond3A_204 : i32
    scf.if %cond3A_205 {
      %add3A_206 = arith.constant 7808 : i32
      %add3A_207 = arith.addi %add3A, %add3A_206 : i32
      %mul3A_208 = arith.constant 128 : i32
      %mul3A_209 = arith.muli %add3A_207, %mul3A_208 : i32
      %multiple_of3A_210 = tpu.assume_multiple %mul3A_209, 128 : i32
      %dma_start3A_211 = arith.constant 0 : i32
      %dma_start3A_212 = tpu.memref_slice %arg2[%dma_start3A_211, %multiple_of3A_210] : memref<64x1000000xf32, #tpu.memory_space<hbm>> -> memref<64x128xf32, #tpu.memory_space<hbm>>
      %dma_start3A_213 = arith.constant 0 : i32
      %dma_start3A_214 = tpu.memref_slice %arg2[%dma_start3A_213, %multiple_of3A_210] : memref<64x1000000xf32, #tpu.memory_space<hbm>> -> memref<64x128xf32, #tpu.memory_space<hbm>>
      tpu.enqueue_dma source(%dma_start3A_214 : memref<64x128xf32, #tpu.memory_space<hbm>>) target(%arg6 : memref<64x128xf32, #tpu.memory_space<vmem>>) target_semaphore(%arg12 : memref<!tpu.dma_semaphore, #tpu.memory_space<semaphore_mem>>)
      %add3A_215 = arith.constant 7808 : i32
      %add3A_216 = arith.addi %add3A, %add3A_215 : i32
      %mul3A_217 = arith.constant 128 : i32
      %mul3A_218 = arith.muli %add3A_216, %mul3A_217 : i32
      %multiple_of3A_219 = tpu.assume_multiple %mul3A_218, 128 : i32
      %dma_wait3A_220 = arith.constant 0 : i32
      %dma_wait3A_221 = tpu.memref_slice %arg2[%dma_wait3A_220, %multiple_of3A_219] : memref<64x1000000xf32, #tpu.memory_space<hbm>> -> memref<64x128xf32, #tpu.memory_space<hbm>>
      %dma_wait3A_222 = arith.constant 0 : i32
      %dma_wait3A_223 = tpu.memref_slice %arg2[%dma_wait3A_222, %multiple_of3A_219] : memref<64x1000000xf32, #tpu.memory_space<hbm>> -> memref<64x128xf32, #tpu.memory_space<hbm>>
      tpu.wait_dma2 semaphore(%arg12 : memref<!tpu.dma_semaphore, #tpu.memory_space<semaphore_mem>>) src(%dma_wait3A_223 : memref<64x128xf32, #tpu.memory_space<hbm>>) dst(%arg6 : memref<64x128xf32, #tpu.memory_space<vmem>>)
      %scan3A_224 = arith.constant 0 : i32
      %scan3A_225 = arith.constant 0 : i32
      %scan3A_226 = arith.constant 64 : i32
      %scan3A_227 = arith.addi %scan3A_225, %scan3A_226 : i32
      %scan3A_228 = arith.constant 1 : i32
      scf.for %scan3A_298 = %scan3A_225 to %scan3A_227 step %scan3A_228  : i32 {
        %mul3A_299 = arith.constant 2 : i32
        %mul3A_300 = arith.muli %mul3A_299, %scan3A_298 : i32
        %broadcast_in_dim3A = vector.broadcast %mul3A_300 : i32 to vector<16xi32>
        %add3A_301 = arith.constant 1 : i32
        %add3A_302 = vector.broadcast %add3A_301 : i32 to vector<16xi32>
        %add3A_303 = arith.addi %broadcast_in_dim3A, %add3A_302 : vector<16xi32>
        %add3A_304 = arith.constant 0 : i32
        %add3A_305 = vector.broadcast %add3A_304 : i32 to vector<16xi32>
        %add3A_306 = arith.addi %iota3A, %add3A_305 : vector<16xi32>
        %gather3A = tpu.vector_load_idx %arg6[%add3A_306, %broadcast_in_dim3A] : memref<64x128xf32, #tpu.memory_space<vmem>>[vector<16xi32>, vector<16xi32>], vector<16xf32>,
        %swap3A = arith.index_cast %scan3A_298 : i32 to index
        %swap3A_307 = arith.constant 0 : index
        %swap3A_308 = tpu.vector_load %arg9[%swap3A, %swap3A_307] {strides = array<i32>} : memref<64x128xf32, #tpu.memory_space<vmem>>, vector<16xf32>,
        tpu.vector_store %arg9[%swap3A, %swap3A_307], %gather3A {strides = array<i32>} : memref<64x128xf32, #tpu.memory_space<vmem>>, vector<16xf32>,
        %add3A_309 = arith.constant 16 : i32
        %add3A_310 = vector.broadcast %add3A_309 : i32 to vector<16xi32>
        %add3A_311 = arith.addi %iota3A, %add3A_310 : vector<16xi32>
        %gather3A_312 = tpu.vector_load_idx %arg6[%add3A_311, %broadcast_in_dim3A] : memref<64x128xf32, #tpu.memory_space<vmem>>[vector<16xi32>, vector<16xi32>], vector<16xf32>,
        %swap3A_313 = arith.index_cast %scan3A_298 : i32 to index
        %swap3A_314 = arith.constant 16 : index
        %swap3A_315 = tpu.vector_load %arg9[%swap3A_313, %swap3A_314] {strides = array<i32>} : memref<64x128xf32, #tpu.memory_space<vmem>>, vector<16xf32>,
        tpu.vector_store %arg9[%swap3A_313, %swap3A_314], %gather3A_312 {strides = array<i32>} : memref<64x128xf32, #tpu.memory_space<vmem>>, vector<16xf32>,
        %add3A_316 = arith.constant 32 : i32
        %add3A_317 = vector.broadcast %add3A_316 : i32 to vector<16xi32>
        %add3A_318 = arith.addi %iota3A, %add3A_317 : vector<16xi32>
        %gather3A_319 = tpu.vector_load_idx %arg6[%add3A_318, %broadcast_in_dim3A] : memref<64x128xf32, #tpu.memory_space<vmem>>[vector<16xi32>, vector<16xi32>], vector<16xf32>,
        %swap3A_320 = arith.index_cast %scan3A_298 : i32 to index
        %swap3A_321 = arith.constant 32 : index
        %swap3A_322 = tpu.vector_load %arg9[%swap3A_320, %swap3A_321] {strides = array<i32>} : memref<64x128xf32, #tpu.memory_space<vmem>>, vector<16xf32>,
        tpu.vector_store %arg9[%swap3A_320, %swap3A_321], %gather3A_319 {strides = array<i32>} : memref<64x128xf32, #tpu.memory_space<vmem>>, vector<16xf32>,
        %add3A_323 = arith.constant 48 : i32
        %add3A_324 = vector.broadcast %add3A_323 : i32 to vector<16xi32>
        %add3A_325 = arith.addi %iota3A, %add3A_324 : vector<16xi32>
        %gather3A_326 = tpu.vector_load_idx %arg6[%add3A_325, %broadcast_in_dim3A] : memref<64x128xf32, #tpu.memory_space<vmem>>[vector<16xi32>, vector<16xi32>], vector<16xf32>,
        %swap3A_327 = arith.index_cast %scan3A_298 : i32 to index
        %swap3A_328 = arith.constant 48 : index
        %swap3A_329 = tpu.vector_load %arg9[%swap3A_327, %swap3A_328] {strides = array<i32>} : memref<64x128xf32, #tpu.memory_space<vmem>>, vector<16xf32>,
        tpu.vector_store %arg9[%swap3A_327, %swap3A_328], %gather3A_326 {strides = array<i32>} : memref<64x128xf32, #tpu.memory_space<vmem>>, vector<16xf32>,
        %add3A_330 = arith.constant 0 : i32
        %add3A_331 = vector.broadcast %add3A_330 : i32 to vector<16xi32>
        %add3A_332 = arith.addi %iota3A, %add3A_331 : vector<16xi32>
        %gather3A_333 = tpu.vector_load_idx %arg6[%add3A_332, %add3A_303] : memref<64x128xf32, #tpu.memory_space<vmem>>[vector<16xi32>, vector<16xi32>], vector<16xf32>,
        %swap3A_334 = arith.index_cast %scan3A_298 : i32 to index
        %swap3A_335 = arith.constant 64 : index
        %swap3A_336 = tpu.vector_load %arg9[%swap3A_334, %swap3A_335] {strides = array<i32>} : memref<64x128xf32, #tpu.memory_space<vmem>>, vector<16xf32>,
        tpu.vector_store %arg9[%swap3A_334, %swap3A_335], %gather3A_333 {strides = array<i32>} : memref<64x128xf32, #tpu.memory_space<vmem>>, vector<16xf32>,
        %add3A_337 = arith.constant 16 : i32
        %add3A_338 = vector.broadcast %add3A_337 : i32 to vector<16xi32>
        %add3A_339 = arith.addi %iota3A, %add3A_338 : vector<16xi32>
        %gather3A_340 = tpu.vector_load_idx %arg6[%add3A_339, %add3A_303] : memref<64x128xf32, #tpu.memory_space<vmem>>[vector<16xi32>, vector<16xi32>], vector<16xf32>,
        %swap3A_341 = arith.index_cast %scan3A_298 : i32 to index
        %swap3A_342 = arith.constant 80 : index
        %swap3A_343 = tpu.vector_load %arg9[%swap3A_341, %swap3A_342] {strides = array<i32>} : memref<64x128xf32, #tpu.memory_space<vmem>>, vector<16xf32>,
        tpu.vector_store %arg9[%swap3A_341, %swap3A_342], %gather3A_340 {strides = array<i32>} : memref<64x128xf32, #tpu.memory_space<vmem>>, vector<16xf32>,
        %add3A_344 = arith.constant 32 : i32
        %add3A_345 = vector.broadcast %add3A_344 : i32 to vector<16xi32>
        %add3A_346 = arith.addi %iota3A, %add3A_345 : vector<16xi32>
        %gather3A_347 = tpu.vector_load_idx %arg6[%add3A_346, %add3A_303] : memref<64x128xf32, #tpu.memory_space<vmem>>[vector<16xi32>, vector<16xi32>], vector<16xf32>,
        %swap3A_348 = arith.index_cast %scan3A_298 : i32 to index
        %swap3A_349 = arith.constant 96 : index
        %swap3A_350 = tpu.vector_load %arg9[%swap3A_348, %swap3A_349] {strides = array<i32>} : memref<64x128xf32, #tpu.memory_space<vmem>>, vector<16xf32>,
        tpu.vector_store %arg9[%swap3A_348, %swap3A_349], %gather3A_347 {strides = array<i32>} : memref<64x128xf32, #tpu.memory_space<vmem>>, vector<16xf32>,
        %add3A_351 = arith.constant 48 : i32
        %add3A_352 = vector.broadcast %add3A_351 : i32 to vector<16xi32>
        %add3A_353 = arith.addi %iota3A, %add3A_352 : vector<16xi32>
        %gather3A_354 = tpu.vector_load_idx %arg6[%add3A_353, %add3A_303] : memref<64x128xf32, #tpu.memory_space<vmem>>[vector<16xi32>, vector<16xi32>], vector<16xf32>,
        %swap3A_355 = arith.index_cast %scan3A_298 : i32 to index
        %swap3A_356 = arith.constant 112 : index
        %swap3A_357 = tpu.vector_load %arg9[%swap3A_355, %swap3A_356] {strides = array<i32>} : memref<64x128xf32, #tpu.memory_space<vmem>>, vector<16xf32>,
        tpu.vector_store %arg9[%swap3A_355, %swap3A_356], %gather3A_354 {strides = array<i32>} : memref<64x128xf32, #tpu.memory_space<vmem>>, vector<16xf32>,
      }
      %scan3A_229 = arith.constant 64 : i32
      %add3A_230 = arith.constant 7808 : i32
      %add3A_231 = arith.addi %add3A, %add3A_230 : i32
      %mul3A_232 = arith.constant 128 : i32
      %mul3A_233 = arith.muli %add3A_231, %mul3A_232 : i32
      %multiple_of3A_234 = tpu.assume_multiple %mul3A_233, 128 : i32
      %jit3A_235 = arith.constant 2 : i32
      %div3A_236 = arith.divsi %multiple_of3A_234, %jit3A_235 : i32
      %sign3A_237 = arith.constant 0 : i32
      %sign3A_238 = arith.cmpi sgt, %multiple_of3A_234, %sign3A_237 : i32
      %sign3A_239 = arith.extui %sign3A_238 : i1 to i32
      %sign3A_240 = arith.constant 0 : i32
      %sign3A_241 = arith.cmpi slt, %multiple_of3A_234, %sign3A_240 : i32
      %sign3A_242 = arith.extui %sign3A_241 : i1 to i32
      %sign3A_243 = arith.subi %sign3A_239, %sign3A_242 : i32
      %sign3A_244 = arith.constant 0 : i32
      %sign3A_245 = arith.cmpi sgt, %jit3A_235, %sign3A_244 : i32
      %sign3A_246 = arith.extui %sign3A_245 : i1 to i32
      %sign3A_247 = arith.constant 0 : i32
      %sign3A_248 = arith.cmpi slt, %jit3A_235, %sign3A_247 : i32
      %sign3A_249 = arith.extui %sign3A_248 : i1 to i32
      %sign3A_250 = arith.subi %sign3A_246, %sign3A_249 : i32
      %ne3A_251 = arith.cmpi ne, %sign3A_243, %sign3A_250 : i32
      %rem3A_252 = arith.remsi %multiple_of3A_234, %jit3A_235 : i32
      %ne3A_253 = arith.constant 0 : i32
      %ne3A_254 = arith.cmpi ne, %rem3A_252, %ne3A_253 : i32
      %and3A_255 = arith.andi %ne3A_251, %ne3A_254 : i1
      %sub3A_256 = arith.constant 1 : i32
      %sub3A_257 = arith.subi %div3A_236, %sub3A_256 : i32
      %select_n3A_258 = arith.select %and3A_255, %sub3A_257, %div3A_236 : i32
      %multiple_of3A_259 = tpu.assume_multiple %select_n3A_258, 8 : i32
      %dma_start3A_260 = arith.constant 0 : i32
      %dma_start3A_261 = tpu.memref_slice %arg4[%multiple_of3A_259, %dma_start3A_260] : memref<500000x128xf32, #tpu.memory_space<hbm>> -> memref<64x128xf32, #tpu.memory_space<hbm>>
      %dma_start3A_262 = arith.constant 0 : i32
      %dma_start3A_263 = tpu.memref_slice %arg4[%multiple_of3A_259, %dma_start3A_262] : memref<500000x128xf32, #tpu.memory_space<hbm>> -> memref<64x128xf32, #tpu.memory_space<hbm>>
      tpu.enqueue_dma source(%arg9 : memref<64x128xf32, #tpu.memory_space<vmem>>) target(%dma_start3A_263 : memref<64x128xf32, #tpu.memory_space<hbm>>) target_semaphore(%arg15 : memref<!tpu.dma_semaphore, #tpu.memory_space<semaphore_mem>>)
      %add3A_264 = arith.constant 7808 : i32
      %add3A_265 = arith.addi %add3A, %add3A_264 : i32
      %mul3A_266 = arith.constant 128 : i32
      %mul3A_267 = arith.muli %add3A_265, %mul3A_266 : i32
      %multiple_of3A_268 = tpu.assume_multiple %mul3A_267, 128 : i32
      %jit3A_269 = arith.constant 2 : i32
      %div3A_270 = arith.divsi %multiple_of3A_268, %jit3A_269 : i32
      %sign3A_271 = arith.constant 0 : i32
      %sign3A_272 = arith.cmpi sgt, %multiple_of3A_268, %sign3A_271 : i32
      %sign3A_273 = arith.extui %sign3A_272 : i1 to i32
      %sign3A_274 = arith.constant 0 : i32
      %sign3A_275 = arith.cmpi slt, %multiple_of3A_268, %sign3A_274 : i32
      %sign3A_276 = arith.extui %sign3A_275 : i1 to i32
      %sign3A_277 = arith.subi %sign3A_273, %sign3A_276 : i32
      %sign3A_278 = arith.constant 0 : i32
      %sign3A_279 = arith.cmpi sgt, %jit3A_269, %sign3A_278 : i32
      %sign3A_280 = arith.extui %sign3A_279 : i1 to i32
      %sign3A_281 = arith.constant 0 : i32
      %sign3A_282 = arith.cmpi slt, %jit3A_269, %sign3A_281 : i32
      %sign3A_283 = arith.extui %sign3A_282 : i1 to i32
      %sign3A_284 = arith.subi %sign3A_280, %sign3A_283 : i32
      %ne3A_285 = arith.cmpi ne, %sign3A_277, %sign3A_284 : i32
      %rem3A_286 = arith.remsi %multiple_of3A_268, %jit3A_269 : i32
      %ne3A_287 = arith.constant 0 : i32
      %ne3A_288 = arith.cmpi ne, %rem3A_286, %ne3A_287 : i32
      %and3A_289 = arith.andi %ne3A_285, %ne3A_288 : i1
      %sub3A_290 = arith.constant 1 : i32
      %sub3A_291 = arith.subi %div3A_270, %sub3A_290 : i32
      %select_n3A_292 = arith.select %and3A_289, %sub3A_291, %div3A_270 : i32
      %multiple_of3A_293 = tpu.assume_multiple %select_n3A_292, 8 : i32
      %dma_wait3A_294 = arith.constant 0 : i32
      %dma_wait3A_295 = tpu.memref_slice %arg4[%multiple_of3A_293, %dma_wait3A_294] : memref<500000x128xf32, #tpu.memory_space<hbm>> -> memref<64x128xf32, #tpu.memory_space<hbm>>
      %dma_wait3A_296 = arith.constant 0 : i32
      %dma_wait3A_297 = tpu.memref_slice %arg4[%multiple_of3A_293, %dma_wait3A_296] : memref<500000x128xf32, #tpu.memory_space<hbm>> -> memref<64x128xf32, #tpu.memory_space<hbm>>
      tpu.wait_dma2 semaphore(%arg15 : memref<!tpu.dma_semaphore, #tpu.memory_space<semaphore_mem>>) src(%arg9 : memref<64x128xf32, #tpu.memory_space<vmem>>) dst(%dma_wait3A_297 : memref<64x128xf32, #tpu.memory_space<hbm>>)
    } else {
    }
    return
  }
}

#map = affine_map<(d0, d1) -> (0, 0)>
#map1 = affine_map<(d0, d1) -> (0, 0, 0, 0, 0)>
module attributes {stable_mosaic.version = 14 : i64} {
  func.func @_gather_body(%arg0: i32, %arg1: i32, %arg2: memref<500000x128xf32, #tpu.memory_space<hbm>>, %arg3: memref<200x4096xi32, #tpu.memory_space<hbm>>, %arg4: memref<200x8x32x8x128xf32, #tpu.memory_space<hbm>>, %arg5: memref<8x128xi32, #tpu.memory_space<vmem>>, %arg6: memref<128xi32, #tpu.memory_space<vmem>>, %arg7: memref<128xi32, #tpu.memory_space<vmem>>, %arg8: memref<128xi32, #tpu.memory_space<vmem>>, %arg9: memref<128xi32, #tpu.memory_space<vmem>>, %arg10: memref<128xi32, #tpu.memory_space<vmem>>, %arg11: memref<128xi32, #tpu.memory_space<vmem>>, %arg12: memref<128x128xf32, #tpu.memory_space<vmem>>, %arg13: memref<128x128xf32, #tpu.memory_space<vmem>>, %arg14: memref<128x128xf32, #tpu.memory_space<vmem>>, %arg15: memref<8x8x128xf32, #tpu.memory_space<vmem>>, %arg16: memref<8x8x128xf32, #tpu.memory_space<vmem>>, %arg17: memref<8x8x128xf32, #tpu.memory_space<vmem>>, %arg18: memref<!tpu.dma_semaphore, #tpu.memory_space<semaphore_mem>>, %arg19: memref<!tpu.dma_semaphore, #tpu.memory_space<semaphore_mem>>, %arg20: memref<!tpu.dma_semaphore, #tpu.memory_space<semaphore_mem>>, %arg21: memref<!tpu.dma_semaphore, #tpu.memory_space<semaphore_mem>>, %arg22: memref<!tpu.dma_semaphore, #tpu.memory_space<semaphore_mem>>, %arg23: memref<!tpu.dma_semaphore, #tpu.memory_space<semaphore_mem>>) attributes {dimension_semantics = [#tpu.dimension_semantics<core_parallel>, #tpu.dimension_semantics<subcore_parallel>], iteration_bounds = array<i64: 2, 16>, scalar_prefetch = 0 : i64, scratch_operands = 19 : i64, tpu.core_type = #tpu.core_type<sc_vector_subcore>, window_params = [{transform_indices = #map}, {transform_indices = #map}, {transform_indices = #map1}]} {
    %mul3A = arith.constant 2 : i32
    %mul3A_0 = arith.muli %arg1, %mul3A : i32
    %add3A = arith.addi %mul3A_0, %arg0 : i32
    %iota3A = tpu.iota {dimensions = array<i32: 0>} : vector<16xi32>
    %scan3A = arith.constant 0 : i32
    %scan3A_1 = arith.constant 0 : i32
    %scan3A_2 = arith.constant 25 : i32
    %scan3A_3 = arith.addi %scan3A_1, %scan3A_2 : i32
    %scan3A_4 = arith.constant 1 : i32
    scf.for %scan3A_6 = %scan3A_1 to %scan3A_3 step %scan3A_4  : i32 {
      %mul3A_7 = arith.constant 25 : i32
      %mul3A_8 = arith.muli %add3A, %mul3A_7 : i32
      %add3A_9 = arith.addi %mul3A_8, %scan3A_6 : i32
      %jit3A = arith.constant 32 : i32
      %div3A = arith.divsi %add3A_9, %jit3A : i32
      %sign3A = arith.constant 0 : i32
      %sign3A_10 = arith.cmpi sgt, %add3A_9, %sign3A : i32
      %sign3A_11 = arith.extui %sign3A_10 : i1 to i32
      %sign3A_12 = arith.constant 0 : i32
      %sign3A_13 = arith.cmpi slt, %add3A_9, %sign3A_12 : i32
      %sign3A_14 = arith.extui %sign3A_13 : i1 to i32
      %sign3A_15 = arith.subi %sign3A_11, %sign3A_14 : i32
      %sign3A_16 = arith.constant 0 : i32
      %sign3A_17 = arith.cmpi sgt, %jit3A, %sign3A_16 : i32
      %sign3A_18 = arith.extui %sign3A_17 : i1 to i32
      %sign3A_19 = arith.constant 0 : i32
      %sign3A_20 = arith.cmpi slt, %jit3A, %sign3A_19 : i32
      %sign3A_21 = arith.extui %sign3A_20 : i1 to i32
      %sign3A_22 = arith.subi %sign3A_18, %sign3A_21 : i32
      %ne3A = arith.cmpi ne, %sign3A_15, %sign3A_22 : i32
      %rem3A = arith.remsi %add3A_9, %jit3A : i32
      %ne3A_23 = arith.constant 0 : i32
      %ne3A_24 = arith.cmpi ne, %rem3A, %ne3A_23 : i32
      %and3A = arith.andi %ne3A, %ne3A_24 : i1
      %sub3A = arith.constant 1 : i32
      %sub3A_25 = arith.subi %div3A, %sub3A : i32
      %select_n3A = arith.select %and3A, %sub3A_25, %div3A : i32
      %jit3A_26 = arith.constant 32 : i32
      %eq3A = arith.constant 0 : i32
      %eq3A_27 = arith.cmpi eq, %jit3A_26, %eq3A : i32
      %jit3A_28 = arith.constant 1 : i32
      %select_n3A_29 = arith.select %eq3A_27, %jit3A_28, %jit3A_26 : i32
      %rem3A_30 = arith.remsi %add3A_9, %select_n3A_29 : i32
      %ne3A_31 = arith.constant 0 : i32
      %ne3A_32 = arith.cmpi ne, %rem3A_30, %ne3A_31 : i32
      %lt3A = arith.constant 0 : i32
      %lt3A_33 = arith.cmpi slt, %rem3A_30, %lt3A : i32
      %lt3A_34 = arith.constant 0 : i32
      %lt3A_35 = arith.cmpi slt, %select_n3A_29, %lt3A_34 : i32
      %ne3A_36 = arith.xori %lt3A_33, %lt3A_35 : i1
      %and3A_37 = arith.andi %ne3A_36, %ne3A_32 : i1
      %add3A_38 = arith.addi %rem3A_30, %select_n3A_29 : i32
      %select_n3A_39 = arith.select %and3A_37, %add3A_38, %rem3A_30 : i32
      %mul3A_40 = arith.constant 8 : i32
      %mul3A_41 = arith.muli %select_n3A, %mul3A_40 : i32
      %multiple_of3A = tpu.assume_multiple %mul3A_41, 8 : i32
      %mul3A_42 = arith.constant 128 : i32
      %mul3A_43 = arith.muli %select_n3A_39, %mul3A_42 : i32
      %multiple_of3A_44 = tpu.assume_multiple %mul3A_43, 128 : i32
      "tpu.region"() ({
        %run_scoped3A = tpu.sem_alloc : memref<!tpu.dma_semaphore, #tpu.memory_space<semaphore_mem>>
        %dma_start3A_368 = tpu.memref_slice %arg3[%multiple_of3A, %multiple_of3A_44] : memref<200x4096xi32, #tpu.memory_space<hbm>> -> memref<8x128xi32, #tpu.memory_space<hbm>>
        %dma_start3A_369 = tpu.memref_slice %arg3[%multiple_of3A, %multiple_of3A_44] : memref<200x4096xi32, #tpu.memory_space<hbm>> -> memref<8x128xi32, #tpu.memory_space<hbm>>
        tpu.enqueue_dma source(%dma_start3A_369 : memref<8x128xi32, #tpu.memory_space<hbm>>) target(%arg5 : memref<8x128xi32, #tpu.memory_space<vmem>>) target_semaphore(%run_scoped3A : memref<!tpu.dma_semaphore, #tpu.memory_space<semaphore_mem>>)
        %dma_wait3A_370 = tpu.memref_slice %arg3[%multiple_of3A, %multiple_of3A_44] : memref<200x4096xi32, #tpu.memory_space<hbm>> -> memref<8x128xi32, #tpu.memory_space<hbm>>
        %dma_wait3A_371 = tpu.memref_slice %arg3[%multiple_of3A, %multiple_of3A_44] : memref<200x4096xi32, #tpu.memory_space<hbm>> -> memref<8x128xi32, #tpu.memory_space<hbm>>
        tpu.wait_dma2 semaphore(%run_scoped3A : memref<!tpu.dma_semaphore, #tpu.memory_space<semaphore_mem>>) src(%dma_wait3A_371 : memref<8x128xi32, #tpu.memory_space<hbm>>) dst(%arg5 : memref<8x128xi32, #tpu.memory_space<vmem>>)
        tpu.yield
      }) : () -> ()
      %get3A = arith.constant 0 : i32
      %get3A_45 = arith.index_cast %get3A : i32 to index
      %get3A_46 = arith.constant 0 : index
      %get3A_47 = tpu.vector_load %arg5[%get3A_45, %get3A_46] {strides = array<i32>} : memref<8x128xi32, #tpu.memory_space<vmem>>, vector<16xi32>,
      %shift_right_logical3A = arith.constant 1 : i32
      %shift_right_logical3A_48 = vector.broadcast %shift_right_logical3A : i32 to vector<16xi32>
      %shift_right_logical3A_49 = arith.shrui %get3A_47, %shift_right_logical3A_48 : vector<16xi32>
      %swap3A = arith.constant 0 : index
      %swap3A_50 = tpu.vector_load %arg6[%swap3A] {strides = array<i32>} : memref<128xi32, #tpu.memory_space<vmem>>, vector<16xi32>,
      tpu.vector_store %arg6[%swap3A], %shift_right_logical3A_49 {strides = array<i32>} : memref<128xi32, #tpu.memory_space<vmem>>, vector<16xi32>,
      %and3A_51 = arith.constant 1 : i32
      %and3A_52 = vector.broadcast %and3A_51 : i32 to vector<16xi32>
      %and3A_53 = arith.andi %get3A_47, %and3A_52 : vector<16xi32>
      %shift_left3A = arith.constant 6 : i32
      %shift_left3A_54 = vector.broadcast %shift_left3A : i32 to vector<16xi32>
      %shift_left3A_55 = arith.shli %and3A_53, %shift_left3A_54 : vector<16xi32>
      %swap3A_56 = arith.constant 0 : index
      %swap3A_57 = tpu.vector_load %arg9[%swap3A_56] {strides = array<i32>} : memref<128xi32, #tpu.memory_space<vmem>>, vector<16xi32>,
      tpu.vector_store %arg9[%swap3A_56], %shift_left3A_55 {strides = array<i32>} : memref<128xi32, #tpu.memory_space<vmem>>, vector<16xi32>,
      %get3A_58 = arith.constant 0 : i32
      %get3A_59 = arith.index_cast %get3A_58 : i32 to index
      %get3A_60 = arith.constant 16 : index
      %get3A_61 = tpu.vector_load %arg5[%get3A_59, %get3A_60] {strides = array<i32>} : memref<8x128xi32, #tpu.memory_space<vmem>>, vector<16xi32>,
      %shift_right_logical3A_62 = arith.constant 1 : i32
      %shift_right_logical3A_63 = vector.broadcast %shift_right_logical3A_62 : i32 to vector<16xi32>
      %shift_right_logical3A_64 = arith.shrui %get3A_61, %shift_right_logical3A_63 : vector<16xi32>
      %swap3A_65 = arith.constant 16 : index
      %swap3A_66 = tpu.vector_load %arg6[%swap3A_65] {strides = array<i32>} : memref<128xi32, #tpu.memory_space<vmem>>, vector<16xi32>,
      tpu.vector_store %arg6[%swap3A_65], %shift_right_logical3A_64 {strides = array<i32>} : memref<128xi32, #tpu.memory_space<vmem>>, vector<16xi32>,
      %and3A_67 = arith.constant 1 : i32
      %and3A_68 = vector.broadcast %and3A_67 : i32 to vector<16xi32>
      %and3A_69 = arith.andi %get3A_61, %and3A_68 : vector<16xi32>
      %shift_left3A_70 = arith.constant 6 : i32
      %shift_left3A_71 = vector.broadcast %shift_left3A_70 : i32 to vector<16xi32>
      %shift_left3A_72 = arith.shli %and3A_69, %shift_left3A_71 : vector<16xi32>
      %swap3A_73 = arith.constant 16 : index
      %swap3A_74 = tpu.vector_load %arg9[%swap3A_73] {strides = array<i32>} : memref<128xi32, #tpu.memory_space<vmem>>, vector<16xi32>,
      tpu.vector_store %arg9[%swap3A_73], %shift_left3A_72 {strides = array<i32>} : memref<128xi32, #tpu.memory_space<vmem>>, vector<16xi32>,
      %get3A_75 = arith.constant 0 : i32
      %get3A_76 = arith.index_cast %get3A_75 : i32 to index
      %get3A_77 = arith.constant 32 : index
      %get3A_78 = tpu.vector_load %arg5[%get3A_76, %get3A_77] {strides = array<i32>} : memref<8x128xi32, #tpu.memory_space<vmem>>, vector<16xi32>,
      %shift_right_logical3A_79 = arith.constant 1 : i32
      %shift_right_logical3A_80 = vector.broadcast %shift_right_logical3A_79 : i32 to vector<16xi32>
      %shift_right_logical3A_81 = arith.shrui %get3A_78, %shift_right_logical3A_80 : vector<16xi32>
      %swap3A_82 = arith.constant 32 : index
      %swap3A_83 = tpu.vector_load %arg6[%swap3A_82] {strides = array<i32>} : memref<128xi32, #tpu.memory_space<vmem>>, vector<16xi32>,
      tpu.vector_store %arg6[%swap3A_82], %shift_right_logical3A_81 {strides = array<i32>} : memref<128xi32, #tpu.memory_space<vmem>>, vector<16xi32>,
      %and3A_84 = arith.constant 1 : i32
      %and3A_85 = vector.broadcast %and3A_84 : i32 to vector<16xi32>
      %and3A_86 = arith.andi %get3A_78, %and3A_85 : vector<16xi32>
      %shift_left3A_87 = arith.constant 6 : i32
      %shift_left3A_88 = vector.broadcast %shift_left3A_87 : i32 to vector<16xi32>
      %shift_left3A_89 = arith.shli %and3A_86, %shift_left3A_88 : vector<16xi32>
      %swap3A_90 = arith.constant 32 : index
      %swap3A_91 = tpu.vector_load %arg9[%swap3A_90] {strides = array<i32>} : memref<128xi32, #tpu.memory_space<vmem>>, vector<16xi32>,
      tpu.vector_store %arg9[%swap3A_90], %shift_left3A_89 {strides = array<i32>} : memref<128xi32, #tpu.memory_space<vmem>>, vector<16xi32>,
      %get3A_92 = arith.constant 0 : i32
      %get3A_93 = arith.index_cast %get3A_92 : i32 to index
      %get3A_94 = arith.constant 48 : index
      %get3A_95 = tpu.vector_load %arg5[%get3A_93, %get3A_94] {strides = array<i32>} : memref<8x128xi32, #tpu.memory_space<vmem>>, vector<16xi32>,
      %shift_right_logical3A_96 = arith.constant 1 : i32
      %shift_right_logical3A_97 = vector.broadcast %shift_right_logical3A_96 : i32 to vector<16xi32>
      %shift_right_logical3A_98 = arith.shrui %get3A_95, %shift_right_logical3A_97 : vector<16xi32>
      %swap3A_99 = arith.constant 48 : index
      %swap3A_100 = tpu.vector_load %arg6[%swap3A_99] {strides = array<i32>} : memref<128xi32, #tpu.memory_space<vmem>>, vector<16xi32>,
      tpu.vector_store %arg6[%swap3A_99], %shift_right_logical3A_98 {strides = array<i32>} : memref<128xi32, #tpu.memory_space<vmem>>, vector<16xi32>,
      %and3A_101 = arith.constant 1 : i32
      %and3A_102 = vector.broadcast %and3A_101 : i32 to vector<16xi32>
      %and3A_103 = arith.andi %get3A_95, %and3A_102 : vector<16xi32>
      %shift_left3A_104 = arith.constant 6 : i32
      %shift_left3A_105 = vector.broadcast %shift_left3A_104 : i32 to vector<16xi32>
      %shift_left3A_106 = arith.shli %and3A_103, %shift_left3A_105 : vector<16xi32>
      %swap3A_107 = arith.constant 48 : index
      %swap3A_108 = tpu.vector_load %arg9[%swap3A_107] {strides = array<i32>} : memref<128xi32, #tpu.memory_space<vmem>>, vector<16xi32>,
      tpu.vector_store %arg9[%swap3A_107], %shift_left3A_106 {strides = array<i32>} : memref<128xi32, #tpu.memory_space<vmem>>, vector<16xi32>,
      %get3A_109 = arith.constant 0 : i32
      %get3A_110 = arith.index_cast %get3A_109 : i32 to index
      %get3A_111 = arith.constant 64 : index
      %get3A_112 = tpu.vector_load %arg5[%get3A_110, %get3A_111] {strides = array<i32>} : memref<8x128xi32, #tpu.memory_space<vmem>>, vector<16xi32>,
      %shift_right_logical3A_113 = arith.constant 1 : i32
      %shift_right_logical3A_114 = vector.broadcast %shift_right_logical3A_113 : i32 to vector<16xi32>
      %shift_right_logical3A_115 = arith.shrui %get3A_112, %shift_right_logical3A_114 : vector<16xi32>
      %swap3A_116 = arith.constant 64 : index
      %swap3A_117 = tpu.vector_load %arg6[%swap3A_116] {strides = array<i32>} : memref<128xi32, #tpu.memory_space<vmem>>, vector<16xi32>,
      tpu.vector_store %arg6[%swap3A_116], %shift_right_logical3A_115 {strides = array<i32>} : memref<128xi32, #tpu.memory_space<vmem>>, vector<16xi32>,
      %and3A_118 = arith.constant 1 : i32
      %and3A_119 = vector.broadcast %and3A_118 : i32 to vector<16xi32>
      %and3A_120 = arith.andi %get3A_112, %and3A_119 : vector<16xi32>
      %shift_left3A_121 = arith.constant 6 : i32
      %shift_left3A_122 = vector.broadcast %shift_left3A_121 : i32 to vector<16xi32>
      %shift_left3A_123 = arith.shli %and3A_120, %shift_left3A_122 : vector<16xi32>
      %swap3A_124 = arith.constant 64 : index
      %swap3A_125 = tpu.vector_load %arg9[%swap3A_124] {strides = array<i32>} : memref<128xi32, #tpu.memory_space<vmem>>, vector<16xi32>,
      tpu.vector_store %arg9[%swap3A_124], %shift_left3A_123 {strides = array<i32>} : memref<128xi32, #tpu.memory_space<vmem>>, vector<16xi32>,
      %get3A_126 = arith.constant 0 : i32
      %get3A_127 = arith.index_cast %get3A_126 : i32 to index
      %get3A_128 = arith.constant 80 : index
      %get3A_129 = tpu.vector_load %arg5[%get3A_127, %get3A_128] {strides = array<i32>} : memref<8x128xi32, #tpu.memory_space<vmem>>, vector<16xi32>,
      %shift_right_logical3A_130 = arith.constant 1 : i32
      %shift_right_logical3A_131 = vector.broadcast %shift_right_logical3A_130 : i32 to vector<16xi32>
      %shift_right_logical3A_132 = arith.shrui %get3A_129, %shift_right_logical3A_131 : vector<16xi32>
      %swap3A_133 = arith.constant 80 : index
      %swap3A_134 = tpu.vector_load %arg6[%swap3A_133] {strides = array<i32>} : memref<128xi32, #tpu.memory_space<vmem>>, vector<16xi32>,
      tpu.vector_store %arg6[%swap3A_133], %shift_right_logical3A_132 {strides = array<i32>} : memref<128xi32, #tpu.memory_space<vmem>>, vector<16xi32>,
      %and3A_135 = arith.constant 1 : i32
      %and3A_136 = vector.broadcast %and3A_135 : i32 to vector<16xi32>
      %and3A_137 = arith.andi %get3A_129, %and3A_136 : vector<16xi32>
      %shift_left3A_138 = arith.constant 6 : i32
      %shift_left3A_139 = vector.broadcast %shift_left3A_138 : i32 to vector<16xi32>
      %shift_left3A_140 = arith.shli %and3A_137, %shift_left3A_139 : vector<16xi32>
      %swap3A_141 = arith.constant 80 : index
      %swap3A_142 = tpu.vector_load %arg9[%swap3A_141] {strides = array<i32>} : memref<128xi32, #tpu.memory_space<vmem>>, vector<16xi32>,
      tpu.vector_store %arg9[%swap3A_141], %shift_left3A_140 {strides = array<i32>} : memref<128xi32, #tpu.memory_space<vmem>>, vector<16xi32>,
      %get3A_143 = arith.constant 0 : i32
      %get3A_144 = arith.index_cast %get3A_143 : i32 to index
      %get3A_145 = arith.constant 96 : index
      %get3A_146 = tpu.vector_load %arg5[%get3A_144, %get3A_145] {strides = array<i32>} : memref<8x128xi32, #tpu.memory_space<vmem>>, vector<16xi32>,
      %shift_right_logical3A_147 = arith.constant 1 : i32
      %shift_right_logical3A_148 = vector.broadcast %shift_right_logical3A_147 : i32 to vector<16xi32>
      %shift_right_logical3A_149 = arith.shrui %get3A_146, %shift_right_logical3A_148 : vector<16xi32>
      %swap3A_150 = arith.constant 96 : index
      %swap3A_151 = tpu.vector_load %arg6[%swap3A_150] {strides = array<i32>} : memref<128xi32, #tpu.memory_space<vmem>>, vector<16xi32>,
      tpu.vector_store %arg6[%swap3A_150], %shift_right_logical3A_149 {strides = array<i32>} : memref<128xi32, #tpu.memory_space<vmem>>, vector<16xi32>,
      %and3A_152 = arith.constant 1 : i32
      %and3A_153 = vector.broadcast %and3A_152 : i32 to vector<16xi32>
      %and3A_154 = arith.andi %get3A_146, %and3A_153 : vector<16xi32>
      %shift_left3A_155 = arith.constant 6 : i32
      %shift_left3A_156 = vector.broadcast %shift_left3A_155 : i32 to vector<16xi32>
      %shift_left3A_157 = arith.shli %and3A_154, %shift_left3A_156 : vector<16xi32>
      %swap3A_158 = arith.constant 96 : index
      %swap3A_159 = tpu.vector_load %arg9[%swap3A_158] {strides = array<i32>} : memref<128xi32, #tpu.memory_space<vmem>>, vector<16xi32>,
      tpu.vector_store %arg9[%swap3A_158], %shift_left3A_157 {strides = array<i32>} : memref<128xi32, #tpu.memory_space<vmem>>, vector<16xi32>,
      %get3A_160 = arith.constant 0 : i32
      %get3A_161 = arith.index_cast %get3A_160 : i32 to index
      %get3A_162 = arith.constant 112 : index
      %get3A_163 = tpu.vector_load %arg5[%get3A_161, %get3A_162] {strides = array<i32>} : memref<8x128xi32, #tpu.memory_space<vmem>>, vector<16xi32>,
      %shift_right_logical3A_164 = arith.constant 1 : i32
      %shift_right_logical3A_165 = vector.broadcast %shift_right_logical3A_164 : i32 to vector<16xi32>
      %shift_right_logical3A_166 = arith.shrui %get3A_163, %shift_right_logical3A_165 : vector<16xi32>
      %swap3A_167 = arith.constant 112 : index
      %swap3A_168 = tpu.vector_load %arg6[%swap3A_167] {strides = array<i32>} : memref<128xi32, #tpu.memory_space<vmem>>, vector<16xi32>,
      tpu.vector_store %arg6[%swap3A_167], %shift_right_logical3A_166 {strides = array<i32>} : memref<128xi32, #tpu.memory_space<vmem>>, vector<16xi32>,
      %and3A_169 = arith.constant 1 : i32
      %and3A_170 = vector.broadcast %and3A_169 : i32 to vector<16xi32>
      %and3A_171 = arith.andi %get3A_163, %and3A_170 : vector<16xi32>
      %shift_left3A_172 = arith.constant 6 : i32
      %shift_left3A_173 = vector.broadcast %shift_left3A_172 : i32 to vector<16xi32>
      %shift_left3A_174 = arith.shli %and3A_171, %shift_left3A_173 : vector<16xi32>
      %swap3A_175 = arith.constant 112 : index
      %swap3A_176 = tpu.vector_load %arg9[%swap3A_175] {strides = array<i32>} : memref<128xi32, #tpu.memory_space<vmem>>, vector<16xi32>,
      tpu.vector_store %arg9[%swap3A_175], %shift_left3A_174 {strides = array<i32>} : memref<128xi32, #tpu.memory_space<vmem>>, vector<16xi32>,
      %get3A_177 = arith.constant 1 : i32
      %get3A_178 = arith.index_cast %get3A_177 : i32 to index
      %get3A_179 = arith.constant 0 : index
      %get3A_180 = tpu.vector_load %arg5[%get3A_178, %get3A_179] {strides = array<i32>} : memref<8x128xi32, #tpu.memory_space<vmem>>, vector<16xi32>,
      %shift_right_logical3A_181 = arith.constant 1 : i32
      %shift_right_logical3A_182 = vector.broadcast %shift_right_logical3A_181 : i32 to vector<16xi32>
      %shift_right_logical3A_183 = arith.shrui %get3A_180, %shift_right_logical3A_182 : vector<16xi32>
      %swap3A_184 = arith.constant 0 : index
      %swap3A_185 = tpu.vector_load %arg7[%swap3A_184] {strides = array<i32>} : memref<128xi32, #tpu.memory_space<vmem>>, vector<16xi32>,
      tpu.vector_store %arg7[%swap3A_184], %shift_right_logical3A_183 {strides = array<i32>} : memref<128xi32, #tpu.memory_space<vmem>>, vector<16xi32>,
      %and3A_186 = arith.constant 1 : i32
      %and3A_187 = vector.broadcast %and3A_186 : i32 to vector<16xi32>
      %and3A_188 = arith.andi %get3A_180, %and3A_187 : vector<16xi32>
      %shift_left3A_189 = arith.constant 6 : i32
      %shift_left3A_190 = vector.broadcast %shift_left3A_189 : i32 to vector<16xi32>
      %shift_left3A_191 = arith.shli %and3A_188, %shift_left3A_190 : vector<16xi32>
      %swap3A_192 = arith.constant 0 : index
      %swap3A_193 = tpu.vector_load %arg10[%swap3A_192] {strides = array<i32>} : memref<128xi32, #tpu.memory_space<vmem>>, vector<16xi32>,
      tpu.vector_store %arg10[%swap3A_192], %shift_left3A_191 {strides = array<i32>} : memref<128xi32, #tpu.memory_space<vmem>>, vector<16xi32>,
      %get3A_194 = arith.constant 1 : i32
      %get3A_195 = arith.index_cast %get3A_194 : i32 to index
      %get3A_196 = arith.constant 16 : index
      %get3A_197 = tpu.vector_load %arg5[%get3A_195, %get3A_196] {strides = array<i32>} : memref<8x128xi32, #tpu.memory_space<vmem>>, vector<16xi32>,
      %shift_right_logical3A_198 = arith.constant 1 : i32
      %shift_right_logical3A_199 = vector.broadcast %shift_right_logical3A_198 : i32 to vector<16xi32>
      %shift_right_logical3A_200 = arith.shrui %get3A_197, %shift_right_logical3A_199 : vector<16xi32>
      %swap3A_201 = arith.constant 16 : index
      %swap3A_202 = tpu.vector_load %arg7[%swap3A_201] {strides = array<i32>} : memref<128xi32, #tpu.memory_space<vmem>>, vector<16xi32>,
      tpu.vector_store %arg7[%swap3A_201], %shift_right_logical3A_200 {strides = array<i32>} : memref<128xi32, #tpu.memory_space<vmem>>, vector<16xi32>,
      %and3A_203 = arith.constant 1 : i32
      %and3A_204 = vector.broadcast %and3A_203 : i32 to vector<16xi32>
      %and3A_205 = arith.andi %get3A_197, %and3A_204 : vector<16xi32>
      %shift_left3A_206 = arith.constant 6 : i32
      %shift_left3A_207 = vector.broadcast %shift_left3A_206 : i32 to vector<16xi32>
      %shift_left3A_208 = arith.shli %and3A_205, %shift_left3A_207 : vector<16xi32>
      %swap3A_209 = arith.constant 16 : index
      %swap3A_210 = tpu.vector_load %arg10[%swap3A_209] {strides = array<i32>} : memref<128xi32, #tpu.memory_space<vmem>>, vector<16xi32>,
      tpu.vector_store %arg10[%swap3A_209], %shift_left3A_208 {strides = array<i32>} : memref<128xi32, #tpu.memory_space<vmem>>, vector<16xi32>,
      %get3A_211 = arith.constant 1 : i32
      %get3A_212 = arith.index_cast %get3A_211 : i32 to index
      %get3A_213 = arith.constant 32 : index
      %get3A_214 = tpu.vector_load %arg5[%get3A_212, %get3A_213] {strides = array<i32>} : memref<8x128xi32, #tpu.memory_space<vmem>>, vector<16xi32>,
      %shift_right_logical3A_215 = arith.constant 1 : i32
      %shift_right_logical3A_216 = vector.broadcast %shift_right_logical3A_215 : i32 to vector<16xi32>
      %shift_right_logical3A_217 = arith.shrui %get3A_214, %shift_right_logical3A_216 : vector<16xi32>
      %swap3A_218 = arith.constant 32 : index
      %swap3A_219 = tpu.vector_load %arg7[%swap3A_218] {strides = array<i32>} : memref<128xi32, #tpu.memory_space<vmem>>, vector<16xi32>,
      tpu.vector_store %arg7[%swap3A_218], %shift_right_logical3A_217 {strides = array<i32>} : memref<128xi32, #tpu.memory_space<vmem>>, vector<16xi32>,
      %and3A_220 = arith.constant 1 : i32
      %and3A_221 = vector.broadcast %and3A_220 : i32 to vector<16xi32>
      %and3A_222 = arith.andi %get3A_214, %and3A_221 : vector<16xi32>
      %shift_left3A_223 = arith.constant 6 : i32
      %shift_left3A_224 = vector.broadcast %shift_left3A_223 : i32 to vector<16xi32>
      %shift_left3A_225 = arith.shli %and3A_222, %shift_left3A_224 : vector<16xi32>
      %swap3A_226 = arith.constant 32 : index
      %swap3A_227 = tpu.vector_load %arg10[%swap3A_226] {strides = array<i32>} : memref<128xi32, #tpu.memory_space<vmem>>, vector<16xi32>,
      tpu.vector_store %arg10[%swap3A_226], %shift_left3A_225 {strides = array<i32>} : memref<128xi32, #tpu.memory_space<vmem>>, vector<16xi32>,
      %get3A_228 = arith.constant 1 : i32
      %get3A_229 = arith.index_cast %get3A_228 : i32 to index
      %get3A_230 = arith.constant 48 : index
      %get3A_231 = tpu.vector_load %arg5[%get3A_229, %get3A_230] {strides = array<i32>} : memref<8x128xi32, #tpu.memory_space<vmem>>, vector<16xi32>,
      %shift_right_logical3A_232 = arith.constant 1 : i32
      %shift_right_logical3A_233 = vector.broadcast %shift_right_logical3A_232 : i32 to vector<16xi32>
      %shift_right_logical3A_234 = arith.shrui %get3A_231, %shift_right_logical3A_233 : vector<16xi32>
      %swap3A_235 = arith.constant 48 : index
      %swap3A_236 = tpu.vector_load %arg7[%swap3A_235] {strides = array<i32>} : memref<128xi32, #tpu.memory_space<vmem>>, vector<16xi32>,
      tpu.vector_store %arg7[%swap3A_235], %shift_right_logical3A_234 {strides = array<i32>} : memref<128xi32, #tpu.memory_space<vmem>>, vector<16xi32>,
      %and3A_237 = arith.constant 1 : i32
      %and3A_238 = vector.broadcast %and3A_237 : i32 to vector<16xi32>
      %and3A_239 = arith.andi %get3A_231, %and3A_238 : vector<16xi32>
      %shift_left3A_240 = arith.constant 6 : i32
      %shift_left3A_241 = vector.broadcast %shift_left3A_240 : i32 to vector<16xi32>
      %shift_left3A_242 = arith.shli %and3A_239, %shift_left3A_241 : vector<16xi32>
      %swap3A_243 = arith.constant 48 : index
      %swap3A_244 = tpu.vector_load %arg10[%swap3A_243] {strides = array<i32>} : memref<128xi32, #tpu.memory_space<vmem>>, vector<16xi32>,
      tpu.vector_store %arg10[%swap3A_243], %shift_left3A_242 {strides = array<i32>} : memref<128xi32, #tpu.memory_space<vmem>>, vector<16xi32>,
      %get3A_245 = arith.constant 1 : i32
      %get3A_246 = arith.index_cast %get3A_245 : i32 to index
      %get3A_247 = arith.constant 64 : index
      %get3A_248 = tpu.vector_load %arg5[%get3A_246, %get3A_247] {strides = array<i32>} : memref<8x128xi32, #tpu.memory_space<vmem>>, vector<16xi32>,
      %shift_right_logical3A_249 = arith.constant 1 : i32
      %shift_right_logical3A_250 = vector.broadcast %shift_right_logical3A_249 : i32 to vector<16xi32>
      %shift_right_logical3A_251 = arith.shrui %get3A_248, %shift_right_logical3A_250 : vector<16xi32>
      %swap3A_252 = arith.constant 64 : index
      %swap3A_253 = tpu.vector_load %arg7[%swap3A_252] {strides = array<i32>} : memref<128xi32, #tpu.memory_space<vmem>>, vector<16xi32>,
      tpu.vector_store %arg7[%swap3A_252], %shift_right_logical3A_251 {strides = array<i32>} : memref<128xi32, #tpu.memory_space<vmem>>, vector<16xi32>,
      %and3A_254 = arith.constant 1 : i32
      %and3A_255 = vector.broadcast %and3A_254 : i32 to vector<16xi32>
      %and3A_256 = arith.andi %get3A_248, %and3A_255 : vector<16xi32>
      %shift_left3A_257 = arith.constant 6 : i32
      %shift_left3A_258 = vector.broadcast %shift_left3A_257 : i32 to vector<16xi32>
      %shift_left3A_259 = arith.shli %and3A_256, %shift_left3A_258 : vector<16xi32>
      %swap3A_260 = arith.constant 64 : index
      %swap3A_261 = tpu.vector_load %arg10[%swap3A_260] {strides = array<i32>} : memref<128xi32, #tpu.memory_space<vmem>>, vector<16xi32>,
      tpu.vector_store %arg10[%swap3A_260], %shift_left3A_259 {strides = array<i32>} : memref<128xi32, #tpu.memory_space<vmem>>, vector<16xi32>,
      %get3A_262 = arith.constant 1 : i32
      %get3A_263 = arith.index_cast %get3A_262 : i32 to index
      %get3A_264 = arith.constant 80 : index
      %get3A_265 = tpu.vector_load %arg5[%get3A_263, %get3A_264] {strides = array<i32>} : memref<8x128xi32, #tpu.memory_space<vmem>>, vector<16xi32>,
      %shift_right_logical3A_266 = arith.constant 1 : i32
      %shift_right_logical3A_267 = vector.broadcast %shift_right_logical3A_266 : i32 to vector<16xi32>
      %shift_right_logical3A_268 = arith.shrui %get3A_265, %shift_right_logical3A_267 : vector<16xi32>
      %swap3A_269 = arith.constant 80 : index
      %swap3A_270 = tpu.vector_load %arg7[%swap3A_269] {strides = array<i32>} : memref<128xi32, #tpu.memory_space<vmem>>, vector<16xi32>,
      tpu.vector_store %arg7[%swap3A_269], %shift_right_logical3A_268 {strides = array<i32>} : memref<128xi32, #tpu.memory_space<vmem>>, vector<16xi32>,
      %and3A_271 = arith.constant 1 : i32
      %and3A_272 = vector.broadcast %and3A_271 : i32 to vector<16xi32>
      %and3A_273 = arith.andi %get3A_265, %and3A_272 : vector<16xi32>
      %shift_left3A_274 = arith.constant 6 : i32
      %shift_left3A_275 = vector.broadcast %shift_left3A_274 : i32 to vector<16xi32>
      %shift_left3A_276 = arith.shli %and3A_273, %shift_left3A_275 : vector<16xi32>
      %swap3A_277 = arith.constant 80 : index
      %swap3A_278 = tpu.vector_load %arg10[%swap3A_277] {strides = array<i32>} : memref<128xi32, #tpu.memory_space<vmem>>, vector<16xi32>,
      tpu.vector_store %arg10[%swap3A_277], %shift_left3A_276 {strides = array<i32>} : memref<128xi32, #tpu.memory_space<vmem>>, vector<16xi32>,
      %get3A_279 = arith.constant 1 : i32
      %get3A_280 = arith.index_cast %get3A_279 : i32 to index
      %get3A_281 = arith.constant 96 : index
      %get3A_282 = tpu.vector_load %arg5[%get3A_280, %get3A_281] {strides = array<i32>} : memref<8x128xi32, #tpu.memory_space<vmem>>, vector<16xi32>,
      %shift_right_logical3A_283 = arith.constant 1 : i32
      %shift_right_logical3A_284 = vector.broadcast %shift_right_logical3A_283 : i32 to vector<16xi32>
      %shift_right_logical3A_285 = arith.shrui %get3A_282, %shift_right_logical3A_284 : vector<16xi32>
      %swap3A_286 = arith.constant 96 : index
      %swap3A_287 = tpu.vector_load %arg7[%swap3A_286] {strides = array<i32>} : memref<128xi32, #tpu.memory_space<vmem>>, vector<16xi32>,
      tpu.vector_store %arg7[%swap3A_286], %shift_right_logical3A_285 {strides = array<i32>} : memref<128xi32, #tpu.memory_space<vmem>>, vector<16xi32>,
      %and3A_288 = arith.constant 1 : i32
      %and3A_289 = vector.broadcast %and3A_288 : i32 to vector<16xi32>
      %and3A_290 = arith.andi %get3A_282, %and3A_289 : vector<16xi32>
      %shift_left3A_291 = arith.constant 6 : i32
      %shift_left3A_292 = vector.broadcast %shift_left3A_291 : i32 to vector<16xi32>
      %shift_left3A_293 = arith.shli %and3A_290, %shift_left3A_292 : vector<16xi32>
      %swap3A_294 = arith.constant 96 : index
      %swap3A_295 = tpu.vector_load %arg10[%swap3A_294] {strides = array<i32>} : memref<128xi32, #tpu.memory_space<vmem>>, vector<16xi32>,
      tpu.vector_store %arg10[%swap3A_294], %shift_left3A_293 {strides = array<i32>} : memref<128xi32, #tpu.memory_space<vmem>>, vector<16xi32>,
      %get3A_296 = arith.constant 1 : i32
      %get3A_297 = arith.index_cast %get3A_296 : i32 to index
      %get3A_298 = arith.constant 112 : index
      %get3A_299 = tpu.vector_load %arg5[%get3A_297, %get3A_298] {strides = array<i32>} : memref<8x128xi32, #tpu.memory_space<vmem>>, vector<16xi32>,
      %shift_right_logical3A_300 = arith.constant 1 : i32
      %shift_right_logical3A_301 = vector.broadcast %shift_right_logical3A_300 : i32 to vector<16xi32>
      %shift_right_logical3A_302 = arith.shrui %get3A_299, %shift_right_logical3A_301 : vector<16xi32>
      %swap3A_303 = arith.constant 112 : index
      %swap3A_304 = tpu.vector_load %arg7[%swap3A_303] {strides = array<i32>} : memref<128xi32, #tpu.memory_space<vmem>>, vector<16xi32>,
      tpu.vector_store %arg7[%swap3A_303], %shift_right_logical3A_302 {strides = array<i32>} : memref<128xi32, #tpu.memory_space<vmem>>, vector<16xi32>,
      %and3A_305 = arith.constant 1 : i32
      %and3A_306 = vector.broadcast %and3A_305 : i32 to vector<16xi32>
      %and3A_307 = arith.andi %get3A_299, %and3A_306 : vector<16xi32>
      %shift_left3A_308 = arith.constant 6 : i32
      %shift_left3A_309 = vector.broadcast %shift_left3A_308 : i32 to vector<16xi32>
      %shift_left3A_310 = arith.shli %and3A_307, %shift_left3A_309 : vector<16xi32>
      %swap3A_311 = arith.constant 112 : index
      %swap3A_312 = tpu.vector_load %arg10[%swap3A_311] {strides = array<i32>} : memref<128xi32, #tpu.memory_space<vmem>>, vector<16xi32>,
      tpu.vector_store %arg10[%swap3A_311], %shift_left3A_310 {strides = array<i32>} : memref<128xi32, #tpu.memory_space<vmem>>, vector<16xi32>,
      %dma_start3A = arith.constant 0 : i32
      %dma_start3A_313 = arith.constant 0 : i32
      %dma_start3A_314 = tpu.memref_slice %arg2[%dma_start3A, %dma_start3A_313] : memref<500000x128xf32, #tpu.memory_space<hbm>> -> memref<500000x128xf32, #tpu.memory_space<hbm>>
      tpu.enqueue_indirect_dma source(%dma_start3A_314 : memref<500000x128xf32, #tpu.memory_space<hbm>>) target(%arg12 : memref<128x128xf32, #tpu.memory_space<vmem>>) offsets(%arg6 : memref<128xi32, #tpu.memory_space<vmem>>) semaphore(%arg18 : memref<!tpu.dma_semaphore, #tpu.memory_space<semaphore_mem>>)
      %dma_start3A_315 = arith.constant 0 : i32
      %dma_start3A_316 = arith.constant 0 : i32
      %dma_start3A_317 = tpu.memref_slice %arg2[%dma_start3A_315, %dma_start3A_316] : memref<500000x128xf32, #tpu.memory_space<hbm>> -> memref<500000x128xf32, #tpu.memory_space<hbm>>
      tpu.enqueue_indirect_dma source(%dma_start3A_317 : memref<500000x128xf32, #tpu.memory_space<hbm>>) target(%arg13 : memref<128x128xf32, #tpu.memory_space<vmem>>) offsets(%arg7 : memref<128xi32, #tpu.memory_space<vmem>>) semaphore(%arg19 : memref<!tpu.dma_semaphore, #tpu.memory_space<semaphore_mem>>)
      %dma_wait3A = arith.constant 0 : i32
      %dma_wait3A_318 = arith.constant 0 : i32
      %dma_wait3A_319 = tpu.memref_slice %arg2[%dma_wait3A, %dma_wait3A_318] : memref<500000x128xf32, #tpu.memory_space<hbm>> -> memref<500000x128xf32, #tpu.memory_space<hbm>>
      tpu.wait_indirect_dma semaphore(%arg18 : memref<!tpu.dma_semaphore, #tpu.memory_space<semaphore_mem>>) src(%dma_wait3A_319 : memref<500000x128xf32, #tpu.memory_space<hbm>>) dst(%arg12 : memref<128x128xf32, #tpu.memory_space<vmem>>)
      %scan3A_320 = arith.constant 0 : i32
      %scan3A_321 = arith.constant 0 : i32
      %scan3A_322 = arith.constant 8 : i32
      %scan3A_323 = arith.addi %scan3A_321, %scan3A_322 : i32
      %scan3A_324 = arith.constant 1 : i32
      scf.for %scan3A_368 = %scan3A_321 to %scan3A_323 step %scan3A_324  : i32 {
        %rem3A_369 = arith.constant 3 : i32
        %rem3A_370 = arith.remsi %scan3A_368, %rem3A_369 : i32
        %eq3A_371 = arith.constant 0 : i32
        %eq3A_372 = arith.cmpi eq, %rem3A_370, %eq3A_371 : i32
        %convert_element_type3A = arith.extui %eq3A_372 : i1 to i32
        %cond3A = arith.constant 0 : i32
        %cond3A_373 = arith.cmpi ne, %convert_element_type3A, %cond3A : i32
        scf.if %cond3A_373 {
          %ge3A = arith.constant 2 : i32
          %ge3A_388 = arith.cmpi sge, %scan3A_368, %ge3A : i32
          %convert_element_type3A_389 = arith.extui %ge3A_388 : i1 to i32
          %cond3A_390 = arith.constant 0 : i32
          %cond3A_391 = arith.cmpi ne, %convert_element_type3A_389, %cond3A_390 : i32
          scf.if %cond3A_391 {
            %sub3A_410 = arith.constant 2 : i32
            %sub3A_411 = arith.subi %scan3A_368, %sub3A_410 : i32
            %mul3A_412 = arith.constant 8 : i32
            %mul3A_413 = arith.muli %select_n3A, %mul3A_412 : i32
            %add3A_414 = arith.addi %mul3A_413, %sub3A_411 : i32
            %dma_wait3A_415 = arith.constant 0 : i32
            %dma_wait3A_416 = arith.constant 0 : i32
            %dma_wait3A_417 = arith.constant 0 : i32
            %dma_wait3A_418 = tpu.memref_slice %arg4[%add3A_414, %dma_wait3A_415, %select_n3A_39, %dma_wait3A_416, %dma_wait3A_417] : memref<200x8x32x8x128xf32, #tpu.memory_space<hbm>> -> memref<1x8x1x8x128xf32, #tpu.memory_space<hbm>>
            %dma_wait3A_419 = tpu.memref_squeeze %dma_wait3A_418 : memref<1x8x1x8x128xf32, #tpu.memory_space<hbm>> -> memref<8x8x128xf32, #tpu.memory_space<hbm>>
            %dma_wait3A_420 = arith.constant 0 : i32
            %dma_wait3A_421 = arith.constant 0 : i32
            %dma_wait3A_422 = arith.constant 0 : i32
            %dma_wait3A_423 = tpu.memref_slice %arg4[%add3A_414, %dma_wait3A_420, %select_n3A_39, %dma_wait3A_421, %dma_wait3A_422] : memref<200x8x32x8x128xf32, #tpu.memory_space<hbm>> -> memref<1x8x1x8x128xf32, #tpu.memory_space<hbm>>
            %dma_wait3A_424 = tpu.memref_squeeze %dma_wait3A_423 : memref<1x8x1x8x128xf32, #tpu.memory_space<hbm>> -> memref<8x8x128xf32, #tpu.memory_space<hbm>>
            tpu.wait_dma2 semaphore(%arg22 : memref<!tpu.dma_semaphore, #tpu.memory_space<semaphore_mem>>) src(%arg16 : memref<8x8x128xf32, #tpu.memory_space<vmem>>) dst(%dma_wait3A_424 : memref<8x8x128xf32, #tpu.memory_space<hbm>>)
          } else {
          }
          %ge3A_392 = arith.constant 1 : i32
          %ge3A_393 = arith.cmpi sge, %scan3A_368, %ge3A_392 : i32
          %convert_element_type3A_394 = arith.extui %ge3A_393 : i1 to i32
          %cond3A_395 = arith.constant 0 : i32
          %cond3A_396 = arith.cmpi ne, %convert_element_type3A_394, %cond3A_395 : i32
          scf.if %cond3A_396 {
            %sub3A_410 = arith.constant 1 : i32
            %sub3A_411 = arith.subi %scan3A_368, %sub3A_410 : i32
            %mul3A_412 = arith.constant 8 : i32
            %mul3A_413 = arith.muli %select_n3A, %mul3A_412 : i32
            %add3A_414 = arith.addi %mul3A_413, %sub3A_411 : i32
            %dma_start3A_415 = arith.constant 0 : i32
            %dma_start3A_416 = arith.constant 0 : i32
            %dma_start3A_417 = arith.constant 0 : i32
            %dma_start3A_418 = tpu.memref_slice %arg4[%add3A_414, %dma_start3A_415, %select_n3A_39, %dma_start3A_416, %dma_start3A_417] : memref<200x8x32x8x128xf32, #tpu.memory_space<hbm>> -> memref<1x8x1x8x128xf32, #tpu.memory_space<hbm>>
            %dma_start3A_419 = tpu.memref_squeeze %dma_start3A_418 : memref<1x8x1x8x128xf32, #tpu.memory_space<hbm>> -> memref<8x8x128xf32, #tpu.memory_space<hbm>>
            %dma_start3A_420 = arith.constant 0 : i32
            %dma_start3A_421 = arith.constant 0 : i32
            %dma_start3A_422 = arith.constant 0 : i32
            %dma_start3A_423 = tpu.memref_slice %arg4[%add3A_414, %dma_start3A_420, %select_n3A_39, %dma_start3A_421, %dma_start3A_422] : memref<200x8x32x8x128xf32, #tpu.memory_space<hbm>> -> memref<1x8x1x8x128xf32, #tpu.memory_space<hbm>>
            %dma_start3A_424 = tpu.memref_squeeze %dma_start3A_423 : memref<1x8x1x8x128xf32, #tpu.memory_space<hbm>> -> memref<8x8x128xf32, #tpu.memory_space<hbm>>
            tpu.enqueue_dma source(%arg17 : memref<8x8x128xf32, #tpu.memory_space<vmem>>) target(%dma_start3A_424 : memref<8x8x128xf32, #tpu.memory_space<hbm>>) target_semaphore(%arg23 : memref<!tpu.dma_semaphore, #tpu.memory_space<semaphore_mem>>)
          } else {
          }
          %add3A_397 = arith.constant 1 : i32
          %add3A_398 = arith.addi %scan3A_368, %add3A_397 : i32
          %le3A = arith.constant 7 : i32
          %le3A_399 = arith.cmpi sle, %add3A_398, %le3A : i32
          %convert_element_type3A_400 = arith.extui %le3A_399 : i1 to i32
          %cond3A_401 = arith.constant 0 : i32
          %cond3A_402 = arith.cmpi ne, %convert_element_type3A_400, %cond3A_401 : i32
          scf.if %cond3A_402 {
            %dma_wait3A_410 = arith.constant 0 : i32
            %dma_wait3A_411 = arith.constant 0 : i32
            %dma_wait3A_412 = tpu.memref_slice %arg2[%dma_wait3A_410, %dma_wait3A_411] : memref<500000x128xf32, #tpu.memory_space<hbm>> -> memref<500000x128xf32, #tpu.memory_space<hbm>>
            tpu.wait_indirect_dma semaphore(%arg19 : memref<!tpu.dma_semaphore, #tpu.memory_space<semaphore_mem>>) src(%dma_wait3A_412 : memref<500000x128xf32, #tpu.memory_space<hbm>>) dst(%arg13 : memref<128x128xf32, #tpu.memory_space<vmem>>)
          } else {
          }
          %add3A_403 = arith.constant 2 : i32
          %add3A_404 = arith.addi %scan3A_368, %add3A_403 : i32
          %le3A_405 = arith.constant 7 : i32
          %le3A_406 = arith.cmpi sle, %add3A_404, %le3A_405 : i32
          %convert_element_type3A_407 = arith.extui %le3A_406 : i1 to i32
          %cond3A_408 = arith.constant 0 : i32
          %cond3A_409 = arith.cmpi ne, %convert_element_type3A_407, %cond3A_408 : i32
          scf.if %cond3A_409 {
            %add3A_410 = arith.constant 2 : i32
            %add3A_411 = arith.addi %scan3A_368, %add3A_410 : i32
            %get3A_412 = arith.index_cast %add3A_411 : i32 to index
            %get3A_413 = arith.constant 0 : index
            %get3A_414 = tpu.vector_load %arg5[%get3A_412, %get3A_413] {strides = array<i32>} : memref<8x128xi32, #tpu.memory_space<vmem>>, vector<16xi32>,
            %shift_right_logical3A_415 = arith.constant 1 : i32
            %shift_right_logical3A_416 = vector.broadcast %shift_right_logical3A_415 : i32 to vector<16xi32>
            %shift_right_logical3A_417 = arith.shrui %get3A_414, %shift_right_logical3A_416 : vector<16xi32>
            %swap3A_418 = arith.constant 0 : index
            %swap3A_419 = tpu.vector_load %arg8[%swap3A_418] {strides = array<i32>} : memref<128xi32, #tpu.memory_space<vmem>>, vector<16xi32>,
            tpu.vector_store %arg8[%swap3A_418], %shift_right_logical3A_417 {strides = array<i32>} : memref<128xi32, #tpu.memory_space<vmem>>, vector<16xi32>,
            %and3A_420 = arith.constant 1 : i32
            %and3A_421 = vector.broadcast %and3A_420 : i32 to vector<16xi32>
            %and3A_422 = arith.andi %get3A_414, %and3A_421 : vector<16xi32>
            %shift_left3A_423 = arith.constant 6 : i32
            %shift_left3A_424 = vector.broadcast %shift_left3A_423 : i32 to vector<16xi32>
            %shift_left3A_425 = arith.shli %and3A_422, %shift_left3A_424 : vector<16xi32>
            %swap3A_426 = arith.constant 0 : index
            %swap3A_427 = tpu.vector_load %arg11[%swap3A_426] {strides = array<i32>} : memref<128xi32, #tpu.memory_space<vmem>>, vector<16xi32>,
            tpu.vector_store %arg11[%swap3A_426], %shift_left3A_425 {strides = array<i32>} : memref<128xi32, #tpu.memory_space<vmem>>, vector<16xi32>,
            %get3A_428 = arith.index_cast %add3A_411 : i32 to index
            %get3A_429 = arith.constant 16 : index
            %get3A_430 = tpu.vector_load %arg5[%get3A_428, %get3A_429] {strides = array<i32>} : memref<8x128xi32, #tpu.memory_space<vmem>>, vector<16xi32>,
            %shift_right_logical3A_431 = arith.constant 1 : i32
            %shift_right_logical3A_432 = vector.broadcast %shift_right_logical3A_431 : i32 to vector<16xi32>
            %shift_right_logical3A_433 = arith.shrui %get3A_430, %shift_right_logical3A_432 : vector<16xi32>
            %swap3A_434 = arith.constant 16 : index
            %swap3A_435 = tpu.vector_load %arg8[%swap3A_434] {strides = array<i32>} : memref<128xi32, #tpu.memory_space<vmem>>, vector<16xi32>,
            tpu.vector_store %arg8[%swap3A_434], %shift_right_logical3A_433 {strides = array<i32>} : memref<128xi32, #tpu.memory_space<vmem>>, vector<16xi32>,
            %and3A_436 = arith.constant 1 : i32
            %and3A_437 = vector.broadcast %and3A_436 : i32 to vector<16xi32>
            %and3A_438 = arith.andi %get3A_430, %and3A_437 : vector<16xi32>
            %shift_left3A_439 = arith.constant 6 : i32
            %shift_left3A_440 = vector.broadcast %shift_left3A_439 : i32 to vector<16xi32>
            %shift_left3A_441 = arith.shli %and3A_438, %shift_left3A_440 : vector<16xi32>
            %swap3A_442 = arith.constant 16 : index
            %swap3A_443 = tpu.vector_load %arg11[%swap3A_442] {strides = array<i32>} : memref<128xi32, #tpu.memory_space<vmem>>, vector<16xi32>,
            tpu.vector_store %arg11[%swap3A_442], %shift_left3A_441 {strides = array<i32>} : memref<128xi32, #tpu.memory_space<vmem>>, vector<16xi32>,
            %get3A_444 = arith.index_cast %add3A_411 : i32 to index
            %get3A_445 = arith.constant 32 : index
            %get3A_446 = tpu.vector_load %arg5[%get3A_444, %get3A_445] {strides = array<i32>} : memref<8x128xi32, #tpu.memory_space<vmem>>, vector<16xi32>,
            %shift_right_logical3A_447 = arith.constant 1 : i32
            %shift_right_logical3A_448 = vector.broadcast %shift_right_logical3A_447 : i32 to vector<16xi32>
            %shift_right_logical3A_449 = arith.shrui %get3A_446, %shift_right_logical3A_448 : vector<16xi32>
            %swap3A_450 = arith.constant 32 : index
            %swap3A_451 = tpu.vector_load %arg8[%swap3A_450] {strides = array<i32>} : memref<128xi32, #tpu.memory_space<vmem>>, vector<16xi32>,
            tpu.vector_store %arg8[%swap3A_450], %shift_right_logical3A_449 {strides = array<i32>} : memref<128xi32, #tpu.memory_space<vmem>>, vector<16xi32>,
            %and3A_452 = arith.constant 1 : i32
            %and3A_453 = vector.broadcast %and3A_452 : i32 to vector<16xi32>
            %and3A_454 = arith.andi %get3A_446, %and3A_453 : vector<16xi32>
            %shift_left3A_455 = arith.constant 6 : i32
            %shift_left3A_456 = vector.broadcast %shift_left3A_455 : i32 to vector<16xi32>
            %shift_left3A_457 = arith.shli %and3A_454, %shift_left3A_456 : vector<16xi32>
            %swap3A_458 = arith.constant 32 : index
            %swap3A_459 = tpu.vector_load %arg11[%swap3A_458] {strides = array<i32>} : memref<128xi32, #tpu.memory_space<vmem>>, vector<16xi32>,
            tpu.vector_store %arg11[%swap3A_458], %shift_left3A_457 {strides = array<i32>} : memref<128xi32, #tpu.memory_space<vmem>>, vector<16xi32>,
            %get3A_460 = arith.index_cast %add3A_411 : i32 to index
            %get3A_461 = arith.constant 48 : index
            %get3A_462 = tpu.vector_load %arg5[%get3A_460, %get3A_461] {strides = array<i32>} : memref<8x128xi32, #tpu.memory_space<vmem>>, vector<16xi32>,
            %shift_right_logical3A_463 = arith.constant 1 : i32
            %shift_right_logical3A_464 = vector.broadcast %shift_right_logical3A_463 : i32 to vector<16xi32>
            %shift_right_logical3A_465 = arith.shrui %get3A_462, %shift_right_logical3A_464 : vector<16xi32>
            %swap3A_466 = arith.constant 48 : index
            %swap3A_467 = tpu.vector_load %arg8[%swap3A_466] {strides = array<i32>} : memref<128xi32, #tpu.memory_space<vmem>>, vector<16xi32>,
            tpu.vector_store %arg8[%swap3A_466], %shift_right_logical3A_465 {strides = array<i32>} : memref<128xi32, #tpu.memory_space<vmem>>, vector<16xi32>,
            %and3A_468 = arith.constant 1 : i32
            %and3A_469 = vector.broadcast %and3A_468 : i32 to vector<16xi32>
            %and3A_470 = arith.andi %get3A_462, %and3A_469 : vector<16xi32>
            %shift_left3A_471 = arith.constant 6 : i32
            %shift_left3A_472 = vector.broadcast %shift_left3A_471 : i32 to vector<16xi32>
            %shift_left3A_473 = arith.shli %and3A_470, %shift_left3A_472 : vector<16xi32>
            %swap3A_474 = arith.constant 48 : index
            %swap3A_475 = tpu.vector_load %arg11[%swap3A_474] {strides = array<i32>} : memref<128xi32, #tpu.memory_space<vmem>>, vector<16xi32>,
            tpu.vector_store %arg11[%swap3A_474], %shift_left3A_473 {strides = array<i32>} : memref<128xi32, #tpu.memory_space<vmem>>, vector<16xi32>,
            %get3A_476 = arith.index_cast %add3A_411 : i32 to index
            %get3A_477 = arith.constant 64 : index
            %get3A_478 = tpu.vector_load %arg5[%get3A_476, %get3A_477] {strides = array<i32>} : memref<8x128xi32, #tpu.memory_space<vmem>>, vector<16xi32>,
            %shift_right_logical3A_479 = arith.constant 1 : i32
            %shift_right_logical3A_480 = vector.broadcast %shift_right_logical3A_479 : i32 to vector<16xi32>
            %shift_right_logical3A_481 = arith.shrui %get3A_478, %shift_right_logical3A_480 : vector<16xi32>
            %swap3A_482 = arith.constant 64 : index
            %swap3A_483 = tpu.vector_load %arg8[%swap3A_482] {strides = array<i32>} : memref<128xi32, #tpu.memory_space<vmem>>, vector<16xi32>,
            tpu.vector_store %arg8[%swap3A_482], %shift_right_logical3A_481 {strides = array<i32>} : memref<128xi32, #tpu.memory_space<vmem>>, vector<16xi32>,
            %and3A_484 = arith.constant 1 : i32
            %and3A_485 = vector.broadcast %and3A_484 : i32 to vector<16xi32>
            %and3A_486 = arith.andi %get3A_478, %and3A_485 : vector<16xi32>
            %shift_left3A_487 = arith.constant 6 : i32
            %shift_left3A_488 = vector.broadcast %shift_left3A_487 : i32 to vector<16xi32>
            %shift_left3A_489 = arith.shli %and3A_486, %shift_left3A_488 : vector<16xi32>
            %swap3A_490 = arith.constant 64 : index
            %swap3A_491 = tpu.vector_load %arg11[%swap3A_490] {strides = array<i32>} : memref<128xi32, #tpu.memory_space<vmem>>, vector<16xi32>,
            tpu.vector_store %arg11[%swap3A_490], %shift_left3A_489 {strides = array<i32>} : memref<128xi32, #tpu.memory_space<vmem>>, vector<16xi32>,
            %get3A_492 = arith.index_cast %add3A_411 : i32 to index
            %get3A_493 = arith.constant 80 : index
            %get3A_494 = tpu.vector_load %arg5[%get3A_492, %get3A_493] {strides = array<i32>} : memref<8x128xi32, #tpu.memory_space<vmem>>, vector<16xi32>,
            %shift_right_logical3A_495 = arith.constant 1 : i32
            %shift_right_logical3A_496 = vector.broadcast %shift_right_logical3A_495 : i32 to vector<16xi32>
            %shift_right_logical3A_497 = arith.shrui %get3A_494, %shift_right_logical3A_496 : vector<16xi32>
            %swap3A_498 = arith.constant 80 : index
            %swap3A_499 = tpu.vector_load %arg8[%swap3A_498] {strides = array<i32>} : memref<128xi32, #tpu.memory_space<vmem>>, vector<16xi32>,
            tpu.vector_store %arg8[%swap3A_498], %shift_right_logical3A_497 {strides = array<i32>} : memref<128xi32, #tpu.memory_space<vmem>>, vector<16xi32>,
            %and3A_500 = arith.constant 1 : i32
            %and3A_501 = vector.broadcast %and3A_500 : i32 to vector<16xi32>
            %and3A_502 = arith.andi %get3A_494, %and3A_501 : vector<16xi32>
            %shift_left3A_503 = arith.constant 6 : i32
            %shift_left3A_504 = vector.broadcast %shift_left3A_503 : i32 to vector<16xi32>
            %shift_left3A_505 = arith.shli %and3A_502, %shift_left3A_504 : vector<16xi32>
            %swap3A_506 = arith.constant 80 : index
            %swap3A_507 = tpu.vector_load %arg11[%swap3A_506] {strides = array<i32>} : memref<128xi32, #tpu.memory_space<vmem>>, vector<16xi32>,
            tpu.vector_store %arg11[%swap3A_506], %shift_left3A_505 {strides = array<i32>} : memref<128xi32, #tpu.memory_space<vmem>>, vector<16xi32>,
            %get3A_508 = arith.index_cast %add3A_411 : i32 to index
            %get3A_509 = arith.constant 96 : index
            %get3A_510 = tpu.vector_load %arg5[%get3A_508, %get3A_509] {strides = array<i32>} : memref<8x128xi32, #tpu.memory_space<vmem>>, vector<16xi32>,
            %shift_right_logical3A_511 = arith.constant 1 : i32
            %shift_right_logical3A_512 = vector.broadcast %shift_right_logical3A_511 : i32 to vector<16xi32>
            %shift_right_logical3A_513 = arith.shrui %get3A_510, %shift_right_logical3A_512 : vector<16xi32>
            %swap3A_514 = arith.constant 96 : index
            %swap3A_515 = tpu.vector_load %arg8[%swap3A_514] {strides = array<i32>} : memref<128xi32, #tpu.memory_space<vmem>>, vector<16xi32>,
            tpu.vector_store %arg8[%swap3A_514], %shift_right_logical3A_513 {strides = array<i32>} : memref<128xi32, #tpu.memory_space<vmem>>, vector<16xi32>,
            %and3A_516 = arith.constant 1 : i32
            %and3A_517 = vector.broadcast %and3A_516 : i32 to vector<16xi32>
            %and3A_518 = arith.andi %get3A_510, %and3A_517 : vector<16xi32>
            %shift_left3A_519 = arith.constant 6 : i32
            %shift_left3A_520 = vector.broadcast %shift_left3A_519 : i32 to vector<16xi32>
            %shift_left3A_521 = arith.shli %and3A_518, %shift_left3A_520 : vector<16xi32>
            %swap3A_522 = arith.constant 96 : index
            %swap3A_523 = tpu.vector_load %arg11[%swap3A_522] {strides = array<i32>} : memref<128xi32, #tpu.memory_space<vmem>>, vector<16xi32>,
            tpu.vector_store %arg11[%swap3A_522], %shift_left3A_521 {strides = array<i32>} : memref<128xi32, #tpu.memory_space<vmem>>, vector<16xi32>,
            %get3A_524 = arith.index_cast %add3A_411 : i32 to index
            %get3A_525 = arith.constant 112 : index
            %get3A_526 = tpu.vector_load %arg5[%get3A_524, %get3A_525] {strides = array<i32>} : memref<8x128xi32, #tpu.memory_space<vmem>>, vector<16xi32>,
            %shift_right_logical3A_527 = arith.constant 1 : i32
            %shift_right_logical3A_528 = vector.broadcast %shift_right_logical3A_527 : i32 to vector<16xi32>
            %shift_right_logical3A_529 = arith.shrui %get3A_526, %shift_right_logical3A_528 : vector<16xi32>
            %swap3A_530 = arith.constant 112 : index
            %swap3A_531 = tpu.vector_load %arg8[%swap3A_530] {strides = array<i32>} : memref<128xi32, #tpu.memory_space<vmem>>, vector<16xi32>,
            tpu.vector_store %arg8[%swap3A_530], %shift_right_logical3A_529 {strides = array<i32>} : memref<128xi32, #tpu.memory_space<vmem>>, vector<16xi32>,
            %and3A_532 = arith.constant 1 : i32
            %and3A_533 = vector.broadcast %and3A_532 : i32 to vector<16xi32>
            %and3A_534 = arith.andi %get3A_526, %and3A_533 : vector<16xi32>
            %shift_left3A_535 = arith.constant 6 : i32
            %shift_left3A_536 = vector.broadcast %shift_left3A_535 : i32 to vector<16xi32>
            %shift_left3A_537 = arith.shli %and3A_534, %shift_left3A_536 : vector<16xi32>
            %swap3A_538 = arith.constant 112 : index
            %swap3A_539 = tpu.vector_load %arg11[%swap3A_538] {strides = array<i32>} : memref<128xi32, #tpu.memory_space<vmem>>, vector<16xi32>,
            tpu.vector_store %arg11[%swap3A_538], %shift_left3A_537 {strides = array<i32>} : memref<128xi32, #tpu.memory_space<vmem>>, vector<16xi32>,
            %dma_start3A_540 = arith.constant 0 : i32
            %dma_start3A_541 = arith.constant 0 : i32
            %dma_start3A_542 = tpu.memref_slice %arg2[%dma_start3A_540, %dma_start3A_541] : memref<500000x128xf32, #tpu.memory_space<hbm>> -> memref<500000x128xf32, #tpu.memory_space<hbm>>
            tpu.enqueue_indirect_dma source(%dma_start3A_542 : memref<500000x128xf32, #tpu.memory_space<hbm>>) target(%arg14 : memref<128x128xf32, #tpu.memory_space<vmem>>) offsets(%arg8 : memref<128xi32, #tpu.memory_space<vmem>>) semaphore(%arg20 : memref<!tpu.dma_semaphore, #tpu.memory_space<semaphore_mem>>)
          } else {
          }
        } else {
        }
        %rem3A_374 = arith.constant 3 : i32
        %rem3A_375 = arith.remsi %scan3A_368, %rem3A_374 : i32
        %eq3A_376 = arith.constant 1 : i32
        %eq3A_377 = arith.cmpi eq, %rem3A_375, %eq3A_376 : i32
        %convert_element_type3A_378 = arith.extui %eq3A_377 : i1 to i32
        %cond3A_379 = arith.constant 0 : i32
        %cond3A_380 = arith.cmpi ne, %convert_element_type3A_378, %cond3A_379 : i32
        scf.if %cond3A_380 {
          %ge3A = arith.constant 2 : i32
          %ge3A_388 = arith.cmpi sge, %scan3A_368, %ge3A : i32
          %convert_element_type3A_389 = arith.extui %ge3A_388 : i1 to i32
          %cond3A_390 = arith.constant 0 : i32
          %cond3A_391 = arith.cmpi ne, %convert_element_type3A_389, %cond3A_390 : i32
          scf.if %cond3A_391 {
            %sub3A_410 = arith.constant 2 : i32
            %sub3A_411 = arith.subi %scan3A_368, %sub3A_410 : i32
            %mul3A_412 = arith.constant 8 : i32
            %mul3A_413 = arith.muli %select_n3A, %mul3A_412 : i32
            %add3A_414 = arith.addi %mul3A_413, %sub3A_411 : i32
            %dma_wait3A_415 = arith.constant 0 : i32
            %dma_wait3A_416 = arith.constant 0 : i32
            %dma_wait3A_417 = arith.constant 0 : i32
            %dma_wait3A_418 = tpu.memref_slice %arg4[%add3A_414, %dma_wait3A_415, %select_n3A_39, %dma_wait3A_416, %dma_wait3A_417] : memref<200x8x32x8x128xf32, #tpu.memory_space<hbm>> -> memref<1x8x1x8x128xf32, #tpu.memory_space<hbm>>
            %dma_wait3A_419 = tpu.memref_squeeze %dma_wait3A_418 : memref<1x8x1x8x128xf32, #tpu.memory_space<hbm>> -> memref<8x8x128xf32, #tpu.memory_space<hbm>>
            %dma_wait3A_420 = arith.constant 0 : i32
            %dma_wait3A_421 = arith.constant 0 : i32
            %dma_wait3A_422 = arith.constant 0 : i32
            %dma_wait3A_423 = tpu.memref_slice %arg4[%add3A_414, %dma_wait3A_420, %select_n3A_39, %dma_wait3A_421, %dma_wait3A_422] : memref<200x8x32x8x128xf32, #tpu.memory_space<hbm>> -> memref<1x8x1x8x128xf32, #tpu.memory_space<hbm>>
            %dma_wait3A_424 = tpu.memref_squeeze %dma_wait3A_423 : memref<1x8x1x8x128xf32, #tpu.memory_space<hbm>> -> memref<8x8x128xf32, #tpu.memory_space<hbm>>
            tpu.wait_dma2 semaphore(%arg23 : memref<!tpu.dma_semaphore, #tpu.memory_space<semaphore_mem>>) src(%arg17 : memref<8x8x128xf32, #tpu.memory_space<vmem>>) dst(%dma_wait3A_424 : memref<8x8x128xf32, #tpu.memory_space<hbm>>)
          } else {
          }
          %ge3A_392 = arith.constant 1 : i32
          %ge3A_393 = arith.cmpi sge, %scan3A_368, %ge3A_392 : i32
          %convert_element_type3A_394 = arith.extui %ge3A_393 : i1 to i32
          %cond3A_395 = arith.constant 0 : i32
          %cond3A_396 = arith.cmpi ne, %convert_element_type3A_394, %cond3A_395 : i32
          scf.if %cond3A_396 {
            %sub3A_410 = arith.constant 1 : i32
            %sub3A_411 = arith.subi %scan3A_368, %sub3A_410 : i32
            %mul3A_412 = arith.constant 8 : i32
            %mul3A_413 = arith.muli %select_n3A, %mul3A_412 : i32
            %add3A_414 = arith.addi %mul3A_413, %sub3A_411 : i32
            %dma_start3A_415 = arith.constant 0 : i32
            %dma_start3A_416 = arith.constant 0 : i32
            %dma_start3A_417 = arith.constant 0 : i32
            %dma_start3A_418 = tpu.memref_slice %arg4[%add3A_414, %dma_start3A_415, %select_n3A_39, %dma_start3A_416, %dma_start3A_417] : memref<200x8x32x8x128xf32, #tpu.memory_space<hbm>> -> memref<1x8x1x8x128xf32, #tpu.memory_space<hbm>>
            %dma_start3A_419 = tpu.memref_squeeze %dma_start3A_418 : memref<1x8x1x8x128xf32, #tpu.memory_space<hbm>> -> memref<8x8x128xf32, #tpu.memory_space<hbm>>
            %dma_start3A_420 = arith.constant 0 : i32
            %dma_start3A_421 = arith.constant 0 : i32
            %dma_start3A_422 = arith.constant 0 : i32
            %dma_start3A_423 = tpu.memref_slice %arg4[%add3A_414, %dma_start3A_420, %select_n3A_39, %dma_start3A_421, %dma_start3A_422] : memref<200x8x32x8x128xf32, #tpu.memory_space<hbm>> -> memref<1x8x1x8x128xf32, #tpu.memory_space<hbm>>
            %dma_start3A_424 = tpu.memref_squeeze %dma_start3A_423 : memref<1x8x1x8x128xf32, #tpu.memory_space<hbm>> -> memref<8x8x128xf32, #tpu.memory_space<hbm>>
            tpu.enqueue_dma source(%arg15 : memref<8x8x128xf32, #tpu.memory_space<vmem>>) target(%dma_start3A_424 : memref<8x8x128xf32, #tpu.memory_space<hbm>>) target_semaphore(%arg21 : memref<!tpu.dma_semaphore, #tpu.memory_space<semaphore_mem>>)
          } else {
          }
          %add3A_397 = arith.constant 1 : i32
          %add3A_398 = arith.addi %scan3A_368, %add3A_397 : i32
          %le3A = arith.constant 7 : i32
          %le3A_399 = arith.cmpi sle, %add3A_398, %le3A : i32
          %convert_element_type3A_400 = arith.extui %le3A_399 : i1 to i32
          %cond3A_401 = arith.constant 0 : i32
          %cond3A_402 = arith.cmpi ne, %convert_element_type3A_400, %cond3A_401 : i32
          scf.if %cond3A_402 {
            %dma_wait3A_410 = arith.constant 0 : i32
            %dma_wait3A_411 = arith.constant 0 : i32
            %dma_wait3A_412 = tpu.memref_slice %arg2[%dma_wait3A_410, %dma_wait3A_411] : memref<500000x128xf32, #tpu.memory_space<hbm>> -> memref<500000x128xf32, #tpu.memory_space<hbm>>
            tpu.wait_indirect_dma semaphore(%arg20 : memref<!tpu.dma_semaphore, #tpu.memory_space<semaphore_mem>>) src(%dma_wait3A_412 : memref<500000x128xf32, #tpu.memory_space<hbm>>) dst(%arg14 : memref<128x128xf32, #tpu.memory_space<vmem>>)
          } else {
          }
          %add3A_403 = arith.constant 2 : i32
          %add3A_404 = arith.addi %scan3A_368, %add3A_403 : i32
          %le3A_405 = arith.constant 7 : i32
          %le3A_406 = arith.cmpi sle, %add3A_404, %le3A_405 : i32
          %convert_element_type3A_407 = arith.extui %le3A_406 : i1 to i32
          %cond3A_408 = arith.constant 0 : i32
          %cond3A_409 = arith.cmpi ne, %convert_element_type3A_407, %cond3A_408 : i32
          scf.if %cond3A_409 {
            %add3A_410 = arith.constant 2 : i32
            %add3A_411 = arith.addi %scan3A_368, %add3A_410 : i32
            %get3A_412 = arith.index_cast %add3A_411 : i32 to index
            %get3A_413 = arith.constant 0 : index
            %get3A_414 = tpu.vector_load %arg5[%get3A_412, %get3A_413] {strides = array<i32>} : memref<8x128xi32, #tpu.memory_space<vmem>>, vector<16xi32>,
            %shift_right_logical3A_415 = arith.constant 1 : i32
            %shift_right_logical3A_416 = vector.broadcast %shift_right_logical3A_415 : i32 to vector<16xi32>
            %shift_right_logical3A_417 = arith.shrui %get3A_414, %shift_right_logical3A_416 : vector<16xi32>
            %swap3A_418 = arith.constant 0 : index
            %swap3A_419 = tpu.vector_load %arg6[%swap3A_418] {strides = array<i32>} : memref<128xi32, #tpu.memory_space<vmem>>, vector<16xi32>,
            tpu.vector_store %arg6[%swap3A_418], %shift_right_logical3A_417 {strides = array<i32>} : memref<128xi32, #tpu.memory_space<vmem>>, vector<16xi32>,
            %and3A_420 = arith.constant 1 : i32
            %and3A_421 = vector.broadcast %and3A_420 : i32 to vector<16xi32>
            %and3A_422 = arith.andi %get3A_414, %and3A_421 : vector<16xi32>
            %shift_left3A_423 = arith.constant 6 : i32
            %shift_left3A_424 = vector.broadcast %shift_left3A_423 : i32 to vector<16xi32>
            %shift_left3A_425 = arith.shli %and3A_422, %shift_left3A_424 : vector<16xi32>
            %swap3A_426 = arith.constant 0 : index
            %swap3A_427 = tpu.vector_load %arg9[%swap3A_426] {strides = array<i32>} : memref<128xi32, #tpu.memory_space<vmem>>, vector<16xi32>,
            tpu.vector_store %arg9[%swap3A_426], %shift_left3A_425 {strides = array<i32>} : memref<128xi32, #tpu.memory_space<vmem>>, vector<16xi32>,
            %get3A_428 = arith.index_cast %add3A_411 : i32 to index
            %get3A_429 = arith.constant 16 : index
            %get3A_430 = tpu.vector_load %arg5[%get3A_428, %get3A_429] {strides = array<i32>} : memref<8x128xi32, #tpu.memory_space<vmem>>, vector<16xi32>,
            %shift_right_logical3A_431 = arith.constant 1 : i32
            %shift_right_logical3A_432 = vector.broadcast %shift_right_logical3A_431 : i32 to vector<16xi32>
            %shift_right_logical3A_433 = arith.shrui %get3A_430, %shift_right_logical3A_432 : vector<16xi32>
            %swap3A_434 = arith.constant 16 : index
            %swap3A_435 = tpu.vector_load %arg6[%swap3A_434] {strides = array<i32>} : memref<128xi32, #tpu.memory_space<vmem>>, vector<16xi32>,
            tpu.vector_store %arg6[%swap3A_434], %shift_right_logical3A_433 {strides = array<i32>} : memref<128xi32, #tpu.memory_space<vmem>>, vector<16xi32>,
            %and3A_436 = arith.constant 1 : i32
            %and3A_437 = vector.broadcast %and3A_436 : i32 to vector<16xi32>
            %and3A_438 = arith.andi %get3A_430, %and3A_437 : vector<16xi32>
            %shift_left3A_439 = arith.constant 6 : i32
            %shift_left3A_440 = vector.broadcast %shift_left3A_439 : i32 to vector<16xi32>
            %shift_left3A_441 = arith.shli %and3A_438, %shift_left3A_440 : vector<16xi32>
            %swap3A_442 = arith.constant 16 : index
            %swap3A_443 = tpu.vector_load %arg9[%swap3A_442] {strides = array<i32>} : memref<128xi32, #tpu.memory_space<vmem>>, vector<16xi32>,
            tpu.vector_store %arg9[%swap3A_442], %shift_left3A_441 {strides = array<i32>} : memref<128xi32, #tpu.memory_space<vmem>>, vector<16xi32>,
            %get3A_444 = arith.index_cast %add3A_411 : i32 to index
            %get3A_445 = arith.constant 32 : index
            %get3A_446 = tpu.vector_load %arg5[%get3A_444, %get3A_445] {strides = array<i32>} : memref<8x128xi32, #tpu.memory_space<vmem>>, vector<16xi32>,
            %shift_right_logical3A_447 = arith.constant 1 : i32
            %shift_right_logical3A_448 = vector.broadcast %shift_right_logical3A_447 : i32 to vector<16xi32>
            %shift_right_logical3A_449 = arith.shrui %get3A_446, %shift_right_logical3A_448 : vector<16xi32>
            %swap3A_450 = arith.constant 32 : index
            %swap3A_451 = tpu.vector_load %arg6[%swap3A_450] {strides = array<i32>} : memref<128xi32, #tpu.memory_space<vmem>>, vector<16xi32>,
            tpu.vector_store %arg6[%swap3A_450], %shift_right_logical3A_449 {strides = array<i32>} : memref<128xi32, #tpu.memory_space<vmem>>, vector<16xi32>,
            %and3A_452 = arith.constant 1 : i32
            %and3A_453 = vector.broadcast %and3A_452 : i32 to vector<16xi32>
            %and3A_454 = arith.andi %get3A_446, %and3A_453 : vector<16xi32>
            %shift_left3A_455 = arith.constant 6 : i32
            %shift_left3A_456 = vector.broadcast %shift_left3A_455 : i32 to vector<16xi32>
            %shift_left3A_457 = arith.shli %and3A_454, %shift_left3A_456 : vector<16xi32>
            %swap3A_458 = arith.constant 32 : index
            %swap3A_459 = tpu.vector_load %arg9[%swap3A_458] {strides = array<i32>} : memref<128xi32, #tpu.memory_space<vmem>>, vector<16xi32>,
            tpu.vector_store %arg9[%swap3A_458], %shift_left3A_457 {strides = array<i32>} : memref<128xi32, #tpu.memory_space<vmem>>, vector<16xi32>,
            %get3A_460 = arith.index_cast %add3A_411 : i32 to index
            %get3A_461 = arith.constant 48 : index
            %get3A_462 = tpu.vector_load %arg5[%get3A_460, %get3A_461] {strides = array<i32>} : memref<8x128xi32, #tpu.memory_space<vmem>>, vector<16xi32>,
            %shift_right_logical3A_463 = arith.constant 1 : i32
            %shift_right_logical3A_464 = vector.broadcast %shift_right_logical3A_463 : i32 to vector<16xi32>
            %shift_right_logical3A_465 = arith.shrui %get3A_462, %shift_right_logical3A_464 : vector<16xi32>
            %swap3A_466 = arith.constant 48 : index
            %swap3A_467 = tpu.vector_load %arg6[%swap3A_466] {strides = array<i32>} : memref<128xi32, #tpu.memory_space<vmem>>, vector<16xi32>,
            tpu.vector_store %arg6[%swap3A_466], %shift_right_logical3A_465 {strides = array<i32>} : memref<128xi32, #tpu.memory_space<vmem>>, vector<16xi32>,
            %and3A_468 = arith.constant 1 : i32
            %and3A_469 = vector.broadcast %and3A_468 : i32 to vector<16xi32>
            %and3A_470 = arith.andi %get3A_462, %and3A_469 : vector<16xi32>
            %shift_left3A_471 = arith.constant 6 : i32
            %shift_left3A_472 = vector.broadcast %shift_left3A_471 : i32 to vector<16xi32>
            %shift_left3A_473 = arith.shli %and3A_470, %shift_left3A_472 : vector<16xi32>
            %swap3A_474 = arith.constant 48 : index
            %swap3A_475 = tpu.vector_load %arg9[%swap3A_474] {strides = array<i32>} : memref<128xi32, #tpu.memory_space<vmem>>, vector<16xi32>,
            tpu.vector_store %arg9[%swap3A_474], %shift_left3A_473 {strides = array<i32>} : memref<128xi32, #tpu.memory_space<vmem>>, vector<16xi32>,
            %get3A_476 = arith.index_cast %add3A_411 : i32 to index
            %get3A_477 = arith.constant 64 : index
            %get3A_478 = tpu.vector_load %arg5[%get3A_476, %get3A_477] {strides = array<i32>} : memref<8x128xi32, #tpu.memory_space<vmem>>, vector<16xi32>,
            %shift_right_logical3A_479 = arith.constant 1 : i32
            %shift_right_logical3A_480 = vector.broadcast %shift_right_logical3A_479 : i32 to vector<16xi32>
            %shift_right_logical3A_481 = arith.shrui %get3A_478, %shift_right_logical3A_480 : vector<16xi32>
            %swap3A_482 = arith.constant 64 : index
            %swap3A_483 = tpu.vector_load %arg6[%swap3A_482] {strides = array<i32>} : memref<128xi32, #tpu.memory_space<vmem>>, vector<16xi32>,
            tpu.vector_store %arg6[%swap3A_482], %shift_right_logical3A_481 {strides = array<i32>} : memref<128xi32, #tpu.memory_space<vmem>>, vector<16xi32>,
            %and3A_484 = arith.constant 1 : i32
            %and3A_485 = vector.broadcast %and3A_484 : i32 to vector<16xi32>
            %and3A_486 = arith.andi %get3A_478, %and3A_485 : vector<16xi32>
            %shift_left3A_487 = arith.constant 6 : i32
            %shift_left3A_488 = vector.broadcast %shift_left3A_487 : i32 to vector<16xi32>
            %shift_left3A_489 = arith.shli %and3A_486, %shift_left3A_488 : vector<16xi32>
            %swap3A_490 = arith.constant 64 : index
            %swap3A_491 = tpu.vector_load %arg9[%swap3A_490] {strides = array<i32>} : memref<128xi32, #tpu.memory_space<vmem>>, vector<16xi32>,
            tpu.vector_store %arg9[%swap3A_490], %shift_left3A_489 {strides = array<i32>} : memref<128xi32, #tpu.memory_space<vmem>>, vector<16xi32>,
            %get3A_492 = arith.index_cast %add3A_411 : i32 to index
            %get3A_493 = arith.constant 80 : index
            %get3A_494 = tpu.vector_load %arg5[%get3A_492, %get3A_493] {strides = array<i32>} : memref<8x128xi32, #tpu.memory_space<vmem>>, vector<16xi32>,
            %shift_right_logical3A_495 = arith.constant 1 : i32
            %shift_right_logical3A_496 = vector.broadcast %shift_right_logical3A_495 : i32 to vector<16xi32>
            %shift_right_logical3A_497 = arith.shrui %get3A_494, %shift_right_logical3A_496 : vector<16xi32>
            %swap3A_498 = arith.constant 80 : index
            %swap3A_499 = tpu.vector_load %arg6[%swap3A_498] {strides = array<i32>} : memref<128xi32, #tpu.memory_space<vmem>>, vector<16xi32>,
            tpu.vector_store %arg6[%swap3A_498], %shift_right_logical3A_497 {strides = array<i32>} : memref<128xi32, #tpu.memory_space<vmem>>, vector<16xi32>,
            %and3A_500 = arith.constant 1 : i32
            %and3A_501 = vector.broadcast %and3A_500 : i32 to vector<16xi32>
            %and3A_502 = arith.andi %get3A_494, %and3A_501 : vector<16xi32>
            %shift_left3A_503 = arith.constant 6 : i32
            %shift_left3A_504 = vector.broadcast %shift_left3A_503 : i32 to vector<16xi32>
            %shift_left3A_505 = arith.shli %and3A_502, %shift_left3A_504 : vector<16xi32>
            %swap3A_506 = arith.constant 80 : index
            %swap3A_507 = tpu.vector_load %arg9[%swap3A_506] {strides = array<i32>} : memref<128xi32, #tpu.memory_space<vmem>>, vector<16xi32>,
            tpu.vector_store %arg9[%swap3A_506], %shift_left3A_505 {strides = array<i32>} : memref<128xi32, #tpu.memory_space<vmem>>, vector<16xi32>,
            %get3A_508 = arith.index_cast %add3A_411 : i32 to index
            %get3A_509 = arith.constant 96 : index
            %get3A_510 = tpu.vector_load %arg5[%get3A_508, %get3A_509] {strides = array<i32>} : memref<8x128xi32, #tpu.memory_space<vmem>>, vector<16xi32>,
            %shift_right_logical3A_511 = arith.constant 1 : i32
            %shift_right_logical3A_512 = vector.broadcast %shift_right_logical3A_511 : i32 to vector<16xi32>
            %shift_right_logical3A_513 = arith.shrui %get3A_510, %shift_right_logical3A_512 : vector<16xi32>
            %swap3A_514 = arith.constant 96 : index
            %swap3A_515 = tpu.vector_load %arg6[%swap3A_514] {strides = array<i32>} : memref<128xi32, #tpu.memory_space<vmem>>, vector<16xi32>,
            tpu.vector_store %arg6[%swap3A_514], %shift_right_logical3A_513 {strides = array<i32>} : memref<128xi32, #tpu.memory_space<vmem>>, vector<16xi32>,
            %and3A_516 = arith.constant 1 : i32
            %and3A_517 = vector.broadcast %and3A_516 : i32 to vector<16xi32>
            %and3A_518 = arith.andi %get3A_510, %and3A_517 : vector<16xi32>
            %shift_left3A_519 = arith.constant 6 : i32
            %shift_left3A_520 = vector.broadcast %shift_left3A_519 : i32 to vector<16xi32>
            %shift_left3A_521 = arith.shli %and3A_518, %shift_left3A_520 : vector<16xi32>
            %swap3A_522 = arith.constant 96 : index
            %swap3A_523 = tpu.vector_load %arg9[%swap3A_522] {strides = array<i32>} : memref<128xi32, #tpu.memory_space<vmem>>, vector<16xi32>,
            tpu.vector_store %arg9[%swap3A_522], %shift_left3A_521 {strides = array<i32>} : memref<128xi32, #tpu.memory_space<vmem>>, vector<16xi32>,
            %get3A_524 = arith.index_cast %add3A_411 : i32 to index
            %get3A_525 = arith.constant 112 : index
            %get3A_526 = tpu.vector_load %arg5[%get3A_524, %get3A_525] {strides = array<i32>} : memref<8x128xi32, #tpu.memory_space<vmem>>, vector<16xi32>,
            %shift_right_logical3A_527 = arith.constant 1 : i32
            %shift_right_logical3A_528 = vector.broadcast %shift_right_logical3A_527 : i32 to vector<16xi32>
            %shift_right_logical3A_529 = arith.shrui %get3A_526, %shift_right_logical3A_528 : vector<16xi32>
            %swap3A_530 = arith.constant 112 : index
            %swap3A_531 = tpu.vector_load %arg6[%swap3A_530] {strides = array<i32>} : memref<128xi32, #tpu.memory_space<vmem>>, vector<16xi32>,
            tpu.vector_store %arg6[%swap3A_530], %shift_right_logical3A_529 {strides = array<i32>} : memref<128xi32, #tpu.memory_space<vmem>>, vector<16xi32>,
            %and3A_532 = arith.constant 1 : i32
            %and3A_533 = vector.broadcast %and3A_532 : i32 to vector<16xi32>
            %and3A_534 = arith.andi %get3A_526, %and3A_533 : vector<16xi32>
            %shift_left3A_535 = arith.constant 6 : i32
            %shift_left3A_536 = vector.broadcast %shift_left3A_535 : i32 to vector<16xi32>
            %shift_left3A_537 = arith.shli %and3A_534, %shift_left3A_536 : vector<16xi32>
            %swap3A_538 = arith.constant 112 : index
            %swap3A_539 = tpu.vector_load %arg9[%swap3A_538] {strides = array<i32>} : memref<128xi32, #tpu.memory_space<vmem>>, vector<16xi32>,
            tpu.vector_store %arg9[%swap3A_538], %shift_left3A_537 {strides = array<i32>} : memref<128xi32, #tpu.memory_space<vmem>>, vector<16xi32>,
            %dma_start3A_540 = arith.constant 0 : i32
            %dma_start3A_541 = arith.constant 0 : i32
            %dma_start3A_542 = tpu.memref_slice %arg2[%dma_start3A_540, %dma_start3A_541] : memref<500000x128xf32, #tpu.memory_space<hbm>> -> memref<500000x128xf32, #tpu.memory_space<hbm>>
            tpu.enqueue_indirect_dma source(%dma_start3A_542 : memref<500000x128xf32, #tpu.memory_space<hbm>>) target(%arg12 : memref<128x128xf32, #tpu.memory_space<vmem>>) offsets(%arg6 : memref<128xi32, #tpu.memory_space<vmem>>) semaphore(%arg18 : memref<!tpu.dma_semaphore, #tpu.memory_space<semaphore_mem>>)
          } else {
          }
        } else {
        }
        %rem3A_381 = arith.constant 3 : i32
        %rem3A_382 = arith.remsi %scan3A_368, %rem3A_381 : i32
        %eq3A_383 = arith.constant 2 : i32
        %eq3A_384 = arith.cmpi eq, %rem3A_382, %eq3A_383 : i32
        %convert_element_type3A_385 = arith.extui %eq3A_384 : i1 to i32
        %cond3A_386 = arith.constant 0 : i32
        %cond3A_387 = arith.cmpi ne, %convert_element_type3A_385, %cond3A_386 : i32
        scf.if %cond3A_387 {
          %ge3A = arith.constant 2 : i32
          %ge3A_388 = arith.cmpi sge, %scan3A_368, %ge3A : i32
          %convert_element_type3A_389 = arith.extui %ge3A_388 : i1 to i32
          %cond3A_390 = arith.constant 0 : i32
          %cond3A_391 = arith.cmpi ne, %convert_element_type3A_389, %cond3A_390 : i32
          scf.if %cond3A_391 {
            %sub3A_410 = arith.constant 2 : i32
            %sub3A_411 = arith.subi %scan3A_368, %sub3A_410 : i32
            %mul3A_412 = arith.constant 8 : i32
            %mul3A_413 = arith.muli %select_n3A, %mul3A_412 : i32
            %add3A_414 = arith.addi %mul3A_413, %sub3A_411 : i32
            %dma_wait3A_415 = arith.constant 0 : i32
            %dma_wait3A_416 = arith.constant 0 : i32
            %dma_wait3A_417 = arith.constant 0 : i32
            %dma_wait3A_418 = tpu.memref_slice %arg4[%add3A_414, %dma_wait3A_415, %select_n3A_39, %dma_wait3A_416, %dma_wait3A_417] : memref<200x8x32x8x128xf32, #tpu.memory_space<hbm>> -> memref<1x8x1x8x128xf32, #tpu.memory_space<hbm>>
            %dma_wait3A_419 = tpu.memref_squeeze %dma_wait3A_418 : memref<1x8x1x8x128xf32, #tpu.memory_space<hbm>> -> memref<8x8x128xf32, #tpu.memory_space<hbm>>
            %dma_wait3A_420 = arith.constant 0 : i32
            %dma_wait3A_421 = arith.constant 0 : i32
            %dma_wait3A_422 = arith.constant 0 : i32
            %dma_wait3A_423 = tpu.memref_slice %arg4[%add3A_414, %dma_wait3A_420, %select_n3A_39, %dma_wait3A_421, %dma_wait3A_422] : memref<200x8x32x8x128xf32, #tpu.memory_space<hbm>> -> memref<1x8x1x8x128xf32, #tpu.memory_space<hbm>>
            %dma_wait3A_424 = tpu.memref_squeeze %dma_wait3A_423 : memref<1x8x1x8x128xf32, #tpu.memory_space<hbm>> -> memref<8x8x128xf32, #tpu.memory_space<hbm>>
            tpu.wait_dma2 semaphore(%arg21 : memref<!tpu.dma_semaphore, #tpu.memory_space<semaphore_mem>>) src(%arg15 : memref<8x8x128xf32, #tpu.memory_space<vmem>>) dst(%dma_wait3A_424 : memref<8x8x128xf32, #tpu.memory_space<hbm>>)
          } else {
          }
          %ge3A_392 = arith.constant 1 : i32
          %ge3A_393 = arith.cmpi sge, %scan3A_368, %ge3A_392 : i32
          %convert_element_type3A_394 = arith.extui %ge3A_393 : i1 to i32
          %cond3A_395 = arith.constant 0 : i32
          %cond3A_396 = arith.cmpi ne, %convert_element_type3A_394, %cond3A_395 : i32
          scf.if %cond3A_396 {
            %sub3A_410 = arith.constant 1 : i32
            %sub3A_411 = arith.subi %scan3A_368, %sub3A_410 : i32
            %mul3A_412 = arith.constant 8 : i32
            %mul3A_413 = arith.muli %select_n3A, %mul3A_412 : i32
            %add3A_414 = arith.addi %mul3A_413, %sub3A_411 : i32
            %dma_start3A_415 = arith.constant 0 : i32
            %dma_start3A_416 = arith.constant 0 : i32
            %dma_start3A_417 = arith.constant 0 : i32
            %dma_start3A_418 = tpu.memref_slice %arg4[%add3A_414, %dma_start3A_415, %select_n3A_39, %dma_start3A_416, %dma_start3A_417] : memref<200x8x32x8x128xf32, #tpu.memory_space<hbm>> -> memref<1x8x1x8x128xf32, #tpu.memory_space<hbm>>
            %dma_start3A_419 = tpu.memref_squeeze %dma_start3A_418 : memref<1x8x1x8x128xf32, #tpu.memory_space<hbm>> -> memref<8x8x128xf32, #tpu.memory_space<hbm>>
            %dma_start3A_420 = arith.constant 0 : i32
            %dma_start3A_421 = arith.constant 0 : i32
            %dma_start3A_422 = arith.constant 0 : i32
            %dma_start3A_423 = tpu.memref_slice %arg4[%add3A_414, %dma_start3A_420, %select_n3A_39, %dma_start3A_421, %dma_start3A_422] : memref<200x8x32x8x128xf32, #tpu.memory_space<hbm>> -> memref<1x8x1x8x128xf32, #tpu.memory_space<hbm>>
            %dma_start3A_424 = tpu.memref_squeeze %dma_start3A_423 : memref<1x8x1x8x128xf32, #tpu.memory_space<hbm>> -> memref<8x8x128xf32, #tpu.memory_space<hbm>>
            tpu.enqueue_dma source(%arg16 : memref<8x8x128xf32, #tpu.memory_space<vmem>>) target(%dma_start3A_424 : memref<8x8x128xf32, #tpu.memory_space<hbm>>) target_semaphore(%arg22 : memref<!tpu.dma_semaphore, #tpu.memory_space<semaphore_mem>>)
          } else {
          }
          %add3A_397 = arith.constant 1 : i32
          %add3A_398 = arith.addi %scan3A_368, %add3A_397 : i32
          %le3A = arith.constant 7 : i32
          %le3A_399 = arith.cmpi sle, %add3A_398, %le3A : i32
          %convert_element_type3A_400 = arith.extui %le3A_399 : i1 to i32
          %cond3A_401 = arith.constant 0 : i32
          %cond3A_402 = arith.cmpi ne, %convert_element_type3A_400, %cond3A_401 : i32
          scf.if %cond3A_402 {
            %dma_wait3A_410 = arith.constant 0 : i32
            %dma_wait3A_411 = arith.constant 0 : i32
            %dma_wait3A_412 = tpu.memref_slice %arg2[%dma_wait3A_410, %dma_wait3A_411] : memref<500000x128xf32, #tpu.memory_space<hbm>> -> memref<500000x128xf32, #tpu.memory_space<hbm>>
            tpu.wait_indirect_dma semaphore(%arg18 : memref<!tpu.dma_semaphore, #tpu.memory_space<semaphore_mem>>) src(%dma_wait3A_412 : memref<500000x128xf32, #tpu.memory_space<hbm>>) dst(%arg12 : memref<128x128xf32, #tpu.memory_space<vmem>>)
          } else {
          }
          %add3A_403 = arith.constant 2 : i32
          %add3A_404 = arith.addi %scan3A_368, %add3A_403 : i32
          %le3A_405 = arith.constant 7 : i32
          %le3A_406 = arith.cmpi sle, %add3A_404, %le3A_405 : i32
          %convert_element_type3A_407 = arith.extui %le3A_406 : i1 to i32
          %cond3A_408 = arith.constant 0 : i32
          %cond3A_409 = arith.cmpi ne, %convert_element_type3A_407, %cond3A_408 : i32
          scf.if %cond3A_409 {
            %add3A_410 = arith.constant 2 : i32
            %add3A_411 = arith.addi %scan3A_368, %add3A_410 : i32
            %get3A_412 = arith.index_cast %add3A_411 : i32 to index
            %get3A_413 = arith.constant 0 : index
            %get3A_414 = tpu.vector_load %arg5[%get3A_412, %get3A_413] {strides = array<i32>} : memref<8x128xi32, #tpu.memory_space<vmem>>, vector<16xi32>,
            %shift_right_logical3A_415 = arith.constant 1 : i32
            %shift_right_logical3A_416 = vector.broadcast %shift_right_logical3A_415 : i32 to vector<16xi32>
            %shift_right_logical3A_417 = arith.shrui %get3A_414, %shift_right_logical3A_416 : vector<16xi32>
            %swap3A_418 = arith.constant 0 : index
            %swap3A_419 = tpu.vector_load %arg7[%swap3A_418] {strides = array<i32>} : memref<128xi32, #tpu.memory_space<vmem>>, vector<16xi32>,
            tpu.vector_store %arg7[%swap3A_418], %shift_right_logical3A_417 {strides = array<i32>} : memref<128xi32, #tpu.memory_space<vmem>>, vector<16xi32>,
            %and3A_420 = arith.constant 1 : i32
            %and3A_421 = vector.broadcast %and3A_420 : i32 to vector<16xi32>
            %and3A_422 = arith.andi %get3A_414, %and3A_421 : vector<16xi32>
            %shift_left3A_423 = arith.constant 6 : i32
            %shift_left3A_424 = vector.broadcast %shift_left3A_423 : i32 to vector<16xi32>
            %shift_left3A_425 = arith.shli %and3A_422, %shift_left3A_424 : vector<16xi32>
            %swap3A_426 = arith.constant 0 : index
            %swap3A_427 = tpu.vector_load %arg10[%swap3A_426] {strides = array<i32>} : memref<128xi32, #tpu.memory_space<vmem>>, vector<16xi32>,
            tpu.vector_store %arg10[%swap3A_426], %shift_left3A_425 {strides = array<i32>} : memref<128xi32, #tpu.memory_space<vmem>>, vector<16xi32>,
            %get3A_428 = arith.index_cast %add3A_411 : i32 to index
            %get3A_429 = arith.constant 16 : index
            %get3A_430 = tpu.vector_load %arg5[%get3A_428, %get3A_429] {strides = array<i32>} : memref<8x128xi32, #tpu.memory_space<vmem>>, vector<16xi32>,
            %shift_right_logical3A_431 = arith.constant 1 : i32
            %shift_right_logical3A_432 = vector.broadcast %shift_right_logical3A_431 : i32 to vector<16xi32>
            %shift_right_logical3A_433 = arith.shrui %get3A_430, %shift_right_logical3A_432 : vector<16xi32>
            %swap3A_434 = arith.constant 16 : index
            %swap3A_435 = tpu.vector_load %arg7[%swap3A_434] {strides = array<i32>} : memref<128xi32, #tpu.memory_space<vmem>>, vector<16xi32>,
            tpu.vector_store %arg7[%swap3A_434], %shift_right_logical3A_433 {strides = array<i32>} : memref<128xi32, #tpu.memory_space<vmem>>, vector<16xi32>,
            %and3A_436 = arith.constant 1 : i32
            %and3A_437 = vector.broadcast %and3A_436 : i32 to vector<16xi32>
            %and3A_438 = arith.andi %get3A_430, %and3A_437 : vector<16xi32>
            %shift_left3A_439 = arith.constant 6 : i32
            %shift_left3A_440 = vector.broadcast %shift_left3A_439 : i32 to vector<16xi32>
            %shift_left3A_441 = arith.shli %and3A_438, %shift_left3A_440 : vector<16xi32>
            %swap3A_442 = arith.constant 16 : index
            %swap3A_443 = tpu.vector_load %arg10[%swap3A_442] {strides = array<i32>} : memref<128xi32, #tpu.memory_space<vmem>>, vector<16xi32>,
            tpu.vector_store %arg10[%swap3A_442], %shift_left3A_441 {strides = array<i32>} : memref<128xi32, #tpu.memory_space<vmem>>, vector<16xi32>,
            %get3A_444 = arith.index_cast %add3A_411 : i32 to index
            %get3A_445 = arith.constant 32 : index
            %get3A_446 = tpu.vector_load %arg5[%get3A_444, %get3A_445] {strides = array<i32>} : memref<8x128xi32, #tpu.memory_space<vmem>>, vector<16xi32>,
            %shift_right_logical3A_447 = arith.constant 1 : i32
            %shift_right_logical3A_448 = vector.broadcast %shift_right_logical3A_447 : i32 to vector<16xi32>
            %shift_right_logical3A_449 = arith.shrui %get3A_446, %shift_right_logical3A_448 : vector<16xi32>
            %swap3A_450 = arith.constant 32 : index
            %swap3A_451 = tpu.vector_load %arg7[%swap3A_450] {strides = array<i32>} : memref<128xi32, #tpu.memory_space<vmem>>, vector<16xi32>,
            tpu.vector_store %arg7[%swap3A_450], %shift_right_logical3A_449 {strides = array<i32>} : memref<128xi32, #tpu.memory_space<vmem>>, vector<16xi32>,
            %and3A_452 = arith.constant 1 : i32
            %and3A_453 = vector.broadcast %and3A_452 : i32 to vector<16xi32>
            %and3A_454 = arith.andi %get3A_446, %and3A_453 : vector<16xi32>
            %shift_left3A_455 = arith.constant 6 : i32
            %shift_left3A_456 = vector.broadcast %shift_left3A_455 : i32 to vector<16xi32>
            %shift_left3A_457 = arith.shli %and3A_454, %shift_left3A_456 : vector<16xi32>
            %swap3A_458 = arith.constant 32 : index
            %swap3A_459 = tpu.vector_load %arg10[%swap3A_458] {strides = array<i32>} : memref<128xi32, #tpu.memory_space<vmem>>, vector<16xi32>,
            tpu.vector_store %arg10[%swap3A_458], %shift_left3A_457 {strides = array<i32>} : memref<128xi32, #tpu.memory_space<vmem>>, vector<16xi32>,
            %get3A_460 = arith.index_cast %add3A_411 : i32 to index
            %get3A_461 = arith.constant 48 : index
            %get3A_462 = tpu.vector_load %arg5[%get3A_460, %get3A_461] {strides = array<i32>} : memref<8x128xi32, #tpu.memory_space<vmem>>, vector<16xi32>,
            %shift_right_logical3A_463 = arith.constant 1 : i32
            %shift_right_logical3A_464 = vector.broadcast %shift_right_logical3A_463 : i32 to vector<16xi32>
            %shift_right_logical3A_465 = arith.shrui %get3A_462, %shift_right_logical3A_464 : vector<16xi32>
            %swap3A_466 = arith.constant 48 : index
            %swap3A_467 = tpu.vector_load %arg7[%swap3A_466] {strides = array<i32>} : memref<128xi32, #tpu.memory_space<vmem>>, vector<16xi32>,
            tpu.vector_store %arg7[%swap3A_466], %shift_right_logical3A_465 {strides = array<i32>} : memref<128xi32, #tpu.memory_space<vmem>>, vector<16xi32>,
            %and3A_468 = arith.constant 1 : i32
            %and3A_469 = vector.broadcast %and3A_468 : i32 to vector<16xi32>
            %and3A_470 = arith.andi %get3A_462, %and3A_469 : vector<16xi32>
            %shift_left3A_471 = arith.constant 6 : i32
            %shift_left3A_472 = vector.broadcast %shift_left3A_471 : i32 to vector<16xi32>
            %shift_left3A_473 = arith.shli %and3A_470, %shift_left3A_472 : vector<16xi32>
            %swap3A_474 = arith.constant 48 : index
            %swap3A_475 = tpu.vector_load %arg10[%swap3A_474] {strides = array<i32>} : memref<128xi32, #tpu.memory_space<vmem>>, vector<16xi32>,
            tpu.vector_store %arg10[%swap3A_474], %shift_left3A_473 {strides = array<i32>} : memref<128xi32, #tpu.memory_space<vmem>>, vector<16xi32>,
            %get3A_476 = arith.index_cast %add3A_411 : i32 to index
            %get3A_477 = arith.constant 64 : index
            %get3A_478 = tpu.vector_load %arg5[%get3A_476, %get3A_477] {strides = array<i32>} : memref<8x128xi32, #tpu.memory_space<vmem>>, vector<16xi32>,
            %shift_right_logical3A_479 = arith.constant 1 : i32
            %shift_right_logical3A_480 = vector.broadcast %shift_right_logical3A_479 : i32 to vector<16xi32>
            %shift_right_logical3A_481 = arith.shrui %get3A_478, %shift_right_logical3A_480 : vector<16xi32>
            %swap3A_482 = arith.constant 64 : index
            %swap3A_483 = tpu.vector_load %arg7[%swap3A_482] {strides = array<i32>} : memref<128xi32, #tpu.memory_space<vmem>>, vector<16xi32>,
            tpu.vector_store %arg7[%swap3A_482], %shift_right_logical3A_481 {strides = array<i32>} : memref<128xi32, #tpu.memory_space<vmem>>, vector<16xi32>,
            %and3A_484 = arith.constant 1 : i32
            %and3A_485 = vector.broadcast %and3A_484 : i32 to vector<16xi32>
            %and3A_486 = arith.andi %get3A_478, %and3A_485 : vector<16xi32>
            %shift_left3A_487 = arith.constant 6 : i32
            %shift_left3A_488 = vector.broadcast %shift_left3A_487 : i32 to vector<16xi32>
            %shift_left3A_489 = arith.shli %and3A_486, %shift_left3A_488 : vector<16xi32>
            %swap3A_490 = arith.constant 64 : index
            %swap3A_491 = tpu.vector_load %arg10[%swap3A_490] {strides = array<i32>} : memref<128xi32, #tpu.memory_space<vmem>>, vector<16xi32>,
            tpu.vector_store %arg10[%swap3A_490], %shift_left3A_489 {strides = array<i32>} : memref<128xi32, #tpu.memory_space<vmem>>, vector<16xi32>,
            %get3A_492 = arith.index_cast %add3A_411 : i32 to index
            %get3A_493 = arith.constant 80 : index
            %get3A_494 = tpu.vector_load %arg5[%get3A_492, %get3A_493] {strides = array<i32>} : memref<8x128xi32, #tpu.memory_space<vmem>>, vector<16xi32>,
            %shift_right_logical3A_495 = arith.constant 1 : i32
            %shift_right_logical3A_496 = vector.broadcast %shift_right_logical3A_495 : i32 to vector<16xi32>
            %shift_right_logical3A_497 = arith.shrui %get3A_494, %shift_right_logical3A_496 : vector<16xi32>
            %swap3A_498 = arith.constant 80 : index
            %swap3A_499 = tpu.vector_load %arg7[%swap3A_498] {strides = array<i32>} : memref<128xi32, #tpu.memory_space<vmem>>, vector<16xi32>,
            tpu.vector_store %arg7[%swap3A_498], %shift_right_logical3A_497 {strides = array<i32>} : memref<128xi32, #tpu.memory_space<vmem>>, vector<16xi32>,
            %and3A_500 = arith.constant 1 : i32
            %and3A_501 = vector.broadcast %and3A_500 : i32 to vector<16xi32>
            %and3A_502 = arith.andi %get3A_494, %and3A_501 : vector<16xi32>
            %shift_left3A_503 = arith.constant 6 : i32
            %shift_left3A_504 = vector.broadcast %shift_left3A_503 : i32 to vector<16xi32>
            %shift_left3A_505 = arith.shli %and3A_502, %shift_left3A_504 : vector<16xi32>
            %swap3A_506 = arith.constant 80 : index
            %swap3A_507 = tpu.vector_load %arg10[%swap3A_506] {strides = array<i32>} : memref<128xi32, #tpu.memory_space<vmem>>, vector<16xi32>,
            tpu.vector_store %arg10[%swap3A_506], %shift_left3A_505 {strides = array<i32>} : memref<128xi32, #tpu.memory_space<vmem>>, vector<16xi32>,
            %get3A_508 = arith.index_cast %add3A_411 : i32 to index
            %get3A_509 = arith.constant 96 : index
            %get3A_510 = tpu.vector_load %arg5[%get3A_508, %get3A_509] {strides = array<i32>} : memref<8x128xi32, #tpu.memory_space<vmem>>, vector<16xi32>,
            %shift_right_logical3A_511 = arith.constant 1 : i32
            %shift_right_logical3A_512 = vector.broadcast %shift_right_logical3A_511 : i32 to vector<16xi32>
            %shift_right_logical3A_513 = arith.shrui %get3A_510, %shift_right_logical3A_512 : vector<16xi32>
            %swap3A_514 = arith.constant 96 : index
            %swap3A_515 = tpu.vector_load %arg7[%swap3A_514] {strides = array<i32>} : memref<128xi32, #tpu.memory_space<vmem>>, vector<16xi32>,
            tpu.vector_store %arg7[%swap3A_514], %shift_right_logical3A_513 {strides = array<i32>} : memref<128xi32, #tpu.memory_space<vmem>>, vector<16xi32>,
            %and3A_516 = arith.constant 1 : i32
            %and3A_517 = vector.broadcast %and3A_516 : i32 to vector<16xi32>
            %and3A_518 = arith.andi %get3A_510, %and3A_517 : vector<16xi32>
            %shift_left3A_519 = arith.constant 6 : i32
            %shift_left3A_520 = vector.broadcast %shift_left3A_519 : i32 to vector<16xi32>
            %shift_left3A_521 = arith.shli %and3A_518, %shift_left3A_520 : vector<16xi32>
            %swap3A_522 = arith.constant 96 : index
            %swap3A_523 = tpu.vector_load %arg10[%swap3A_522] {strides = array<i32>} : memref<128xi32, #tpu.memory_space<vmem>>, vector<16xi32>,
            tpu.vector_store %arg10[%swap3A_522], %shift_left3A_521 {strides = array<i32>} : memref<128xi32, #tpu.memory_space<vmem>>, vector<16xi32>,
            %get3A_524 = arith.index_cast %add3A_411 : i32 to index
            %get3A_525 = arith.constant 112 : index
            %get3A_526 = tpu.vector_load %arg5[%get3A_524, %get3A_525] {strides = array<i32>} : memref<8x128xi32, #tpu.memory_space<vmem>>, vector<16xi32>,
            %shift_right_logical3A_527 = arith.constant 1 : i32
            %shift_right_logical3A_528 = vector.broadcast %shift_right_logical3A_527 : i32 to vector<16xi32>
            %shift_right_logical3A_529 = arith.shrui %get3A_526, %shift_right_logical3A_528 : vector<16xi32>
            %swap3A_530 = arith.constant 112 : index
            %swap3A_531 = tpu.vector_load %arg7[%swap3A_530] {strides = array<i32>} : memref<128xi32, #tpu.memory_space<vmem>>, vector<16xi32>,
            tpu.vector_store %arg7[%swap3A_530], %shift_right_logical3A_529 {strides = array<i32>} : memref<128xi32, #tpu.memory_space<vmem>>, vector<16xi32>,
            %and3A_532 = arith.constant 1 : i32
            %and3A_533 = vector.broadcast %and3A_532 : i32 to vector<16xi32>
            %and3A_534 = arith.andi %get3A_526, %and3A_533 : vector<16xi32>
            %shift_left3A_535 = arith.constant 6 : i32
            %shift_left3A_536 = vector.broadcast %shift_left3A_535 : i32 to vector<16xi32>
            %shift_left3A_537 = arith.shli %and3A_534, %shift_left3A_536 : vector<16xi32>
            %swap3A_538 = arith.constant 112 : index
            %swap3A_539 = tpu.vector_load %arg10[%swap3A_538] {strides = array<i32>} : memref<128xi32, #tpu.memory_space<vmem>>, vector<16xi32>,
            tpu.vector_store %arg10[%swap3A_538], %shift_left3A_537 {strides = array<i32>} : memref<128xi32, #tpu.memory_space<vmem>>, vector<16xi32>,
            %dma_start3A_540 = arith.constant 0 : i32
            %dma_start3A_541 = arith.constant 0 : i32
            %dma_start3A_542 = tpu.memref_slice %arg2[%dma_start3A_540, %dma_start3A_541] : memref<500000x128xf32, #tpu.memory_space<hbm>> -> memref<500000x128xf32, #tpu.memory_space<hbm>>
            tpu.enqueue_indirect_dma source(%dma_start3A_542 : memref<500000x128xf32, #tpu.memory_space<hbm>>) target(%arg13 : memref<128x128xf32, #tpu.memory_space<vmem>>) offsets(%arg7 : memref<128xi32, #tpu.memory_space<vmem>>) semaphore(%arg19 : memref<!tpu.dma_semaphore, #tpu.memory_space<semaphore_mem>>)
          } else {
          }
        } else {
        }
      }
      %scan3A_325 = arith.constant 8 : i32
      %mul3A_326 = arith.constant 8 : i32
      %mul3A_327 = arith.muli %select_n3A, %mul3A_326 : i32
      %add3A_328 = arith.constant 7 : i32
      %add3A_329 = arith.addi %mul3A_327, %add3A_328 : i32
      %dma_start3A_330 = arith.constant 0 : i32
      %dma_start3A_331 = arith.constant 0 : i32
      %dma_start3A_332 = arith.constant 0 : i32
      %dma_start3A_333 = tpu.memref_slice %arg4[%add3A_329, %dma_start3A_330, %select_n3A_39, %dma_start3A_331, %dma_start3A_332] : memref<200x8x32x8x128xf32, #tpu.memory_space<hbm>> -> memref<1x8x1x8x128xf32, #tpu.memory_space<hbm>>
      %dma_start3A_334 = tpu.memref_squeeze %dma_start3A_333 : memref<1x8x1x8x128xf32, #tpu.memory_space<hbm>> -> memref<8x8x128xf32, #tpu.memory_space<hbm>>
      %dma_start3A_335 = arith.constant 0 : i32
      %dma_start3A_336 = arith.constant 0 : i32
      %dma_start3A_337 = arith.constant 0 : i32
      %dma_start3A_338 = tpu.memref_slice %arg4[%add3A_329, %dma_start3A_335, %select_n3A_39, %dma_start3A_336, %dma_start3A_337] : memref<200x8x32x8x128xf32, #tpu.memory_space<hbm>> -> memref<1x8x1x8x128xf32, #tpu.memory_space<hbm>>
      %dma_start3A_339 = tpu.memref_squeeze %dma_start3A_338 : memref<1x8x1x8x128xf32, #tpu.memory_space<hbm>> -> memref<8x8x128xf32, #tpu.memory_space<hbm>>
      tpu.enqueue_dma source(%arg16 : memref<8x8x128xf32, #tpu.memory_space<vmem>>) target(%dma_start3A_339 : memref<8x8x128xf32, #tpu.memory_space<hbm>>) target_semaphore(%arg22 : memref<!tpu.dma_semaphore, #tpu.memory_space<semaphore_mem>>)
      %mul3A_340 = arith.constant 8 : i32
      %mul3A_341 = arith.muli %select_n3A, %mul3A_340 : i32
      %add3A_342 = arith.constant 6 : i32
      %add3A_343 = arith.addi %mul3A_341, %add3A_342 : i32
      %dma_wait3A_344 = arith.constant 0 : i32
      %dma_wait3A_345 = arith.constant 0 : i32
      %dma_wait3A_346 = arith.constant 0 : i32
      %dma_wait3A_347 = tpu.memref_slice %arg4[%add3A_343, %dma_wait3A_344, %select_n3A_39, %dma_wait3A_345, %dma_wait3A_346] : memref<200x8x32x8x128xf32, #tpu.memory_space<hbm>> -> memref<1x8x1x8x128xf32, #tpu.memory_space<hbm>>
      %dma_wait3A_348 = tpu.memref_squeeze %dma_wait3A_347 : memref<1x8x1x8x128xf32, #tpu.memory_space<hbm>> -> memref<8x8x128xf32, #tpu.memory_space<hbm>>
      %dma_wait3A_349 = arith.constant 0 : i32
      %dma_wait3A_350 = arith.constant 0 : i32
      %dma_wait3A_351 = arith.constant 0 : i32
      %dma_wait3A_352 = tpu.memref_slice %arg4[%add3A_343, %dma_wait3A_349, %select_n3A_39, %dma_wait3A_350, %dma_wait3A_351] : memref<200x8x32x8x128xf32, #tpu.memory_space<hbm>> -> memref<1x8x1x8x128xf32, #tpu.memory_space<hbm>>
      %dma_wait3A_353 = tpu.memref_squeeze %dma_wait3A_352 : memref<1x8x1x8x128xf32, #tpu.memory_space<hbm>> -> memref<8x8x128xf32, #tpu.memory_space<hbm>>
      tpu.wait_dma2 semaphore(%arg21 : memref<!tpu.dma_semaphore, #tpu.memory_space<semaphore_mem>>) src(%arg15 : memref<8x8x128xf32, #tpu.memory_space<vmem>>) dst(%dma_wait3A_353 : memref<8x8x128xf32, #tpu.memory_space<hbm>>)
      %mul3A_354 = arith.constant 8 : i32
      %mul3A_355 = arith.muli %select_n3A, %mul3A_354 : i32
      %add3A_356 = arith.constant 7 : i32
      %add3A_357 = arith.addi %mul3A_355, %add3A_356 : i32
      %dma_wait3A_358 = arith.constant 0 : i32
      %dma_wait3A_359 = arith.constant 0 : i32
      %dma_wait3A_360 = arith.constant 0 : i32
      %dma_wait3A_361 = tpu.memref_slice %arg4[%add3A_357, %dma_wait3A_358, %select_n3A_39, %dma_wait3A_359, %dma_wait3A_360] : memref<200x8x32x8x128xf32, #tpu.memory_space<hbm>> -> memref<1x8x1x8x128xf32, #tpu.memory_space<hbm>>
      %dma_wait3A_362 = tpu.memref_squeeze %dma_wait3A_361 : memref<1x8x1x8x128xf32, #tpu.memory_space<hbm>> -> memref<8x8x128xf32, #tpu.memory_space<hbm>>
      %dma_wait3A_363 = arith.constant 0 : i32
      %dma_wait3A_364 = arith.constant 0 : i32
      %dma_wait3A_365 = arith.constant 0 : i32
      %dma_wait3A_366 = tpu.memref_slice %arg4[%add3A_357, %dma_wait3A_363, %select_n3A_39, %dma_wait3A_364, %dma_wait3A_365] : memref<200x8x32x8x128xf32, #tpu.memory_space<hbm>> -> memref<1x8x1x8x128xf32, #tpu.memory_space<hbm>>
      %dma_wait3A_367 = tpu.memref_squeeze %dma_wait3A_366 : memref<1x8x1x8x128xf32, #tpu.memory_space<hbm>> -> memref<8x8x128xf32, #tpu.memory_space<hbm>>
      tpu.wait_dma2 semaphore(%arg22 : memref<!tpu.dma_semaphore, #tpu.memory_space<semaphore_mem>>) src(%arg16 : memref<8x8x128xf32, #tpu.memory_space<vmem>>) dst(%dma_wait3A_367 : memref<8x8x128xf32, #tpu.memory_space<hbm>>)
    }
    %scan3A_5 = arith.constant 25 : i32
    return
  }
}

</mosaic_0001>

<sc_bundles>
// kernel: _embed.4.cloned.1.call-start
scs
__scs_entry_jumppad:
0x0: {  	(pc) =	sbr.rel $0x88, $3  }
0x1: {  	(tag) =	ssettag $0x0;
	lr =	simm.s32 $0x1  }
0x2: {  	[smem:$0x3F9F] =	sst lr;
	_ =	strace $0xD0000000  }
0x3: {  	_ = 	snop  }
0x4: {  	_ = 	snop  }
0x5: {  	_ = 	snop  }
0x6: {  	_ = 	snop  }
0x7: {  	_ = 	snop  }
__scs_overlays_trampoline_lowered:
0x8: {  	[smem:$0x3FAE] =	sst s0  }
0x9: {  	[smem:$0x3FAF] =	sst s1  }
0xa: {  	[smem:$0x3FB0] =	sst s2  }
0xb: {  	[smem:$0x3FB1] =	sst s3  }
0xc: {  	[smem:$0x3FB2] =	sst s4  }
0xd: {  	[smem:$0x3FB3] =	sst s5  }
0xe: {  	[smem:$0x3FB4] =	sst s6  }
0xf: {  	[smem:$0x3FB5] =	sst s7  }
0x10: {  	[smem:$0x3FB6] =	sst s8  }
0x11: {  	[smem:$0x3FB7] =	sst s9;
	s0 =	simm.s32 @!p0 $0x0  }
0x12: {  	s1 =	sld [smem:$0x3F9D];
	s0 =	simm.s32 @p0 $0x1  }
0x13: {  	[smem:$0x3FB8] =	sst s0;
	s0 =	simm.s32 @!p1 $0x0  }
0x14: {  	s2 =	sld [smem:$0x3F9C];
	s0 =	simm.s32 @p1 $0x1  }
0x15: {  	[smem:$0x3FB9] =	sst s0;
	s0 =	simm.s32 @!p2 $0x0  }
0x16: {  	s3 =	sld [smem:$0x3FDB];
	s0 =	simm.s32 @p2 $0x1  }
0x17: {  	s4 =	simm.s32 $0x1BF5;
	[smem:$0x3FBB] =	sst s0  }
0x18: {  	s0 =	sld [smem:$0x3F9E];
	_ =	swait.ge [sflag:s4], $0x0  }
0x19: {  	s7 =	sld [smem:$0x3F9F]  }
0x1a: {  	s8 =	sadd.s32 $0xFFFFE003, lr  }
0x1b: {  	s9 =	sadd.s32 $0xFFFFFEF7, lr;
	s5 =	simm.s32 $0xFFFFFFFF;
	p2 =	slt.u32 s8, $0xFFFFF086  }
0x1c: {  	p1 =	slt.u32 s9, $0xF7A;
	s5 =	simm.s32 @!p2 $0x0  }
0x1d: {  	s5 =	simm.s32 @p1 $0x1;
	p0 =	seq.s32 s7, s2  }
0x1e: {  	s7 =	smul.u32 @!p0 $0xF7A, s2;
	p2 =	seq.s32 @!p0 s5, $0x0  }
0x1f: {  	s9 =	smul.u32 $0xF7A, s1;
	s8 =	simm.s32 @!p0 $0x1BF5;
	p2 =	por !p2, p0  }
0x20: {  	[sflag:s8] =	ssyncset.s32 @!p0 $0xFFFFF086;
	s6 =	sadd.s32 @!p0 s3, s7;
	s7 =	simm.s32 @!p0 $0x108  }
0x21: {  	s3 =	sadd.s32 s3, s9;
	s6 =	sadd.s32 @!p0 $0x88, s6;
	s7 =	simm.s32 @p2 $0x1082  }
0x22: {  	[simem:s7], [sflag:s8] =	dma.local @!p0 [hbm:s6], $0xF7A  }
0x23: {  	s9 =	sor.u32 $0xD0000000, s2;
	s6 =	simm.s32 $0x108;
	_ =	swait.ge @!p0 [sflag:s8], $0x0  }
0x24: {  	s3 =	sadd.s32 $0x88, s3;
	s6 =	simm.s32 @!p1 $0x1082;
	[sflag:s4] =	ssyncset.s32 $0xFFFFF086  }
0x25: {  	[simem:s6], [sflag:s4] =	dma.local [hbm:s3], $0xF7A  }
0x26: {  	[smem:$0x3F9F] =	sst s1;
	(tag) =	ssettag s2;
	_ =	strace s9  }
0x27: {  	s1 =	sld [smem:$0x3FAF]  }
0x28: {  	s2 =	sld [smem:$0x3FB0]  }
0x29: {  	s4 =	sld [smem:$0x3FB2]  }
0x2a: {  	p0 =	seq.s32 s5, $0x0;
	s5 =	sld [smem:$0x3FB3]  }
0x2b: {  	s6 =	sld [smem:$0x3FB4]  }
0x2c: {  	s7 =	sld [smem:$0x3FB5]  }
0x2d: {  	s3 =	simm.s32 $0x108;
	s8 =	sld [smem:$0x3FB6]  }
0x2e: {  	s3 =	simm.s32 @!p0 $0x1082;
	s9 =	sld [smem:$0x3FB7]  }
0x2f: {  	lr =	sadd.s32 s0, s3;
	s0 =	sld [smem:$0x3FAE]  }
0x30: {  	s3 =	sld [smem:$0x3FB1]  }
0x31: {  	[smem:$0x3FBA] =	sst s10  }
0x32: {  	s10 =	sld [smem:$0x3FB8];
	_ =	sdelay $0x3  }
0x33: {  	p0 =	seq.s32 s10, $0x1;
	s10 =	sld [smem:$0x3FBA];
	_ =	sdelay $0x3  }
0x34: {  	[smem:$0x3FBA] =	sst s10  }
0x35: {  	s10 =	sld [smem:$0x3FB9];
	_ =	sdelay $0x3  }
0x36: {  	p1 =	seq.s32 s10, $0x1;
	s10 =	sld [smem:$0x3FBA];
	_ =	sdelay $0x3  }
0x37: {  	[smem:$0x3FBA] =	sst s10  }
0x38: {  	s10 =	sld [smem:$0x3FBB]  }
0x39: {  	_ = 	snop;
	(pc) =	sbr.ind lr, $3  }
0x3a: {  	_ = 	snop  }
0x3b: {  	_ = 	snop  }
0x3c: {  	p2 =	seq.s32 s10, $0x1;
	s10 =	sld [smem:$0x3FBA]  }
0x3d: {  	_ =	shalt  }
0x3e: {  	_ =	shalt  }
0x3f: {  	_ =	shalt  }
0x40: {  	_ =	shalt  }
0x41: {  	_ =	shalt  }
0x42: {  	_ =	shalt  }
0x43: {  	_ =	shalt  }
0x44: {  	_ =	shalt  }
0x45: {  	_ =	shalt  }
0x46: {  	_ =	shalt  }
0x47: {  	_ =	shalt  }
0x48: {  	_ =	shalt  }
0x49: {  	_ =	shalt  }
0x4a: {  	_ =	shalt  }
0x4b: {  	_ =	shalt  }
0x4c: {  	_ =	shalt  }
0x4d: {  	_ =	shalt  }
0x4e: {  	_ =	shalt  }
0x4f: {  	_ =	shalt  }
0x50: {  	_ =	shalt  }
0x51: {  	_ =	shalt  }
0x52: {  	_ =	shalt  }
0x53: {  	_ =	shalt  }
0x54: {  	_ =	shalt  }
0x55: {  	_ =	shalt  }
0x56: {  	_ =	shalt  }
0x57: {  	_ =	shalt  }
0x58: {  	_ =	shalt  }
0x59: {  	_ =	shalt  }
0x5a: {  	_ =	shalt  }
0x5b: {  	_ =	shalt  }
0x5c: {  	_ =	shalt  }
0x5d: {  	_ =	shalt  }
0x5e: {  	_ =	shalt  }
0x5f: {  	_ =	shalt  }
0x60: {  	_ =	shalt  }
0x61: {  	_ =	shalt  }
0x62: {  	_ =	shalt  }
0x63: {  	_ =	shalt  }
0x64: {  	_ =	shalt  }
0x65: {  	_ =	shalt  }
0x66: {  	_ =	shalt  }
0x67: {  	_ =	shalt  }
0x68: {  	_ =	shalt  }
0x69: {  	_ =	shalt  }
0x6a: {  	_ =	shalt  }
0x6b: {  	_ =	shalt  }
0x6c: {  	_ =	shalt  }
0x6d: {  	_ =	shalt  }
0x6e: {  	_ =	shalt  }
0x6f: {  	_ =	shalt  }
0x70: {  	_ =	shalt  }
0x71: {  	_ =	shalt  }
0x72: {  	_ =	shalt  }
0x73: {  	_ =	shalt  }
0x74: {  	_ =	shalt  }
0x75: {  	_ =	shalt  }
0x76: {  	_ =	shalt  }
0x77: {  	_ =	shalt  }
0x78: {  	_ =	shalt  }
0x79: {  	_ =	shalt  }
0x7a: {  	_ =	shalt  }
0x7b: {  	_ =	shalt  }
0x7c: {  	_ =	shalt  }
0x7d: {  	_ =	shalt  }
0x7e: {  	_ =	shalt  }
0x7f: {  	_ =	shalt  }
0x80: {  	_ =	shalt  }
0x81: {  	_ =	shalt  }
0x82: {  	_ =	shalt  }
0x83: {  	_ =	shalt  }
0x84: {  	_ =	shalt  }
0x85: {  	_ =	shalt  }
0x86: {  	_ =	shalt  }
0x87: {  	_ =	shalt  }
.Lfunc_end0:
.L_simem_size_0:
called_computation_lowered:
.L_overlay_start_0:
0x88: {  	s2 =	sld [smem:$0x3FD9]  }
0x89: {  	s3 =	sld [smem:$0x3FFE];
	_ =	sdelay $0x1  }
0x8a: {  	s1 =	srdreg.scid  }
0x8b: {  	s0 =	sand.u32 $0x1, s1  }
0x8c: {  	s17 =	sshll.u32 s0, $0xA;
	s2 =	sadd.s32 s3, s2  }
0x8d: {  	s2 =	sadd.s32 s2, s17  }
0x8e: {  	[smem:$0x3FC6] =	sst s2  }
0x8f: {  	_ = 	snop  }
0x90: {  	s2 =	sld [smem:$0x3FC8]  }
0x91: {  	s18 =	sld [smem:$0x3FD0];
	(tm) =	ssettm $0x1  }
0x92: {  	s4 =	sld [smem:$0x3FFB];
	_ =	sdelay $0x3  }
0x93: {  	_ =	strace s4  }
0x94: {  	s4 =	sld [smem:$0x3FFC];
	_ =	sdelay $0x3  }
0x95: {  	_ =	strace s4  }
0x96: {  	s4 =	sld [smem:$0x3FFD];
	_ =	sdelay $0x3  }
0x97: {  	_ =	strace s4  }
0x98: {  	_ =	strace $0x8FFFFFFF  }
0x99: {  	s19 =	sld [smem:$0x3FDB];
	_ =	sdelay $0x1  }
0x9a: {  	s5 =	simm.s32 $_scs_section_size  }
0x9b: {  	s6 =	simm.s32 $_size__tile_overlayer_lowered;
	s7 =	simm.s32 $_tile_overlayer_lowered  }
0x9c: {  	s22 =	simm.s32 $0x1BFF;
	s21 =	sshll.u32 s7, $0x1;
	s4 =	sadd.s32 s5, s19  }
0x9d: {  	s8 =	simm.s32 $0x0;
	s20 =	sshll.u32 s6, $0x1;
	s6 =	sadd.s32 s21, s4  }
0x9e: {  	[timem:s8], [sflag:s22] =	dma.local [hbm:s6], s20  }
0x9f: {  	_ =	swait.ge [sflag:s22], s20  }
0xa0: {  	s5 =	ssub.s32 $0x0, s20;
	[sflag:s22] =	ssyncset.done $0x0  }
0xa1: {  	[sflag:s22] =	ssyncadd.s32 s5;
	_ =	sdelay $0x1  }
0xa2: {  	s23 =	simm.s32 $0x1B8B  }
0xa3: {  	_ =	swait.ge [sflag:s23], $0x1  }
0xa4: {  	[sflag:s23] =	ssyncset.done $0x0  }
0xa5: {  	s25 =	simm.s32 $0x1B8E;
	s24 =	sld [smem:$0x3FFE];
	[sflag:s23] =	ssyncadd.s32 $0xFFFFFFFF  }
0xa6: {  	s26 =	simm.s32 $execute0_lowered;
	[smem:$0x3FD2] =	sst s25  }
0xa7: {  	s6 =	sshll.u32 s26, $0x1;
	_ =	strace $0x80000046;
	[dreg:$0x1] =	wrdreg $0xFFFFFFFF  }
0xa8: {  	s28 =	simm.s32 $_size_execute0_lowered;
	s4 =	sadd.s32 s4, s6;
	[dreg:$0x0] =	wrdreg $0x0  }
0xa9: {  	s6 =	sshll.u32 s28, $0x1;
	[dreg:$0x2] =	wrdreg s4  }
0xaa: {  	[dreg:$0x3] =	wrdreg s6  }
0xab: {  	[dreg:$0x4] =	wrdreg $0xC0  }
0xac: {  	_ =	task [dreg:s8], $0x5FFFF  }
0xad: {  	[dreg:$0x1] =	wrdreg $0xFFFFFFFF  }
0xae: {  	[dreg:$0x0] =	wrdreg $0x60  }
0xaf: {  	[dreg:$0x2] =	wrdreg s2  }
0xb0: {  	[dreg:$0x3] =	wrdreg s18  }
0xb1: {  	[dreg:$0x4] =	wrdreg s24  }
0xb2: {  	[dreg:$0x5] =	wrdreg $0x9  }
0xb3: {  	_ =	task.clear_ibuf [dreg:s8], $0x6FFFF;
	_ =	strace $0x90000046  }
0xb4: {  	s29 =	simm.s32 $0x9;
	_ =	strace $0x80000048  }
0xb5: {  	_ =	swait.ge [sflag:s29], $0x1  }
0xb6: {  	[sflag:s29] =	ssyncadd.s32 $0xFFFFFFFF  }
0xb7: {  	_ =	strace $0x90000048  }
0xb8: {  	_ =	sfence  }
0xb9: {  	s30 =	sld [smem:$0x0];
	_ =	sdelay $0x2  }
0xba: {  	s31 =	sshll.u32 s1, $0xD;
	s1 =	sshrl.u32 s1, $0x2  }
0xbb: {  	s3 =	sand.u32 $0x4000, s31;
	s1 =	sadd.s32 s1, s30  }
0xbc: {  	s0 =	sor.u32 s3, s0;
	s1 =	sshll.u32 s1, $0x11  }
0xbd: {  	s0 =	sor.u32 s1, s0  }
0xbe: {  	s0 =	sadd.s32 $0x8F2B, s0  }
0xbf: {  	[sflag:s0] =	ssyncadd.remote.s32 $0x1  }
0xc0: {  	_ =	sfence.sel $0xFFFF  }
0xc1: {  	[dreg:$0x0] =	wrdreg $0xFFFFFFFF;
	(pc) =	sbr.abs _section_cstart, $3  }
0xc2: {  	[dreg:$0x1] =	wrdreg $0xFFFFFFFF  }
0xc3: {  	_ =	task.clear_ibuf [dreg:s8], $0x2FFFF;
	_ =	strace $0x9FFFFFFF  }
0xc4: {  	(tm) =	ssettm $0x7FFFFFFF  }
0xc5: {  	_ =	shalt  }
tec
execute0_lowered:
.L_overlay_start_1:
0x0: {  	(tag) =	ssettag $0x1  }
0x1: {  	s0 =	rddreg [dreg:$0x0]  }
0x2: {  	s1 =	rddreg [dreg:$0x2];
	s2 =	srdreg.scid  }
0x3: {  	s3 =	simm.s32 $0x0;
	s9 =	stileid.u32;
	s18 =	simm.s32 $0x2000  }
0x4: {  	s19 =	simm.s32 $0x1;
	s28 =	simm.s32 $0x2;
	s29 =	simm.s32 $0x3  }
0x5: {  	s30 =	simm.s32 $0x0;
	s2 =	sand.u32 $0x1, s2;
	[smem:$0x7FF] =	sst s3  }
0x6: {  	s4 =	sshll.u32 s9, $0x1;
	p1 =	sgt.u32 s9, $0x1;
	s5 =	ssub.s32 $0x2, s2  }
0x7: {  	_ =	strace $0x80000047;
	s2 =	sor.u32 s2, s4;
	s4 =	sadd.s32 $0x800, s1  }
0x8: {  	s1 =	sadd.s32 $0x7A1800, s1;
	s6 =	sshrl.u32 s5, $0x1;
	s20 =	sshll.u32 s2, $0x7  }
0x9: {  	[dreg:$0x4] =	wrdreg s1;
	s21 =	sshll.u32 s2, $0xA;
	s24 =	sor.u32 $0x1E80, s2  }
0xa: {  	p0 =	sne.s32 s2, $0x1F;
	s5 =	ssub.s32 s5, s6;
	s6 =	sadd.s32 s0, s20  }
0xb: {  	s22 =	sadd.s32 s21, s4;
	s25 =	sshll.u32 s24, $0x7;
	s14 =	sor.u32 $0x1FFF8000, s21  }
0xc: {  	s20 =	simm.s32 $0x4;
	s7 =	sadd.s32 $0x1000, s6;
	[dreg:$0x5] =	wrdreg s6  }
0xd: {  	s21 =	simm.s32 $0x8000;
	s23 =	sadd.s32 $0x790000, s22;
	[dreg:$0x6] =	wrdreg s7  }
0xe: {  	v0 =	vlaneseq.u32;
	s8 =	sadd.s32 $0x2000, s6;
	s6 =	sadd.s32 $0x798000, s22;
	[dreg:$0x7] =	wrdreg s23  }
.Ltmp0:
0xf: {  	v0 =	vmul.u32 $0x80, v0;
	s0 =	sadd.s32 s0, s25;
	[dreg:$0x8] =	wrdreg s6;
	(pc) =	sbr.rel .LBB2_1-.Ltmp0, $4  }
0x10: {  	s31 =	smax.u32 s5, $0x1;
	s6 =	sshll.u32 s24, $0xA;
	[dreg:$0x9] =	wrdreg s0  }
0x11: {  	v1 =	vor.u32 $0x800, v0;
	s0 =	sshll.u32 @!p0 s9, $0x6;
	[dreg:$0xb] =	wrdreg s31;
	s26 =	sadd.s32 s4, s6  }
0x12: {  	v2 =	vor.u32 $0x1000, v0;
	v3 =	vor.u32 $0x1800, v0;
	v4 =	vor.u32 $0x1, v0;
	s22 =	simm.s32 $0x4000;
	s0 =	sor.u32 @!p0 $0x1C07, s0;
	[dreg:$0xa] =	wrdreg s26  }
0x13: {  	v5 =	vor.u32 $0x801, v0;
	v6 =	vor.u32 $0x1001, v0;
	v7 =	vor.u32 $0x1801, v0;
	s25 =	simm.s32 $0x6000;
	s23 =	simm.s32 $0x5;
	[dreg:$0xc] =	wrdreg s0  }
.LBB2_24:
0x14: {  	s30 =	sadd.s32 $0x1, s30;
	s0 =	rddreg [dreg:$0xb]  }
0x15: {  	p2 =	sne.s32 s30, s0  }
.Ltmp1:
0x16: {  	_ = 	snop;
	(pc) =	sbr.rel @!p2 .LBB2_25-.Ltmp1, $1  }
0x17: {  	_ =	sdelay $0x3  }
.LBB2_1:
0x18: {  	s0 =	rddreg [dreg:$0x1]  }
0x19: {  	s1 =	rddreg [dreg:$0x4]  }
0x1a: {  	s2 =	rddreg [dreg:$0xc]  }
0x1b: {  	[hbm:s1], [sflag:s2] =	dma.local @!p0 [hbm:s0], $0x200  }
0x1c: {  	s0 =	simm.s32 @!p0 $0x7  }
0x1d: {  	_ =	swait.ge @!p0 [sflag:s0], $0x200  }
0x1e: {  	s17 =	simm.s32 $0x400;
	[sflag:s0] =	ssyncset.done @!p0 $0x0  }
0x1f: {  	s24 =	simm.s32 $0x7A1400;
	s16 =	rddreg [dreg:$0x5];
	[sflag:s0] =	ssyncadd.s32 @!p0 $0xFFFFFE00  }
0x20: {  	[tilespmem:s3], [sflag:$0x1] =	stream.strided.gather [hbm4b:s16+s17], $0x2000, s24, s17, $0x38;
	[tilespmem:$0xC000] =	vst v63  }
.Ltmp2:
0x21: {  	s26 =	rddreg [dreg:$0x6];
	(pc) =	sbr.rel .LBB2_2-.Ltmp2, $4  }
0x22: {  	[tilespmem:s18], [sflag:$0x2] =	stream.strided.gather [hbm4b:s26+s17], $0x2000, s24, s17, $0x38;
	[tilespmem:$0xC000] =	vst v63  }
0x23: {  	_ =	swait.ge [sflag:s19], $0x2000  }
0x24: {  	[sflag:s19] =	ssyncset.done $0x0  }
0x25: {  	s31 =	simm.s32 $0x0;
	[sflag:s19] =	ssyncadd.s32 $0xFFFFE000  }
.LBB2_17:
0x26: {  	s31 =	sadd.s32 $0x1, s31  }
0x27: {  	p2 =	sne.s32 s31, $0xF3  }
.Ltmp3:
0x28: {  	_ = 	snop;
	(pc) =	sbr.rel @!p2 .LBB2_18-.Ltmp3, $1  }
0x29: {  	_ =	sdelay $0x3  }
.LBB2_2:
0x2a: {  	s0 =	smul.u32 $0xAB, s31;
	_ =	sdelay $0x1  }
0x2b: {  	s0 =	sshrl.u32 s0, $0x9  }
0x2c: {  	s0 =	sand.u32 $0x7F, s0  }
0x2d: {  	s0 =	smul.u32 $0x3, s0;
	_ =	sdelay $0x1  }
0x2e: {  	s0 =	ssub.s32 s31, s0  }
0x2f: {  	s0 =	sand.u32 $0xFF, s0  }
0x30: {  	p2 =	seq.s32 s0, $0x2  }
.Ltmp4:
0x31: {  	_ = 	snop;
	(pc) =	sbr.rel @p2 .LBB2_14-.Ltmp4, $1  }
0x32: {  	_ =	sdelay $0x3  }
0x33: {  	p3 =	seq.s32 s0, $0x1  }
.Ltmp5:
0x34: {  	_ = 	snop;
	(pc) =	sbr.rel @!p3 .LBB2_4-.Ltmp5, $2  }
0x35: {  	_ =	sdelay $0x2  }
0x36: {  	p2 =	slt.u32 s31, $0x2  }
0x37: {  	s0 =	simm.s32 @!p2 $0x6;
	s1 =	sshll.u32 s31, $0xF  }
0x38: {  	s6 =	simm.s32 $0x4;
	_ =	swait.ge @!p2 [sflag:s0], $0x2000;
	s1 =	sadd.s32 s14, s1  }
0x39: {  	s17 =	simm.s32 $0x0;
	[sflag:s0] =	ssyncset.done @!p2 $0x0;
	s1 =	sand.u32 $0x1FFFFC00, s1  }
0x3a: {  	[sflag:s0] =	ssyncadd.s32 @!p2 $0xFFFFE000;
	s26 =	sadd.s32 s4, s1;
	p2 =	seq.s32 s31, $0xF2  }
0x3b: {  	v8 =	vor.u32 s6, v0;
	[hbm4b:s26+s3] =	stream.linear.scatter [tilespmem:s25], [sflag:$0x4], $0x2000, $0x38;
	[tilespmem:$0xC000] =	vst v63  }
0x3c: {  	s16 =	simm.s32 $0x2;
	s0 =	sshll.u32 @!p2 s31, $0xC;
	_ =	swait.ge [sflag:s29], $0x2000  }
0x3d: {  	v9 =	vor.u32 s17, v0;
	s1 =	simm.s32 @!p2 $0x400;
	s2 =	simm.s32 @!p2 $0x7A1400;
	[sflag:s29] =	ssyncset.done $0x0  }
0x3e: {  	v10 =	vor.u32 s16, v0;
	s5 =	simm.s32 @!p2 $0x0;
	s0 =	sadd.s32 @!p2 s0, s8;
	[sflag:s29] =	ssyncadd.s32 $0xFFFFE000  }
0x3f: {  	[tilespmem:s5], [sflag:$0x1] =	stream.strided.gather @!p2 [hbm4b:s0+s1], $0x2000, s2, s1, $0x38;
	[tilespmem:$0xC000] =	vst v63  }
0x40: {  	v8 =	vld.idx.msk [tilespmem:v8+s18+$0x0], $0xffff  }
0x41: {  	v11 =	vor.u32 s6, v1  }
0x42: {  	v9 =	vld.idx.msk [tilespmem:v9+s18+$0x0], $0xffff  }
0x43: {  	v10 =	vld.idx.msk [tilespmem:v10+s18+$0x0], $0xffff  }
0x44: {  	s10 =	simm.s32 $0x8100;
	v13 =	vor.u32 s16, v1  }
0x45: {  	v12 =	vor.u32 s17, v1;
	[tilespmem:s10+$0x0] =	vst v8  }
0x46: {  	s26 =	simm.s32 $0x6;
	v8 =	vld.idx.msk [tilespmem:v11+s18+$0x0], $0xffff  }
0x47: {  	[tilespmem:s10+$0xFFFFFF00] =	vst v9;
	v11 =	vor.u32 s26, v0  }
0x48: {  	s12 =	simm.s32 $0xA;
	v9 =	vor.u32 s6, v2;
	[tilespmem:s10+$0xFFFFFF80] =	vst v10  }
0x49: {  	v18 =	vor.u32 s12, v0;
	v13 =	vld.idx.msk [tilespmem:v13+s18+$0x0], $0xffff  }
0x4a: {  	v14 =	vor.u32 s16, v2;
	s0 =	simm.s32 $0x8;
	v12 =	vld.idx.msk [tilespmem:v12+s18+$0x0], $0xffff  }
0x4b: {  	[tilespmem:s10+$0x10] =	vst v8;
	v8 =	vor.u32 s0, v0  }
0x4c: {  	s11 =	simm.s32 $0xC;
	v10 =	vor.u32 s17, v2;
	v11 =	vld.idx.msk [tilespmem:v11+s18+$0x0], $0xffff  }
0x4d: {  	v15 =	vor.u32 s11, v0;
	v9 =	vld.idx.msk [tilespmem:v9+s18+$0x0], $0xffff  }
0x4e: {  	v16 =	vor.u32 s26, v1;
	v18 =	vld.idx.msk [tilespmem:v18+s18+$0x0], $0xffff;
	[tilespmem:s10+$0xFFFFFF90] =	vst v13  }
0x4f: {  	[tilespmem:s10+$0xFFFFFF10] =	vst v12;
	v12 =	vor.u32 s6, v3;
	v14 =	vld.idx.msk [tilespmem:v14+s18+$0x0], $0xffff  }
0x50: {  	v17 =	vor.u32 s16, v3;
	v8 =	vld.idx.msk [tilespmem:v8+s18+$0x0], $0xffff  }
0x51: {  	v19 =	vor.u32 s0, v1;
	v10 =	vld.idx.msk [tilespmem:v10+s18+$0x0], $0xffff;
	[tilespmem:s10+$0x80] =	vst v11  }
0x52: {  	v20 =	vor.u32 s12, v1;
	s2 =	simm.s32 $0x8300;
	[tilespmem:s10+$0x20] =	vst v9;
	v9 =	vld.idx.msk [tilespmem:v15+s18+$0x0], $0xffff  }
0x53: {  	[tilespmem:s2+$0xFFFFFF80] =	vst v18;
	v11 =	vor.u32 s11, v1;
	v15 =	vld.idx.msk [tilespmem:v16+s18+$0x0], $0xffff  }
0x54: {  	[tilespmem:s10+$0xFFFFFFA0] =	vst v14;
	v14 =	vor.u32 s26, v2;
	v12 =	vld.idx.msk [tilespmem:v12+s18+$0x0], $0xffff  }
0x55: {  	s1 =	simm.s32 $0xE;
	v16 =	vor.u32 s6, v4;
	v17 =	vld.idx.msk [tilespmem:v17+s18+$0x0], $0xffff;
	[tilespmem:s2+$0xFFFFFF00] =	vst v8  }
0x56: {  	v13 =	vor.u32 s1, v0;
	[tilespmem:s10+$0xFFFFFF20] =	vst v10;
	v10 =	vld.idx.msk [tilespmem:v19+s18+$0x0], $0xffff  }
0x57: {  	[tilespmem:s2+$0x0] =	vst v9;
	v9 =	vor.u32 s17, v3;
	v19 =	vld.idx.msk [tilespmem:v20+s18+$0x0], $0xffff  }
0x58: {  	[tilespmem:s10+$0x90] =	vst v15;
	v20 =	vor.u32 s16, v4;
	v11 =	vld.idx.msk [tilespmem:v11+s18+$0x0], $0xffff  }
0x59: {  	v15 =	vor.u32 s11, v2;
	[tilespmem:s10+$0x30] =	vst v12;
	v8 =	vld.idx.msk [tilespmem:v14+s18+$0x0], $0xffff  }
0x5a: {  	v12 =	vld.idx.msk [tilespmem:v16+s18+$0x0], $0xffff;
	v16 =	vor.u32 s26, v3  }
0x5b: {  	v13 =	vld.idx.msk [tilespmem:v13+s18+$0x0], $0xffff;
	v14 =	vor.u32 s6, v5;
	[tilespmem:s10+$0xFFFFFFB0] =	vst v17  }
0x5c: {  	v18 =	vor.u32 s0, v2;
	v9 =	vld.idx.msk [tilespmem:v9+s18+$0x0], $0xffff;
	[tilespmem:s2+$0xFFFFFF10] =	vst v10  }
0x5d: {  	s5 =	simm.s32 $0x10;
	v20 =	vld.idx.msk [tilespmem:v20+s18+$0x0], $0xffff;
	[tilespmem:s2+$0x10] =	vst v11;
	v11 =	vor.u32 s17, v4  }
0x5e: {  	s7 =	simm.s32 $0x16;
	[tilespmem:s10+$0xA0] =	vst v8;
	v8 =	vor.u32 s5, v0;
	v15 =	vld.idx.msk [tilespmem:v15+s18+$0x0], $0xffff  }
0x5f: {  	v17 =	vor.u32 s7, v0;
	[tilespmem:s10+$0x40] =	vst v12;
	v10 =	vld.idx.msk [tilespmem:v16+s18+$0x0], $0xffff  }
0x60: {  	v12 =	vor.u32 s12, v2;
	v14 =	vld.idx.msk [tilespmem:v14+s18+$0x0], $0xffff  }
0x61: {  	v16 =	vor.u32 s1, v1;
	[tilespmem:s10+$0xFFFFFF30] =	vst v9;
	v9 =	vld.idx.msk [tilespmem:v18+s18+$0x0], $0xffff  }
0x62: {  	[tilespmem:s2+$0xFFFFFF90] =	vst v19;
	v19 =	vor.u32 s11, v3;
	v11 =	vld.idx.msk [tilespmem:v11+s18+$0x0], $0xffff  }
0x63: {  	[tilespmem:s2+$0x80] =	vst v13;
	v18 =	vor.u32 s26, v4;
	v21 =	vld.idx.msk [tilespmem:v8+s18+$0x0], $0xffff  }
0x64: {  	v22 =	vor.u32 s16, v5;
	[tilespmem:s10+$0xFFFFFFC0] =	vst v20;
	v8 =	vld.idx.msk [tilespmem:v17+s18+$0x0], $0xffff  }
0x65: {  	s13 =	simm.s32 $0x14;
	v13 =	vor.u32 s17, v5;
	v12 =	vld.idx.msk [tilespmem:v12+s18+$0x0], $0xffff;
	[tilespmem:s10+$0xB0] =	vst v10  }
0x66: {  	v16 =	vld.idx.msk [tilespmem:v16+s18+$0x0], $0xffff;
	v10 =	vor.u32 s13, v0;
	[tilespmem:s2+$0x20] =	vst v15  }
0x67: {  	s15 =	simm.s32 $0x12;
	v17 =	vor.u32 s12, v3;
	v15 =	vld.idx.msk [tilespmem:v19+s18+$0x0], $0xffff;
	[tilespmem:s10+$0x50] =	vst v14  }
0x68: {  	[tilespmem:s2+$0xFFFFFF20] =	vst v9;
	v9 =	vld.idx.msk [tilespmem:v18+s18+$0x0], $0xffff;
	v18 =	vor.u32 s15, v0  }
0x69: {  	s9 =	simm.s32 $0x8500;
	v20 =	vld.idx.msk [tilespmem:v22+s18+$0x0], $0xffff;
	v19 =	vor.u32 s5, v1;
	[tilespmem:s10+$0xFFFFFF40] =	vst v11  }
0x6a: {  	v11 =	vor.u32 s26, v5;
	[tilespmem:s9+$0xFFFFFF00] =	vst v21;
	v13 =	vld.idx.msk [tilespmem:v13+s18+$0x0], $0xffff  }
0x6b: {  	v21 =	vor.u32 s16, v6;
	v10 =	vld.idx.msk [tilespmem:v10+s18+$0x0], $0xffff;
	[tilespmem:s2+$0xFFFFFFA0] =	vst v12  }
0x6c: {  	v12 =	vor.u32 s17, v6;
	[tilespmem:s2+$0x90] =	vst v16;
	v17 =	vld.idx.msk [tilespmem:v17+s18+$0x0], $0xffff  }
0x6d: {  	[tilespmem:s2+$0x30] =	vst v15;
	v15 =	vor.u32 s6, v6;
	v16 =	vld.idx.msk [tilespmem:v18+s18+$0x0], $0xffff  }
0x6e: {  	v14 =	vor.u32 s0, v3;
	[tilespmem:s10+$0xC0] =	vst v9;
	v18 =	vld.idx.msk [tilespmem:v19+s18+$0x0], $0xffff  }
0x6f: {  	[tilespmem:s10+$0xFFFFFFD0] =	vst v20;
	v9 =	vor.u32 s13, v1;
	v11 =	vld.idx.msk [tilespmem:v11+s18+$0x0], $0xffff  }
0x70: {  	v19 =	vor.u32 s11, v4;
	v20 =	vld.idx.msk [tilespmem:v21+s18+$0x0], $0xffff;
	[tilespmem:s10+$0xFFFFFF50] =	vst v13  }
0x71: {  	v13 =	vor.u32 s26, v6;
	v12 =	vld.idx.msk [tilespmem:v12+s18+$0x0], $0xffff  }
0x72: {  	v21 =	vor.u32 s17, v7;
	[tilespmem:s9+$0x0] =	vst v10;
	v22 =	vld.idx.msk [tilespmem:v15+s18+$0x0], $0xffff  }
0x73: {  	v10 =	vor.u32 s1, v2;
	[tilespmem:s2+$0xFFFFFFB0] =	vst v17;
	v17 =	vld.idx.msk [tilespmem:v14+s18+$0x0], $0xffff  }
0x74: {  	v23 =	vor.u32 s15, v1;
	v9 =	vld.idx.msk [tilespmem:v9+s18+$0x0], $0xffff;
	[tilespmem:s9+$0xFFFFFF80] =	vst v16  }
0x75: {  	v19 =	vld.idx.msk [tilespmem:v19+s18+$0x0], $0xffff;
	[tilespmem:s10+$0xD0] =	vst v11;
	v11 =	vor.u32 s16, v7  }
0x76: {  	v16 =	vor.u32 s6, v7;
	v13 =	vld.idx.msk [tilespmem:v13+s18+$0x0], $0xffff;
	[tilespmem:s10+$0xFFFFFF60] =	vst v12  }
0x77: {  	[tilespmem:s9+$0xFFFFFF10] =	vst v18;
	v12 =	vld.idx.msk [tilespmem:v21+s18+$0x0], $0xffff;
	v21 =	vor.u32 s26, v7  }
0x78: {  	v25 =	vor.u32 s13, v2;
	[tilespmem:s10+$0xFFFFFFE0] =	vst v20;
	v24 =	vld.idx.msk [tilespmem:v10+s18+$0x0], $0xffff  }
0x79: {  	v14 =	vor.u32 s11, v5;
	v18 =	vld.idx.msk [tilespmem:v23+s18+$0x0], $0xffff;
	[tilespmem:s10+$0x60] =	vst v22  }
0x7a: {  	v23 =	vor.u32 s1, v3;
	[tilespmem:s9+$0x10] =	vst v9;
	v15 =	vld.idx.msk [tilespmem:v11+s18+$0x0], $0xffff  }
0x7b: {  	v22 =	vor.u32 s5, v2;
	v16 =	vld.idx.msk [tilespmem:v16+s18+$0x0], $0xffff;
	[tilespmem:s10+$0xE0] =	vst v13  }
0x7c: {  	v10 =	vor.u32 s12, v4;
	[tilespmem:s2+$0x40] =	vst v19;
	v20 =	vld.idx.msk [tilespmem:v21+s18+$0x0], $0xffff;
	v21 =	vor.u32 s0, v4  }
0x7d: {  	s6 =	simm.s32 $0x8;
	s16 =	simm.s32 $0x18;
	v9 =	vor.u32 s15, v4;
	v19 =	vor.u32 s15, v2;
	v11 =	vor.u32 s7, v1;
	v13 =	vld.idx.msk [tilespmem:v25+s18+$0x0], $0xffff;
	[tilespmem:s2+$0xA0] =	vst v24  }
.LBB2_12:
0x7e: {  	v24 =	vor.u32 s16, v0;
	s26 =	sadd.s32 $0x2, s16;
	s6 =	sadd.s32 $0x4, s6;
	[tilespmem:s2+$0xFFFFFF30] =	vst v17;
	v14 =	vld.idx.msk [tilespmem:v14+s18+$0x0], $0xffff  }
0x7f: {  	s24 =	sadd.s32 $0x4, s16;
	v17 =	vor.u32 s26, v0;
	v25 =	vor.u32 s26, v4;
	p2 =	slt.u32 s6, $0x3C;
	v23 =	vld.idx.msk [tilespmem:v23+s18+$0x0], $0xffff;
	[tilespmem:s10+$0xFFFFFFF0] =	vst v15  }
0x80: {  	s17 =	sadd.s32 $0x6, s16;
	v15 =	vor.u32 s24, v0;
	v22 =	vld.idx.msk [tilespmem:v22+s18+$0x0], $0xffff;
	[tilespmem:s10+$0x70] =	vst v16  }
0x81: {  	v16 =	vor.u32 s17, v0;
	[tilespmem:s9+$0xFFFFFF90] =	vst v18;
	v18 =	vld.idx.msk [tilespmem:v21+s18+$0x0], $0xffff;
	v21 =	vor.u32 s1, v4  }
0x82: {  	v19 =	vld.idx.msk [tilespmem:v19+s18+$0x0], $0xffff;
	[tilespmem:s10+$0xF0] =	vst v20  }
0x83: {  	v20 =	vor.u32 s13, v3;
	v26 =	vld.idx.msk [tilespmem:v10+s18+$0x0], $0xffff;
	[tilespmem:s10+$0xFFFFFF70] =	vst v12;
	v10 =	vmov v9;
	v9 =	vmov v25;
	s10 =	smov.u32 s2;
	s2 =	smov.u32 s9  }
0x84: {  	v12 =	vld.idx.msk [tilespmem:v24+s18+$0x0], $0xffff;
	[tilespmem:s9+$0x80] =	vst v8;
	v24 =	vor.u32 s0, v5  }
0x85: {  	v28 =	vor.u32 s12, v5;
	v25 =	vor.u32 s16, v1;
	v27 =	vld.idx.msk [tilespmem:v11+s18+$0x0], $0xffff;
	[tilespmem:s10+$0xB0] =	vst v23  }
0x86: {  	v29 =	vor.u32 s26, v1;
	[tilespmem:s9+$0xFFFFFF20] =	vst v22;
	v21 =	vld.idx.msk [tilespmem:v21+s18+$0x0], $0xffff  }
0x87: {  	v22 =	vor.u32 s24, v1;
	v8 =	vld.idx.msk [tilespmem:v16+s18+$0x0], $0xffff;
	v16 =	vor.u32 s15, v3;
	[tilespmem:s9+$0x20] =	vst v13  }
0x88: {  	v11 =	vor.u32 s17, v1;
	s9 =	sadd.s32 $0x200, s9;
	v13 =	vld.idx.msk [tilespmem:v20+s18+$0x0], $0xffff;
	[tilespmem:s10+$0xFFFFFF40] =	vst v18;
	v18 =	vor.u32 s1, v5  }
0x89: {  	v20 =	vld.idx.msk [tilespmem:v24+s18+$0x0], $0xffff;
	[tilespmem:s10+$0xFFFFFFC0] =	vst v26  }
0x8a: {  	[tilespmem:s9+$0xFFFFFF00] =	vst v12;
	v12 =	vld.idx.msk [tilespmem:v28+s18+$0x0], $0xffff  }
0x8b: {  	v15 =	vld.idx.msk [tilespmem:v15+s18+$0x0], $0xffff;
	[tilespmem:s2+$0xFFFFFFA0] =	vst v19;
	v19 =	vor.u32 s0, v6  }
0x8c: {  	v23 =	vor.u32 s12, v6;
	v16 =	vld.idx.msk [tilespmem:v16+s18+$0x0], $0xffff;
	[tilespmem:s10+$0xC0] =	vst v21  }
0x8d: {  	[tilespmem:s2+$0x90] =	vst v27;
	v18 =	vld.idx.msk [tilespmem:v18+s18+$0x0], $0xffff  }
0x8e: {  	v17 =	vld.idx.msk [tilespmem:v17+s18+$0x0], $0xffff;
	[tilespmem:s2+$0x30] =	vst v13;
	v13 =	vor.u32 s11, v6  }
0x8f: {  	v21 =	vld.idx.msk [tilespmem:v25+s18+$0x0], $0xffff;
	[tilespmem:s10+$0xFFFFFF50] =	vst v20;
	v20 =	vor.u32 s1, v6  }
0x90: {  	v24 =	vor.u32 s13, v4;
	v19 =	vld.idx.msk [tilespmem:v19+s18+$0x0], $0xffff;
	[tilespmem:s10+$0xFFFFFFD0] =	vst v12  }
0x91: {  	v12 =	vor.u32 s7, v2;
	[tilespmem:s9+$0x0] =	vst v15;
	v15 =	vld.idx.msk [tilespmem:v23+s18+$0x0], $0xffff  }
0x92: {  	v25 =	vld.idx.msk [tilespmem:v22+s18+$0x0], $0xffff;
	v22 =	vor.u32 s0, v7;
	[tilespmem:s10+$0x50] =	vst v14;
	s0 =	smov.u32 s5;
	s5 =	smov.u32 s16  }
0x93: {  	v14 =	vor.u32 s0, v3;
	v13 =	vld.idx.msk [tilespmem:v13+s18+$0x0], $0xffff;
	[tilespmem:s10+$0xD0] =	vst v18  }
0x94: {  	[tilespmem:s2+$0xFFFFFFB0] =	vst v16;
	v16 =	vor.u32 s12, v7;
	v18 =	vld.idx.msk [tilespmem:v20+s18+$0x0], $0xffff;
	s12 =	smov.u32 s15;
	s15 =	smov.u32 s26  }
0x95: {  	[tilespmem:s9+$0xFFFFFF80] =	vst v17;
	v20 =	vld.idx.msk [tilespmem:v24+s18+$0x0], $0xffff;
	v24 =	vor.u32 s11, v7;
	s11 =	smov.u32 s13;
	s13 =	smov.u32 s24  }
0x96: {  	v26 =	vld.idx.msk [tilespmem:v12+s18+$0x0], $0xffff;
	[tilespmem:s10+$0xFFFFFF60] =	vst v19  }
0x97: {  	v19 =	vor.u32 s1, v7;
	s1 =	smov.u32 s7;
	s7 =	smov.u32 s17;
	[tilespmem:s9+$0xFFFFFF10] =	vst v21;
	v12 =	vld.idx.msk [tilespmem:v22+s18+$0x0], $0xffff  }
0x98: {  	v27 =	vor.u32 s13, v2;
	v17 =	vld.idx.msk [tilespmem:v14+s18+$0x0], $0xffff;
	[tilespmem:s10+$0xFFFFFFE0] =	vst v15  }
.Ltmp6:
0x99: {  	v14 =	vor.u32 s11, v5;
	v15 =	vld.idx.msk [tilespmem:v16+s18+$0x0], $0xffff;
	[tilespmem:s10+$0x60] =	vst v13;
	(pc) =	sbr.rel @p2 .LBB2_12-.Ltmp6, $4  }
0x9a: {  	v23 =	vor.u32 s1, v3;
	v16 =	vld.idx.msk [tilespmem:v24+s18+$0x0], $0xffff;
	[tilespmem:s10+$0xE0] =	vst v18  }
0x9b: {  	v22 =	vor.u32 s16, v2;
	v18 =	vld.idx.msk [tilespmem:v29+s18+$0x0], $0xffff;
	[tilespmem:s9+$0x10] =	vst v25  }
0x9c: {  	v21 =	vor.u32 s0, v4;
	[tilespmem:s2+$0x40] =	vst v20;
	v20 =	vld.idx.msk [tilespmem:v19+s18+$0x0], $0xffff  }
0x9d: {  	s16 =	sadd.s32 $0x8, s16;
	v19 =	vor.u32 s15, v2;
	v13 =	vld.idx.msk [tilespmem:v27+s18+$0x0], $0xffff;
	[tilespmem:s2+$0xA0] =	vst v26  }
0x9e: {  	_ = 	snop  }
0x9f: {  	[tilespmem:s2+$0xFFFFFF30] =	vst v17  }
0xa0: {  	[tilespmem:s10+$0xFFFFFFF0] =	vst v15  }
0xa1: {  	[tilespmem:s9+$0x80] =	vst v8  }
0xa2: {  	v58 =	vld.idx.msk [tilespmem:v23+s18+$0x0], $0xffff;
	[tilespmem:s10+$0xFFFFFF70] =	vst v12  }
0xa3: {  	v59 =	vld.idx.msk [tilespmem:v22+s18+$0x0], $0xffff;
	v8 =	vor.u32 s13, v3;
	[tilespmem:s10+$0x70] =	vst v16  }
0xa4: {  	v60 =	vor.u32 s1, v4;
	v11 =	vld.idx.msk [tilespmem:v11+s18+$0x0], $0xffff;
	[tilespmem:s9+$0xFFFFFF90] =	vst v18  }
0xa5: {  	v62 =	vor.u32 s7, v2;
	v10 =	vld.idx.msk [tilespmem:v10+s18+$0x0], $0xffff;
	[tilespmem:s10+$0xF0] =	vst v20  }
0xa6: {  	v14 =	vld.idx.msk [tilespmem:v14+s18+$0x0], $0xffff;
	[tilespmem:s9+$0x20] =	vst v13  }
0xa7: {  	v25 =	vor.u32 s12, v5;
	v24 =	vld.idx.msk [tilespmem:v19+s18+$0x0], $0xffff;
	[tilespmem:s2+$0xB0] =	vst v58  }
0xa8: {  	v32 =	vor.u32 s5, v3;
	[tilespmem:s9+$0xFFFFFF20] =	vst v59;
	v8 =	vld.idx.msk [tilespmem:v8+s18+$0x0], $0xffff  }
0xa9: {  	v27 =	vor.u32 s15, v3;
	v26 =	vld.idx.msk [tilespmem:v60+s18+$0x0], $0xffff;
	[tilespmem:s9+$0x90] =	vst v11  }
0xaa: {  	v28 =	vor.u32 s1, v5;
	[tilespmem:s2+$0xFFFFFFC0] =	vst v10;
	v12 =	vld.idx.msk [tilespmem:v62+s18+$0x0], $0xffff  }
0xab: {  	v30 =	vor.u32 s7, v3;
	v61 =	vld.idx.msk [tilespmem:v21+s18+$0x0], $0xffff;
	[tilespmem:s2+$0x50] =	vst v14  }
0xac: {  	v39 =	vor.u32 s11, v6;
	v31 =	vld.idx.msk [tilespmem:v25+s18+$0x0], $0xffff;
	[tilespmem:s9+$0xFFFFFFA0] =	vst v24  }
0xad: {  	v63 =	vor.u32 s0, v5;
	v36 =	vld.idx.msk [tilespmem:v32+s18+$0x0], $0xffff;
	[tilespmem:s9+$0x30] =	vst v8  }
0xae: {  	v35 =	vor.u32 s13, v4;
	v13 =	vld.idx.msk [tilespmem:v27+s18+$0x0], $0xffff;
	[tilespmem:s2+$0xC0] =	vst v26  }
0xaf: {  	v34 =	vor.u32 s12, v6;
	v8 =	vld.idx.msk [tilespmem:v28+s18+$0x0], $0xffff;
	[tilespmem:s9+$0xA0] =	vst v12  }
0xb0: {  	[tilespmem:s2+$0xFFFFFF40] =	vst v61;
	v10 =	vld.idx.msk [tilespmem:v30+s18+$0x0], $0xffff  }
0xb1: {  	v37 =	vor.u32 s7, v4;
	v46 =	vld.idx.msk [tilespmem:v39+s18+$0x0], $0xffff;
	[tilespmem:s2+$0xFFFFFFD0] =	vst v31  }
0xb2: {  	v38 =	vor.u32 s5, v4;
	v29 =	vld.idx.msk [tilespmem:v63+s18+$0x0], $0xffff;
	[tilespmem:s9+$0xFFFFFF30] =	vst v36  }
0xb3: {  	v33 =	vor.u32 s0, v6;
	v41 =	vld.idx.msk [tilespmem:v35+s18+$0x0], $0xffff;
	[tilespmem:s9+$0xFFFFFFB0] =	vst v13  }
0xb4: {  	v40 =	vor.u32 s1, v6;
	v16 =	vld.idx.msk [tilespmem:v34+s18+$0x0], $0xffff;
	[tilespmem:s2+$0xD0] =	vst v8  }
0xb5: {  	v43 =	vor.u32 s13, v5;
	v8 =	vld.idx.msk [tilespmem:v9+s18+$0x0], $0xffff;
	[tilespmem:s9+$0xB0] =	vst v10  }
0xb6: {  	v42 =	vor.u32 s15, v5;
	[tilespmem:s2+$0x60] =	vst v46;
	v44 =	vld.idx.msk [tilespmem:v37+s18+$0x0], $0xffff  }
0xb7: {  	v45 =	vor.u32 s7, v5;
	[tilespmem:s2+$0xFFFFFF50] =	vst v29;
	v14 =	vld.idx.msk [tilespmem:v38+s18+$0x0], $0xffff  }
0xb8: {  	v47 =	vor.u32 s5, v5;
	v17 =	vld.idx.msk [tilespmem:v33+s18+$0x0], $0xffff;
	[tilespmem:s9+$0x40] =	vst v41  }
0xb9: {  	v48 =	vor.u32 s12, v7;
	[tilespmem:s2+$0xFFFFFFE0] =	vst v16;
	v13 =	vld.idx.msk [tilespmem:v40+s18+$0x0], $0xffff  }
0xba: {  	v10 =	vld.idx.msk [tilespmem:v43+s18+$0x0], $0xffff;
	[tilespmem:s9+$0xFFFFFFC0] =	vst v8;
	v8 =	vor.u32 s11, v7  }
0xbb: {  	v51 =	vor.u32 s13, v6;
	v49 =	vld.idx.msk [tilespmem:v42+s18+$0x0], $0xffff;
	[tilespmem:s9+$0xC0] =	vst v44  }
0xbc: {  	v50 =	vor.u32 s15, v6;
	[tilespmem:s9+$0xFFFFFF40] =	vst v14;
	v12 =	vld.idx.msk [tilespmem:v45+s18+$0x0], $0xffff  }
0xbd: {  	v53 =	vor.u32 s7, v6;
	[tilespmem:s2+$0xFFFFFF60] =	vst v17;
	v52 =	vld.idx.msk [tilespmem:v47+s18+$0x0], $0xffff  }
0xbe: {  	v55 =	vor.u32 s5, v6;
	v54 =	vld.idx.msk [tilespmem:v48+s18+$0x0], $0xffff;
	[tilespmem:s2+$0xE0] =	vst v13  }
0xbf: {  	v57 =	vor.u32 s0, v7;
	[tilespmem:s9+$0x50] =	vst v10;
	v8 =	vld.idx.msk [tilespmem:v8+s18+$0x0], $0xffff  }
0xc0: {  	v56 =	vor.u32 s1, v7;
	v10 =	vld.idx.msk [tilespmem:v51+s18+$0x0], $0xffff;
	[tilespmem:s9+$0xFFFFFFD0] =	vst v49  }
0xc1: {  	v60 =	vor.u32 s13, v7;
	v11 =	vld.idx.msk [tilespmem:v50+s18+$0x0], $0xffff;
	[tilespmem:s9+$0xD0] =	vst v12  }
0xc2: {  	v58 =	vor.u32 s15, v7;
	[tilespmem:s9+$0xFFFFFF50] =	vst v52;
	v59 =	vld.idx.msk [tilespmem:v53+s18+$0x0], $0xffff  }
0xc3: {  	v61 =	vor.u32 s7, v7;
	[tilespmem:s2+$0xFFFFFFF0] =	vst v54;
	v13 =	vld.idx.msk [tilespmem:v55+s18+$0x0], $0xffff  }
0xc4: {  	v9 =	vld.idx.msk [tilespmem:v57+s18+$0x0], $0xffff;
	[tilespmem:s2+$0x70] =	vst v8;
	v8 =	vor.u32 s5, v7  }
0xc5: {  	v62 =	vld.idx.msk [tilespmem:v56+s18+$0x0], $0xffff;
	[tilespmem:s9+$0x60] =	vst v10  }
0xc6: {  	v10 =	vld.idx.msk [tilespmem:v60+s18+$0x0], $0xffff;
	[tilespmem:s9+$0xFFFFFFE0] =	vst v11  }
0xc7: {  	v11 =	vld.idx.msk [tilespmem:v58+s18+$0x0], $0xffff;
	[tilespmem:s9+$0xE0] =	vst v59  }
0xc8: {  	[tilespmem:s9+$0xFFFFFF60] =	vst v13;
	v63 =	vld.idx.msk [tilespmem:v61+s18+$0x0], $0xffff  }
0xc9: {  	[tilespmem:s2+$0xFFFFFF70] =	vst v9;
	v8 =	vld.idx.msk [tilespmem:v8+s18+$0x0], $0xffff  }
.Ltmp7:
0xca: {  	[tilespmem:s2+$0xF0] =	vst v62;
	(pc) =	sbr.rel .LBB2_17-.Ltmp7, $4  }
0xcb: {  	[tilespmem:s9+$0x70] =	vst v10  }
0xcc: {  	[tilespmem:s9+$0xFFFFFFF0] =	vst v11  }
0xcd: {  	[tilespmem:s9+$0xF0] =	vst v63  }
0xce: {  	[tilespmem:s9+$0xFFFFFF70] =	vst v8  }
.LBB2_14:
0xcf: {  	s0 =	sshll.u32 s31, $0xF  }
0xd0: {  	_ =	swait.ge [sflag:s20], $0x2000;
	s6 =	simm.s32 $0x4;
	s0 =	sadd.s32 s14, s0  }
0xd1: {  	p2 =	seq.s32 s31, $0xF2;
	[sflag:s20] =	ssyncset.done $0x0;
	s0 =	sand.u32 $0x1FFFFC00, s0  }
0xd2: {  	s17 =	simm.s32 $0x0;
	[sflag:s20] =	ssyncadd.s32 $0xFFFFE000;
	s0 =	sadd.s32 s4, s0  }
0xd3: {  	v8 =	vor.u32 s6, v0;
	[hbm4b:s0+s3] =	stream.linear.scatter [tilespmem:s21], [sflag:$0x5], $0x2000, $0x38;
	[tilespmem:$0xC000] =	vst v63  }
0xd4: {  	s16 =	simm.s32 $0x2;
	s1 =	simm.s32 @!p2 $0x400;
	_ =	swait.ge [sflag:s19], $0x2000  }
0xd5: {  	v9 =	vor.u32 s17, v0;
	s2 =	simm.s32 @!p2 $0x7A1400;
	s0 =	sshll.u32 @!p2 s31, $0xC;
	[sflag:s19] =	ssyncset.done $0x0  }
0xd6: {  	s5 =	simm.s32 @!p2 $0x2000;
	v10 =	vor.u32 s16, v0;
	s0 =	sadd.s32 @!p2 s0, s8;
	[sflag:s19] =	ssyncadd.s32 $0xFFFFE000  }
0xd7: {  	[tilespmem:s5], [sflag:$0x2] =	stream.strided.gather @!p2 [hbm4b:s0+s1], $0x2000, s2, s1, $0x38;
	[tilespmem:$0xC000] =	vst v63  }
0xd8: {  	v8 =	vld.idx.msk [tilespmem:v8+s22+$0x0], $0xffff  }
0xd9: {  	v11 =	vor.u32 s6, v1  }
0xda: {  	v9 =	vld.idx.msk [tilespmem:v9+s22+$0x0], $0xffff  }
0xdb: {  	v10 =	vld.idx.msk [tilespmem:v10+s22+$0x0], $0xffff  }
0xdc: {  	s10 =	simm.s32 $0xA100;
	v13 =	vor.u32 s16, v1  }
0xdd: {  	v12 =	vor.u32 s17, v1;
	[tilespmem:s10+$0x0] =	vst v8  }
0xde: {  	s26 =	simm.s32 $0x6;
	v8 =	vld.idx.msk [tilespmem:v11+s22+$0x0], $0xffff  }
0xdf: {  	[tilespmem:s10+$0xFFFFFF00] =	vst v9;
	v11 =	vor.u32 s26, v0  }
0xe0: {  	s12 =	simm.s32 $0xA;
	v9 =	vor.u32 s6, v2;
	[tilespmem:s10+$0xFFFFFF80] =	vst v10  }
0xe1: {  	v18 =	vor.u32 s12, v0;
	v13 =	vld.idx.msk [tilespmem:v13+s22+$0x0], $0xffff  }
0xe2: {  	v14 =	vor.u32 s16, v2;
	s0 =	simm.s32 $0x8;
	v12 =	vld.idx.msk [tilespmem:v12+s22+$0x0], $0xffff  }
0xe3: {  	[tilespmem:s10+$0x10] =	vst v8;
	v8 =	vor.u32 s0, v0  }
0xe4: {  	s11 =	simm.s32 $0xC;
	v10 =	vor.u32 s17, v2;
	v11 =	vld.idx.msk [tilespmem:v11+s22+$0x0], $0xffff  }
0xe5: {  	v15 =	vor.u32 s11, v0;
	v9 =	vld.idx.msk [tilespmem:v9+s22+$0x0], $0xffff  }
0xe6: {  	v16 =	vor.u32 s26, v1;
	v18 =	vld.idx.msk [tilespmem:v18+s22+$0x0], $0xffff;
	[tilespmem:s10+$0xFFFFFF90] =	vst v13  }
0xe7: {  	[tilespmem:s10+$0xFFFFFF10] =	vst v12;
	v12 =	vor.u32 s6, v3;
	v14 =	vld.idx.msk [tilespmem:v14+s22+$0x0], $0xffff  }
0xe8: {  	v17 =	vor.u32 s16, v3;
	v8 =	vld.idx.msk [tilespmem:v8+s22+$0x0], $0xffff  }
0xe9: {  	v19 =	vor.u32 s0, v1;
	v10 =	vld.idx.msk [tilespmem:v10+s22+$0x0], $0xffff;
	[tilespmem:s10+$0x80] =	vst v11  }
0xea: {  	v20 =	vor.u32 s12, v1;
	s2 =	simm.s32 $0xA300;
	[tilespmem:s10+$0x20] =	vst v9;
	v9 =	vld.idx.msk [tilespmem:v15+s22+$0x0], $0xffff  }
0xeb: {  	[tilespmem:s2+$0xFFFFFF80] =	vst v18;
	v11 =	vor.u32 s11, v1;
	v15 =	vld.idx.msk [tilespmem:v16+s22+$0x0], $0xffff  }
0xec: {  	[tilespmem:s10+$0xFFFFFFA0] =	vst v14;
	v14 =	vor.u32 s26, v2;
	v12 =	vld.idx.msk [tilespmem:v12+s22+$0x0], $0xffff  }
0xed: {  	s1 =	simm.s32 $0xE;
	v16 =	vor.u32 s6, v4;
	v17 =	vld.idx.msk [tilespmem:v17+s22+$0x0], $0xffff;
	[tilespmem:s2+$0xFFFFFF00] =	vst v8  }
0xee: {  	v13 =	vor.u32 s1, v0;
	[tilespmem:s10+$0xFFFFFF20] =	vst v10;
	v10 =	vld.idx.msk [tilespmem:v19+s22+$0x0], $0xffff  }
0xef: {  	[tilespmem:s2+$0x0] =	vst v9;
	v9 =	vor.u32 s17, v3;
	v19 =	vld.idx.msk [tilespmem:v20+s22+$0x0], $0xffff  }
0xf0: {  	[tilespmem:s10+$0x90] =	vst v15;
	v20 =	vor.u32 s16, v4;
	v11 =	vld.idx.msk [tilespmem:v11+s22+$0x0], $0xffff  }
0xf1: {  	v15 =	vor.u32 s11, v2;
	[tilespmem:s10+$0x30] =	vst v12;
	v8 =	vld.idx.msk [tilespmem:v14+s22+$0x0], $0xffff  }
0xf2: {  	v12 =	vld.idx.msk [tilespmem:v16+s22+$0x0], $0xffff;
	v16 =	vor.u32 s26, v3  }
0xf3: {  	v13 =	vld.idx.msk [tilespmem:v13+s22+$0x0], $0xffff;
	v14 =	vor.u32 s6, v5;
	[tilespmem:s10+$0xFFFFFFB0] =	vst v17  }
0xf4: {  	v18 =	vor.u32 s0, v2;
	v9 =	vld.idx.msk [tilespmem:v9+s22+$0x0], $0xffff;
	[tilespmem:s2+$0xFFFFFF10] =	vst v10  }
0xf5: {  	s5 =	simm.s32 $0x10;
	v20 =	vld.idx.msk [tilespmem:v20+s22+$0x0], $0xffff;
	[tilespmem:s2+$0x10] =	vst v11;
	v11 =	vor.u32 s17, v4  }
0xf6: {  	s7 =	simm.s32 $0x16;
	[tilespmem:s10+$0xA0] =	vst v8;
	v8 =	vor.u32 s5, v0;
	v15 =	vld.idx.msk [tilespmem:v15+s22+$0x0], $0xffff  }
0xf7: {  	v17 =	vor.u32 s7, v0;
	[tilespmem:s10+$0x40] =	vst v12;
	v10 =	vld.idx.msk [tilespmem:v16+s22+$0x0], $0xffff  }
0xf8: {  	v12 =	vor.u32 s12, v2;
	v14 =	vld.idx.msk [tilespmem:v14+s22+$0x0], $0xffff  }
0xf9: {  	v16 =	vor.u32 s1, v1;
	[tilespmem:s10+$0xFFFFFF30] =	vst v9;
	v9 =	vld.idx.msk [tilespmem:v18+s22+$0x0], $0xffff  }
0xfa: {  	[tilespmem:s2+$0xFFFFFF90] =	vst v19;
	v19 =	vor.u32 s11, v3;
	v11 =	vld.idx.msk [tilespmem:v11+s22+$0x0], $0xffff  }
0xfb: {  	[tilespmem:s2+$0x80] =	vst v13;
	v18 =	vor.u32 s26, v4;
	v21 =	vld.idx.msk [tilespmem:v8+s22+$0x0], $0xffff  }
0xfc: {  	v22 =	vor.u32 s16, v5;
	[tilespmem:s10+$0xFFFFFFC0] =	vst v20;
	v8 =	vld.idx.msk [tilespmem:v17+s22+$0x0], $0xffff  }
0xfd: {  	s13 =	simm.s32 $0x14;
	v13 =	vor.u32 s17, v5;
	v12 =	vld.idx.msk [tilespmem:v12+s22+$0x0], $0xffff;
	[tilespmem:s10+$0xB0] =	vst v10  }
0xfe: {  	v16 =	vld.idx.msk [tilespmem:v16+s22+$0x0], $0xffff;
	v10 =	vor.u32 s13, v0;
	[tilespmem:s2+$0x20] =	vst v15  }
0xff: {  	s15 =	simm.s32 $0x12;
	v17 =	vor.u32 s12, v3;
	v15 =	vld.idx.msk [tilespmem:v19+s22+$0x0], $0xffff;
	[tilespmem:s10+$0x50] =	vst v14  }
0x100: {  	[tilespmem:s2+$0xFFFFFF20] =	vst v9;
	v9 =	vld.idx.msk [tilespmem:v18+s22+$0x0], $0xffff;
	v18 =	vor.u32 s15, v0  }
0x101: {  	s9 =	simm.s32 $0xA500;
	v20 =	vld.idx.msk [tilespmem:v22+s22+$0x0], $0xffff;
	v19 =	vor.u32 s5, v1;
	[tilespmem:s10+$0xFFFFFF40] =	vst v11  }
0x102: {  	v11 =	vor.u32 s26, v5;
	[tilespmem:s9+$0xFFFFFF00] =	vst v21;
	v13 =	vld.idx.msk [tilespmem:v13+s22+$0x0], $0xffff  }
0x103: {  	v21 =	vor.u32 s16, v6;
	v10 =	vld.idx.msk [tilespmem:v10+s22+$0x0], $0xffff;
	[tilespmem:s2+$0xFFFFFFA0] =	vst v12  }
0x104: {  	v12 =	vor.u32 s17, v6;
	[tilespmem:s2+$0x90] =	vst v16;
	v17 =	vld.idx.msk [tilespmem:v17+s22+$0x0], $0xffff  }
0x105: {  	[tilespmem:s2+$0x30] =	vst v15;
	v15 =	vor.u32 s6, v6;
	v16 =	vld.idx.msk [tilespmem:v18+s22+$0x0], $0xffff  }
0x106: {  	v14 =	vor.u32 s0, v3;
	[tilespmem:s10+$0xC0] =	vst v9;
	v18 =	vld.idx.msk [tilespmem:v19+s22+$0x0], $0xffff  }
0x107: {  	[tilespmem:s10+$0xFFFFFFD0] =	vst v20;
	v9 =	vor.u32 s13, v1;
	v11 =	vld.idx.msk [tilespmem:v11+s22+$0x0], $0xffff  }
0x108: {  	v19 =	vor.u32 s11, v4;
	v20 =	vld.idx.msk [tilespmem:v21+s22+$0x0], $0xffff;
	[tilespmem:s10+$0xFFFFFF50] =	vst v13  }
0x109: {  	v13 =	vor.u32 s26, v6;
	v12 =	vld.idx.msk [tilespmem:v12+s22+$0x0], $0xffff  }
0x10a: {  	v21 =	vor.u32 s17, v7;
	[tilespmem:s9+$0x0] =	vst v10;
	v22 =	vld.idx.msk [tilespmem:v15+s22+$0x0], $0xffff  }
0x10b: {  	v10 =	vor.u32 s1, v2;
	[tilespmem:s2+$0xFFFFFFB0] =	vst v17;
	v17 =	vld.idx.msk [tilespmem:v14+s22+$0x0], $0xffff  }
0x10c: {  	v23 =	vor.u32 s15, v1;
	v9 =	vld.idx.msk [tilespmem:v9+s22+$0x0], $0xffff;
	[tilespmem:s9+$0xFFFFFF80] =	vst v16  }
0x10d: {  	v19 =	vld.idx.msk [tilespmem:v19+s22+$0x0], $0xffff;
	[tilespmem:s10+$0xD0] =	vst v11;
	v11 =	vor.u32 s16, v7  }
0x10e: {  	v16 =	vor.u32 s6, v7;
	v13 =	vld.idx.msk [tilespmem:v13+s22+$0x0], $0xffff;
	[tilespmem:s10+$0xFFFFFF60] =	vst v12  }
0x10f: {  	[tilespmem:s9+$0xFFFFFF10] =	vst v18;
	v12 =	vld.idx.msk [tilespmem:v21+s22+$0x0], $0xffff;
	v21 =	vor.u32 s26, v7  }
0x110: {  	v25 =	vor.u32 s13, v2;
	[tilespmem:s10+$0xFFFFFFE0] =	vst v20;
	v24 =	vld.idx.msk [tilespmem:v10+s22+$0x0], $0xffff  }
0x111: {  	v14 =	vor.u32 s11, v5;
	v18 =	vld.idx.msk [tilespmem:v23+s22+$0x0], $0xffff;
	[tilespmem:s10+$0x60] =	vst v22  }
0x112: {  	v23 =	vor.u32 s1, v3;
	[tilespmem:s9+$0x10] =	vst v9;
	v15 =	vld.idx.msk [tilespmem:v11+s22+$0x0], $0xffff  }
0x113: {  	v22 =	vor.u32 s5, v2;
	v16 =	vld.idx.msk [tilespmem:v16+s22+$0x0], $0xffff;
	[tilespmem:s10+$0xE0] =	vst v13  }
0x114: {  	v10 =	vor.u32 s12, v4;
	[tilespmem:s2+$0x40] =	vst v19;
	v20 =	vld.idx.msk [tilespmem:v21+s22+$0x0], $0xffff;
	v21 =	vor.u32 s0, v4  }
0x115: {  	s6 =	simm.s32 $0x8;
	s16 =	simm.s32 $0x18;
	v9 =	vor.u32 s15, v4;
	v19 =	vor.u32 s15, v2;
	v11 =	vor.u32 s7, v1;
	v13 =	vld.idx.msk [tilespmem:v25+s22+$0x0], $0xffff;
	[tilespmem:s2+$0xA0] =	vst v24  }
.LBB2_15:
0x116: {  	v24 =	vor.u32 s16, v0;
	s26 =	sadd.s32 $0x2, s16;
	s6 =	sadd.s32 $0x4, s6;
	[tilespmem:s2+$0xFFFFFF30] =	vst v17;
	v14 =	vld.idx.msk [tilespmem:v14+s22+$0x0], $0xffff  }
0x117: {  	s24 =	sadd.s32 $0x4, s16;
	v17 =	vor.u32 s26, v0;
	v25 =	vor.u32 s26, v4;
	p2 =	slt.u32 s6, $0x3C;
	v23 =	vld.idx.msk [tilespmem:v23+s22+$0x0], $0xffff;
	[tilespmem:s10+$0xFFFFFFF0] =	vst v15  }
0x118: {  	s17 =	sadd.s32 $0x6, s16;
	v15 =	vor.u32 s24, v0;
	v22 =	vld.idx.msk [tilespmem:v22+s22+$0x0], $0xffff;
	[tilespmem:s10+$0x70] =	vst v16  }
0x119: {  	v16 =	vor.u32 s17, v0;
	[tilespmem:s9+$0xFFFFFF90] =	vst v18;
	v18 =	vld.idx.msk [tilespmem:v21+s22+$0x0], $0xffff;
	v21 =	vor.u32 s1, v4  }
0x11a: {  	v19 =	vld.idx.msk [tilespmem:v19+s22+$0x0], $0xffff;
	[tilespmem:s10+$0xF0] =	vst v20  }
0x11b: {  	v20 =	vor.u32 s13, v3;
	v26 =	vld.idx.msk [tilespmem:v10+s22+$0x0], $0xffff;
	[tilespmem:s10+$0xFFFFFF70] =	vst v12;
	v10 =	vmov v9;
	v9 =	vmov v25;
	s10 =	smov.u32 s2;
	s2 =	smov.u32 s9  }
0x11c: {  	v12 =	vld.idx.msk [tilespmem:v24+s22+$0x0], $0xffff;
	[tilespmem:s9+$0x80] =	vst v8;
	v24 =	vor.u32 s0, v5  }
0x11d: {  	v28 =	vor.u32 s12, v5;
	v25 =	vor.u32 s16, v1;
	v27 =	vld.idx.msk [tilespmem:v11+s22+$0x0], $0xffff;
	[tilespmem:s10+$0xB0] =	vst v23  }
0x11e: {  	v29 =	vor.u32 s26, v1;
	[tilespmem:s9+$0xFFFFFF20] =	vst v22;
	v21 =	vld.idx.msk [tilespmem:v21+s22+$0x0], $0xffff  }
0x11f: {  	v22 =	vor.u32 s24, v1;
	v8 =	vld.idx.msk [tilespmem:v16+s22+$0x0], $0xffff;
	v16 =	vor.u32 s15, v3;
	[tilespmem:s9+$0x20] =	vst v13  }
0x120: {  	v11 =	vor.u32 s17, v1;
	s9 =	sadd.s32 $0x200, s9;
	v13 =	vld.idx.msk [tilespmem:v20+s22+$0x0], $0xffff;
	[tilespmem:s10+$0xFFFFFF40] =	vst v18;
	v18 =	vor.u32 s1, v5  }
0x121: {  	v20 =	vld.idx.msk [tilespmem:v24+s22+$0x0], $0xffff;
	[tilespmem:s10+$0xFFFFFFC0] =	vst v26  }
0x122: {  	[tilespmem:s9+$0xFFFFFF00] =	vst v12;
	v12 =	vld.idx.msk [tilespmem:v28+s22+$0x0], $0xffff  }
0x123: {  	v15 =	vld.idx.msk [tilespmem:v15+s22+$0x0], $0xffff;
	[tilespmem:s2+$0xFFFFFFA0] =	vst v19;
	v19 =	vor.u32 s0, v6  }
0x124: {  	v23 =	vor.u32 s12, v6;
	v16 =	vld.idx.msk [tilespmem:v16+s22+$0x0], $0xffff;
	[tilespmem:s10+$0xC0] =	vst v21  }
0x125: {  	[tilespmem:s2+$0x90] =	vst v27;
	v18 =	vld.idx.msk [tilespmem:v18+s22+$0x0], $0xffff  }
0x126: {  	v17 =	vld.idx.msk [tilespmem:v17+s22+$0x0], $0xffff;
	[tilespmem:s2+$0x30] =	vst v13;
	v13 =	vor.u32 s11, v6  }
0x127: {  	v21 =	vld.idx.msk [tilespmem:v25+s22+$0x0], $0xffff;
	[tilespmem:s10+$0xFFFFFF50] =	vst v20;
	v20 =	vor.u32 s1, v6  }
0x128: {  	v24 =	vor.u32 s13, v4;
	v19 =	vld.idx.msk [tilespmem:v19+s22+$0x0], $0xffff;
	[tilespmem:s10+$0xFFFFFFD0] =	vst v12  }
0x129: {  	v12 =	vor.u32 s7, v2;
	[tilespmem:s9+$0x0] =	vst v15;
	v15 =	vld.idx.msk [tilespmem:v23+s22+$0x0], $0xffff  }
0x12a: {  	v25 =	vld.idx.msk [tilespmem:v22+s22+$0x0], $0xffff;
	v22 =	vor.u32 s0, v7;
	[tilespmem:s10+$0x50] =	vst v14;
	s0 =	smov.u32 s5;
	s5 =	smov.u32 s16  }
0x12b: {  	v14 =	vor.u32 s0, v3;
	v13 =	vld.idx.msk [tilespmem:v13+s22+$0x0], $0xffff;
	[tilespmem:s10+$0xD0] =	vst v18  }
0x12c: {  	[tilespmem:s2+$0xFFFFFFB0] =	vst v16;
	v16 =	vor.u32 s12, v7;
	v18 =	vld.idx.msk [tilespmem:v20+s22+$0x0], $0xffff;
	s12 =	smov.u32 s15;
	s15 =	smov.u32 s26  }
0x12d: {  	[tilespmem:s9+$0xFFFFFF80] =	vst v17;
	v20 =	vld.idx.msk [tilespmem:v24+s22+$0x0], $0xffff;
	v24 =	vor.u32 s11, v7;
	s11 =	smov.u32 s13;
	s13 =	smov.u32 s24  }
0x12e: {  	v26 =	vld.idx.msk [tilespmem:v12+s22+$0x0], $0xffff;
	[tilespmem:s10+$0xFFFFFF60] =	vst v19  }
0x12f: {  	v19 =	vor.u32 s1, v7;
	s1 =	smov.u32 s7;
	s7 =	smov.u32 s17;
	[tilespmem:s9+$0xFFFFFF10] =	vst v21;
	v12 =	vld.idx.msk [tilespmem:v22+s22+$0x0], $0xffff  }
0x130: {  	v27 =	vor.u32 s13, v2;
	v17 =	vld.idx.msk [tilespmem:v14+s22+$0x0], $0xffff;
	[tilespmem:s10+$0xFFFFFFE0] =	vst v15  }
.Ltmp8:
0x131: {  	v14 =	vor.u32 s11, v5;
	v15 =	vld.idx.msk [tilespmem:v16+s22+$0x0], $0xffff;
	[tilespmem:s10+$0x60] =	vst v13;
	(pc) =	sbr.rel @p2 .LBB2_15-.Ltmp8, $4  }
0x132: {  	v23 =	vor.u32 s1, v3;
	v16 =	vld.idx.msk [tilespmem:v24+s22+$0x0], $0xffff;
	[tilespmem:s10+$0xE0] =	vst v18  }
0x133: {  	v22 =	vor.u32 s16, v2;
	v18 =	vld.idx.msk [tilespmem:v29+s22+$0x0], $0xffff;
	[tilespmem:s9+$0x10] =	vst v25  }
0x134: {  	v21 =	vor.u32 s0, v4;
	[tilespmem:s2+$0x40] =	vst v20;
	v20 =	vld.idx.msk [tilespmem:v19+s22+$0x0], $0xffff  }
0x135: {  	s16 =	sadd.s32 $0x8, s16;
	v19 =	vor.u32 s15, v2;
	v13 =	vld.idx.msk [tilespmem:v27+s22+$0x0], $0xffff;
	[tilespmem:s2+$0xA0] =	vst v26  }
0x136: {  	_ = 	snop  }
0x137: {  	[tilespmem:s2+$0xFFFFFF30] =	vst v17  }
0x138: {  	[tilespmem:s10+$0xFFFFFFF0] =	vst v15  }
0x139: {  	[tilespmem:s9+$0x80] =	vst v8  }
0x13a: {  	v58 =	vld.idx.msk [tilespmem:v23+s22+$0x0], $0xffff;
	[tilespmem:s10+$0xFFFFFF70] =	vst v12  }
0x13b: {  	v59 =	vld.idx.msk [tilespmem:v22+s22+$0x0], $0xffff;
	v8 =	vor.u32 s13, v3;
	[tilespmem:s10+$0x70] =	vst v16  }
0x13c: {  	v60 =	vor.u32 s1, v4;
	v11 =	vld.idx.msk [tilespmem:v11+s22+$0x0], $0xffff;
	[tilespmem:s9+$0xFFFFFF90] =	vst v18  }
0x13d: {  	v62 =	vor.u32 s7, v2;
	v10 =	vld.idx.msk [tilespmem:v10+s22+$0x0], $0xffff;
	[tilespmem:s10+$0xF0] =	vst v20  }
0x13e: {  	v14 =	vld.idx.msk [tilespmem:v14+s22+$0x0], $0xffff;
	[tilespmem:s9+$0x20] =	vst v13  }
0x13f: {  	v25 =	vor.u32 s12, v5;
	v24 =	vld.idx.msk [tilespmem:v19+s22+$0x0], $0xffff;
	[tilespmem:s2+$0xB0] =	vst v58  }
0x140: {  	v32 =	vor.u32 s5, v3;
	[tilespmem:s9+$0xFFFFFF20] =	vst v59;
	v8 =	vld.idx.msk [tilespmem:v8+s22+$0x0], $0xffff  }
0x141: {  	v27 =	vor.u32 s15, v3;
	v26 =	vld.idx.msk [tilespmem:v60+s22+$0x0], $0xffff;
	[tilespmem:s9+$0x90] =	vst v11  }
0x142: {  	v28 =	vor.u32 s1, v5;
	[tilespmem:s2+$0xFFFFFFC0] =	vst v10;
	v12 =	vld.idx.msk [tilespmem:v62+s22+$0x0], $0xffff  }
0x143: {  	v30 =	vor.u32 s7, v3;
	v61 =	vld.idx.msk [tilespmem:v21+s22+$0x0], $0xffff;
	[tilespmem:s2+$0x50] =	vst v14  }
0x144: {  	v39 =	vor.u32 s11, v6;
	v31 =	vld.idx.msk [tilespmem:v25+s22+$0x0], $0xffff;
	[tilespmem:s9+$0xFFFFFFA0] =	vst v24  }
0x145: {  	v63 =	vor.u32 s0, v5;
	v36 =	vld.idx.msk [tilespmem:v32+s22+$0x0], $0xffff;
	[tilespmem:s9+$0x30] =	vst v8  }
0x146: {  	v35 =	vor.u32 s13, v4;
	v13 =	vld.idx.msk [tilespmem:v27+s22+$0x0], $0xffff;
	[tilespmem:s2+$0xC0] =	vst v26  }
0x147: {  	v34 =	vor.u32 s12, v6;
	v8 =	vld.idx.msk [tilespmem:v28+s22+$0x0], $0xffff;
	[tilespmem:s9+$0xA0] =	vst v12  }
0x148: {  	[tilespmem:s2+$0xFFFFFF40] =	vst v61;
	v10 =	vld.idx.msk [tilespmem:v30+s22+$0x0], $0xffff  }
0x149: {  	v37 =	vor.u32 s7, v4;
	v46 =	vld.idx.msk [tilespmem:v39+s22+$0x0], $0xffff;
	[tilespmem:s2+$0xFFFFFFD0] =	vst v31  }
0x14a: {  	v38 =	vor.u32 s5, v4;
	v29 =	vld.idx.msk [tilespmem:v63+s22+$0x0], $0xffff;
	[tilespmem:s9+$0xFFFFFF30] =	vst v36  }
0x14b: {  	v33 =	vor.u32 s0, v6;
	v41 =	vld.idx.msk [tilespmem:v35+s22+$0x0], $0xffff;
	[tilespmem:s9+$0xFFFFFFB0] =	vst v13  }
0x14c: {  	v40 =	vor.u32 s1, v6;
	v16 =	vld.idx.msk [tilespmem:v34+s22+$0x0], $0xffff;
	[tilespmem:s2+$0xD0] =	vst v8  }
0x14d: {  	v43 =	vor.u32 s13, v5;
	v8 =	vld.idx.msk [tilespmem:v9+s22+$0x0], $0xffff;
	[tilespmem:s9+$0xB0] =	vst v10  }
0x14e: {  	v42 =	vor.u32 s15, v5;
	[tilespmem:s2+$0x60] =	vst v46;
	v44 =	vld.idx.msk [tilespmem:v37+s22+$0x0], $0xffff  }
0x14f: {  	v45 =	vor.u32 s7, v5;
	[tilespmem:s2+$0xFFFFFF50] =	vst v29;
	v14 =	vld.idx.msk [tilespmem:v38+s22+$0x0], $0xffff  }
0x150: {  	v47 =	vor.u32 s5, v5;
	v17 =	vld.idx.msk [tilespmem:v33+s22+$0x0], $0xffff;
	[tilespmem:s9+$0x40] =	vst v41  }
0x151: {  	v48 =	vor.u32 s12, v7;
	[tilespmem:s2+$0xFFFFFFE0] =	vst v16;
	v13 =	vld.idx.msk [tilespmem:v40+s22+$0x0], $0xffff  }
0x152: {  	v10 =	vld.idx.msk [tilespmem:v43+s22+$0x0], $0xffff;
	[tilespmem:s9+$0xFFFFFFC0] =	vst v8;
	v8 =	vor.u32 s11, v7  }
0x153: {  	v51 =	vor.u32 s13, v6;
	v49 =	vld.idx.msk [tilespmem:v42+s22+$0x0], $0xffff;
	[tilespmem:s9+$0xC0] =	vst v44  }
0x154: {  	v50 =	vor.u32 s15, v6;
	[tilespmem:s9+$0xFFFFFF40] =	vst v14;
	v12 =	vld.idx.msk [tilespmem:v45+s22+$0x0], $0xffff  }
0x155: {  	v53 =	vor.u32 s7, v6;
	[tilespmem:s2+$0xFFFFFF60] =	vst v17;
	v52 =	vld.idx.msk [tilespmem:v47+s22+$0x0], $0xffff  }
0x156: {  	v55 =	vor.u32 s5, v6;
	v54 =	vld.idx.msk [tilespmem:v48+s22+$0x0], $0xffff;
	[tilespmem:s2+$0xE0] =	vst v13  }
0x157: {  	v57 =	vor.u32 s0, v7;
	[tilespmem:s9+$0x50] =	vst v10;
	v8 =	vld.idx.msk [tilespmem:v8+s22+$0x0], $0xffff  }
0x158: {  	v56 =	vor.u32 s1, v7;
	v10 =	vld.idx.msk [tilespmem:v51+s22+$0x0], $0xffff;
	[tilespmem:s9+$0xFFFFFFD0] =	vst v49  }
0x159: {  	v60 =	vor.u32 s13, v7;
	v11 =	vld.idx.msk [tilespmem:v50+s22+$0x0], $0xffff;
	[tilespmem:s9+$0xD0] =	vst v12  }
0x15a: {  	v58 =	vor.u32 s15, v7;
	[tilespmem:s9+$0xFFFFFF50] =	vst v52;
	v59 =	vld.idx.msk [tilespmem:v53+s22+$0x0], $0xffff  }
0x15b: {  	v61 =	vor.u32 s7, v7;
	[tilespmem:s2+$0xFFFFFFF0] =	vst v54;
	v13 =	vld.idx.msk [tilespmem:v55+s22+$0x0], $0xffff  }
0x15c: {  	v9 =	vld.idx.msk [tilespmem:v57+s22+$0x0], $0xffff;
	[tilespmem:s2+$0x70] =	vst v8;
	v8 =	vor.u32 s5, v7  }
0x15d: {  	v62 =	vld.idx.msk [tilespmem:v56+s22+$0x0], $0xffff;
	[tilespmem:s9+$0x60] =	vst v10  }
0x15e: {  	v10 =	vld.idx.msk [tilespmem:v60+s22+$0x0], $0xffff;
	[tilespmem:s9+$0xFFFFFFE0] =	vst v11  }
0x15f: {  	v11 =	vld.idx.msk [tilespmem:v58+s22+$0x0], $0xffff;
	[tilespmem:s9+$0xE0] =	vst v59  }
0x160: {  	[tilespmem:s9+$0xFFFFFF60] =	vst v13;
	v63 =	vld.idx.msk [tilespmem:v61+s22+$0x0], $0xffff  }
0x161: {  	[tilespmem:s2+$0xFFFFFF70] =	vst v9;
	v8 =	vld.idx.msk [tilespmem:v8+s22+$0x0], $0xffff  }
.Ltmp9:
0x162: {  	[tilespmem:s2+$0xF0] =	vst v62;
	(pc) =	sbr.rel .LBB2_17-.Ltmp9, $4  }
0x163: {  	[tilespmem:s9+$0x70] =	vst v10  }
0x164: {  	[tilespmem:s9+$0xFFFFFFF0] =	vst v11  }
0x165: {  	[tilespmem:s9+$0xF0] =	vst v63  }
0x166: {  	[tilespmem:s9+$0xFFFFFF70] =	vst v8  }
.LBB2_4:
.Ltmp10:
0x167: {  	(pc) =	sbr.rel @p2 .LBB2_6-.Ltmp10, $1  }
0x168: {  	_ =	sdelay $0x3  }
.Ltmp11:
0x169: {  	(pc) =	sbr.rel .LBB2_7-.Ltmp11, $4  }
0x16a: {  	_ = 	snop  }
0x16b: {  	_ =	swait.ge [sflag:s23], $0x2000  }
0x16c: {  	[sflag:s23] =	ssyncset.done $0x0  }
0x16d: {  	[sflag:s23] =	ssyncadd.s32 $0xFFFFE000  }
.LBB2_6:
0x16e: {  	p2 =	seq.s32 s31, $0x0  }
.Ltmp12:
0x16f: {  	_ = 	snop;
	(pc) =	sbr.rel @p2 .LBB2_8-.Ltmp12, $1  }
0x170: {  	_ =	sdelay $0x3  }
.LBB2_7:
0x171: {  	s0 =	sshll.u32 s31, $0xF  }
0x172: {  	s0 =	sadd.s32 s14, s0  }
0x173: {  	s0 =	sand.u32 $0x1FFFFC00, s0  }
0x174: {  	s1 =	simm.s32 $0xA000;
	s0 =	sadd.s32 s4, s0  }
0x175: {  	[hbm4b:s0+s3] =	stream.linear.scatter [tilespmem:s1], [sflag:$0x6], $0x2000, $0x38;
	[tilespmem:$0xC000] =	vst v63  }
.LBB2_8:
0x176: {  	s6 =	simm.s32 $0x4  }
0x177: {  	_ =	swait.ge [sflag:s28], $0x2000;
	p2 =	seq.s32 s31, $0xF2;
	v8 =	vor.u32 s6, v0  }
0x178: {  	s17 =	simm.s32 $0x0;
	s16 =	simm.s32 $0x2;
	[sflag:s28] =	ssyncset.done $0x0  }
0x179: {  	s0 =	sshll.u32 @!p2 s31, $0xC;
	v9 =	vor.u32 s17, v0;
	s1 =	simm.s32 @!p2 $0x400;
	s2 =	simm.s32 @!p2 $0x7A1400  }
0x17a: {  	s5 =	simm.s32 @!p2 $0x4000;
	v10 =	vor.u32 s16, v0;
	[sflag:s28] =	ssyncadd.s32 $0xFFFFE000;
	s0 =	sadd.s32 @!p2 s0, s8  }
0x17b: {  	[tilespmem:s5], [sflag:$0x3] =	stream.strided.gather @!p2 [hbm4b:s0+s1], $0x2000, s2, s1, $0x38;
	[tilespmem:$0xC000] =	vst v63  }
0x17c: {  	v8 =	vld.idx.msk [tilespmem:v8+s3+$0x0], $0xffff  }
0x17d: {  	v11 =	vor.u32 s6, v1  }
0x17e: {  	v9 =	vld.idx.msk [tilespmem:v9+s3+$0x0], $0xffff  }
0x17f: {  	v10 =	vld.idx.msk [tilespmem:v10+s3+$0x0], $0xffff  }
0x180: {  	s10 =	simm.s32 $0x6100;
	v13 =	vor.u32 s16, v1  }
0x181: {  	v12 =	vor.u32 s17, v1;
	[tilespmem:s10+$0x0] =	vst v8  }
0x182: {  	s26 =	simm.s32 $0x6;
	v8 =	vld.idx.msk [tilespmem:v11+s3+$0x0], $0xffff  }
0x183: {  	[tilespmem:s10+$0xFFFFFF00] =	vst v9;
	v11 =	vor.u32 s26, v0  }
0x184: {  	s12 =	simm.s32 $0xA;
	v9 =	vor.u32 s6, v2;
	[tilespmem:s10+$0xFFFFFF80] =	vst v10  }
0x185: {  	v18 =	vor.u32 s12, v0;
	v13 =	vld.idx.msk [tilespmem:v13+s3+$0x0], $0xffff  }
0x186: {  	v14 =	vor.u32 s16, v2;
	s0 =	simm.s32 $0x8;
	v12 =	vld.idx.msk [tilespmem:v12+s3+$0x0], $0xffff  }
0x187: {  	[tilespmem:s10+$0x10] =	vst v8;
	v8 =	vor.u32 s0, v0  }
0x188: {  	s11 =	simm.s32 $0xC;
	v10 =	vor.u32 s17, v2;
	v11 =	vld.idx.msk [tilespmem:v11+s3+$0x0], $0xffff  }
0x189: {  	v15 =	vor.u32 s11, v0;
	v9 =	vld.idx.msk [tilespmem:v9+s3+$0x0], $0xffff  }
0x18a: {  	v16 =	vor.u32 s26, v1;
	v18 =	vld.idx.msk [tilespmem:v18+s3+$0x0], $0xffff;
	[tilespmem:s10+$0xFFFFFF90] =	vst v13  }
0x18b: {  	[tilespmem:s10+$0xFFFFFF10] =	vst v12;
	v12 =	vor.u32 s6, v3;
	v14 =	vld.idx.msk [tilespmem:v14+s3+$0x0], $0xffff  }
0x18c: {  	v17 =	vor.u32 s16, v3;
	v8 =	vld.idx.msk [tilespmem:v8+s3+$0x0], $0xffff  }
0x18d: {  	v19 =	vor.u32 s0, v1;
	v10 =	vld.idx.msk [tilespmem:v10+s3+$0x0], $0xffff;
	[tilespmem:s10+$0x80] =	vst v11  }
0x18e: {  	v20 =	vor.u32 s12, v1;
	s2 =	simm.s32 $0x6300;
	[tilespmem:s10+$0x20] =	vst v9;
	v9 =	vld.idx.msk [tilespmem:v15+s3+$0x0], $0xffff  }
0x18f: {  	[tilespmem:s2+$0xFFFFFF80] =	vst v18;
	v11 =	vor.u32 s11, v1;
	v15 =	vld.idx.msk [tilespmem:v16+s3+$0x0], $0xffff  }
0x190: {  	[tilespmem:s10+$0xFFFFFFA0] =	vst v14;
	v14 =	vor.u32 s26, v2;
	v12 =	vld.idx.msk [tilespmem:v12+s3+$0x0], $0xffff  }
0x191: {  	s1 =	simm.s32 $0xE;
	v16 =	vor.u32 s6, v4;
	v17 =	vld.idx.msk [tilespmem:v17+s3+$0x0], $0xffff;
	[tilespmem:s2+$0xFFFFFF00] =	vst v8  }
0x192: {  	v13 =	vor.u32 s1, v0;
	[tilespmem:s10+$0xFFFFFF20] =	vst v10;
	v10 =	vld.idx.msk [tilespmem:v19+s3+$0x0], $0xffff  }
0x193: {  	[tilespmem:s2+$0x0] =	vst v9;
	v9 =	vor.u32 s17, v3;
	v19 =	vld.idx.msk [tilespmem:v20+s3+$0x0], $0xffff  }
0x194: {  	[tilespmem:s10+$0x90] =	vst v15;
	v20 =	vor.u32 s16, v4;
	v11 =	vld.idx.msk [tilespmem:v11+s3+$0x0], $0xffff  }
0x195: {  	v15 =	vor.u32 s11, v2;
	[tilespmem:s10+$0x30] =	vst v12;
	v8 =	vld.idx.msk [tilespmem:v14+s3+$0x0], $0xffff  }
0x196: {  	v12 =	vld.idx.msk [tilespmem:v16+s3+$0x0], $0xffff;
	v16 =	vor.u32 s26, v3  }
0x197: {  	v13 =	vld.idx.msk [tilespmem:v13+s3+$0x0], $0xffff;
	v14 =	vor.u32 s6, v5;
	[tilespmem:s10+$0xFFFFFFB0] =	vst v17  }
0x198: {  	v18 =	vor.u32 s0, v2;
	v9 =	vld.idx.msk [tilespmem:v9+s3+$0x0], $0xffff;
	[tilespmem:s2+$0xFFFFFF10] =	vst v10  }
0x199: {  	s5 =	simm.s32 $0x10;
	v20 =	vld.idx.msk [tilespmem:v20+s3+$0x0], $0xffff;
	[tilespmem:s2+$0x10] =	vst v11;
	v11 =	vor.u32 s17, v4  }
0x19a: {  	s7 =	simm.s32 $0x16;
	[tilespmem:s10+$0xA0] =	vst v8;
	v8 =	vor.u32 s5, v0;
	v15 =	vld.idx.msk [tilespmem:v15+s3+$0x0], $0xffff  }
0x19b: {  	v17 =	vor.u32 s7, v0;
	[tilespmem:s10+$0x40] =	vst v12;
	v10 =	vld.idx.msk [tilespmem:v16+s3+$0x0], $0xffff  }
0x19c: {  	v12 =	vor.u32 s12, v2;
	v14 =	vld.idx.msk [tilespmem:v14+s3+$0x0], $0xffff  }
0x19d: {  	v16 =	vor.u32 s1, v1;
	[tilespmem:s10+$0xFFFFFF30] =	vst v9;
	v9 =	vld.idx.msk [tilespmem:v18+s3+$0x0], $0xffff  }
0x19e: {  	[tilespmem:s2+$0xFFFFFF90] =	vst v19;
	v19 =	vor.u32 s11, v3;
	v11 =	vld.idx.msk [tilespmem:v11+s3+$0x0], $0xffff  }
0x19f: {  	[tilespmem:s2+$0x80] =	vst v13;
	v18 =	vor.u32 s26, v4;
	v21 =	vld.idx.msk [tilespmem:v8+s3+$0x0], $0xffff  }
0x1a0: {  	v22 =	vor.u32 s16, v5;
	[tilespmem:s10+$0xFFFFFFC0] =	vst v20;
	v8 =	vld.idx.msk [tilespmem:v17+s3+$0x0], $0xffff  }
0x1a1: {  	s13 =	simm.s32 $0x14;
	v13 =	vor.u32 s17, v5;
	v12 =	vld.idx.msk [tilespmem:v12+s3+$0x0], $0xffff;
	[tilespmem:s10+$0xB0] =	vst v10  }
0x1a2: {  	v16 =	vld.idx.msk [tilespmem:v16+s3+$0x0], $0xffff;
	v10 =	vor.u32 s13, v0;
	[tilespmem:s2+$0x20] =	vst v15  }
0x1a3: {  	s15 =	simm.s32 $0x12;
	v17 =	vor.u32 s12, v3;
	v15 =	vld.idx.msk [tilespmem:v19+s3+$0x0], $0xffff;
	[tilespmem:s10+$0x50] =	vst v14  }
0x1a4: {  	[tilespmem:s2+$0xFFFFFF20] =	vst v9;
	v9 =	vld.idx.msk [tilespmem:v18+s3+$0x0], $0xffff;
	v18 =	vor.u32 s15, v0  }
0x1a5: {  	s9 =	simm.s32 $0x6500;
	v20 =	vld.idx.msk [tilespmem:v22+s3+$0x0], $0xffff;
	v19 =	vor.u32 s5, v1;
	[tilespmem:s10+$0xFFFFFF40] =	vst v11  }
0x1a6: {  	v11 =	vor.u32 s26, v5;
	[tilespmem:s9+$0xFFFFFF00] =	vst v21;
	v13 =	vld.idx.msk [tilespmem:v13+s3+$0x0], $0xffff  }
0x1a7: {  	v21 =	vor.u32 s16, v6;
	v10 =	vld.idx.msk [tilespmem:v10+s3+$0x0], $0xffff;
	[tilespmem:s2+$0xFFFFFFA0] =	vst v12  }
0x1a8: {  	v12 =	vor.u32 s17, v6;
	[tilespmem:s2+$0x90] =	vst v16;
	v17 =	vld.idx.msk [tilespmem:v17+s3+$0x0], $0xffff  }
0x1a9: {  	[tilespmem:s2+$0x30] =	vst v15;
	v15 =	vor.u32 s6, v6;
	v16 =	vld.idx.msk [tilespmem:v18+s3+$0x0], $0xffff  }
0x1aa: {  	v14 =	vor.u32 s0, v3;
	[tilespmem:s10+$0xC0] =	vst v9;
	v18 =	vld.idx.msk [tilespmem:v19+s3+$0x0], $0xffff  }
0x1ab: {  	[tilespmem:s10+$0xFFFFFFD0] =	vst v20;
	v9 =	vor.u32 s13, v1;
	v11 =	vld.idx.msk [tilespmem:v11+s3+$0x0], $0xffff  }
0x1ac: {  	v19 =	vor.u32 s11, v4;
	v20 =	vld.idx.msk [tilespmem:v21+s3+$0x0], $0xffff;
	[tilespmem:s10+$0xFFFFFF50] =	vst v13  }
0x1ad: {  	v13 =	vor.u32 s26, v6;
	v12 =	vld.idx.msk [tilespmem:v12+s3+$0x0], $0xffff  }
0x1ae: {  	v21 =	vor.u32 s17, v7;
	[tilespmem:s9+$0x0] =	vst v10;
	v22 =	vld.idx.msk [tilespmem:v15+s3+$0x0], $0xffff  }
0x1af: {  	v10 =	vor.u32 s1, v2;
	[tilespmem:s2+$0xFFFFFFB0] =	vst v17;
	v17 =	vld.idx.msk [tilespmem:v14+s3+$0x0], $0xffff  }
0x1b0: {  	v23 =	vor.u32 s15, v1;
	v9 =	vld.idx.msk [tilespmem:v9+s3+$0x0], $0xffff;
	[tilespmem:s9+$0xFFFFFF80] =	vst v16  }
0x1b1: {  	v19 =	vld.idx.msk [tilespmem:v19+s3+$0x0], $0xffff;
	[tilespmem:s10+$0xD0] =	vst v11;
	v11 =	vor.u32 s16, v7  }
0x1b2: {  	v16 =	vor.u32 s6, v7;
	v13 =	vld.idx.msk [tilespmem:v13+s3+$0x0], $0xffff;
	[tilespmem:s10+$0xFFFFFF60] =	vst v12  }
0x1b3: {  	[tilespmem:s9+$0xFFFFFF10] =	vst v18;
	v12 =	vld.idx.msk [tilespmem:v21+s3+$0x0], $0xffff;
	v21 =	vor.u32 s26, v7  }
0x1b4: {  	v25 =	vor.u32 s13, v2;
	[tilespmem:s10+$0xFFFFFFE0] =	vst v20;
	v24 =	vld.idx.msk [tilespmem:v10+s3+$0x0], $0xffff  }
0x1b5: {  	v14 =	vor.u32 s11, v5;
	v18 =	vld.idx.msk [tilespmem:v23+s3+$0x0], $0xffff;
	[tilespmem:s10+$0x60] =	vst v22  }
0x1b6: {  	v23 =	vor.u32 s1, v3;
	[tilespmem:s9+$0x10] =	vst v9;
	v15 =	vld.idx.msk [tilespmem:v11+s3+$0x0], $0xffff  }
0x1b7: {  	v22 =	vor.u32 s5, v2;
	v16 =	vld.idx.msk [tilespmem:v16+s3+$0x0], $0xffff;
	[tilespmem:s10+$0xE0] =	vst v13  }
0x1b8: {  	v10 =	vor.u32 s12, v4;
	[tilespmem:s2+$0x40] =	vst v19;
	v20 =	vld.idx.msk [tilespmem:v21+s3+$0x0], $0xffff;
	v21 =	vor.u32 s0, v4  }
0x1b9: {  	s6 =	simm.s32 $0x8;
	s16 =	simm.s32 $0x18;
	v9 =	vor.u32 s15, v4;
	v19 =	vor.u32 s15, v2;
	v11 =	vor.u32 s7, v1;
	v13 =	vld.idx.msk [tilespmem:v25+s3+$0x0], $0xffff;
	[tilespmem:s2+$0xA0] =	vst v24  }
.LBB2_9:
0x1ba: {  	v24 =	vor.u32 s16, v0;
	s26 =	sadd.s32 $0x2, s16;
	s6 =	sadd.s32 $0x4, s6;
	[tilespmem:s2+$0xFFFFFF30] =	vst v17;
	v14 =	vld.idx.msk [tilespmem:v14+s3+$0x0], $0xffff  }
0x1bb: {  	s24 =	sadd.s32 $0x4, s16;
	v17 =	vor.u32 s26, v0;
	v25 =	vor.u32 s26, v4;
	p2 =	slt.u32 s6, $0x3C;
	v23 =	vld.idx.msk [tilespmem:v23+s3+$0x0], $0xffff;
	[tilespmem:s10+$0xFFFFFFF0] =	vst v15  }
0x1bc: {  	s17 =	sadd.s32 $0x6, s16;
	v15 =	vor.u32 s24, v0;
	v22 =	vld.idx.msk [tilespmem:v22+s3+$0x0], $0xffff;
	[tilespmem:s10+$0x70] =	vst v16  }
0x1bd: {  	v16 =	vor.u32 s17, v0;
	[tilespmem:s9+$0xFFFFFF90] =	vst v18;
	v18 =	vld.idx.msk [tilespmem:v21+s3+$0x0], $0xffff;
	v21 =	vor.u32 s1, v4  }
0x1be: {  	v19 =	vld.idx.msk [tilespmem:v19+s3+$0x0], $0xffff;
	[tilespmem:s10+$0xF0] =	vst v20  }
0x1bf: {  	v20 =	vor.u32 s13, v3;
	v26 =	vld.idx.msk [tilespmem:v10+s3+$0x0], $0xffff;
	[tilespmem:s10+$0xFFFFFF70] =	vst v12;
	v10 =	vmov v9;
	v9 =	vmov v25;
	s10 =	smov.u32 s2;
	s2 =	smov.u32 s9  }
0x1c0: {  	v12 =	vld.idx.msk [tilespmem:v24+s3+$0x0], $0xffff;
	[tilespmem:s9+$0x80] =	vst v8;
	v24 =	vor.u32 s0, v5  }
0x1c1: {  	v28 =	vor.u32 s12, v5;
	v25 =	vor.u32 s16, v1;
	v27 =	vld.idx.msk [tilespmem:v11+s3+$0x0], $0xffff;
	[tilespmem:s10+$0xB0] =	vst v23  }
0x1c2: {  	v29 =	vor.u32 s26, v1;
	[tilespmem:s9+$0xFFFFFF20] =	vst v22;
	v21 =	vld.idx.msk [tilespmem:v21+s3+$0x0], $0xffff  }
0x1c3: {  	v22 =	vor.u32 s24, v1;
	v8 =	vld.idx.msk [tilespmem:v16+s3+$0x0], $0xffff;
	v16 =	vor.u32 s15, v3;
	[tilespmem:s9+$0x20] =	vst v13  }
0x1c4: {  	v11 =	vor.u32 s17, v1;
	s9 =	sadd.s32 $0x200, s9;
	v13 =	vld.idx.msk [tilespmem:v20+s3+$0x0], $0xffff;
	[tilespmem:s10+$0xFFFFFF40] =	vst v18;
	v18 =	vor.u32 s1, v5  }
0x1c5: {  	v20 =	vld.idx.msk [tilespmem:v24+s3+$0x0], $0xffff;
	[tilespmem:s10+$0xFFFFFFC0] =	vst v26  }
0x1c6: {  	[tilespmem:s9+$0xFFFFFF00] =	vst v12;
	v12 =	vld.idx.msk [tilespmem:v28+s3+$0x0], $0xffff  }
0x1c7: {  	v15 =	vld.idx.msk [tilespmem:v15+s3+$0x0], $0xffff;
	[tilespmem:s2+$0xFFFFFFA0] =	vst v19;
	v19 =	vor.u32 s0, v6  }
0x1c8: {  	v23 =	vor.u32 s12, v6;
	v16 =	vld.idx.msk [tilespmem:v16+s3+$0x0], $0xffff;
	[tilespmem:s10+$0xC0] =	vst v21  }
0x1c9: {  	[tilespmem:s2+$0x90] =	vst v27;
	v18 =	vld.idx.msk [tilespmem:v18+s3+$0x0], $0xffff  }
0x1ca: {  	v17 =	vld.idx.msk [tilespmem:v17+s3+$0x0], $0xffff;
	[tilespmem:s2+$0x30] =	vst v13;
	v13 =	vor.u32 s11, v6  }
0x1cb: {  	v21 =	vld.idx.msk [tilespmem:v25+s3+$0x0], $0xffff;
	[tilespmem:s10+$0xFFFFFF50] =	vst v20;
	v20 =	vor.u32 s1, v6  }
0x1cc: {  	v24 =	vor.u32 s13, v4;
	v19 =	vld.idx.msk [tilespmem:v19+s3+$0x0], $0xffff;
	[tilespmem:s10+$0xFFFFFFD0] =	vst v12  }
0x1cd: {  	v12 =	vor.u32 s7, v2;
	[tilespmem:s9+$0x0] =	vst v15;
	v15 =	vld.idx.msk [tilespmem:v23+s3+$0x0], $0xffff  }
0x1ce: {  	v25 =	vld.idx.msk [tilespmem:v22+s3+$0x0], $0xffff;
	v22 =	vor.u32 s0, v7;
	[tilespmem:s10+$0x50] =	vst v14;
	s0 =	smov.u32 s5;
	s5 =	smov.u32 s16  }
0x1cf: {  	v14 =	vor.u32 s0, v3;
	v13 =	vld.idx.msk [tilespmem:v13+s3+$0x0], $0xffff;
	[tilespmem:s10+$0xD0] =	vst v18  }
0x1d0: {  	[tilespmem:s2+$0xFFFFFFB0] =	vst v16;
	v16 =	vor.u32 s12, v7;
	v18 =	vld.idx.msk [tilespmem:v20+s3+$0x0], $0xffff;
	s12 =	smov.u32 s15;
	s15 =	smov.u32 s26  }
0x1d1: {  	[tilespmem:s9+$0xFFFFFF80] =	vst v17;
	v20 =	vld.idx.msk [tilespmem:v24+s3+$0x0], $0xffff;
	v24 =	vor.u32 s11, v7;
	s11 =	smov.u32 s13;
	s13 =	smov.u32 s24  }
0x1d2: {  	v26 =	vld.idx.msk [tilespmem:v12+s3+$0x0], $0xffff;
	[tilespmem:s10+$0xFFFFFF60] =	vst v19  }
0x1d3: {  	v19 =	vor.u32 s1, v7;
	s1 =	smov.u32 s7;
	s7 =	smov.u32 s17;
	[tilespmem:s9+$0xFFFFFF10] =	vst v21;
	v12 =	vld.idx.msk [tilespmem:v22+s3+$0x0], $0xffff  }
0x1d4: {  	v27 =	vor.u32 s13, v2;
	v17 =	vld.idx.msk [tilespmem:v14+s3+$0x0], $0xffff;
	[tilespmem:s10+$0xFFFFFFE0] =	vst v15  }
.Ltmp13:
0x1d5: {  	v14 =	vor.u32 s11, v5;
	v15 =	vld.idx.msk [tilespmem:v16+s3+$0x0], $0xffff;
	[tilespmem:s10+$0x60] =	vst v13;
	(pc) =	sbr.rel @p2 .LBB2_9-.Ltmp13, $4  }
0x1d6: {  	v23 =	vor.u32 s1, v3;
	v16 =	vld.idx.msk [tilespmem:v24+s3+$0x0], $0xffff;
	[tilespmem:s10+$0xE0] =	vst v18  }
0x1d7: {  	v22 =	vor.u32 s16, v2;
	v18 =	vld.idx.msk [tilespmem:v29+s3+$0x0], $0xffff;
	[tilespmem:s9+$0x10] =	vst v25  }
0x1d8: {  	v21 =	vor.u32 s0, v4;
	[tilespmem:s2+$0x40] =	vst v20;
	v20 =	vld.idx.msk [tilespmem:v19+s3+$0x0], $0xffff  }
0x1d9: {  	s16 =	sadd.s32 $0x8, s16;
	v19 =	vor.u32 s15, v2;
	v13 =	vld.idx.msk [tilespmem:v27+s3+$0x0], $0xffff;
	[tilespmem:s2+$0xA0] =	vst v26  }
0x1da: {  	_ = 	snop  }
0x1db: {  	[tilespmem:s2+$0xFFFFFF30] =	vst v17  }
0x1dc: {  	[tilespmem:s10+$0xFFFFFFF0] =	vst v15  }
0x1dd: {  	[tilespmem:s9+$0x80] =	vst v8  }
0x1de: {  	v58 =	vld.idx.msk [tilespmem:v23+s3+$0x0], $0xffff;
	[tilespmem:s10+$0xFFFFFF70] =	vst v12  }
0x1df: {  	v59 =	vld.idx.msk [tilespmem:v22+s3+$0x0], $0xffff;
	v8 =	vor.u32 s13, v3;
	[tilespmem:s10+$0x70] =	vst v16  }
0x1e0: {  	v60 =	vor.u32 s1, v4;
	v11 =	vld.idx.msk [tilespmem:v11+s3+$0x0], $0xffff;
	[tilespmem:s9+$0xFFFFFF90] =	vst v18  }
0x1e1: {  	v62 =	vor.u32 s7, v2;
	v10 =	vld.idx.msk [tilespmem:v10+s3+$0x0], $0xffff;
	[tilespmem:s10+$0xF0] =	vst v20  }
0x1e2: {  	v14 =	vld.idx.msk [tilespmem:v14+s3+$0x0], $0xffff;
	[tilespmem:s9+$0x20] =	vst v13  }
0x1e3: {  	v25 =	vor.u32 s12, v5;
	v24 =	vld.idx.msk [tilespmem:v19+s3+$0x0], $0xffff;
	[tilespmem:s2+$0xB0] =	vst v58  }
0x1e4: {  	v32 =	vor.u32 s5, v3;
	[tilespmem:s9+$0xFFFFFF20] =	vst v59;
	v8 =	vld.idx.msk [tilespmem:v8+s3+$0x0], $0xffff  }
0x1e5: {  	v27 =	vor.u32 s15, v3;
	v26 =	vld.idx.msk [tilespmem:v60+s3+$0x0], $0xffff;
	[tilespmem:s9+$0x90] =	vst v11  }
0x1e6: {  	v28 =	vor.u32 s1, v5;
	[tilespmem:s2+$0xFFFFFFC0] =	vst v10;
	v12 =	vld.idx.msk [tilespmem:v62+s3+$0x0], $0xffff  }
0x1e7: {  	v30 =	vor.u32 s7, v3;
	v61 =	vld.idx.msk [tilespmem:v21+s3+$0x0], $0xffff;
	[tilespmem:s2+$0x50] =	vst v14  }
0x1e8: {  	v39 =	vor.u32 s11, v6;
	v31 =	vld.idx.msk [tilespmem:v25+s3+$0x0], $0xffff;
	[tilespmem:s9+$0xFFFFFFA0] =	vst v24  }
0x1e9: {  	v63 =	vor.u32 s0, v5;
	v36 =	vld.idx.msk [tilespmem:v32+s3+$0x0], $0xffff;
	[tilespmem:s9+$0x30] =	vst v8  }
0x1ea: {  	v35 =	vor.u32 s13, v4;
	v13 =	vld.idx.msk [tilespmem:v27+s3+$0x0], $0xffff;
	[tilespmem:s2+$0xC0] =	vst v26  }
0x1eb: {  	v34 =	vor.u32 s12, v6;
	v8 =	vld.idx.msk [tilespmem:v28+s3+$0x0], $0xffff;
	[tilespmem:s9+$0xA0] =	vst v12  }
0x1ec: {  	[tilespmem:s2+$0xFFFFFF40] =	vst v61;
	v10 =	vld.idx.msk [tilespmem:v30+s3+$0x0], $0xffff  }
0x1ed: {  	v37 =	vor.u32 s7, v4;
	v46 =	vld.idx.msk [tilespmem:v39+s3+$0x0], $0xffff;
	[tilespmem:s2+$0xFFFFFFD0] =	vst v31  }
0x1ee: {  	v38 =	vor.u32 s5, v4;
	v29 =	vld.idx.msk [tilespmem:v63+s3+$0x0], $0xffff;
	[tilespmem:s9+$0xFFFFFF30] =	vst v36  }
0x1ef: {  	v33 =	vor.u32 s0, v6;
	v41 =	vld.idx.msk [tilespmem:v35+s3+$0x0], $0xffff;
	[tilespmem:s9+$0xFFFFFFB0] =	vst v13  }
0x1f0: {  	v40 =	vor.u32 s1, v6;
	v16 =	vld.idx.msk [tilespmem:v34+s3+$0x0], $0xffff;
	[tilespmem:s2+$0xD0] =	vst v8  }
0x1f1: {  	v43 =	vor.u32 s13, v5;
	v8 =	vld.idx.msk [tilespmem:v9+s3+$0x0], $0xffff;
	[tilespmem:s9+$0xB0] =	vst v10  }
0x1f2: {  	v42 =	vor.u32 s15, v5;
	[tilespmem:s2+$0x60] =	vst v46;
	v44 =	vld.idx.msk [tilespmem:v37+s3+$0x0], $0xffff  }
0x1f3: {  	v45 =	vor.u32 s7, v5;
	[tilespmem:s2+$0xFFFFFF50] =	vst v29;
	v14 =	vld.idx.msk [tilespmem:v38+s3+$0x0], $0xffff  }
0x1f4: {  	v47 =	vor.u32 s5, v5;
	v17 =	vld.idx.msk [tilespmem:v33+s3+$0x0], $0xffff;
	[tilespmem:s9+$0x40] =	vst v41  }
0x1f5: {  	v48 =	vor.u32 s12, v7;
	[tilespmem:s2+$0xFFFFFFE0] =	vst v16;
	v13 =	vld.idx.msk [tilespmem:v40+s3+$0x0], $0xffff  }
0x1f6: {  	v10 =	vld.idx.msk [tilespmem:v43+s3+$0x0], $0xffff;
	[tilespmem:s9+$0xFFFFFFC0] =	vst v8;
	v8 =	vor.u32 s11, v7  }
0x1f7: {  	v51 =	vor.u32 s13, v6;
	v49 =	vld.idx.msk [tilespmem:v42+s3+$0x0], $0xffff;
	[tilespmem:s9+$0xC0] =	vst v44  }
0x1f8: {  	v50 =	vor.u32 s15, v6;
	[tilespmem:s9+$0xFFFFFF40] =	vst v14;
	v12 =	vld.idx.msk [tilespmem:v45+s3+$0x0], $0xffff  }
0x1f9: {  	v53 =	vor.u32 s7, v6;
	[tilespmem:s2+$0xFFFFFF60] =	vst v17;
	v52 =	vld.idx.msk [tilespmem:v47+s3+$0x0], $0xffff  }
0x1fa: {  	v55 =	vor.u32 s5, v6;
	v54 =	vld.idx.msk [tilespmem:v48+s3+$0x0], $0xffff;
	[tilespmem:s2+$0xE0] =	vst v13  }
0x1fb: {  	v57 =	vor.u32 s0, v7;
	[tilespmem:s9+$0x50] =	vst v10;
	v8 =	vld.idx.msk [tilespmem:v8+s3+$0x0], $0xffff  }
0x1fc: {  	v56 =	vor.u32 s1, v7;
	v10 =	vld.idx.msk [tilespmem:v51+s3+$0x0], $0xffff;
	[tilespmem:s9+$0xFFFFFFD0] =	vst v49  }
0x1fd: {  	v60 =	vor.u32 s13, v7;
	v11 =	vld.idx.msk [tilespmem:v50+s3+$0x0], $0xffff;
	[tilespmem:s9+$0xD0] =	vst v12  }
0x1fe: {  	v58 =	vor.u32 s15, v7;
	[tilespmem:s9+$0xFFFFFF50] =	vst v52;
	v59 =	vld.idx.msk [tilespmem:v53+s3+$0x0], $0xffff  }
0x1ff: {  	v61 =	vor.u32 s7, v7;
	[tilespmem:s2+$0xFFFFFFF0] =	vst v54;
	v13 =	vld.idx.msk [tilespmem:v55+s3+$0x0], $0xffff  }
0x200: {  	v9 =	vld.idx.msk [tilespmem:v57+s3+$0x0], $0xffff;
	[tilespmem:s2+$0x70] =	vst v8;
	v8 =	vor.u32 s5, v7  }
0x201: {  	v62 =	vld.idx.msk [tilespmem:v56+s3+$0x0], $0xffff;
	[tilespmem:s9+$0x60] =	vst v10  }
0x202: {  	v10 =	vld.idx.msk [tilespmem:v60+s3+$0x0], $0xffff;
	[tilespmem:s9+$0xFFFFFFE0] =	vst v11  }
0x203: {  	v11 =	vld.idx.msk [tilespmem:v58+s3+$0x0], $0xffff;
	[tilespmem:s9+$0xE0] =	vst v59  }
0x204: {  	[tilespmem:s9+$0xFFFFFF60] =	vst v13;
	v63 =	vld.idx.msk [tilespmem:v61+s3+$0x0], $0xffff  }
0x205: {  	[tilespmem:s2+$0xFFFFFF70] =	vst v9;
	v8 =	vld.idx.msk [tilespmem:v8+s3+$0x0], $0xffff  }
.Ltmp14:
0x206: {  	[tilespmem:s2+$0xF0] =	vst v62;
	(pc) =	sbr.rel .LBB2_17-.Ltmp14, $4  }
0x207: {  	[tilespmem:s9+$0x70] =	vst v10  }
0x208: {  	[tilespmem:s9+$0xFFFFFFF0] =	vst v11  }
0x209: {  	[tilespmem:s9+$0xF0] =	vst v63  }
0x20a: {  	[tilespmem:s9+$0xFFFFFF70] =	vst v8  }
.LBB2_18:
0x20b: {  	s1 =	simm.s32 $0x0  }
0x20c: {  	v8 =	vor.u32 s1, v0  }
0x20d: {  	_ =	swait.ge [sflag:s23], $0x2000  }
0x20e: {  	[sflag:s23] =	ssyncset.done $0x0  }
0x20f: {  	s2 =	simm.s32 $0xA000;
	s0 =	rddreg [dreg:$0x7];
	[sflag:s23] =	ssyncadd.s32 $0xFFFFE000  }
0x210: {  	[hbm4b:s0+s1] =	stream.linear.scatter [tilespmem:s2], [sflag:$0x6], $0x2000, $0x38;
	[tilespmem:$0xC000] =	vst v63  }
0x211: {  	v8 =	vld.idx.msk [tilespmem:v8+s3+$0x0], $0xffff  }
0x212: {  	v9 =	vor.u32 s1, v1;
	_ =	sdelay $0x2  }
0x213: {  	s0 =	simm.s32 $0x6040  }
0x214: {  	[tilespmem:s0+$0xFFFFFFC0] =	vst v8  }
0x215: {  	v8 =	vld.idx.msk [tilespmem:v9+s3+$0x0], $0xffff  }
0x216: {  	v9 =	vor.u32 s1, v2;
	_ =	sdelay $0x3  }
0x217: {  	[tilespmem:s0+$0xFFFFFFD0] =	vst v8  }
0x218: {  	v8 =	vld.idx.msk [tilespmem:v9+s3+$0x0], $0xffff  }
0x219: {  	v9 =	vor.u32 s1, v3;
	_ =	sdelay $0x3  }
0x21a: {  	[tilespmem:s0+$0xFFFFFFE0] =	vst v8  }
0x21b: {  	v8 =	vld.idx.msk [tilespmem:v9+s3+$0x0], $0xffff  }
0x21c: {  	v9 =	vor.u32 s1, v4;
	_ =	sdelay $0x3  }
0x21d: {  	[tilespmem:s0+$0xFFFFFFF0] =	vst v8  }
0x21e: {  	v8 =	vld.idx.msk [tilespmem:v9+s3+$0x0], $0xffff  }
0x21f: {  	v9 =	vor.u32 s1, v5;
	_ =	sdelay $0x3  }
0x220: {  	[tilespmem:s0+$0x0] =	vst v8  }
0x221: {  	v8 =	vld.idx.msk [tilespmem:v9+s3+$0x0], $0xffff  }
0x222: {  	v9 =	vor.u32 s1, v6;
	_ =	sdelay $0x3  }
0x223: {  	[tilespmem:s0+$0x10] =	vst v8  }
0x224: {  	v8 =	vld.idx.msk [tilespmem:v9+s3+$0x0], $0xffff  }
0x225: {  	v9 =	vor.u32 s1, v7;
	_ =	sdelay $0x3  }
0x226: {  	[tilespmem:s0+$0x20] =	vst v8  }
0x227: {  	s1 =	simm.s32 $0x2;
	v8 =	vld.idx.msk [tilespmem:v9+s3+$0x0], $0xffff  }
0x228: {  	s2 =	simm.s32 $0x4;
	v9 =	vor.u32 s1, v0  }
.LBB2_19:
0x229: {  	p2 =	sne.s32 s2, $0x7E;
	_ =	sdelay $0x2  }
0x22a: {  	[tilespmem:s0+$0x30] =	vst v8  }
0x22b: {  	v8 =	vld.idx.msk [tilespmem:v9+s3+$0x0], $0xffff;
	_ =	sdelay $0x1  }
0x22c: {  	v9 =	vor.u32 s1, v1;
	_ =	sdelay $0x2  }
0x22d: {  	s0 =	sadd.s32 $0x80, s0  }
0x22e: {  	[tilespmem:s0+$0xFFFFFFC0] =	vst v8  }
0x22f: {  	v8 =	vld.idx.msk [tilespmem:v9+s3+$0x0], $0xffff;
	_ =	sdelay $0x1  }
0x230: {  	v9 =	vor.u32 s1, v2;
	_ =	sdelay $0x3  }
0x231: {  	[tilespmem:s0+$0xFFFFFFD0] =	vst v8  }
0x232: {  	v8 =	vld.idx.msk [tilespmem:v9+s3+$0x0], $0xffff;
	_ =	sdelay $0x1  }
0x233: {  	v9 =	vor.u32 s1, v3;
	_ =	sdelay $0x3  }
0x234: {  	[tilespmem:s0+$0xFFFFFFE0] =	vst v8  }
0x235: {  	v8 =	vld.idx.msk [tilespmem:v9+s3+$0x0], $0xffff;
	_ =	sdelay $0x1  }
0x236: {  	v9 =	vor.u32 s1, v4;
	_ =	sdelay $0x3  }
0x237: {  	[tilespmem:s0+$0xFFFFFFF0] =	vst v8  }
0x238: {  	v8 =	vld.idx.msk [tilespmem:v9+s3+$0x0], $0xffff;
	_ =	sdelay $0x1  }
0x239: {  	v9 =	vor.u32 s1, v5;
	_ =	sdelay $0x3  }
0x23a: {  	[tilespmem:s0+$0x0] =	vst v8  }
0x23b: {  	v8 =	vld.idx.msk [tilespmem:v9+s3+$0x0], $0xffff;
	_ =	sdelay $0x1  }
0x23c: {  	v9 =	vor.u32 s1, v6;
	_ =	sdelay $0x3  }
0x23d: {  	[tilespmem:s0+$0x10] =	vst v8  }
0x23e: {  	v8 =	vld.idx.msk [tilespmem:v9+s3+$0x0], $0xffff;
	_ =	sdelay $0x1  }
0x23f: {  	v9 =	vor.u32 s1, v7;
	s1 =	smov.u32 s2;
	_ =	sdelay $0x2  }
.Ltmp15:
0x240: {  	(pc) =	sbr.rel @p2 .LBB2_19-.Ltmp15, $3  }
0x241: {  	[tilespmem:s0+$0x20] =	vst v8  }
0x242: {  	v8 =	vld.idx.msk [tilespmem:v9+s3+$0x0], $0xffff;
	_ =	sdelay $0x1  }
0x243: {  	s2 =	sadd.s32 $0x2, s2;
	v9 =	vor.u32 s1, v0  }
0x244: {  	_ =	sdelay $0x2  }
0x245: {  	[tilespmem:s0+$0x30] =	vst v8  }
0x246: {  	v8 =	vld.idx.msk [tilespmem:v9+s3+$0x0], $0xffff  }
0x247: {  	v57 =	vor.u32 s1, v1;
	_ =	sdelay $0x2  }
0x248: {  	s24 =	sadd.s32 $0x80, s0  }
0x249: {  	[tilespmem:s24+$0xFFFFFFC0] =	vst v8  }
0x24a: {  	v8 =	vld.idx.msk [tilespmem:v57+s3+$0x0], $0xffff  }
0x24b: {  	v58 =	vor.u32 s1, v2;
	_ =	sdelay $0x3  }
0x24c: {  	[tilespmem:s24+$0xFFFFFFD0] =	vst v8  }
0x24d: {  	v8 =	vld.idx.msk [tilespmem:v58+s3+$0x0], $0xffff  }
0x24e: {  	v59 =	vor.u32 s1, v3;
	_ =	sdelay $0x3  }
0x24f: {  	[tilespmem:s24+$0xFFFFFFE0] =	vst v8  }
0x250: {  	v8 =	vld.idx.msk [tilespmem:v59+s3+$0x0], $0xffff  }
0x251: {  	v60 =	vor.u32 s1, v4;
	_ =	sdelay $0x3  }
0x252: {  	[tilespmem:s24+$0xFFFFFFF0] =	vst v8  }
0x253: {  	v8 =	vld.idx.msk [tilespmem:v60+s3+$0x0], $0xffff  }
0x254: {  	v61 =	vor.u32 s1, v5;
	_ =	sdelay $0x3  }
0x255: {  	[tilespmem:s24+$0x0] =	vst v8  }
0x256: {  	v8 =	vld.idx.msk [tilespmem:v61+s3+$0x0], $0xffff  }
0x257: {  	v62 =	vor.u32 s1, v6;
	_ =	sdelay $0x3  }
0x258: {  	[tilespmem:s24+$0x10] =	vst v8  }
0x259: {  	v8 =	vld.idx.msk [tilespmem:v62+s3+$0x0], $0xffff  }
0x25a: {  	v63 =	vor.u32 s1, v7;
	_ =	sdelay $0x3  }
0x25b: {  	[tilespmem:s24+$0x20] =	vst v8  }
0x25c: {  	v8 =	vld.idx.msk [tilespmem:v63+s3+$0x0], $0xffff;
	_ =	sdelay $0x4  }
0x25d: {  	s26 =	rddreg [dreg:$0x8];
	s31 =	simm.s32 $0x6;
	[tilespmem:s24+$0x30] =	vst v8  }
0x25e: {  	[hbm4b:s26+s3] =	stream.linear.scatter [tilespmem:s25], [sflag:$0x4], $0x2000, $0x38;
	[tilespmem:$0xC000] =	vst v63  }
0x25f: {  	_ =	swait.ge [sflag:s31], $0x2000  }
.Ltmp16:
0x260: {  	[sflag:s31] =	ssyncset.done $0x0;
	(pc) =	sbr.rel @p1 .LBB2_24-.Ltmp16, $4  }
0x261: {  	[sflag:s31] =	ssyncadd.s32 $0xFFFFE000  }
0x262: {  	_ =	swait.ge [sflag:s20], $0x2000  }
0x263: {  	[sflag:s20] =	ssyncset.done $0x0  }
0x264: {  	[sflag:s20] =	ssyncadd.s32 $0xFFFFE000  }
0x265: {  	s1 =	simm.s32 $0x0  }
0x266: {  	s0 =	rddreg [dreg:$0x9];
	s2 =	simm.s32 $0x400;
	s5 =	simm.s32 $0x7A1400;
	v8 =	vor.u32 s1, v0  }
0x267: {  	[tilespmem:s18], [sflag:$0x2] =	stream.strided.gather [hbm4b:s0+s2], $0x2000, s5, s2, $0x38;
	[tilespmem:$0xC000] =	vst v63  }
0x268: {  	_ =	swait.ge [sflag:s28], $0x2000  }
0x269: {  	[sflag:s28] =	ssyncset.done $0x0  }
0x26a: {  	[sflag:s28] =	ssyncadd.s32 $0xFFFFE000  }
0x26b: {  	v8 =	vld.idx.msk [tilespmem:v8+s18+$0x0], $0xffff  }
0x26c: {  	v9 =	vor.u32 s1, v1;
	_ =	sdelay $0x2  }
0x26d: {  	s0 =	simm.s32 $0x8040  }
0x26e: {  	[tilespmem:s0+$0xFFFFFFC0] =	vst v8  }
0x26f: {  	v8 =	vld.idx.msk [tilespmem:v9+s18+$0x0], $0xffff  }
0x270: {  	v9 =	vor.u32 s1, v2;
	_ =	sdelay $0x3  }
0x271: {  	[tilespmem:s0+$0xFFFFFFD0] =	vst v8  }
0x272: {  	v8 =	vld.idx.msk [tilespmem:v9+s18+$0x0], $0xffff  }
0x273: {  	v9 =	vor.u32 s1, v3;
	_ =	sdelay $0x3  }
0x274: {  	[tilespmem:s0+$0xFFFFFFE0] =	vst v8  }
0x275: {  	v8 =	vld.idx.msk [tilespmem:v9+s18+$0x0], $0xffff  }
0x276: {  	v9 =	vor.u32 s1, v4;
	_ =	sdelay $0x3  }
0x277: {  	[tilespmem:s0+$0xFFFFFFF0] =	vst v8  }
0x278: {  	v8 =	vld.idx.msk [tilespmem:v9+s18+$0x0], $0xffff  }
0x279: {  	v9 =	vor.u32 s1, v5;
	_ =	sdelay $0x3  }
0x27a: {  	[tilespmem:s0+$0x0] =	vst v8  }
0x27b: {  	v8 =	vld.idx.msk [tilespmem:v9+s18+$0x0], $0xffff  }
0x27c: {  	v9 =	vor.u32 s1, v6;
	_ =	sdelay $0x3  }
0x27d: {  	[tilespmem:s0+$0x10] =	vst v8  }
0x27e: {  	v8 =	vld.idx.msk [tilespmem:v9+s18+$0x0], $0xffff  }
0x27f: {  	v9 =	vor.u32 s1, v7;
	_ =	sdelay $0x3  }
0x280: {  	[tilespmem:s0+$0x20] =	vst v8  }
0x281: {  	s1 =	simm.s32 $0x2;
	v8 =	vld.idx.msk [tilespmem:v9+s18+$0x0], $0xffff  }
0x282: {  	s2 =	simm.s32 $0x4;
	v9 =	vor.u32 s1, v0  }
.LBB2_22:
0x283: {  	p2 =	sne.s32 s2, $0x7E;
	_ =	sdelay $0x2  }
0x284: {  	[tilespmem:s0+$0x30] =	vst v8  }
0x285: {  	v8 =	vld.idx.msk [tilespmem:v9+s18+$0x0], $0xffff;
	_ =	sdelay $0x1  }
0x286: {  	v9 =	vor.u32 s1, v1;
	_ =	sdelay $0x2  }
0x287: {  	s0 =	sadd.s32 $0x80, s0  }
0x288: {  	[tilespmem:s0+$0xFFFFFFC0] =	vst v8  }
0x289: {  	v8 =	vld.idx.msk [tilespmem:v9+s18+$0x0], $0xffff;
	_ =	sdelay $0x1  }
0x28a: {  	v9 =	vor.u32 s1, v2;
	_ =	sdelay $0x3  }
0x28b: {  	[tilespmem:s0+$0xFFFFFFD0] =	vst v8  }
0x28c: {  	v8 =	vld.idx.msk [tilespmem:v9+s18+$0x0], $0xffff;
	_ =	sdelay $0x1  }
0x28d: {  	v9 =	vor.u32 s1, v3;
	_ =	sdelay $0x3  }
0x28e: {  	[tilespmem:s0+$0xFFFFFFE0] =	vst v8  }
0x28f: {  	v8 =	vld.idx.msk [tilespmem:v9+s18+$0x0], $0xffff;
	_ =	sdelay $0x1  }
0x290: {  	v9 =	vor.u32 s1, v4;
	_ =	sdelay $0x3  }
0x291: {  	[tilespmem:s0+$0xFFFFFFF0] =	vst v8  }
0x292: {  	v8 =	vld.idx.msk [tilespmem:v9+s18+$0x0], $0xffff;
	_ =	sdelay $0x1  }
0x293: {  	v9 =	vor.u32 s1, v5;
	_ =	sdelay $0x3  }
0x294: {  	[tilespmem:s0+$0x0] =	vst v8  }
0x295: {  	v8 =	vld.idx.msk [tilespmem:v9+s18+$0x0], $0xffff;
	_ =	sdelay $0x1  }
0x296: {  	v9 =	vor.u32 s1, v6;
	_ =	sdelay $0x3  }
0x297: {  	[tilespmem:s0+$0x10] =	vst v8  }
0x298: {  	v8 =	vld.idx.msk [tilespmem:v9+s18+$0x0], $0xffff;
	_ =	sdelay $0x1  }
0x299: {  	v9 =	vor.u32 s1, v7;
	s1 =	smov.u32 s2;
	_ =	sdelay $0x2  }
.Ltmp17:
0x29a: {  	(pc) =	sbr.rel @p2 .LBB2_22-.Ltmp17, $3  }
0x29b: {  	[tilespmem:s0+$0x20] =	vst v8  }
0x29c: {  	v8 =	vld.idx.msk [tilespmem:v9+s18+$0x0], $0xffff;
	_ =	sdelay $0x1  }
0x29d: {  	s2 =	sadd.s32 $0x2, s2;
	v9 =	vor.u32 s1, v0  }
0x29e: {  	_ =	sdelay $0x2  }
0x29f: {  	[tilespmem:s0+$0x30] =	vst v8  }
0x2a0: {  	v8 =	vld.idx.msk [tilespmem:v9+s18+$0x0], $0xffff  }
0x2a1: {  	v57 =	vor.u32 s1, v1;
	_ =	sdelay $0x2  }
0x2a2: {  	s26 =	sadd.s32 $0x80, s0  }
0x2a3: {  	[tilespmem:s26+$0xFFFFFFC0] =	vst v8  }
0x2a4: {  	v8 =	vld.idx.msk [tilespmem:v57+s18+$0x0], $0xffff  }
0x2a5: {  	v58 =	vor.u32 s1, v2;
	_ =	sdelay $0x3  }
0x2a6: {  	[tilespmem:s26+$0xFFFFFFD0] =	vst v8  }
0x2a7: {  	v8 =	vld.idx.msk [tilespmem:v58+s18+$0x0], $0xffff  }
0x2a8: {  	v59 =	vor.u32 s1, v3;
	_ =	sdelay $0x3  }
0x2a9: {  	[tilespmem:s26+$0xFFFFFFE0] =	vst v8  }
0x2aa: {  	v8 =	vld.idx.msk [tilespmem:v59+s18+$0x0], $0xffff  }
0x2ab: {  	v60 =	vor.u32 s1, v4;
	_ =	sdelay $0x3  }
0x2ac: {  	[tilespmem:s26+$0xFFFFFFF0] =	vst v8  }
0x2ad: {  	v8 =	vld.idx.msk [tilespmem:v60+s18+$0x0], $0xffff  }
0x2ae: {  	v61 =	vor.u32 s1, v5;
	_ =	sdelay $0x3  }
0x2af: {  	[tilespmem:s26+$0x0] =	vst v8  }
0x2b0: {  	v8 =	vld.idx.msk [tilespmem:v61+s18+$0x0], $0xffff  }
0x2b1: {  	v62 =	vor.u32 s1, v6;
	_ =	sdelay $0x3  }
0x2b2: {  	[tilespmem:s26+$0x10] =	vst v8  }
0x2b3: {  	v8 =	vld.idx.msk [tilespmem:v62+s18+$0x0], $0xffff  }
0x2b4: {  	v63 =	vor.u32 s1, v7;
	_ =	sdelay $0x3  }
0x2b5: {  	[tilespmem:s26+$0x20] =	vst v8  }
0x2b6: {  	v8 =	vld.idx.msk [tilespmem:v63+s18+$0x0], $0xffff;
	_ =	sdelay $0x4  }
.Ltmp18:
0x2b7: {  	s31 =	rddreg [dreg:$0xa];
	[tilespmem:s26+$0x30] =	vst v8;
	(pc) =	sbr.rel .LBB2_24-.Ltmp18, $4  }
0x2b8: {  	[hbm4b:s31+s3] =	stream.linear.scatter [tilespmem:s21], [sflag:$0x5], $0x2000, $0x38;
	[tilespmem:$0xC000] =	vst v63  }
0x2b9: {  	_ =	swait.ge [sflag:s23], $0x2000  }
0x2ba: {  	[sflag:s23] =	ssyncset.done $0x0  }
0x2bb: {  	[sflag:s23] =	ssyncadd.s32 $0xFFFFE000  }
.LBB2_25:
0x2bc: {  	_ =	sfence.sel $0x180000  }
0x2bd: {  	[bflag:$0x0] =	sbarrier.arrive $0xFFFF  }
0x2be: {  	_ =	strace $0x90000047  }
0x2bf: {  	s0 =	stileid.u32;
	[bflag:$0x2] =	sbarrier.arrive $0xFFFF  }
0x2c0: {  	p0 =	sne.s32 s0, $0x0;
	s0 =	rddreg [dreg:$0x3]  }
0x2c1: {  	s0 =	sadd.s32 @!p0 $0x100000, s0  }
0x2c2: {  	[sflag:s0] =	ssyncadd.tile.s32 @!p0 $0x1;
	_ =	shalt  }
.Lfunc_end2:
_tile_overlayer_lowered:
.L_overlay_start_2:
0x2c3: {  	(tag) =	ssettag $0x2  }
0x2c4: {  	s0 =	rddreg [dreg:$0x0];
	s2 =	stileid.u32  }
0x2c5: {  	s1 =	rddreg [dreg:$0x1];
	p0 =	sne.s32 s2, $0x0  }
0x2c6: {  	s3 =	rddreg [dreg:$0x2];
	[bflag:$0x3] =	sbarrier.arrive $0xFFFF;
	s2 =	simm.s32 @!p0 $0x1C07  }
0x2c7: {  	[timem:s3], [sflag:s2] =	dma.local @!p0 [hbm:s0], s1  }
0x2c8: {  	s0 =	simm.s32 @!p0 $0x7  }
0x2c9: {  	_ =	swait.ge @!p0 [sflag:s0], s1  }
0x2ca: {  	s1 =	ssub.s32 @!p0 $0x0, s1;
	[sflag:s0] =	ssyncset.done @!p0 $0x0  }
0x2cb: {  	[sflag:s0] =	ssyncadd.s32 @!p0 s1  }
0x2cc: {  	[bflag:$0x3] =	sbarrier.arrive $0xFFFF  }
0x2cd: {  	_ =	shalt  }

// kernel: _embed.7.cloned.1.call-start
scs
__scs_entry_jumppad:
0x0: {  	(pc) =	sbr.rel $0x88, $3  }
0x1: {  	(tag) =	ssettag $0x0;
	lr =	simm.s32 $0x1  }
0x2: {  	[smem:$0x3F9F] =	sst lr;
	_ =	strace $0xD0000000  }
0x3: {  	_ = 	snop  }
0x4: {  	_ = 	snop  }
0x5: {  	_ = 	snop  }
0x6: {  	_ = 	snop  }
0x7: {  	_ = 	snop  }
__scs_overlays_trampoline_lowered:
0x8: {  	[smem:$0x3FAE] =	sst s0  }
0x9: {  	[smem:$0x3FAF] =	sst s1  }
0xa: {  	[smem:$0x3FB0] =	sst s2  }
0xb: {  	[smem:$0x3FB1] =	sst s3  }
0xc: {  	[smem:$0x3FB2] =	sst s4  }
0xd: {  	[smem:$0x3FB3] =	sst s5  }
0xe: {  	[smem:$0x3FB4] =	sst s6  }
0xf: {  	[smem:$0x3FB5] =	sst s7  }
0x10: {  	[smem:$0x3FB6] =	sst s8  }
0x11: {  	[smem:$0x3FB7] =	sst s9;
	s0 =	simm.s32 @!p0 $0x0  }
0x12: {  	s1 =	sld [smem:$0x3F9D];
	s0 =	simm.s32 @p0 $0x1  }
0x13: {  	[smem:$0x3FB8] =	sst s0;
	s0 =	simm.s32 @!p1 $0x0  }
0x14: {  	s2 =	sld [smem:$0x3F9C];
	s0 =	simm.s32 @p1 $0x1  }
0x15: {  	[smem:$0x3FB9] =	sst s0;
	s0 =	simm.s32 @!p2 $0x0  }
0x16: {  	s3 =	sld [smem:$0x3FDB];
	s0 =	simm.s32 @p2 $0x1  }
0x17: {  	s4 =	simm.s32 $0x1BF5;
	[smem:$0x3FBB] =	sst s0  }
0x18: {  	s0 =	sld [smem:$0x3F9E];
	_ =	swait.ge [sflag:s4], $0x0  }
0x19: {  	s7 =	sld [smem:$0x3F9F]  }
0x1a: {  	s8 =	sadd.s32 $0xFFFFE003, lr  }
0x1b: {  	s9 =	sadd.s32 $0xFFFFFEF7, lr;
	s5 =	simm.s32 $0xFFFFFFFF;
	p2 =	slt.u32 s8, $0xFFFFF086  }
0x1c: {  	p1 =	slt.u32 s9, $0xF7A;
	s5 =	simm.s32 @!p2 $0x0  }
0x1d: {  	s5 =	simm.s32 @p1 $0x1;
	p0 =	seq.s32 s7, s2  }
0x1e: {  	s7 =	smul.u32 @!p0 $0xF7A, s2;
	p2 =	seq.s32 @!p0 s5, $0x0  }
0x1f: {  	s9 =	smul.u32 $0xF7A, s1;
	s8 =	simm.s32 @!p0 $0x1BF5;
	p2 =	por !p2, p0  }
0x20: {  	[sflag:s8] =	ssyncset.s32 @!p0 $0xFFFFF086;
	s6 =	sadd.s32 @!p0 s3, s7;
	s7 =	simm.s32 @!p0 $0x108  }
0x21: {  	s3 =	sadd.s32 s3, s9;
	s6 =	sadd.s32 @!p0 $0x88, s6;
	s7 =	simm.s32 @p2 $0x1082  }
0x22: {  	[simem:s7], [sflag:s8] =	dma.local @!p0 [hbm:s6], $0xF7A  }
0x23: {  	s9 =	sor.u32 $0xD0000000, s2;
	s6 =	simm.s32 $0x108;
	_ =	swait.ge @!p0 [sflag:s8], $0x0  }
0x24: {  	s3 =	sadd.s32 $0x88, s3;
	s6 =	simm.s32 @!p1 $0x1082;
	[sflag:s4] =	ssyncset.s32 $0xFFFFF086  }
0x25: {  	[simem:s6], [sflag:s4] =	dma.local [hbm:s3], $0xF7A  }
0x26: {  	[smem:$0x3F9F] =	sst s1;
	(tag) =	ssettag s2;
	_ =	strace s9  }
0x27: {  	s1 =	sld [smem:$0x3FAF]  }
0x28: {  	s2 =	sld [smem:$0x3FB0]  }
0x29: {  	s4 =	sld [smem:$0x3FB2]  }
0x2a: {  	p0 =	seq.s32 s5, $0x0;
	s5 =	sld [smem:$0x3FB3]  }
0x2b: {  	s6 =	sld [smem:$0x3FB4]  }
0x2c: {  	s7 =	sld [smem:$0x3FB5]  }
0x2d: {  	s3 =	simm.s32 $0x108;
	s8 =	sld [smem:$0x3FB6]  }
0x2e: {  	s3 =	simm.s32 @!p0 $0x1082;
	s9 =	sld [smem:$0x3FB7]  }
0x2f: {  	lr =	sadd.s32 s0, s3;
	s0 =	sld [smem:$0x3FAE]  }
0x30: {  	s3 =	sld [smem:$0x3FB1]  }
0x31: {  	[smem:$0x3FBA] =	sst s10  }
0x32: {  	s10 =	sld [smem:$0x3FB8];
	_ =	sdelay $0x3  }
0x33: {  	p0 =	seq.s32 s10, $0x1;
	s10 =	sld [smem:$0x3FBA];
	_ =	sdelay $0x3  }
0x34: {  	[smem:$0x3FBA] =	sst s10  }
0x35: {  	s10 =	sld [smem:$0x3FB9];
	_ =	sdelay $0x3  }
0x36: {  	p1 =	seq.s32 s10, $0x1;
	s10 =	sld [smem:$0x3FBA];
	_ =	sdelay $0x3  }
0x37: {  	[smem:$0x3FBA] =	sst s10  }
0x38: {  	s10 =	sld [smem:$0x3FBB]  }
0x39: {  	_ = 	snop;
	(pc) =	sbr.ind lr, $3  }
0x3a: {  	_ = 	snop  }
0x3b: {  	_ = 	snop  }
0x3c: {  	p2 =	seq.s32 s10, $0x1;
	s10 =	sld [smem:$0x3FBA]  }
0x3d: {  	_ =	shalt  }
0x3e: {  	_ =	shalt  }
0x3f: {  	_ =	shalt  }
0x40: {  	_ =	shalt  }
0x41: {  	_ =	shalt  }
0x42: {  	_ =	shalt  }
0x43: {  	_ =	shalt  }
0x44: {  	_ =	shalt  }
0x45: {  	_ =	shalt  }
0x46: {  	_ =	shalt  }
0x47: {  	_ =	shalt  }
0x48: {  	_ =	shalt  }
0x49: {  	_ =	shalt  }
0x4a: {  	_ =	shalt  }
0x4b: {  	_ =	shalt  }
0x4c: {  	_ =	shalt  }
0x4d: {  	_ =	shalt  }
0x4e: {  	_ =	shalt  }
0x4f: {  	_ =	shalt  }
0x50: {  	_ =	shalt  }
0x51: {  	_ =	shalt  }
0x52: {  	_ =	shalt  }
0x53: {  	_ =	shalt  }
0x54: {  	_ =	shalt  }
0x55: {  	_ =	shalt  }
0x56: {  	_ =	shalt  }
0x57: {  	_ =	shalt  }
0x58: {  	_ =	shalt  }
0x59: {  	_ =	shalt  }
0x5a: {  	_ =	shalt  }
0x5b: {  	_ =	shalt  }
0x5c: {  	_ =	shalt  }
0x5d: {  	_ =	shalt  }
0x5e: {  	_ =	shalt  }
0x5f: {  	_ =	shalt  }
0x60: {  	_ =	shalt  }
0x61: {  	_ =	shalt  }
0x62: {  	_ =	shalt  }
0x63: {  	_ =	shalt  }
0x64: {  	_ =	shalt  }
0x65: {  	_ =	shalt  }
0x66: {  	_ =	shalt  }
0x67: {  	_ =	shalt  }
0x68: {  	_ =	shalt  }
0x69: {  	_ =	shalt  }
0x6a: {  	_ =	shalt  }
0x6b: {  	_ =	shalt  }
0x6c: {  	_ =	shalt  }
0x6d: {  	_ =	shalt  }
0x6e: {  	_ =	shalt  }
0x6f: {  	_ =	shalt  }
0x70: {  	_ =	shalt  }
0x71: {  	_ =	shalt  }
0x72: {  	_ =	shalt  }
0x73: {  	_ =	shalt  }
0x74: {  	_ =	shalt  }
0x75: {  	_ =	shalt  }
0x76: {  	_ =	shalt  }
0x77: {  	_ =	shalt  }
0x78: {  	_ =	shalt  }
0x79: {  	_ =	shalt  }
0x7a: {  	_ =	shalt  }
0x7b: {  	_ =	shalt  }
0x7c: {  	_ =	shalt  }
0x7d: {  	_ =	shalt  }
0x7e: {  	_ =	shalt  }
0x7f: {  	_ =	shalt  }
0x80: {  	_ =	shalt  }
0x81: {  	_ =	shalt  }
0x82: {  	_ =	shalt  }
0x83: {  	_ =	shalt  }
0x84: {  	_ =	shalt  }
0x85: {  	_ =	shalt  }
0x86: {  	_ =	shalt  }
0x87: {  	_ =	shalt  }
.Lfunc_end0:
.L_simem_size_0:
called_computation.1_lowered:
.L_overlay_start_0:
0x88: {  	s2 =	sld [smem:$0x3FD9]  }
0x89: {  	s3 =	sld [smem:$0x3FFE];
	_ =	sdelay $0x1  }
0x8a: {  	s1 =	srdreg.scid  }
0x8b: {  	s0 =	sand.u32 $0x1, s1  }
0x8c: {  	s17 =	sshll.u32 s0, $0xA;
	s2 =	sadd.s32 s3, s2  }
0x8d: {  	s2 =	sadd.s32 s2, s17  }
0x8e: {  	[smem:$0x3FC6] =	sst s2  }
0x8f: {  	_ = 	snop  }
0x90: {  	s2 =	sld [smem:$0x3FC9]  }
0x91: {  	s18 =	sld [smem:$0x3FD0];
	(tm) =	ssettm $0x1  }
0x92: {  	s4 =	sld [smem:$0x3FFB];
	_ =	sdelay $0x3  }
0x93: {  	_ =	strace s4  }
0x94: {  	s4 =	sld [smem:$0x3FFC];
	_ =	sdelay $0x3  }
0x95: {  	_ =	strace s4  }
0x96: {  	s4 =	sld [smem:$0x3FFD];
	_ =	sdelay $0x3  }
0x97: {  	_ =	strace s4  }
0x98: {  	_ =	strace $0x8FFFFFFF  }
0x99: {  	s19 =	sld [smem:$0x3FDB];
	_ =	sdelay $0x1  }
0x9a: {  	s5 =	simm.s32 $_scs_section_size  }
0x9b: {  	s6 =	simm.s32 $_size__tile_overlayer_lowered;
	s7 =	simm.s32 $_tile_overlayer_lowered  }
0x9c: {  	s22 =	simm.s32 $0x1BFF;
	s21 =	sshll.u32 s7, $0x1;
	s4 =	sadd.s32 s5, s19  }
0x9d: {  	s8 =	simm.s32 $0x0;
	s20 =	sshll.u32 s6, $0x1;
	s6 =	sadd.s32 s21, s4  }
0x9e: {  	[timem:s8], [sflag:s22] =	dma.local [hbm:s6], s20  }
0x9f: {  	_ =	swait.ge [sflag:s22], s20  }
0xa0: {  	s5 =	ssub.s32 $0x0, s20;
	[sflag:s22] =	ssyncset.done $0x0  }
0xa1: {  	[sflag:s22] =	ssyncadd.s32 s5;
	_ =	sdelay $0x1  }
0xa2: {  	s23 =	simm.s32 $0x1B8B  }
0xa3: {  	_ =	swait.ge [sflag:s23], $0x1  }
0xa4: {  	[sflag:s23] =	ssyncset.done $0x0  }
0xa5: {  	s25 =	simm.s32 $0x1B8E;
	s24 =	sld [smem:$0x3FFE];
	[sflag:s23] =	ssyncadd.s32 $0xFFFFFFFF  }
0xa6: {  	s26 =	simm.s32 $execute0_lowered;
	[smem:$0x3FD2] =	sst s25  }
0xa7: {  	s6 =	sshll.u32 s26, $0x1;
	_ =	strace $0x80000049;
	[dreg:$0x1] =	wrdreg $0xFFFFFFFF  }
0xa8: {  	s28 =	simm.s32 $_size_execute0_lowered;
	s4 =	sadd.s32 s4, s6;
	[dreg:$0x0] =	wrdreg $0x0  }
0xa9: {  	s6 =	sshll.u32 s28, $0x1;
	[dreg:$0x2] =	wrdreg s4  }
0xaa: {  	[dreg:$0x3] =	wrdreg s6  }
0xab: {  	[dreg:$0x4] =	wrdreg $0xC0  }
0xac: {  	_ =	task [dreg:s8], $0x5FFFF  }
0xad: {  	[dreg:$0x1] =	wrdreg $0xFFFFFFFF  }
0xae: {  	[dreg:$0x0] =	wrdreg $0x60  }
0xaf: {  	[dreg:$0x2] =	wrdreg s24  }
0xb0: {  	[dreg:$0x3] =	wrdreg s2  }
0xb1: {  	[dreg:$0x4] =	wrdreg s18  }
0xb2: {  	[dreg:$0x5] =	wrdreg $0x9  }
0xb3: {  	_ =	task.clear_ibuf [dreg:s8], $0x6FFFF;
	_ =	strace $0x90000049  }
0xb4: {  	s29 =	simm.s32 $0x9;
	_ =	strace $0x8000004B  }
0xb5: {  	_ =	swait.ge [sflag:s29], $0x1  }
0xb6: {  	[sflag:s29] =	ssyncadd.s32 $0xFFFFFFFF  }
0xb7: {  	_ =	strace $0x9000004B  }
0xb8: {  	_ =	sfence  }
0xb9: {  	s30 =	sld [smem:$0x0];
	_ =	sdelay $0x2  }
0xba: {  	s31 =	sshll.u32 s1, $0xD;
	s1 =	sshrl.u32 s1, $0x2  }
0xbb: {  	s3 =	sand.u32 $0x4000, s31;
	s1 =	sadd.s32 s1, s30  }
0xbc: {  	s0 =	sor.u32 s3, s0;
	s1 =	sshll.u32 s1, $0x11  }
0xbd: {  	s0 =	sor.u32 s1, s0  }
0xbe: {  	s0 =	sadd.s32 $0x8F2B, s0  }
0xbf: {  	[sflag:s0] =	ssyncadd.remote.s32 $0x1  }
0xc0: {  	_ =	sfence.sel $0xFFFF  }
0xc1: {  	[dreg:$0x0] =	wrdreg $0xFFFFFFFF;
	(pc) =	sbr.abs _section_cstart, $3  }
0xc2: {  	[dreg:$0x1] =	wrdreg $0xFFFFFFFF  }
0xc3: {  	_ =	task.clear_ibuf [dreg:s8], $0x2FFFF;
	_ =	strace $0x9FFFFFFF  }
0xc4: {  	(tm) =	ssettm $0x7FFFFFFF  }
0xc5: {  	_ =	shalt  }
tec
execute0_lowered:
.L_overlay_start_1:
0x0: {  	(tag) =	ssettag $0x1  }
0x1: {  	s4 =	rddreg [dreg:$0x0]  }
0x2: {  	s0 =	rddreg [dreg:$0x1]  }
0x3: {  	s2 =	rddreg [dreg:$0x2];
	s3 =	simm.s32 $0x0;
	s5 =	srdreg.scid  }
0x4: {  	s1 =	stileid.u32;
	s10 =	simm.s32 $0x480;
	s11 =	simm.s32 $0x4700  }
0x5: {  	s12 =	simm.s32 $0x1;
	s13 =	simm.s32 $0x2;
	s14 =	simm.s32 $0x500  }
0x6: {  	s15 =	simm.s32 $0x8700;
	s16 =	simm.s32 $0x8000;
	s17 =	simm.s32 $0xC700  }
0x7: {  	s18 =	simm.s32 $0x3;
	s19 =	simm.s32 $0x4;
	s20 =	simm.s32 $0xE700  }
0x8: {  	s21 =	simm.s32 $0x5;
	s22 =	simm.s32 $0x10700;
	[dreg:$0x4] =	wrdreg s0  }
0x9: {  	s23 =	simm.s32 $0x6;
	s24 =	simm.s32 $0x0;
	s0 =	rddreg [dreg:$0x3]  }
0xa: {  	[smem:$0x7FF] =	sst s3;
	s5 =	sand.u32 $0x1, s5;
	s6 =	smul.u32 $0x32, s1  }
0xb: {  	s4 =	sadd.s32 $0x800, s4;
	s9 =	sadd.s32 $0x38000, s2;
	s7 =	ssub.s32 $0x2, s5  }
0xc: {  	_ =	strace $0x8000004A;
	s5 =	smul.u32 $0x19, s5;
	s8 =	sshrl.u32 s7, $0x1  }
0xd: {  	[dreg:$0x5] =	wrdreg s9;
	s9 =	simm.s32 $0x700;
	s7 =	ssub.s32 s7, s8  }
0xe: {  	s6 =	sadd.s32 s5, s6;
	s8 =	simm.s32 $0x400;
	s5 =	smax.u32 s7, $0x1  }
0xf: {  	[dreg:$0x6] =	wrdreg s6;
	s6 =	simm.s32 $0x7;
	s7 =	simm.s32 $0x80  }
.LBB2_1:
0x10: {  	s25 =	simm.s32 $0x0  }
.LBB2_2:
0x11: {  	s26 =	rddreg [dreg:$0x6]  }
0x12: {  	s26 =	sadd.s32 s25, s26  }
0x13: {  	s29 =	sand.u32 $0x1F, s26  }
0x14: {  	s30 =	rddreg [dreg:$0x4];
	s26 =	sshrl.u32 s26, $0x5;
	s28 =	sshll.u32 s29, $0x7  }
0x15: {  	s31 =	sshll.u32 s26, $0xC;
	s30 =	sadd.s32 s30, s28  }
0x16: {  	s30 =	sadd.s32 s31, s30  }
0x17: {  	[tilespmem:s3], [sflag:$0x7] =	stream.linear.gather [hbm4b:s30+s3], $0x400, $0x38;
	[tilespmem:$0x12700] =	vst v63  }
0x18: {  	_ =	swait.ge [sflag:s6], $0x400  }
0x19: {  	[sflag:s6] =	ssyncset.done $0x0  }
0x1a: {  	[sflag:s6] =	ssyncadd.s32 $0xFFFFFC00  }
0x1b: {  	v0 =	vld [tilespmem:$0x0]  }
0x1c: {  	v1 =	vld [tilespmem:$0x10]  }
0x1d: {  	v2 =	vld [tilespmem:$0x20]  }
0x1e: {  	v51 =	vld [tilespmem:$0x30]  }
0x1f: {  	v54 =	vld [tilespmem:$0x40]  }
0x20: {  	v57 =	vld [tilespmem:$0x50];
	v3 =	vshrl.u32 v0, $0x1  }
0x21: {  	v60 =	vld [tilespmem:$0x60];
	v52 =	vshrl.u32 v1, $0x1;
	[tilespmem:$0x400] =	vst v3  }
0x22: {  	v63 =	vld [tilespmem:$0x70];
	v55 =	vshrl.u32 v2, $0x1;
	[tilespmem:$0x410] =	vst v52  }
0x23: {  	v6 =	vld [tilespmem:$0x80];
	v58 =	vshrl.u32 v51, $0x1;
	[tilespmem:$0x420] =	vst v55  }
0x24: {  	v9 =	vld [tilespmem:$0x90];
	v61 =	vshrl.u32 v54, $0x1;
	[tilespmem:$0x430] =	vst v58  }
0x25: {  	v12 =	vld [tilespmem:$0xA0];
	v4 =	vshrl.u32 v57, $0x1;
	[tilespmem:$0x440] =	vst v61  }
0x26: {  	v15 =	vld [tilespmem:$0xB0];
	v7 =	vshrl.u32 v60, $0x1;
	[tilespmem:$0x450] =	vst v4  }
0x27: {  	v18 =	vld [tilespmem:$0xC0];
	v10 =	vshrl.u32 v63, $0x1;
	[tilespmem:$0x460] =	vst v7  }
0x28: {  	v21 =	vld [tilespmem:$0xD0];
	v13 =	vshrl.u32 v6, $0x1;
	[tilespmem:$0x470] =	vst v10  }
0x29: {  	v24 =	vld [tilespmem:$0xE0];
	v16 =	vshrl.u32 v9, $0x1;
	[tilespmem:$0x480] =	vst v13  }
0x2a: {  	v27 =	vld [tilespmem:$0xF0];
	v19 =	vshrl.u32 v12, $0x1;
	[tilespmem:$0x490] =	vst v16  }
0x2b: {  	v22 =	vshrl.u32 v15, $0x1;
	[tilespmem:$0x4A0] =	vst v19  }
0x2c: {  	v25 =	vshrl.u32 v18, $0x1;
	[tilespmem:$0x4B0] =	vst v22  }
0x2d: {  	v28 =	vshrl.u32 v21, $0x1;
	[tilespmem:$0x4C0] =	vst v25  }
0x2e: {  	v30 =	vshrl.u32 v24, $0x1;
	[tilespmem:$0x4D0] =	vst v28  }
0x2f: {  	v0 =	vshll.u32 v0, $0x6;
	v33 =	vshrl.u32 v27, $0x1;
	[tilespmem:$0x4E0] =	vst v30  }
0x30: {  	v1 =	vshll.u32 v1, $0x6;
	v0 =	vand.u32 $0x40, v0;
	[tilespmem:$0x4F0] =	vst v33  }
0x31: {  	v2 =	vshll.u32 v2, $0x6;
	v53 =	vand.u32 $0x40, v1;
	[tilespmem:$0x580] =	vst v0  }
0x32: {  	v31 =	vshll.u32 v24, $0x6;
	v56 =	vand.u32 $0x40, v2;
	[tilespmem:$0x590] =	vst v53  }
0x33: {  	v34 =	vshll.u32 v27, $0x6;
	v32 =	vand.u32 $0x40, v31;
	[tilespmem:$0x5A0] =	vst v56  }
0x34: {  	v3 =	vshll.u32 v51, $0x6;
	v35 =	vand.u32 $0x40, v34;
	[tilespmem:$0x660] =	vst v32  }
0x35: {  	v1 =	vshll.u32 v54, $0x6;
	v59 =	vand.u32 $0x40, v3;
	[tilespmem:$0x670] =	vst v35  }
0x36: {  	v2 =	vshll.u32 v57, $0x6;
	v62 =	vand.u32 $0x40, v1;
	[tilespmem:$0x5B0] =	vst v59  }
0x37: {  	v5 =	vand.u32 $0x40, v2;
	v3 =	vshll.u32 v60, $0x6;
	[tilespmem:$0x5C0] =	vst v62  }
0x38: {  	v1 =	vshll.u32 v63, $0x6;
	[tilespmem:$0x5D0] =	vst v5;
	v8 =	vand.u32 $0x40, v3  }
0x39: {  	v2 =	vshll.u32 v6, $0x6;
	v11 =	vand.u32 $0x40, v1;
	[tilespmem:$0x5E0] =	vst v8  }
0x3a: {  	v14 =	vand.u32 $0x40, v2;
	v3 =	vshll.u32 v9, $0x6;
	[tilespmem:$0x5F0] =	vst v11  }
0x3b: {  	v1 =	vshll.u32 v12, $0x6;
	[tilespmem:$0x600] =	vst v14;
	v17 =	vand.u32 $0x40, v3  }
0x3c: {  	v2 =	vshll.u32 v15, $0x6;
	v20 =	vand.u32 $0x40, v1;
	[tilespmem:$0x610] =	vst v17  }
0x3d: {  	v23 =	vand.u32 $0x40, v2;
	v3 =	vshll.u32 v18, $0x6;
	[tilespmem:$0x620] =	vst v20  }
0x3e: {  	v1 =	vshll.u32 v21, $0x6;
	[tilespmem:$0x630] =	vst v23;
	v26 =	vand.u32 $0x40, v3  }
0x3f: {  	v29 =	vand.u32 $0x40, v1;
	[tilespmem:$0x640] =	vst v26  }
0x40: {  	[tilespmem:$0x650] =	vst v29  }
0x41: {  	[tilespmem:s9], [sflag:$0x1] =	stream.indirect.gather [hbm4b:s4+s7], $0x80, s8, s7, $0xb8;
	[tilespmem:$0x12700] =	vst v63  }
0x42: {  	_ = 	snop  }
0x43: {  	[tilespmem:s11], [sflag:$0x2] =	stream.indirect.gather [hbm4b:s4+s7], $0x80, s10, s7, $0xb8;
	[tilespmem:$0x12700] =	vst v63  }
0x44: {  	_ =	swait.ge [sflag:s12], $0x4000  }
0x45: {  	[sflag:s12] =	ssyncset.done $0x0  }
0x46: {  	[sflag:s12] =	ssyncadd.s32 $0xFFFFC000  }
0x47: {  	_ =	swait.ge [sflag:s13], $0x4000  }
0x48: {  	[sflag:s13] =	ssyncset.done $0x0  }
0x49: {  	[sflag:s13] =	ssyncadd.s32 $0xFFFFC000  }
0x4a: {  	v36 =	vld [tilespmem:$0x100]  }
0x4b: {  	v37 =	vld [tilespmem:$0x110]  }
0x4c: {  	v38 =	vld [tilespmem:$0x120]  }
0x4d: {  	v40 =	vld [tilespmem:$0x130]  }
0x4e: {  	v43 =	vld [tilespmem:$0x140]  }
0x4f: {  	v46 =	vld [tilespmem:$0x150];
	v39 =	vshrl.u32 v36, $0x1  }
0x50: {  	v49 =	vld [tilespmem:$0x160];
	v41 =	vshrl.u32 v37, $0x1;
	[tilespmem:$0x500] =	vst v39  }
0x51: {  	v52 =	vld [tilespmem:$0x170];
	v44 =	vshrl.u32 v38, $0x1;
	[tilespmem:$0x510] =	vst v41  }
0x52: {  	v47 =	vshrl.u32 v40, $0x1;
	[tilespmem:$0x520] =	vst v44  }
0x53: {  	v50 =	vshrl.u32 v43, $0x1;
	[tilespmem:$0x530] =	vst v47  }
0x54: {  	v53 =	vshrl.u32 v46, $0x1;
	[tilespmem:$0x540] =	vst v50  }
0x55: {  	v55 =	vshrl.u32 v49, $0x1;
	[tilespmem:$0x550] =	vst v53  }
0x56: {  	v0 =	vshll.u32 v36, $0x6;
	v58 =	vshrl.u32 v52, $0x1;
	[tilespmem:$0x560] =	vst v55  }
0x57: {  	v1 =	vshll.u32 v37, $0x6;
	v0 =	vand.u32 $0x40, v0;
	[tilespmem:$0x570] =	vst v58  }
0x58: {  	v2 =	vshll.u32 v38, $0x6;
	v42 =	vand.u32 $0x40, v1;
	[tilespmem:$0x680] =	vst v0  }
0x59: {  	v3 =	vshll.u32 v40, $0x6;
	v45 =	vand.u32 $0x40, v2;
	[tilespmem:$0x690] =	vst v42  }
0x5a: {  	v56 =	vshll.u32 v49, $0x6;
	v48 =	vand.u32 $0x40, v3;
	[tilespmem:$0x6A0] =	vst v45  }
0x5b: {  	v1 =	vshll.u32 v43, $0x6;
	v57 =	vand.u32 $0x40, v56;
	[tilespmem:$0x6B0] =	vst v48  }
0x5c: {  	v2 =	vshll.u32 v46, $0x6;
	v51 =	vand.u32 $0x40, v1;
	[tilespmem:$0x6E0] =	vst v57  }
0x5d: {  	s29 =	sshll.u32 s29, $0xA;
	s31 =	sshll.u32 s26, $0x15;
	v54 =	vand.u32 $0x40, v2;
	v1 =	vshll.u32 v52, $0x6;
	[tilespmem:$0x6C0] =	vst v51  }
0x5e: {  	s29 =	sor.u32 s29, s31;
	[tilespmem:$0x6D0] =	vst v54;
	v59 =	vand.u32 $0x40, v1  }
0x5f: {  	s29 =	sshrl.u32 s29, $0x3;
	[tilespmem:$0x6F0] =	vst v59  }
0x60: {  	[tilespmem:s15], [sflag:$0x3] =	stream.indirect.gather [hbm4b:s4+s7], $0x80, s14, s7, $0xb8;
	[tilespmem:$0x12700] =	vst v63  }
0x61: {  	s29 =	sadd.s32 s2, s29  }
0x62: {  	[hbm4b:s29+s8] =	stream.strided.scatter [tilespmem:s17], [sflag:$0x4], $0x2000, s16, s8, $0x38;
	[tilespmem:$0x12700] =	vst v63  }
0x63: {  	_ =	swait.ge [sflag:s18], $0x4000  }
0x64: {  	[sflag:s18] =	ssyncset.done $0x0  }
0x65: {  	[sflag:s18] =	ssyncadd.s32 $0xFFFFC000  }
0x66: {  	v60 =	vld [tilespmem:$0x180]  }
0x67: {  	v61 =	vld [tilespmem:$0x190]  }
0x68: {  	v62 =	vld [tilespmem:$0x1A0]  }
0x69: {  	v6 =	vld [tilespmem:$0x1B0]  }
0x6a: {  	v9 =	vld [tilespmem:$0x1C0]  }
0x6b: {  	v12 =	vld [tilespmem:$0x1D0];
	v63 =	vshrl.u32 v60, $0x1  }
0x6c: {  	v15 =	vld [tilespmem:$0x1E0];
	v7 =	vshrl.u32 v61, $0x1;
	[tilespmem:$0x400] =	vst v63  }
0x6d: {  	v18 =	vld [tilespmem:$0x1F0];
	v10 =	vshrl.u32 v62, $0x1;
	[tilespmem:$0x410] =	vst v7  }
0x6e: {  	v13 =	vshrl.u32 v6, $0x1;
	[tilespmem:$0x420] =	vst v10  }
0x6f: {  	v16 =	vshrl.u32 v9, $0x1;
	[tilespmem:$0x430] =	vst v13  }
0x70: {  	v19 =	vshrl.u32 v12, $0x1;
	[tilespmem:$0x440] =	vst v16  }
0x71: {  	v21 =	vshrl.u32 v15, $0x1;
	[tilespmem:$0x450] =	vst v19  }
0x72: {  	v0 =	vshll.u32 v60, $0x6;
	v24 =	vshrl.u32 v18, $0x1;
	[tilespmem:$0x460] =	vst v21  }
0x73: {  	v1 =	vshll.u32 v61, $0x6;
	v0 =	vand.u32 $0x40, v0;
	[tilespmem:$0x470] =	vst v24  }
0x74: {  	v2 =	vshll.u32 v62, $0x6;
	v8 =	vand.u32 $0x40, v1;
	[tilespmem:$0x580] =	vst v0  }
0x75: {  	v3 =	vshll.u32 v6, $0x6;
	v11 =	vand.u32 $0x40, v2;
	[tilespmem:$0x590] =	vst v8  }
0x76: {  	v22 =	vshll.u32 v15, $0x6;
	v14 =	vand.u32 $0x40, v3;
	[tilespmem:$0x5A0] =	vst v11  }
0x77: {  	v1 =	vshll.u32 v9, $0x6;
	v23 =	vand.u32 $0x40, v22;
	[tilespmem:$0x5B0] =	vst v14  }
0x78: {  	v2 =	vshll.u32 v12, $0x6;
	v17 =	vand.u32 $0x40, v1;
	[tilespmem:$0x5E0] =	vst v23  }
0x79: {  	v20 =	vand.u32 $0x40, v2;
	v1 =	vshll.u32 v18, $0x6;
	[tilespmem:$0x5C0] =	vst v17  }
0x7a: {  	[tilespmem:$0x5D0] =	vst v20;
	v25 =	vand.u32 $0x40, v1  }
0x7b: {  	[tilespmem:$0x5F0] =	vst v25  }
0x7c: {  	[tilespmem:s9], [sflag:$0x1] =	stream.indirect.gather [hbm4b:s4+s7], $0x80, s8, s7, $0xb8;
	[tilespmem:$0x12700] =	vst v63  }
0x7d: {  	_ =	swait.ge [sflag:s19], $0x2000  }
0x7e: {  	[sflag:s19] =	ssyncset.done $0x0  }
0x7f: {  	s31 =	sadd.s32 $0x8000, s29;
	[sflag:s19] =	ssyncadd.s32 $0xFFFFE000  }
0x80: {  	[hbm4b:s31+s8] =	stream.strided.scatter [tilespmem:s20], [sflag:$0x5], $0x2000, s16, s8, $0x38;
	[tilespmem:$0x12700] =	vst v63  }
0x81: {  	_ =	swait.ge [sflag:s12], $0x4000  }
0x82: {  	[sflag:s12] =	ssyncset.done $0x0  }
0x83: {  	[sflag:s12] =	ssyncadd.s32 $0xFFFFC000  }
0x84: {  	v26 =	vld [tilespmem:$0x200]  }
0x85: {  	v27 =	vld [tilespmem:$0x210]  }
0x86: {  	v28 =	vld [tilespmem:$0x220]  }
0x87: {  	v30 =	vld [tilespmem:$0x230]  }
0x88: {  	v33 =	vld [tilespmem:$0x240]  }
0x89: {  	v36 =	vld [tilespmem:$0x250];
	v29 =	vshrl.u32 v26, $0x1  }
0x8a: {  	v39 =	vld [tilespmem:$0x260];
	v31 =	vshrl.u32 v27, $0x1;
	[tilespmem:$0x480] =	vst v29  }
0x8b: {  	v42 =	vld [tilespmem:$0x270];
	v34 =	vshrl.u32 v28, $0x1;
	[tilespmem:$0x490] =	vst v31  }
0x8c: {  	v37 =	vshrl.u32 v30, $0x1;
	[tilespmem:$0x4A0] =	vst v34  }
0x8d: {  	v40 =	vshrl.u32 v33, $0x1;
	[tilespmem:$0x4B0] =	vst v37  }
0x8e: {  	v43 =	vshrl.u32 v36, $0x1;
	[tilespmem:$0x4C0] =	vst v40  }
0x8f: {  	v45 =	vshrl.u32 v39, $0x1;
	[tilespmem:$0x4D0] =	vst v43  }
0x90: {  	v0 =	vshll.u32 v26, $0x6;
	v48 =	vshrl.u32 v42, $0x1;
	[tilespmem:$0x4E0] =	vst v45  }
0x91: {  	v1 =	vshll.u32 v27, $0x6;
	v0 =	vand.u32 $0x40, v0;
	[tilespmem:$0x4F0] =	vst v48  }
0x92: {  	v2 =	vshll.u32 v28, $0x6;
	v32 =	vand.u32 $0x40, v1;
	[tilespmem:$0x600] =	vst v0  }
0x93: {  	v3 =	vshll.u32 v30, $0x6;
	v35 =	vand.u32 $0x40, v2;
	[tilespmem:$0x610] =	vst v32  }
0x94: {  	v46 =	vshll.u32 v39, $0x6;
	v38 =	vand.u32 $0x40, v3;
	[tilespmem:$0x620] =	vst v35  }
0x95: {  	v1 =	vshll.u32 v33, $0x6;
	v47 =	vand.u32 $0x40, v46;
	[tilespmem:$0x630] =	vst v38  }
0x96: {  	v2 =	vshll.u32 v36, $0x6;
	v41 =	vand.u32 $0x40, v1;
	[tilespmem:$0x660] =	vst v47  }
0x97: {  	v44 =	vand.u32 $0x40, v2;
	v1 =	vshll.u32 v42, $0x6;
	[tilespmem:$0x640] =	vst v41  }
0x98: {  	[tilespmem:$0x650] =	vst v44;
	v49 =	vand.u32 $0x40, v1  }
0x99: {  	[tilespmem:$0x670] =	vst v49  }
0x9a: {  	[tilespmem:s11], [sflag:$0x2] =	stream.indirect.gather [hbm4b:s4+s7], $0x80, s10, s7, $0xb8;
	[tilespmem:$0x12700] =	vst v63  }
0x9b: {  	_ =	swait.ge [sflag:s21], $0x2000  }
0x9c: {  	[sflag:s21] =	ssyncset.done $0x0  }
0x9d: {  	s31 =	sadd.s32 $0x10000, s29;
	[sflag:s21] =	ssyncadd.s32 $0xFFFFE000  }
0x9e: {  	[hbm4b:s31+s8] =	stream.strided.scatter [tilespmem:s22], [sflag:$0x6], $0x2000, s16, s8, $0x38;
	[tilespmem:$0x12700] =	vst v63  }
0x9f: {  	_ =	swait.ge [sflag:s13], $0x4000  }
0xa0: {  	[sflag:s13] =	ssyncset.done $0x0  }
0xa1: {  	[sflag:s13] =	ssyncadd.s32 $0xFFFFC000  }
0xa2: {  	v50 =	vld [tilespmem:$0x280]  }
0xa3: {  	v51 =	vld [tilespmem:$0x290]  }
0xa4: {  	v52 =	vld [tilespmem:$0x2A0]  }
0xa5: {  	v54 =	vld [tilespmem:$0x2B0]  }
0xa6: {  	v57 =	vld [tilespmem:$0x2C0]  }
0xa7: {  	v60 =	vld [tilespmem:$0x2D0];
	v53 =	vshrl.u32 v50, $0x1  }
0xa8: {  	v63 =	vld [tilespmem:$0x2E0];
	v55 =	vshrl.u32 v51, $0x1;
	[tilespmem:$0x500] =	vst v53  }
0xa9: {  	v8 =	vld [tilespmem:$0x2F0];
	v58 =	vshrl.u32 v52, $0x1;
	[tilespmem:$0x510] =	vst v55  }
0xaa: {  	v61 =	vshrl.u32 v54, $0x1;
	[tilespmem:$0x520] =	vst v58  }
0xab: {  	v6 =	vshrl.u32 v57, $0x1;
	[tilespmem:$0x530] =	vst v61  }
0xac: {  	v9 =	vshrl.u32 v60, $0x1;
	[tilespmem:$0x540] =	vst v6  }
0xad: {  	v11 =	vshrl.u32 v63, $0x1;
	[tilespmem:$0x550] =	vst v9  }
0xae: {  	v0 =	vshll.u32 v50, $0x6;
	v14 =	vshrl.u32 v8, $0x1;
	[tilespmem:$0x560] =	vst v11  }
0xaf: {  	v1 =	vshll.u32 v51, $0x6;
	v0 =	vand.u32 $0x40, v0;
	[tilespmem:$0x570] =	vst v14  }
0xb0: {  	v2 =	vshll.u32 v52, $0x6;
	v56 =	vand.u32 $0x40, v1;
	[tilespmem:$0x680] =	vst v0  }
0xb1: {  	v3 =	vshll.u32 v54, $0x6;
	v59 =	vand.u32 $0x40, v2;
	[tilespmem:$0x690] =	vst v56  }
0xb2: {  	v12 =	vshll.u32 v63, $0x6;
	v62 =	vand.u32 $0x40, v3;
	[tilespmem:$0x6A0] =	vst v59  }
0xb3: {  	v1 =	vshll.u32 v57, $0x6;
	v13 =	vand.u32 $0x40, v12;
	[tilespmem:$0x6B0] =	vst v62  }
0xb4: {  	v2 =	vshll.u32 v60, $0x6;
	v7 =	vand.u32 $0x40, v1;
	[tilespmem:$0x6E0] =	vst v13  }
0xb5: {  	v10 =	vand.u32 $0x40, v2;
	v1 =	vshll.u32 v8, $0x6;
	[tilespmem:$0x6C0] =	vst v7  }
0xb6: {  	[tilespmem:$0x6D0] =	vst v10;
	v15 =	vand.u32 $0x40, v1  }
0xb7: {  	[tilespmem:$0x6F0] =	vst v15  }
0xb8: {  	[tilespmem:s15], [sflag:$0x3] =	stream.indirect.gather [hbm4b:s4+s7], $0x80, s14, s7, $0xb8;
	[tilespmem:$0x12700] =	vst v63  }
0xb9: {  	_ =	swait.ge [sflag:s23], $0x2000  }
0xba: {  	[sflag:s23] =	ssyncset.done $0x0  }
0xbb: {  	s31 =	sadd.s32 $0x18000, s29;
	[sflag:s23] =	ssyncadd.s32 $0xFFFFE000  }
0xbc: {  	[hbm4b:s31+s8] =	stream.strided.scatter [tilespmem:s17], [sflag:$0x4], $0x2000, s16, s8, $0x38;
	[tilespmem:$0x12700] =	vst v63  }
0xbd: {  	_ =	swait.ge [sflag:s18], $0x4000  }
0xbe: {  	[sflag:s18] =	ssyncset.done $0x0  }
0xbf: {  	[sflag:s18] =	ssyncadd.s32 $0xFFFFC000  }
0xc0: {  	v16 =	vld [tilespmem:$0x300]  }
0xc1: {  	v17 =	vld [tilespmem:$0x310]  }
0xc2: {  	v18 =	vld [tilespmem:$0x320]  }
0xc3: {  	v20 =	vld [tilespmem:$0x330]  }
0xc4: {  	v23 =	vld [tilespmem:$0x340]  }
0xc5: {  	v26 =	vld [tilespmem:$0x350];
	v19 =	vshrl.u32 v16, $0x1  }
0xc6: {  	v29 =	vld [tilespmem:$0x360];
	v21 =	vshrl.u32 v17, $0x1;
	[tilespmem:$0x400] =	vst v19  }
0xc7: {  	v32 =	vld [tilespmem:$0x370];
	v24 =	vshrl.u32 v18, $0x1;
	[tilespmem:$0x410] =	vst v21  }
0xc8: {  	v27 =	vshrl.u32 v20, $0x1;
	[tilespmem:$0x420] =	vst v24  }
0xc9: {  	v30 =	vshrl.u32 v23, $0x1;
	[tilespmem:$0x430] =	vst v27  }
0xca: {  	v33 =	vshrl.u32 v26, $0x1;
	[tilespmem:$0x440] =	vst v30  }
0xcb: {  	v35 =	vshrl.u32 v29, $0x1;
	[tilespmem:$0x450] =	vst v33  }
0xcc: {  	v0 =	vshll.u32 v16, $0x6;
	v38 =	vshrl.u32 v32, $0x1;
	[tilespmem:$0x460] =	vst v35  }
0xcd: {  	v1 =	vshll.u32 v17, $0x6;
	v0 =	vand.u32 $0x40, v0;
	[tilespmem:$0x470] =	vst v38  }
0xce: {  	v2 =	vshll.u32 v18, $0x6;
	v22 =	vand.u32 $0x40, v1;
	[tilespmem:$0x580] =	vst v0  }
0xcf: {  	v3 =	vshll.u32 v20, $0x6;
	v25 =	vand.u32 $0x40, v2;
	[tilespmem:$0x590] =	vst v22  }
0xd0: {  	v36 =	vshll.u32 v29, $0x6;
	v28 =	vand.u32 $0x40, v3;
	[tilespmem:$0x5A0] =	vst v25  }
0xd1: {  	v1 =	vshll.u32 v23, $0x6;
	v37 =	vand.u32 $0x40, v36;
	[tilespmem:$0x5B0] =	vst v28  }
0xd2: {  	v2 =	vshll.u32 v26, $0x6;
	v31 =	vand.u32 $0x40, v1;
	[tilespmem:$0x5E0] =	vst v37  }
0xd3: {  	v34 =	vand.u32 $0x40, v2;
	v1 =	vshll.u32 v32, $0x6;
	[tilespmem:$0x5C0] =	vst v31  }
0xd4: {  	[tilespmem:$0x5D0] =	vst v34;
	v39 =	vand.u32 $0x40, v1  }
0xd5: {  	[tilespmem:$0x5F0] =	vst v39  }
0xd6: {  	[tilespmem:s9], [sflag:$0x1] =	stream.indirect.gather [hbm4b:s4+s7], $0x80, s8, s7, $0xb8;
	[tilespmem:$0x12700] =	vst v63  }
0xd7: {  	_ =	swait.ge [sflag:s19], $0x2000  }
0xd8: {  	[sflag:s19] =	ssyncset.done $0x0  }
0xd9: {  	s31 =	sadd.s32 $0x20000, s29;
	[sflag:s19] =	ssyncadd.s32 $0xFFFFE000  }
0xda: {  	[hbm4b:s31+s8] =	stream.strided.scatter [tilespmem:s20], [sflag:$0x5], $0x2000, s16, s8, $0x38;
	[tilespmem:$0x12700] =	vst v63  }
0xdb: {  	_ =	swait.ge [sflag:s12], $0x4000  }
0xdc: {  	[sflag:s12] =	ssyncset.done $0x0  }
0xdd: {  	[sflag:s12] =	ssyncadd.s32 $0xFFFFC000  }
0xde: {  	v40 =	vld [tilespmem:$0x380]  }
0xdf: {  	v41 =	vld [tilespmem:$0x390]  }
0xe0: {  	v42 =	vld [tilespmem:$0x3A0]  }
0xe1: {  	v44 =	vld [tilespmem:$0x3B0]  }
0xe2: {  	v47 =	vld [tilespmem:$0x3C0]  }
0xe3: {  	v50 =	vld [tilespmem:$0x3D0];
	v43 =	vshrl.u32 v40, $0x1  }
0xe4: {  	v53 =	vld [tilespmem:$0x3E0];
	v45 =	vshrl.u32 v41, $0x1;
	[tilespmem:$0x480] =	vst v43  }
0xe5: {  	v56 =	vld [tilespmem:$0x3F0];
	v48 =	vshrl.u32 v42, $0x1;
	[tilespmem:$0x490] =	vst v45  }
0xe6: {  	v51 =	vshrl.u32 v44, $0x1;
	[tilespmem:$0x4A0] =	vst v48  }
0xe7: {  	v54 =	vshrl.u32 v47, $0x1;
	[tilespmem:$0x4B0] =	vst v51  }
0xe8: {  	v57 =	vshrl.u32 v50, $0x1;
	[tilespmem:$0x4C0] =	vst v54  }
0xe9: {  	v59 =	vshrl.u32 v53, $0x1;
	[tilespmem:$0x4D0] =	vst v57  }
0xea: {  	v0 =	vshll.u32 v40, $0x6;
	v62 =	vshrl.u32 v56, $0x1;
	[tilespmem:$0x4E0] =	vst v59  }
0xeb: {  	v1 =	vshll.u32 v41, $0x6;
	v0 =	vand.u32 $0x40, v0;
	[tilespmem:$0x4F0] =	vst v62  }
0xec: {  	v2 =	vshll.u32 v42, $0x6;
	v46 =	vand.u32 $0x40, v1;
	[tilespmem:$0x600] =	vst v0  }
0xed: {  	v3 =	vshll.u32 v44, $0x6;
	v49 =	vand.u32 $0x40, v2;
	[tilespmem:$0x610] =	vst v46  }
0xee: {  	v60 =	vshll.u32 v53, $0x6;
	v52 =	vand.u32 $0x40, v3;
	[tilespmem:$0x620] =	vst v49  }
0xef: {  	v1 =	vshll.u32 v47, $0x6;
	v61 =	vand.u32 $0x40, v60;
	[tilespmem:$0x630] =	vst v52  }
0xf0: {  	v2 =	vshll.u32 v50, $0x6;
	v55 =	vand.u32 $0x40, v1;
	[tilespmem:$0x660] =	vst v61  }
0xf1: {  	v58 =	vand.u32 $0x40, v2;
	v1 =	vshll.u32 v56, $0x6;
	[tilespmem:$0x640] =	vst v55  }
0xf2: {  	[tilespmem:$0x650] =	vst v58;
	v63 =	vand.u32 $0x40, v1  }
0xf3: {  	[tilespmem:$0x670] =	vst v63  }
0xf4: {  	[tilespmem:s11], [sflag:$0x2] =	stream.indirect.gather [hbm4b:s4+s7], $0x80, s10, s7, $0xb8;
	[tilespmem:$0x12700] =	vst v63  }
0xf5: {  	_ =	swait.ge [sflag:s21], $0x2000  }
0xf6: {  	[sflag:s21] =	ssyncset.done $0x0  }
0xf7: {  	s31 =	sadd.s32 $0x28000, s29;
	[sflag:s21] =	ssyncadd.s32 $0xFFFFE000  }
0xf8: {  	[hbm4b:s31+s8] =	stream.strided.scatter [tilespmem:s22], [sflag:$0x6], $0x2000, s16, s8, $0x38;
	[tilespmem:$0x12700] =	vst v63  }
0xf9: {  	_ =	swait.ge [sflag:s13], $0x4000  }
0xfa: {  	[sflag:s13] =	ssyncset.done $0x0  }
0xfb: {  	[sflag:s13] =	ssyncadd.s32 $0xFFFFC000  }
0xfc: {  	_ =	swait.ge [sflag:s23], $0x2000  }
0xfd: {  	s26 =	sshll.u32 s26, $0x12;
	[sflag:s23] =	ssyncset.done $0x0;
	s31 =	rddreg [dreg:$0x5]  }
0xfe: {  	s29 =	sadd.s32 $0x30000, s29;
	[sflag:s23] =	ssyncadd.s32 $0xFFFFE000;
	s28 =	sadd.s32 s28, s31  }
0xff: {  	[hbm4b:s29+s8] =	stream.strided.scatter [tilespmem:s17], [sflag:$0x4], $0x2000, s16, s8, $0x38;
	[tilespmem:$0x12700] =	vst v63  }
0x100: {  	s26 =	sadd.s32 s26, s28  }
0x101: {  	[hbm4b:s26+s8] =	stream.strided.scatter [tilespmem:s20], [sflag:$0x5], $0x2000, s16, s8, $0x38;
	[tilespmem:$0x12700] =	vst v63  }
0x102: {  	p0 =	sne.s32 s25, $0x18;
	_ =	swait.ge [sflag:s19], $0x2000  }
.Ltmp0:
0x103: {  	[sflag:s19] =	ssyncset.done $0x0;
	(pc) =	sbr.rel @p0 .LBB2_2-.Ltmp0, $4  }
0x104: {  	[sflag:s19] =	ssyncadd.s32 $0xFFFFE000  }
0x105: {  	_ =	swait.ge [sflag:s21], $0x2000  }
0x106: {  	[sflag:s21] =	ssyncset.done $0x0  }
0x107: {  	s25 =	sadd.s32 $0x1, s25;
	[sflag:s21] =	ssyncadd.s32 $0xFFFFE000  }
0x108: {  	s24 =	sadd.s32 $0x1, s24  }
0x109: {  	p0 =	sne.s32 s24, s5  }
.Ltmp1:
0x10a: {  	_ = 	snop;
	(pc) =	sbr.rel @p0 .LBB2_1-.Ltmp1, $1  }
0x10b: {  	_ =	sdelay $0x3  }
0x10c: {  	_ =	sfence.sel $0x180000  }
0x10d: {  	[bflag:$0x0] =	sbarrier.arrive $0xFFFF  }
0x10e: {  	p0 =	sne.s32 s1, $0x0;
	_ =	strace $0x9000004A  }
0x10f: {  	s0 =	sadd.s32 @!p0 $0x100000, s0;
	[bflag:$0x2] =	sbarrier.arrive $0xFFFF  }
0x110: {  	[sflag:s0] =	ssyncadd.tile.s32 @!p0 $0x1;
	_ =	shalt  }
.Lfunc_end2:
_tile_overlayer_lowered:
.L_overlay_start_2:
0x111: {  	(tag) =	ssettag $0x2  }
0x112: {  	s0 =	rddreg [dreg:$0x0];
	s2 =	stileid.u32  }
0x113: {  	s1 =	rddreg [dreg:$0x1];
	p0 =	sne.s32 s2, $0x0  }
0x114: {  	s3 =	rddreg [dreg:$0x2];
	[bflag:$0x3] =	sbarrier.arrive $0xFFFF;
	s2 =	simm.s32 @!p0 $0x1C07  }
0x115: {  	[timem:s3], [sflag:s2] =	dma.local @!p0 [hbm:s0], s1  }
0x116: {  	s0 =	simm.s32 @!p0 $0x7  }
0x117: {  	_ =	swait.ge @!p0 [sflag:s0], s1  }
0x118: {  	s1 =	ssub.s32 @!p0 $0x0, s1;
	[sflag:s0] =	ssyncset.done @!p0 $0x0  }
0x119: {  	[sflag:s0] =	ssyncadd.s32 @!p0 s1  }
0x11a: {  	[bflag:$0x3] =	sbarrier.arrive $0xFFFF  }
0x11b: {  	_ =	shalt  }

</sc_bundles>
